<compile_context>
chip_gen: v7x
topology: tpu7x:2x2x1
jax: 0.10.2.dev20260603
libtpu: 0.0.44.dev20260713+nightly
codegen_flags: <defaults>
</compile_context>

<pallas_src>
import functools

import jax
import jax.numpy as jnp
from jax import lax
from jax.experimental import pallas as pl
from jax.experimental.pallas import tpu as pltpu
from jax.experimental.pallas import tpu_sc as plsc

N = 10000
NP = 10112
CHUNK = 128
EP_ROWS = 2560
NW = 32
ROWS_PER_W = EP_ROWS // NW
GROUPS = ROWS_PER_W // 8
RPT = NP // 16
RB = 1000


def _make_sc_agg(D, with_deg):
  mesh = plsc.VectorSubcoreMesh(core_axis_name="c", subcore_axis_name="s")
  outs = [jax.ShapeDtypeStruct((2, NP, D), jnp.float32)]
  if with_deg:
    outs.append(jax.ShapeDtypeStruct((2, NP, 16), jnp.float32))
  scratch = [
      pltpu.VMEM((2, 8, CHUNK), jnp.int32),
      pltpu.VMEM((2, 8, CHUNK), jnp.int32),
      pltpu.VMEM((2, CHUNK, D), jnp.float32),
      pltpu.VMEM_SHARED((NP, D), jnp.float32),
      pltpu.SemaphoreType.DMA,
      pltpu.SemaphoreType.DMA,
      pltpu.SemaphoreType.DMA,
  ]
  if with_deg:
    scratch.append(pltpu.VMEM((CHUNK, 16), jnp.float32))
    scratch.append(pltpu.VMEM_SHARED((NP, 16), jnp.float32))

  def body(t_hbm, src_hbm, dst_hbm, z_hbm, *rest):
    if with_deg:
      z16_hbm = rest[0]
      parts, degp, srcb, dstb, rows, acc, semg0, semg1, semi, ones_v, dacc = (
          rest[1:])
    else:
      parts, srcb, dstb, rows, acc, semg0, semg1, semi = rest
    semg = (semg0, semg1)
    c = lax.axis_index("c")
    s = lax.axis_index("s")
    wid = c * 16 + s
    pltpu.sync_copy(z_hbm.at[pl.ds(s * RPT, RPT)], acc.at[pl.ds(s * RPT, RPT)])
    if with_deg:
      pltpu.sync_copy(z16_hbm.at[pl.ds(s * RPT, RPT)],
                      dacc.at[pl.ds(s * RPT, RPT)])
      ones16 = jnp.ones((16,), jnp.float32)
      for r in range(CHUNK):
        ones_v[r] = ones16
    plsc.subcore_barrier()

    wbase = wid * ROWS_PER_W
    pltpu.sync_copy(src_hbm.at[pl.ds(wbase, 8)], srcb.at[0])
    pltpu.sync_copy(dst_hbm.at[pl.ds(wbase, 8)], dstb.at[0])
    pltpu.async_copy(t_hbm.at[srcb.at[0, 0]], rows.at[0], semg[0])

    def group(t, carry):
      p = lax.rem(t, 2)
      q = 1 - p
      @pl.when(t + 1 < GROUPS)
      def _():
        nbase = wbase + (t + 1) * 8
        pltpu.async_copy(src_hbm.at[pl.ds(nbase, 8)], srcb.at[q], semi)
        pltpu.async_copy(dst_hbm.at[pl.ds(nbase, 8)], dstb.at[q], semi)

      for k in range(8):
        if k < 7:
          pltpu.async_copy(t_hbm.at[srcb.at[p, k + 1]],
                           rows.at[(k + 1) % 2], semg[(k + 1) % 2])
        else:
          @pl.when(t + 1 < GROUPS)
          def _():
            nbase = wbase + (t + 1) * 8
            pltpu.make_async_copy(src_hbm.at[pl.ds(nbase, 8)],
                                  srcb.at[q], semi).wait()
            pltpu.make_async_copy(dst_hbm.at[pl.ds(nbase, 8)],
                                  dstb.at[q], semi).wait()
            pltpu.async_copy(t_hbm.at[srcb.at[q, 0]], rows.at[0], semg[0])
        pltpu.make_async_copy(t_hbm.at[srcb.at[p, k]],
                              rows.at[k % 2], semg[k % 2]).wait()
        pltpu.sync_copy(rows.at[k % 2], acc.at[dstb.at[p, k]], add=True)
        if with_deg:
          pltpu.sync_copy(ones_v, dacc.at[dstb.at[p, k]], add=True)
      return carry

    lax.fori_loop(0, GROUPS, group, 0)
    plsc.subcore_barrier()
    pltpu.sync_copy(acc.at[pl.ds(s * RPT, RPT)],
                    parts.at[c, pl.ds(s * RPT, RPT)])
    if with_deg:
      pltpu.sync_copy(dacc.at[pl.ds(s * RPT, RPT)],
                      degp.at[c, pl.ds(s * RPT, RPT)])

  return pl.kernel(body, out_type=tuple(outs) if with_deg else outs[0],
                   mesh=mesh, scratch_types=scratch,
                   compiler_params=pltpu.CompilerParams(
                       use_tc_tiling_on_sc=False))


def _lin2_body(x_ref, wa_ref, wb_ref, ta_ref, tb_ref):
  xb = x_ref[...]
  ta_ref[...] = jnp.dot(xb, wa_ref[...], preferred_element_type=jnp.float32)
  tb_ref[...] = jnp.dot(xb, wb_ref[...], preferred_element_type=jnp.float32)


def _lin2(x, wa, wb):
  din = x.shape[1]
  return pl.pallas_call(
      _lin2_body,
      grid=(N // RB,),
      in_specs=[
          pl.BlockSpec((RB, din), lambda i: (i, 0)),
          pl.BlockSpec((din, wa.shape[1]), lambda i: (0, 0)),
          pl.BlockSpec((din, wb.shape[1]), lambda i: (0, 0)),
      ],
      out_specs=[
          pl.BlockSpec((RB, wa.shape[1]), lambda i: (i, 0)),
          pl.BlockSpec((RB, wb.shape[1]), lambda i: (i, 0)),
      ],
      out_shape=[
          jax.ShapeDtypeStruct((N, wa.shape[1]), jnp.float32),
          jax.ShapeDtypeStruct((N, wb.shape[1]), jnp.float32),
      ],
  )(x, wa, wb)


def _combine_body(parts_ref, degp_ref, r_ref, b_ref, wa_ref, wb_ref,
                  ta_ref, tb_ref):
  a = parts_ref[0] + parts_ref[1]
  deg = degp_ref[0, :, 0] + degp_ref[1, :, 0]
  deginv = 1.0 / jnp.maximum(deg, 1.0)
  h = jnp.maximum(a * deginv[:, None] + b_ref[...] + r_ref[...], 0.0)
  ta_ref[...] = jnp.dot(h, wa_ref[...], preferred_element_type=jnp.float32)
  tb_ref[...] = jnp.dot(h, wb_ref[...], preferred_element_type=jnp.float32)


def _combine(parts, degp, r, b, wa, wb):
  d = parts.shape[2]
  return pl.pallas_call(
      _combine_body,
      grid=(N // RB,),
      in_specs=[
          pl.BlockSpec((2, RB, d), lambda i: (0, i, 0)),
          pl.BlockSpec((2, RB, 16), lambda i: (0, i, 0)),
          pl.BlockSpec((RB, d), lambda i: (i, 0)),
          pl.BlockSpec((1, d), lambda i: (0, 0)),
          pl.BlockSpec((d, wa.shape[1]), lambda i: (0, 0)),
          pl.BlockSpec((d, wb.shape[1]), lambda i: (0, 0)),
      ],
      out_specs=[
          pl.BlockSpec((RB, wa.shape[1]), lambda i: (i, 0)),
          pl.BlockSpec((RB, wb.shape[1]), lambda i: (i, 0)),
      ],
      out_shape=[
          jax.ShapeDtypeStruct((N, wa.shape[1]), jnp.float32),
          jax.ShapeDtypeStruct((N, wb.shape[1]), jnp.float32),
      ],
  )(parts, degp, r, b, wa, wb)


def _final_body(parts_ref, degp_ref, r_ref, b_ref, o_ref):
  a = parts_ref[0] + parts_ref[1]
  deg = degp_ref[0, :, 0] + degp_ref[1, :, 0]
  deginv = 1.0 / jnp.maximum(deg, 1.0)
  o_ref[...] = a[:, :20] * deginv[:, None] + b_ref[...] + r_ref[...]


def _final(parts, degp, r, b):
  d = parts.shape[2]
  return pl.pallas_call(
      _final_body,
      grid=(N // RB,),
      in_specs=[
          pl.BlockSpec((2, RB, d), lambda i: (0, i, 0)),
          pl.BlockSpec((2, RB, 16), lambda i: (0, i, 0)),
          pl.BlockSpec((RB, 20), lambda i: (i, 0)),
          pl.BlockSpec((1, 20), lambda i: (0, 0)),
      ],
      out_specs=pl.BlockSpec((RB, 20), lambda i: (i, 0)),
      out_shape=jax.ShapeDtypeStruct((N, 20), jnp.float32),
  )(parts, degp, r, b)


def kernel(x, edge_index, W1l, b1, W1r, W2l, b2, W2r, W3l, b3, W3r):
  e = edge_index.shape[1]
  pad = EP_ROWS * CHUNK - e
  src2d = jnp.concatenate(
      [edge_index[0], jnp.zeros((pad,), jnp.int32)]).reshape(EP_ROWS, CHUNK)
  dst2d = jnp.concatenate(
      [edge_index[1], jnp.full((pad,), N, jnp.int32)]).reshape(EP_ROWS, CHUNK)
  z64 = jnp.zeros((NP, 64), jnp.float32)
  z32 = jnp.zeros((NP, 32), jnp.float32)
  z16 = jnp.zeros((NP, 16), jnp.float32)
  w1lT, w1rT = W1l.T, W1r.T
  w2lT, w2rT = W2l.T, W2r.T
  w3lT = jnp.pad(W3l.T, ((0, 0), (0, 12)))
  w3rT = W3r.T

  agg64 = _make_sc_agg(64, with_deg=True)
  agg32 = _make_sc_agg(32, with_deg=False)

  t1, r1 = _lin2(x, w1lT, w1rT)
  parts1, degp = agg64(t1, src2d, dst2d, z64, z16)
  t2, r2 = _combine(parts1, degp, r1, b1.reshape(1, -1), w2lT, w2rT)
  parts2 = agg32(t2, src2d, dst2d, z32)
  t3, r3 = _combine(parts2, degp, r2, b2.reshape(1, -1), w3lT, w3rT)
  parts3 = agg32(t3, src2d, dst2d, z32)
  return _final(parts3, degp, r3, b3.reshape(1, -1))

# --- scband reference (transcript-rebuilt; emitter-appended) ---
"""Pipeline reference for scband-gae-encoder-69475390980569 (READ-ONLY COPY).

The authoritative reference and input builder live on the scoring server;
editing this copy changes nothing except your own understanding.
"""

import jax, jax.numpy as jnp
import numpy as np

N = 10000
E = 320000
D_IN, H1, H2, D_OUT = 128, 64, 32, 20


def setup_inputs(seed: int = 0) -> dict:
    key = jax.random.key(seed)
    ks = jax.random.split(key, 12)
    x = jax.random.normal(ks[0], (N, D_IN), dtype=jnp.float32)
    edge_index = jax.random.randint(ks[1], (2, E), 0, N, dtype=jnp.int32)
    def w(k, fo, fi):
        return jax.random.normal(k, (fo, fi), dtype=jnp.float32) * (1.0 / np.sqrt(fi))
    W1l = w(ks[2], H1, D_IN)
    b1 = jnp.zeros((H1,), dtype=jnp.float32)
    W1r = w(ks[3], H1, D_IN)
    W2l = w(ks[4], H2, H1)
    b2 = jnp.zeros((H2,), dtype=jnp.float32)
    W2r = w(ks[5], H2, H1)
    W3l = w(ks[6], D_OUT, H2)
    b3 = jnp.zeros((D_OUT,), dtype=jnp.float32)
    W3r = w(ks[7], D_OUT, H2)
    return {"x": x, "edge_index": edge_index,
            "W1l": W1l, "b1": b1, "W1r": W1r,
            "W2l": W2l, "b2": b2, "W2r": W2r,
            "W3l": W3l, "b3": b3, "W3r": W3r}


def _sage_conv(x, edge_index, Wl, bl, Wr):
    # PyG SAGEConv with mean aggregation:
    #   out_i = Wl @ mean_{j in N(i)} x_j + bl + Wr @ x_i
    src = edge_index[0]
    dst = edge_index[1]
    msgs = jnp.take(x, src, axis=0)                                   # gather (SparseCore)
    agg = jax.ops.segment_sum(msgs, dst, num_segments=N)               # scatter-add
    ones = jnp.ones((edge_index.shape[1],), dtype=jnp.float32)
    deg = jax.ops.segment_sum(ones, dst, num_segments=N)
    mean = agg / jnp.maximum(deg, 1.0)[:, None]
    return mean @ Wl.T + bl + x @ Wr.T


def reference(x, edge_index, W1l, b1, W1r, W2l, b2, W2r, W3l, b3, W3r):
    h = _sage_conv(x, edge_index, W1l, b1, W1r)
    h = jax.nn.relu(h)
    # dropout p=0.0 -> identity in eval
    h = _sage_conv(h, edge_index, W2l, b2, W2r)
    h = jax.nn.relu(h)
    out = _sage_conv(h, edge_index, W3l, b3, W3r)
    return out

if __name__ == "__main__":
    import jax
    _d = setup_inputs()
    print(jax.jit(kernel)(*tuple(_d.values())))

</pallas_src>

<mosaic_0001>
#map = affine_map<(d0, d1) -> (0, 0)>
#map1 = affine_map<(d0, d1) -> (0, 0, 0)>
module attributes {stable_mosaic.version = 14 : i64} {
  func.func @body(%arg0: i32, %arg1: i32, %arg2: memref<10000x64xf32, #tpu.memory_space<hbm>>, %arg3: memref<2560x128xi32, #tpu.memory_space<hbm>>, %arg4: memref<2560x128xi32, #tpu.memory_space<hbm>>, %arg5: memref<10112x64xf32, #tpu.memory_space<hbm>>, %arg6: memref<10112x16xf32, #tpu.memory_space<hbm>>, %arg7: memref<2x10112x64xf32, #tpu.memory_space<hbm>>, %arg8: memref<2x10112x16xf32, #tpu.memory_space<hbm>>, %arg9: memref<2x8x128xi32, #tpu.memory_space<vmem>>, %arg10: memref<2x8x128xi32, #tpu.memory_space<vmem>>, %arg11: memref<2x128x64xf32, #tpu.memory_space<vmem>>, %arg12: memref<10112x64xf32, #tpu.memory_space<vmem_shared>>, %arg13: memref<!tpu.dma_semaphore, #tpu.memory_space<semaphore_mem>>, %arg14: memref<!tpu.dma_semaphore, #tpu.memory_space<semaphore_mem>>, %arg15: memref<!tpu.dma_semaphore, #tpu.memory_space<semaphore_mem>>, %arg16: memref<128x16xf32, #tpu.memory_space<vmem>>, %arg17: memref<10112x16xf32, #tpu.memory_space<vmem_shared>>) attributes {dimension_semantics = [#tpu.dimension_semantics<core_parallel>, #tpu.dimension_semantics<subcore_parallel>], iteration_bounds = array<i64: 2, 16>, scalar_prefetch = 0 : i64, scratch_operands = 9 : i64, tpu.core_type = #tpu.core_type<sc_vector_subcore>, window_params = [{transform_indices = #map}, {transform_indices = #map}, {transform_indices = #map}, {transform_indices = #map}, {transform_indices = #map}, {transform_indices = #map1}, {transform_indices = #map1}]} {
    %mul3A = arith.constant 16 : i32
    %mul3A_0 = arith.muli %arg0, %mul3A : i32
    %add3A = arith.addi %mul3A_0, %arg1 : i32
    %mul3A_1 = arith.constant 632 : i32
    %mul3A_2 = arith.muli %arg1, %mul3A_1 : i32
    %mul3A_3 = arith.constant 632 : i32
    %mul3A_4 = arith.muli %arg1, %mul3A_3 : i32
    "tpu.region"() ({
      %run_scoped3A_806 = tpu.sem_alloc : memref<!tpu.dma_semaphore, #tpu.memory_space<semaphore_mem>>
      %dma_start3A_807 = arith.constant 0 : i32
      %dma_start3A_808 = tpu.memref_slice %arg12[%mul3A_4, %dma_start3A_807] : memref<10112x64xf32, #tpu.memory_space<vmem_shared>> -> memref<632x64xf32, #tpu.memory_space<vmem_shared>>
      %dma_start3A_809 = arith.constant 0 : i32
      %dma_start3A_810 = tpu.memref_slice %arg5[%mul3A_2, %dma_start3A_809] : memref<10112x64xf32, #tpu.memory_space<hbm>> -> memref<632x64xf32, #tpu.memory_space<hbm>>
      tpu.enqueue_dma source(%dma_start3A_810 : memref<632x64xf32, #tpu.memory_space<hbm>>) target(%dma_start3A_808 : memref<632x64xf32, #tpu.memory_space<vmem_shared>>) target_semaphore(%run_scoped3A_806 : memref<!tpu.dma_semaphore, #tpu.memory_space<semaphore_mem>>)
      %dma_wait3A = arith.constant 0 : i32
      %dma_wait3A_811 = tpu.memref_slice %arg12[%mul3A_4, %dma_wait3A] : memref<10112x64xf32, #tpu.memory_space<vmem_shared>> -> memref<632x64xf32, #tpu.memory_space<vmem_shared>>
      %dma_wait3A_812 = arith.constant 0 : i32
      %dma_wait3A_813 = tpu.memref_slice %arg5[%mul3A_2, %dma_wait3A_812] : memref<10112x64xf32, #tpu.memory_space<hbm>> -> memref<632x64xf32, #tpu.memory_space<hbm>>
      tpu.wait_dma2 semaphore(%run_scoped3A_806 : memref<!tpu.dma_semaphore, #tpu.memory_space<semaphore_mem>>) src(%dma_wait3A_813 : memref<632x64xf32, #tpu.memory_space<hbm>>) dst(%dma_wait3A_811 : memref<632x64xf32, #tpu.memory_space<vmem_shared>>)
      tpu.yield
    }) : () -> ()
    %mul3A_5 = arith.constant 632 : i32
    %mul3A_6 = arith.muli %arg1, %mul3A_5 : i32
    %mul3A_7 = arith.constant 632 : i32
    %mul3A_8 = arith.muli %arg1, %mul3A_7 : i32
    "tpu.region"() ({
      %run_scoped3A_806 = tpu.sem_alloc : memref<!tpu.dma_semaphore, #tpu.memory_space<semaphore_mem>>
      %dma_start3A_807 = arith.constant 0 : i32
      %dma_start3A_808 = tpu.memref_slice %arg17[%mul3A_8, %dma_start3A_807] : memref<10112x16xf32, #tpu.memory_space<vmem_shared>> -> memref<632x16xf32, #tpu.memory_space<vmem_shared>>
      %dma_start3A_809 = arith.constant 0 : i32
      %dma_start3A_810 = tpu.memref_slice %arg6[%mul3A_6, %dma_start3A_809] : memref<10112x16xf32, #tpu.memory_space<hbm>> -> memref<632x16xf32, #tpu.memory_space<hbm>>
      tpu.enqueue_dma source(%dma_start3A_810 : memref<632x16xf32, #tpu.memory_space<hbm>>) target(%dma_start3A_808 : memref<632x16xf32, #tpu.memory_space<vmem_shared>>) target_semaphore(%run_scoped3A_806 : memref<!tpu.dma_semaphore, #tpu.memory_space<semaphore_mem>>)
      %dma_wait3A = arith.constant 0 : i32
      %dma_wait3A_811 = tpu.memref_slice %arg17[%mul3A_8, %dma_wait3A] : memref<10112x16xf32, #tpu.memory_space<vmem_shared>> -> memref<632x16xf32, #tpu.memory_space<vmem_shared>>
      %dma_wait3A_812 = arith.constant 0 : i32
      %dma_wait3A_813 = tpu.memref_slice %arg6[%mul3A_6, %dma_wait3A_812] : memref<10112x16xf32, #tpu.memory_space<hbm>> -> memref<632x16xf32, #tpu.memory_space<hbm>>
      tpu.wait_dma2 semaphore(%run_scoped3A_806 : memref<!tpu.dma_semaphore, #tpu.memory_space<semaphore_mem>>) src(%dma_wait3A_813 : memref<632x16xf32, #tpu.memory_space<hbm>>) dst(%dma_wait3A_811 : memref<632x16xf32, #tpu.memory_space<vmem_shared>>)
      tpu.yield
    }) : () -> ()
    %broadcast_in_dim3A = arith.constant 1.000000e+00 : f32
    %broadcast_in_dim3A_9 = vector.broadcast %broadcast_in_dim3A : f32 to vector<16xf32>
    %swap3A = arith.constant 0 : i32
    %swap3A_10 = arith.index_cast %swap3A : i32 to index
    %swap3A_11 = arith.constant 0 : index
    %swap3A_12 = tpu.vector_load %arg16[%swap3A_10, %swap3A_11] {strides = array<i32>} : memref<128x16xf32, #tpu.memory_space<vmem>>, vector<1x16xf32>,
    %swap3A_13 = vector.shape_cast %swap3A_12 : vector<1x16xf32> to vector<16xf32>
    %swap3A_14 = vector.shape_cast %broadcast_in_dim3A_9 : vector<16xf32> to vector<1x16xf32>
    tpu.vector_store %arg16[%swap3A_10, %swap3A_11], %swap3A_14 {strides = array<i32>} : memref<128x16xf32, #tpu.memory_space<vmem>>, vector<1x16xf32>,
    %swap3A_15 = arith.constant 1 : i32
    %swap3A_16 = arith.index_cast %swap3A_15 : i32 to index
    %swap3A_17 = arith.constant 0 : index
    %swap3A_18 = tpu.vector_load %arg16[%swap3A_16, %swap3A_17] {strides = array<i32>} : memref<128x16xf32, #tpu.memory_space<vmem>>, vector<1x16xf32>,
    %swap3A_19 = vector.shape_cast %swap3A_18 : vector<1x16xf32> to vector<16xf32>
    %swap3A_20 = vector.shape_cast %broadcast_in_dim3A_9 : vector<16xf32> to vector<1x16xf32>
    tpu.vector_store %arg16[%swap3A_16, %swap3A_17], %swap3A_20 {strides = array<i32>} : memref<128x16xf32, #tpu.memory_space<vmem>>, vector<1x16xf32>,
    %swap3A_21 = arith.constant 2 : i32
    %swap3A_22 = arith.index_cast %swap3A_21 : i32 to index
    %swap3A_23 = arith.constant 0 : index
    %swap3A_24 = tpu.vector_load %arg16[%swap3A_22, %swap3A_23] {strides = array<i32>} : memref<128x16xf32, #tpu.memory_space<vmem>>, vector<1x16xf32>,
    %swap3A_25 = vector.shape_cast %swap3A_24 : vector<1x16xf32> to vector<16xf32>
    %swap3A_26 = vector.shape_cast %broadcast_in_dim3A_9 : vector<16xf32> to vector<1x16xf32>
    tpu.vector_store %arg16[%swap3A_22, %swap3A_23], %swap3A_26 {strides = array<i32>} : memref<128x16xf32, #tpu.memory_space<vmem>>, vector<1x16xf32>,
    %swap3A_27 = arith.constant 3 : i32
    %swap3A_28 = arith.index_cast %swap3A_27 : i32 to index
    %swap3A_29 = arith.constant 0 : index
    %swap3A_30 = tpu.vector_load %arg16[%swap3A_28, %swap3A_29] {strides = array<i32>} : memref<128x16xf32, #tpu.memory_space<vmem>>, vector<1x16xf32>,
    %swap3A_31 = vector.shape_cast %swap3A_30 : vector<1x16xf32> to vector<16xf32>
    %swap3A_32 = vector.shape_cast %broadcast_in_dim3A_9 : vector<16xf32> to vector<1x16xf32>
    tpu.vector_store %arg16[%swap3A_28, %swap3A_29], %swap3A_32 {strides = array<i32>} : memref<128x16xf32, #tpu.memory_space<vmem>>, vector<1x16xf32>,
    %swap3A_33 = arith.constant 4 : i32
    %swap3A_34 = arith.index_cast %swap3A_33 : i32 to index
    %swap3A_35 = arith.constant 0 : index
    %swap3A_36 = tpu.vector_load %arg16[%swap3A_34, %swap3A_35] {strides = array<i32>} : memref<128x16xf32, #tpu.memory_space<vmem>>, vector<1x16xf32>,
    %swap3A_37 = vector.shape_cast %swap3A_36 : vector<1x16xf32> to vector<16xf32>
    %swap3A_38 = vector.shape_cast %broadcast_in_dim3A_9 : vector<16xf32> to vector<1x16xf32>
    tpu.vector_store %arg16[%swap3A_34, %swap3A_35], %swap3A_38 {strides = array<i32>} : memref<128x16xf32, #tpu.memory_space<vmem>>, vector<1x16xf32>,
    %swap3A_39 = arith.constant 5 : i32
    %swap3A_40 = arith.index_cast %swap3A_39 : i32 to index
    %swap3A_41 = arith.constant 0 : index
    %swap3A_42 = tpu.vector_load %arg16[%swap3A_40, %swap3A_41] {strides = array<i32>} : memref<128x16xf32, #tpu.memory_space<vmem>>, vector<1x16xf32>,
    %swap3A_43 = vector.shape_cast %swap3A_42 : vector<1x16xf32> to vector<16xf32>
    %swap3A_44 = vector.shape_cast %broadcast_in_dim3A_9 : vector<16xf32> to vector<1x16xf32>
    tpu.vector_store %arg16[%swap3A_40, %swap3A_41], %swap3A_44 {strides = array<i32>} : memref<128x16xf32, #tpu.memory_space<vmem>>, vector<1x16xf32>,
    %swap3A_45 = arith.constant 6 : i32
    %swap3A_46 = arith.index_cast %swap3A_45 : i32 to index
    %swap3A_47 = arith.constant 0 : index
    %swap3A_48 = tpu.vector_load %arg16[%swap3A_46, %swap3A_47] {strides = array<i32>} : memref<128x16xf32, #tpu.memory_space<vmem>>, vector<1x16xf32>,
    %swap3A_49 = vector.shape_cast %swap3A_48 : vector<1x16xf32> to vector<16xf32>
    %swap3A_50 = vector.shape_cast %broadcast_in_dim3A_9 : vector<16xf32> to vector<1x16xf32>
    tpu.vector_store %arg16[%swap3A_46, %swap3A_47], %swap3A_50 {strides = array<i32>} : memref<128x16xf32, #tpu.memory_space<vmem>>, vector<1x16xf32>,
    %swap3A_51 = arith.constant 7 : i32
    %swap3A_52 = arith.index_cast %swap3A_51 : i32 to index
    %swap3A_53 = arith.constant 0 : index
    %swap3A_54 = tpu.vector_load %arg16[%swap3A_52, %swap3A_53] {strides = array<i32>} : memref<128x16xf32, #tpu.memory_space<vmem>>, vector<1x16xf32>,
    %swap3A_55 = vector.shape_cast %swap3A_54 : vector<1x16xf32> to vector<16xf32>
    %swap3A_56 = vector.shape_cast %broadcast_in_dim3A_9 : vector<16xf32> to vector<1x16xf32>
    tpu.vector_store %arg16[%swap3A_52, %swap3A_53], %swap3A_56 {strides = array<i32>} : memref<128x16xf32, #tpu.memory_space<vmem>>, vector<1x16xf32>,
    %swap3A_57 = arith.constant 8 : i32
    %swap3A_58 = arith.index_cast %swap3A_57 : i32 to index
    %swap3A_59 = arith.constant 0 : index
    %swap3A_60 = tpu.vector_load %arg16[%swap3A_58, %swap3A_59] {strides = array<i32>} : memref<128x16xf32, #tpu.memory_space<vmem>>, vector<1x16xf32>,
    %swap3A_61 = vector.shape_cast %swap3A_60 : vector<1x16xf32> to vector<16xf32>
    %swap3A_62 = vector.shape_cast %broadcast_in_dim3A_9 : vector<16xf32> to vector<1x16xf32>
    tpu.vector_store %arg16[%swap3A_58, %swap3A_59], %swap3A_62 {strides = array<i32>} : memref<128x16xf32, #tpu.memory_space<vmem>>, vector<1x16xf32>,
    %swap3A_63 = arith.constant 9 : i32
    %swap3A_64 = arith.index_cast %swap3A_63 : i32 to index
    %swap3A_65 = arith.constant 0 : index
    %swap3A_66 = tpu.vector_load %arg16[%swap3A_64, %swap3A_65] {strides = array<i32>} : memref<128x16xf32, #tpu.memory_space<vmem>>, vector<1x16xf32>,
    %swap3A_67 = vector.shape_cast %swap3A_66 : vector<1x16xf32> to vector<16xf32>
    %swap3A_68 = vector.shape_cast %broadcast_in_dim3A_9 : vector<16xf32> to vector<1x16xf32>
    tpu.vector_store %arg16[%swap3A_64, %swap3A_65], %swap3A_68 {strides = array<i32>} : memref<128x16xf32, #tpu.memory_space<vmem>>, vector<1x16xf32>,
    %swap3A_69 = arith.constant 10 : i32
    %swap3A_70 = arith.index_cast %swap3A_69 : i32 to index
    %swap3A_71 = arith.constant 0 : index
    %swap3A_72 = tpu.vector_load %arg16[%swap3A_70, %swap3A_71] {strides = array<i32>} : memref<128x16xf32, #tpu.memory_space<vmem>>, vector<1x16xf32>,
    %swap3A_73 = vector.shape_cast %swap3A_72 : vector<1x16xf32> to vector<16xf32>
    %swap3A_74 = vector.shape_cast %broadcast_in_dim3A_9 : vector<16xf32> to vector<1x16xf32>
    tpu.vector_store %arg16[%swap3A_70, %swap3A_71], %swap3A_74 {strides = array<i32>} : memref<128x16xf32, #tpu.memory_space<vmem>>, vector<1x16xf32>,
    %swap3A_75 = arith.constant 11 : i32
    %swap3A_76 = arith.index_cast %swap3A_75 : i32 to index
    %swap3A_77 = arith.constant 0 : index
    %swap3A_78 = tpu.vector_load %arg16[%swap3A_76, %swap3A_77] {strides = array<i32>} : memref<128x16xf32, #tpu.memory_space<vmem>>, vector<1x16xf32>,
    %swap3A_79 = vector.shape_cast %swap3A_78 : vector<1x16xf32> to vector<16xf32>
    %swap3A_80 = vector.shape_cast %broadcast_in_dim3A_9 : vector<16xf32> to vector<1x16xf32>
    tpu.vector_store %arg16[%swap3A_76, %swap3A_77], %swap3A_80 {strides = array<i32>} : memref<128x16xf32, #tpu.memory_space<vmem>>, vector<1x16xf32>,
    %swap3A_81 = arith.constant 12 : i32
    %swap3A_82 = arith.index_cast %swap3A_81 : i32 to index
    %swap3A_83 = arith.constant 0 : index
    %swap3A_84 = tpu.vector_load %arg16[%swap3A_82, %swap3A_83] {strides = array<i32>} : memref<128x16xf32, #tpu.memory_space<vmem>>, vector<1x16xf32>,
    %swap3A_85 = vector.shape_cast %swap3A_84 : vector<1x16xf32> to vector<16xf32>
    %swap3A_86 = vector.shape_cast %broadcast_in_dim3A_9 : vector<16xf32> to vector<1x16xf32>
    tpu.vector_store %arg16[%swap3A_82, %swap3A_83], %swap3A_86 {strides = array<i32>} : memref<128x16xf32, #tpu.memory_space<vmem>>, vector<1x16xf32>,
    %swap3A_87 = arith.constant 13 : i32
    %swap3A_88 = arith.index_cast %swap3A_87 : i32 to index
    %swap3A_89 = arith.constant 0 : index
    %swap3A_90 = tpu.vector_load %arg16[%swap3A_88, %swap3A_89] {strides = array<i32>} : memref<128x16xf32, #tpu.memory_space<vmem>>, vector<1x16xf32>,
    %swap3A_91 = vector.shape_cast %swap3A_90 : vector<1x16xf32> to vector<16xf32>
    %swap3A_92 = vector.shape_cast %broadcast_in_dim3A_9 : vector<16xf32> to vector<1x16xf32>
    tpu.vector_store %arg16[%swap3A_88, %swap3A_89], %swap3A_92 {strides = array<i32>} : memref<128x16xf32, #tpu.memory_space<vmem>>, vector<1x16xf32>,
    %swap3A_93 = arith.constant 14 : i32
    %swap3A_94 = arith.index_cast %swap3A_93 : i32 to index
    %swap3A_95 = arith.constant 0 : index
    %swap3A_96 = tpu.vector_load %arg16[%swap3A_94, %swap3A_95] {strides = array<i32>} : memref<128x16xf32, #tpu.memory_space<vmem>>, vector<1x16xf32>,
    %swap3A_97 = vector.shape_cast %swap3A_96 : vector<1x16xf32> to vector<16xf32>
    %swap3A_98 = vector.shape_cast %broadcast_in_dim3A_9 : vector<16xf32> to vector<1x16xf32>
    tpu.vector_store %arg16[%swap3A_94, %swap3A_95], %swap3A_98 {strides = array<i32>} : memref<128x16xf32, #tpu.memory_space<vmem>>, vector<1x16xf32>,
    %swap3A_99 = arith.constant 15 : i32
    %swap3A_100 = arith.index_cast %swap3A_99 : i32 to index
    %swap3A_101 = arith.constant 0 : index
    %swap3A_102 = tpu.vector_load %arg16[%swap3A_100, %swap3A_101] {strides = array<i32>} : memref<128x16xf32, #tpu.memory_space<vmem>>, vector<1x16xf32>,
    %swap3A_103 = vector.shape_cast %swap3A_102 : vector<1x16xf32> to vector<16xf32>
    %swap3A_104 = vector.shape_cast %broadcast_in_dim3A_9 : vector<16xf32> to vector<1x16xf32>
    tpu.vector_store %arg16[%swap3A_100, %swap3A_101], %swap3A_104 {strides = array<i32>} : memref<128x16xf32, #tpu.memory_space<vmem>>, vector<1x16xf32>,
    %swap3A_105 = arith.constant 16 : i32
    %swap3A_106 = arith.index_cast %swap3A_105 : i32 to index
    %swap3A_107 = arith.constant 0 : index
    %swap3A_108 = tpu.vector_load %arg16[%swap3A_106, %swap3A_107] {strides = array<i32>} : memref<128x16xf32, #tpu.memory_space<vmem>>, vector<1x16xf32>,
    %swap3A_109 = vector.shape_cast %swap3A_108 : vector<1x16xf32> to vector<16xf32>
    %swap3A_110 = vector.shape_cast %broadcast_in_dim3A_9 : vector<16xf32> to vector<1x16xf32>
    tpu.vector_store %arg16[%swap3A_106, %swap3A_107], %swap3A_110 {strides = array<i32>} : memref<128x16xf32, #tpu.memory_space<vmem>>, vector<1x16xf32>,
    %swap3A_111 = arith.constant 17 : i32
    %swap3A_112 = arith.index_cast %swap3A_111 : i32 to index
    %swap3A_113 = arith.constant 0 : index
    %swap3A_114 = tpu.vector_load %arg16[%swap3A_112, %swap3A_113] {strides = array<i32>} : memref<128x16xf32, #tpu.memory_space<vmem>>, vector<1x16xf32>,
    %swap3A_115 = vector.shape_cast %swap3A_114 : vector<1x16xf32> to vector<16xf32>
    %swap3A_116 = vector.shape_cast %broadcast_in_dim3A_9 : vector<16xf32> to vector<1x16xf32>
    tpu.vector_store %arg16[%swap3A_112, %swap3A_113], %swap3A_116 {strides = array<i32>} : memref<128x16xf32, #tpu.memory_space<vmem>>, vector<1x16xf32>,
    %swap3A_117 = arith.constant 18 : i32
    %swap3A_118 = arith.index_cast %swap3A_117 : i32 to index
    %swap3A_119 = arith.constant 0 : index
    %swap3A_120 = tpu.vector_load %arg16[%swap3A_118, %swap3A_119] {strides = array<i32>} : memref<128x16xf32, #tpu.memory_space<vmem>>, vector<1x16xf32>,
    %swap3A_121 = vector.shape_cast %swap3A_120 : vector<1x16xf32> to vector<16xf32>
    %swap3A_122 = vector.shape_cast %broadcast_in_dim3A_9 : vector<16xf32> to vector<1x16xf32>
    tpu.vector_store %arg16[%swap3A_118, %swap3A_119], %swap3A_122 {strides = array<i32>} : memref<128x16xf32, #tpu.memory_space<vmem>>, vector<1x16xf32>,
    %swap3A_123 = arith.constant 19 : i32
    %swap3A_124 = arith.index_cast %swap3A_123 : i32 to index
    %swap3A_125 = arith.constant 0 : index
    %swap3A_126 = tpu.vector_load %arg16[%swap3A_124, %swap3A_125] {strides = array<i32>} : memref<128x16xf32, #tpu.memory_space<vmem>>, vector<1x16xf32>,
    %swap3A_127 = vector.shape_cast %swap3A_126 : vector<1x16xf32> to vector<16xf32>
    %swap3A_128 = vector.shape_cast %broadcast_in_dim3A_9 : vector<16xf32> to vector<1x16xf32>
    tpu.vector_store %arg16[%swap3A_124, %swap3A_125], %swap3A_128 {strides = array<i32>} : memref<128x16xf32, #tpu.memory_space<vmem>>, vector<1x16xf32>,
    %swap3A_129 = arith.constant 20 : i32
    %swap3A_130 = arith.index_cast %swap3A_129 : i32 to index
    %swap3A_131 = arith.constant 0 : index
    %swap3A_132 = tpu.vector_load %arg16[%swap3A_130, %swap3A_131] {strides = array<i32>} : memref<128x16xf32, #tpu.memory_space<vmem>>, vector<1x16xf32>,
    %swap3A_133 = vector.shape_cast %swap3A_132 : vector<1x16xf32> to vector<16xf32>
    %swap3A_134 = vector.shape_cast %broadcast_in_dim3A_9 : vector<16xf32> to vector<1x16xf32>
    tpu.vector_store %arg16[%swap3A_130, %swap3A_131], %swap3A_134 {strides = array<i32>} : memref<128x16xf32, #tpu.memory_space<vmem>>, vector<1x16xf32>,
    %swap3A_135 = arith.constant 21 : i32
    %swap3A_136 = arith.index_cast %swap3A_135 : i32 to index
    %swap3A_137 = arith.constant 0 : index
    %swap3A_138 = tpu.vector_load %arg16[%swap3A_136, %swap3A_137] {strides = array<i32>} : memref<128x16xf32, #tpu.memory_space<vmem>>, vector<1x16xf32>,
    %swap3A_139 = vector.shape_cast %swap3A_138 : vector<1x16xf32> to vector<16xf32>
    %swap3A_140 = vector.shape_cast %broadcast_in_dim3A_9 : vector<16xf32> to vector<1x16xf32>
    tpu.vector_store %arg16[%swap3A_136, %swap3A_137], %swap3A_140 {strides = array<i32>} : memref<128x16xf32, #tpu.memory_space<vmem>>, vector<1x16xf32>,
    %swap3A_141 = arith.constant 22 : i32
    %swap3A_142 = arith.index_cast %swap3A_141 : i32 to index
    %swap3A_143 = arith.constant 0 : index
    %swap3A_144 = tpu.vector_load %arg16[%swap3A_142, %swap3A_143] {strides = array<i32>} : memref<128x16xf32, #tpu.memory_space<vmem>>, vector<1x16xf32>,
    %swap3A_145 = vector.shape_cast %swap3A_144 : vector<1x16xf32> to vector<16xf32>
    %swap3A_146 = vector.shape_cast %broadcast_in_dim3A_9 : vector<16xf32> to vector<1x16xf32>
    tpu.vector_store %arg16[%swap3A_142, %swap3A_143], %swap3A_146 {strides = array<i32>} : memref<128x16xf32, #tpu.memory_space<vmem>>, vector<1x16xf32>,
    %swap3A_147 = arith.constant 23 : i32
    %swap3A_148 = arith.index_cast %swap3A_147 : i32 to index
    %swap3A_149 = arith.constant 0 : index
    %swap3A_150 = tpu.vector_load %arg16[%swap3A_148, %swap3A_149] {strides = array<i32>} : memref<128x16xf32, #tpu.memory_space<vmem>>, vector<1x16xf32>,
    %swap3A_151 = vector.shape_cast %swap3A_150 : vector<1x16xf32> to vector<16xf32>
    %swap3A_152 = vector.shape_cast %broadcast_in_dim3A_9 : vector<16xf32> to vector<1x16xf32>
    tpu.vector_store %arg16[%swap3A_148, %swap3A_149], %swap3A_152 {strides = array<i32>} : memref<128x16xf32, #tpu.memory_space<vmem>>, vector<1x16xf32>,
    %swap3A_153 = arith.constant 24 : i32
    %swap3A_154 = arith.index_cast %swap3A_153 : i32 to index
    %swap3A_155 = arith.constant 0 : index
    %swap3A_156 = tpu.vector_load %arg16[%swap3A_154, %swap3A_155] {strides = array<i32>} : memref<128x16xf32, #tpu.memory_space<vmem>>, vector<1x16xf32>,
    %swap3A_157 = vector.shape_cast %swap3A_156 : vector<1x16xf32> to vector<16xf32>
    %swap3A_158 = vector.shape_cast %broadcast_in_dim3A_9 : vector<16xf32> to vector<1x16xf32>
    tpu.vector_store %arg16[%swap3A_154, %swap3A_155], %swap3A_158 {strides = array<i32>} : memref<128x16xf32, #tpu.memory_space<vmem>>, vector<1x16xf32>,
    %swap3A_159 = arith.constant 25 : i32
    %swap3A_160 = arith.index_cast %swap3A_159 : i32 to index
    %swap3A_161 = arith.constant 0 : index
    %swap3A_162 = tpu.vector_load %arg16[%swap3A_160, %swap3A_161] {strides = array<i32>} : memref<128x16xf32, #tpu.memory_space<vmem>>, vector<1x16xf32>,
    %swap3A_163 = vector.shape_cast %swap3A_162 : vector<1x16xf32> to vector<16xf32>
    %swap3A_164 = vector.shape_cast %broadcast_in_dim3A_9 : vector<16xf32> to vector<1x16xf32>
    tpu.vector_store %arg16[%swap3A_160, %swap3A_161], %swap3A_164 {strides = array<i32>} : memref<128x16xf32, #tpu.memory_space<vmem>>, vector<1x16xf32>,
    %swap3A_165 = arith.constant 26 : i32
    %swap3A_166 = arith.index_cast %swap3A_165 : i32 to index
    %swap3A_167 = arith.constant 0 : index
    %swap3A_168 = tpu.vector_load %arg16[%swap3A_166, %swap3A_167] {strides = array<i32>} : memref<128x16xf32, #tpu.memory_space<vmem>>, vector<1x16xf32>,
    %swap3A_169 = vector.shape_cast %swap3A_168 : vector<1x16xf32> to vector<16xf32>
    %swap3A_170 = vector.shape_cast %broadcast_in_dim3A_9 : vector<16xf32> to vector<1x16xf32>
    tpu.vector_store %arg16[%swap3A_166, %swap3A_167], %swap3A_170 {strides = array<i32>} : memref<128x16xf32, #tpu.memory_space<vmem>>, vector<1x16xf32>,
    %swap3A_171 = arith.constant 27 : i32
    %swap3A_172 = arith.index_cast %swap3A_171 : i32 to index
    %swap3A_173 = arith.constant 0 : index
    %swap3A_174 = tpu.vector_load %arg16[%swap3A_172, %swap3A_173] {strides = array<i32>} : memref<128x16xf32, #tpu.memory_space<vmem>>, vector<1x16xf32>,
    %swap3A_175 = vector.shape_cast %swap3A_174 : vector<1x16xf32> to vector<16xf32>
    %swap3A_176 = vector.shape_cast %broadcast_in_dim3A_9 : vector<16xf32> to vector<1x16xf32>
    tpu.vector_store %arg16[%swap3A_172, %swap3A_173], %swap3A_176 {strides = array<i32>} : memref<128x16xf32, #tpu.memory_space<vmem>>, vector<1x16xf32>,
    %swap3A_177 = arith.constant 28 : i32
    %swap3A_178 = arith.index_cast %swap3A_177 : i32 to index
    %swap3A_179 = arith.constant 0 : index
    %swap3A_180 = tpu.vector_load %arg16[%swap3A_178, %swap3A_179] {strides = array<i32>} : memref<128x16xf32, #tpu.memory_space<vmem>>, vector<1x16xf32>,
    %swap3A_181 = vector.shape_cast %swap3A_180 : vector<1x16xf32> to vector<16xf32>
    %swap3A_182 = vector.shape_cast %broadcast_in_dim3A_9 : vector<16xf32> to vector<1x16xf32>
    tpu.vector_store %arg16[%swap3A_178, %swap3A_179], %swap3A_182 {strides = array<i32>} : memref<128x16xf32, #tpu.memory_space<vmem>>, vector<1x16xf32>,
    %swap3A_183 = arith.constant 29 : i32
    %swap3A_184 = arith.index_cast %swap3A_183 : i32 to index
    %swap3A_185 = arith.constant 0 : index
    %swap3A_186 = tpu.vector_load %arg16[%swap3A_184, %swap3A_185] {strides = array<i32>} : memref<128x16xf32, #tpu.memory_space<vmem>>, vector<1x16xf32>,
    %swap3A_187 = vector.shape_cast %swap3A_186 : vector<1x16xf32> to vector<16xf32>
    %swap3A_188 = vector.shape_cast %broadcast_in_dim3A_9 : vector<16xf32> to vector<1x16xf32>
    tpu.vector_store %arg16[%swap3A_184, %swap3A_185], %swap3A_188 {strides = array<i32>} : memref<128x16xf32, #tpu.memory_space<vmem>>, vector<1x16xf32>,
    %swap3A_189 = arith.constant 30 : i32
    %swap3A_190 = arith.index_cast %swap3A_189 : i32 to index
    %swap3A_191 = arith.constant 0 : index
    %swap3A_192 = tpu.vector_load %arg16[%swap3A_190, %swap3A_191] {strides = array<i32>} : memref<128x16xf32, #tpu.memory_space<vmem>>, vector<1x16xf32>,
    %swap3A_193 = vector.shape_cast %swap3A_192 : vector<1x16xf32> to vector<16xf32>
    %swap3A_194 = vector.shape_cast %broadcast_in_dim3A_9 : vector<16xf32> to vector<1x16xf32>
    tpu.vector_store %arg16[%swap3A_190, %swap3A_191], %swap3A_194 {strides = array<i32>} : memref<128x16xf32, #tpu.memory_space<vmem>>, vector<1x16xf32>,
    %swap3A_195 = arith.constant 31 : i32
    %swap3A_196 = arith.index_cast %swap3A_195 : i32 to index
    %swap3A_197 = arith.constant 0 : index
    %swap3A_198 = tpu.vector_load %arg16[%swap3A_196, %swap3A_197] {strides = array<i32>} : memref<128x16xf32, #tpu.memory_space<vmem>>, vector<1x16xf32>,
    %swap3A_199 = vector.shape_cast %swap3A_198 : vector<1x16xf32> to vector<16xf32>
    %swap3A_200 = vector.shape_cast %broadcast_in_dim3A_9 : vector<16xf32> to vector<1x16xf32>
    tpu.vector_store %arg16[%swap3A_196, %swap3A_197], %swap3A_200 {strides = array<i32>} : memref<128x16xf32, #tpu.memory_space<vmem>>, vector<1x16xf32>,
    %swap3A_201 = arith.constant 32 : i32
    %swap3A_202 = arith.index_cast %swap3A_201 : i32 to index
    %swap3A_203 = arith.constant 0 : index
    %swap3A_204 = tpu.vector_load %arg16[%swap3A_202, %swap3A_203] {strides = array<i32>} : memref<128x16xf32, #tpu.memory_space<vmem>>, vector<1x16xf32>,
    %swap3A_205 = vector.shape_cast %swap3A_204 : vector<1x16xf32> to vector<16xf32>
    %swap3A_206 = vector.shape_cast %broadcast_in_dim3A_9 : vector<16xf32> to vector<1x16xf32>
    tpu.vector_store %arg16[%swap3A_202, %swap3A_203], %swap3A_206 {strides = array<i32>} : memref<128x16xf32, #tpu.memory_space<vmem>>, vector<1x16xf32>,
    %swap3A_207 = arith.constant 33 : i32
    %swap3A_208 = arith.index_cast %swap3A_207 : i32 to index
    %swap3A_209 = arith.constant 0 : index
    %swap3A_210 = tpu.vector_load %arg16[%swap3A_208, %swap3A_209] {strides = array<i32>} : memref<128x16xf32, #tpu.memory_space<vmem>>, vector<1x16xf32>,
    %swap3A_211 = vector.shape_cast %swap3A_210 : vector<1x16xf32> to vector<16xf32>
    %swap3A_212 = vector.shape_cast %broadcast_in_dim3A_9 : vector<16xf32> to vector<1x16xf32>
    tpu.vector_store %arg16[%swap3A_208, %swap3A_209], %swap3A_212 {strides = array<i32>} : memref<128x16xf32, #tpu.memory_space<vmem>>, vector<1x16xf32>,
    %swap3A_213 = arith.constant 34 : i32
    %swap3A_214 = arith.index_cast %swap3A_213 : i32 to index
    %swap3A_215 = arith.constant 0 : index
    %swap3A_216 = tpu.vector_load %arg16[%swap3A_214, %swap3A_215] {strides = array<i32>} : memref<128x16xf32, #tpu.memory_space<vmem>>, vector<1x16xf32>,
    %swap3A_217 = vector.shape_cast %swap3A_216 : vector<1x16xf32> to vector<16xf32>
    %swap3A_218 = vector.shape_cast %broadcast_in_dim3A_9 : vector<16xf32> to vector<1x16xf32>
    tpu.vector_store %arg16[%swap3A_214, %swap3A_215], %swap3A_218 {strides = array<i32>} : memref<128x16xf32, #tpu.memory_space<vmem>>, vector<1x16xf32>,
    %swap3A_219 = arith.constant 35 : i32
    %swap3A_220 = arith.index_cast %swap3A_219 : i32 to index
    %swap3A_221 = arith.constant 0 : index
    %swap3A_222 = tpu.vector_load %arg16[%swap3A_220, %swap3A_221] {strides = array<i32>} : memref<128x16xf32, #tpu.memory_space<vmem>>, vector<1x16xf32>,
    %swap3A_223 = vector.shape_cast %swap3A_222 : vector<1x16xf32> to vector<16xf32>
    %swap3A_224 = vector.shape_cast %broadcast_in_dim3A_9 : vector<16xf32> to vector<1x16xf32>
    tpu.vector_store %arg16[%swap3A_220, %swap3A_221], %swap3A_224 {strides = array<i32>} : memref<128x16xf32, #tpu.memory_space<vmem>>, vector<1x16xf32>,
    %swap3A_225 = arith.constant 36 : i32
    %swap3A_226 = arith.index_cast %swap3A_225 : i32 to index
    %swap3A_227 = arith.constant 0 : index
    %swap3A_228 = tpu.vector_load %arg16[%swap3A_226, %swap3A_227] {strides = array<i32>} : memref<128x16xf32, #tpu.memory_space<vmem>>, vector<1x16xf32>,
    %swap3A_229 = vector.shape_cast %swap3A_228 : vector<1x16xf32> to vector<16xf32>
    %swap3A_230 = vector.shape_cast %broadcast_in_dim3A_9 : vector<16xf32> to vector<1x16xf32>
    tpu.vector_store %arg16[%swap3A_226, %swap3A_227], %swap3A_230 {strides = array<i32>} : memref<128x16xf32, #tpu.memory_space<vmem>>, vector<1x16xf32>,
    %swap3A_231 = arith.constant 37 : i32
    %swap3A_232 = arith.index_cast %swap3A_231 : i32 to index
    %swap3A_233 = arith.constant 0 : index
    %swap3A_234 = tpu.vector_load %arg16[%swap3A_232, %swap3A_233] {strides = array<i32>} : memref<128x16xf32, #tpu.memory_space<vmem>>, vector<1x16xf32>,
    %swap3A_235 = vector.shape_cast %swap3A_234 : vector<1x16xf32> to vector<16xf32>
    %swap3A_236 = vector.shape_cast %broadcast_in_dim3A_9 : vector<16xf32> to vector<1x16xf32>
    tpu.vector_store %arg16[%swap3A_232, %swap3A_233], %swap3A_236 {strides = array<i32>} : memref<128x16xf32, #tpu.memory_space<vmem>>, vector<1x16xf32>,
    %swap3A_237 = arith.constant 38 : i32
    %swap3A_238 = arith.index_cast %swap3A_237 : i32 to index
    %swap3A_239 = arith.constant 0 : index
    %swap3A_240 = tpu.vector_load %arg16[%swap3A_238, %swap3A_239] {strides = array<i32>} : memref<128x16xf32, #tpu.memory_space<vmem>>, vector<1x16xf32>,
    %swap3A_241 = vector.shape_cast %swap3A_240 : vector<1x16xf32> to vector<16xf32>
    %swap3A_242 = vector.shape_cast %broadcast_in_dim3A_9 : vector<16xf32> to vector<1x16xf32>
    tpu.vector_store %arg16[%swap3A_238, %swap3A_239], %swap3A_242 {strides = array<i32>} : memref<128x16xf32, #tpu.memory_space<vmem>>, vector<1x16xf32>,
    %swap3A_243 = arith.constant 39 : i32
    %swap3A_244 = arith.index_cast %swap3A_243 : i32 to index
    %swap3A_245 = arith.constant 0 : index
    %swap3A_246 = tpu.vector_load %arg16[%swap3A_244, %swap3A_245] {strides = array<i32>} : memref<128x16xf32, #tpu.memory_space<vmem>>, vector<1x16xf32>,
    %swap3A_247 = vector.shape_cast %swap3A_246 : vector<1x16xf32> to vector<16xf32>
    %swap3A_248 = vector.shape_cast %broadcast_in_dim3A_9 : vector<16xf32> to vector<1x16xf32>
    tpu.vector_store %arg16[%swap3A_244, %swap3A_245], %swap3A_248 {strides = array<i32>} : memref<128x16xf32, #tpu.memory_space<vmem>>, vector<1x16xf32>,
    %swap3A_249 = arith.constant 40 : i32
    %swap3A_250 = arith.index_cast %swap3A_249 : i32 to index
    %swap3A_251 = arith.constant 0 : index
    %swap3A_252 = tpu.vector_load %arg16[%swap3A_250, %swap3A_251] {strides = array<i32>} : memref<128x16xf32, #tpu.memory_space<vmem>>, vector<1x16xf32>,
    %swap3A_253 = vector.shape_cast %swap3A_252 : vector<1x16xf32> to vector<16xf32>
    %swap3A_254 = vector.shape_cast %broadcast_in_dim3A_9 : vector<16xf32> to vector<1x16xf32>
    tpu.vector_store %arg16[%swap3A_250, %swap3A_251], %swap3A_254 {strides = array<i32>} : memref<128x16xf32, #tpu.memory_space<vmem>>, vector<1x16xf32>,
    %swap3A_255 = arith.constant 41 : i32
    %swap3A_256 = arith.index_cast %swap3A_255 : i32 to index
    %swap3A_257 = arith.constant 0 : index
    %swap3A_258 = tpu.vector_load %arg16[%swap3A_256, %swap3A_257] {strides = array<i32>} : memref<128x16xf32, #tpu.memory_space<vmem>>, vector<1x16xf32>,
    %swap3A_259 = vector.shape_cast %swap3A_258 : vector<1x16xf32> to vector<16xf32>
    %swap3A_260 = vector.shape_cast %broadcast_in_dim3A_9 : vector<16xf32> to vector<1x16xf32>
    tpu.vector_store %arg16[%swap3A_256, %swap3A_257], %swap3A_260 {strides = array<i32>} : memref<128x16xf32, #tpu.memory_space<vmem>>, vector<1x16xf32>,
    %swap3A_261 = arith.constant 42 : i32
    %swap3A_262 = arith.index_cast %swap3A_261 : i32 to index
    %swap3A_263 = arith.constant 0 : index
    %swap3A_264 = tpu.vector_load %arg16[%swap3A_262, %swap3A_263] {strides = array<i32>} : memref<128x16xf32, #tpu.memory_space<vmem>>, vector<1x16xf32>,
    %swap3A_265 = vector.shape_cast %swap3A_264 : vector<1x16xf32> to vector<16xf32>
    %swap3A_266 = vector.shape_cast %broadcast_in_dim3A_9 : vector<16xf32> to vector<1x16xf32>
    tpu.vector_store %arg16[%swap3A_262, %swap3A_263], %swap3A_266 {strides = array<i32>} : memref<128x16xf32, #tpu.memory_space<vmem>>, vector<1x16xf32>,
    %swap3A_267 = arith.constant 43 : i32
    %swap3A_268 = arith.index_cast %swap3A_267 : i32 to index
    %swap3A_269 = arith.constant 0 : index
    %swap3A_270 = tpu.vector_load %arg16[%swap3A_268, %swap3A_269] {strides = array<i32>} : memref<128x16xf32, #tpu.memory_space<vmem>>, vector<1x16xf32>,
    %swap3A_271 = vector.shape_cast %swap3A_270 : vector<1x16xf32> to vector<16xf32>
    %swap3A_272 = vector.shape_cast %broadcast_in_dim3A_9 : vector<16xf32> to vector<1x16xf32>
    tpu.vector_store %arg16[%swap3A_268, %swap3A_269], %swap3A_272 {strides = array<i32>} : memref<128x16xf32, #tpu.memory_space<vmem>>, vector<1x16xf32>,
    %swap3A_273 = arith.constant 44 : i32
    %swap3A_274 = arith.index_cast %swap3A_273 : i32 to index
    %swap3A_275 = arith.constant 0 : index
    %swap3A_276 = tpu.vector_load %arg16[%swap3A_274, %swap3A_275] {strides = array<i32>} : memref<128x16xf32, #tpu.memory_space<vmem>>, vector<1x16xf32>,
    %swap3A_277 = vector.shape_cast %swap3A_276 : vector<1x16xf32> to vector<16xf32>
    %swap3A_278 = vector.shape_cast %broadcast_in_dim3A_9 : vector<16xf32> to vector<1x16xf32>
    tpu.vector_store %arg16[%swap3A_274, %swap3A_275], %swap3A_278 {strides = array<i32>} : memref<128x16xf32, #tpu.memory_space<vmem>>, vector<1x16xf32>,
    %swap3A_279 = arith.constant 45 : i32
    %swap3A_280 = arith.index_cast %swap3A_279 : i32 to index
    %swap3A_281 = arith.constant 0 : index
    %swap3A_282 = tpu.vector_load %arg16[%swap3A_280, %swap3A_281] {strides = array<i32>} : memref<128x16xf32, #tpu.memory_space<vmem>>, vector<1x16xf32>,
    %swap3A_283 = vector.shape_cast %swap3A_282 : vector<1x16xf32> to vector<16xf32>
    %swap3A_284 = vector.shape_cast %broadcast_in_dim3A_9 : vector<16xf32> to vector<1x16xf32>
    tpu.vector_store %arg16[%swap3A_280, %swap3A_281], %swap3A_284 {strides = array<i32>} : memref<128x16xf32, #tpu.memory_space<vmem>>, vector<1x16xf32>,
    %swap3A_285 = arith.constant 46 : i32
    %swap3A_286 = arith.index_cast %swap3A_285 : i32 to index
    %swap3A_287 = arith.constant 0 : index
    %swap3A_288 = tpu.vector_load %arg16[%swap3A_286, %swap3A_287] {strides = array<i32>} : memref<128x16xf32, #tpu.memory_space<vmem>>, vector<1x16xf32>,
    %swap3A_289 = vector.shape_cast %swap3A_288 : vector<1x16xf32> to vector<16xf32>
    %swap3A_290 = vector.shape_cast %broadcast_in_dim3A_9 : vector<16xf32> to vector<1x16xf32>
    tpu.vector_store %arg16[%swap3A_286, %swap3A_287], %swap3A_290 {strides = array<i32>} : memref<128x16xf32, #tpu.memory_space<vmem>>, vector<1x16xf32>,
    %swap3A_291 = arith.constant 47 : i32
    %swap3A_292 = arith.index_cast %swap3A_291 : i32 to index
    %swap3A_293 = arith.constant 0 : index
    %swap3A_294 = tpu.vector_load %arg16[%swap3A_292, %swap3A_293] {strides = array<i32>} : memref<128x16xf32, #tpu.memory_space<vmem>>, vector<1x16xf32>,
    %swap3A_295 = vector.shape_cast %swap3A_294 : vector<1x16xf32> to vector<16xf32>
    %swap3A_296 = vector.shape_cast %broadcast_in_dim3A_9 : vector<16xf32> to vector<1x16xf32>
    tpu.vector_store %arg16[%swap3A_292, %swap3A_293], %swap3A_296 {strides = array<i32>} : memref<128x16xf32, #tpu.memory_space<vmem>>, vector<1x16xf32>,
    %swap3A_297 = arith.constant 48 : i32
    %swap3A_298 = arith.index_cast %swap3A_297 : i32 to index
    %swap3A_299 = arith.constant 0 : index
    %swap3A_300 = tpu.vector_load %arg16[%swap3A_298, %swap3A_299] {strides = array<i32>} : memref<128x16xf32, #tpu.memory_space<vmem>>, vector<1x16xf32>,
    %swap3A_301 = vector.shape_cast %swap3A_300 : vector<1x16xf32> to vector<16xf32>
    %swap3A_302 = vector.shape_cast %broadcast_in_dim3A_9 : vector<16xf32> to vector<1x16xf32>
    tpu.vector_store %arg16[%swap3A_298, %swap3A_299], %swap3A_302 {strides = array<i32>} : memref<128x16xf32, #tpu.memory_space<vmem>>, vector<1x16xf32>,
    %swap3A_303 = arith.constant 49 : i32
    %swap3A_304 = arith.index_cast %swap3A_303 : i32 to index
    %swap3A_305 = arith.constant 0 : index
    %swap3A_306 = tpu.vector_load %arg16[%swap3A_304, %swap3A_305] {strides = array<i32>} : memref<128x16xf32, #tpu.memory_space<vmem>>, vector<1x16xf32>,
    %swap3A_307 = vector.shape_cast %swap3A_306 : vector<1x16xf32> to vector<16xf32>
    %swap3A_308 = vector.shape_cast %broadcast_in_dim3A_9 : vector<16xf32> to vector<1x16xf32>
    tpu.vector_store %arg16[%swap3A_304, %swap3A_305], %swap3A_308 {strides = array<i32>} : memref<128x16xf32, #tpu.memory_space<vmem>>, vector<1x16xf32>,
    %swap3A_309 = arith.constant 50 : i32
    %swap3A_310 = arith.index_cast %swap3A_309 : i32 to index
    %swap3A_311 = arith.constant 0 : index
    %swap3A_312 = tpu.vector_load %arg16[%swap3A_310, %swap3A_311] {strides = array<i32>} : memref<128x16xf32, #tpu.memory_space<vmem>>, vector<1x16xf32>,
    %swap3A_313 = vector.shape_cast %swap3A_312 : vector<1x16xf32> to vector<16xf32>
    %swap3A_314 = vector.shape_cast %broadcast_in_dim3A_9 : vector<16xf32> to vector<1x16xf32>
    tpu.vector_store %arg16[%swap3A_310, %swap3A_311], %swap3A_314 {strides = array<i32>} : memref<128x16xf32, #tpu.memory_space<vmem>>, vector<1x16xf32>,
    %swap3A_315 = arith.constant 51 : i32
    %swap3A_316 = arith.index_cast %swap3A_315 : i32 to index
    %swap3A_317 = arith.constant 0 : index
    %swap3A_318 = tpu.vector_load %arg16[%swap3A_316, %swap3A_317] {strides = array<i32>} : memref<128x16xf32, #tpu.memory_space<vmem>>, vector<1x16xf32>,
    %swap3A_319 = vector.shape_cast %swap3A_318 : vector<1x16xf32> to vector<16xf32>
    %swap3A_320 = vector.shape_cast %broadcast_in_dim3A_9 : vector<16xf32> to vector<1x16xf32>
    tpu.vector_store %arg16[%swap3A_316, %swap3A_317], %swap3A_320 {strides = array<i32>} : memref<128x16xf32, #tpu.memory_space<vmem>>, vector<1x16xf32>,
    %swap3A_321 = arith.constant 52 : i32
    %swap3A_322 = arith.index_cast %swap3A_321 : i32 to index
    %swap3A_323 = arith.constant 0 : index
    %swap3A_324 = tpu.vector_load %arg16[%swap3A_322, %swap3A_323] {strides = array<i32>} : memref<128x16xf32, #tpu.memory_space<vmem>>, vector<1x16xf32>,
    %swap3A_325 = vector.shape_cast %swap3A_324 : vector<1x16xf32> to vector<16xf32>
    %swap3A_326 = vector.shape_cast %broadcast_in_dim3A_9 : vector<16xf32> to vector<1x16xf32>
    tpu.vector_store %arg16[%swap3A_322, %swap3A_323], %swap3A_326 {strides = array<i32>} : memref<128x16xf32, #tpu.memory_space<vmem>>, vector<1x16xf32>,
    %swap3A_327 = arith.constant 53 : i32
    %swap3A_328 = arith.index_cast %swap3A_327 : i32 to index
    %swap3A_329 = arith.constant 0 : index
    %swap3A_330 = tpu.vector_load %arg16[%swap3A_328, %swap3A_329] {strides = array<i32>} : memref<128x16xf32, #tpu.memory_space<vmem>>, vector<1x16xf32>,
    %swap3A_331 = vector.shape_cast %swap3A_330 : vector<1x16xf32> to vector<16xf32>
    %swap3A_332 = vector.shape_cast %broadcast_in_dim3A_9 : vector<16xf32> to vector<1x16xf32>
    tpu.vector_store %arg16[%swap3A_328, %swap3A_329], %swap3A_332 {strides = array<i32>} : memref<128x16xf32, #tpu.memory_space<vmem>>, vector<1x16xf32>,
    %swap3A_333 = arith.constant 54 : i32
    %swap3A_334 = arith.index_cast %swap3A_333 : i32 to index
    %swap3A_335 = arith.constant 0 : index
    %swap3A_336 = tpu.vector_load %arg16[%swap3A_334, %swap3A_335] {strides = array<i32>} : memref<128x16xf32, #tpu.memory_space<vmem>>, vector<1x16xf32>,
    %swap3A_337 = vector.shape_cast %swap3A_336 : vector<1x16xf32> to vector<16xf32>
    %swap3A_338 = vector.shape_cast %broadcast_in_dim3A_9 : vector<16xf32> to vector<1x16xf32>
    tpu.vector_store %arg16[%swap3A_334, %swap3A_335], %swap3A_338 {strides = array<i32>} : memref<128x16xf32, #tpu.memory_space<vmem>>, vector<1x16xf32>,
    %swap3A_339 = arith.constant 55 : i32
    %swap3A_340 = arith.index_cast %swap3A_339 : i32 to index
    %swap3A_341 = arith.constant 0 : index
    %swap3A_342 = tpu.vector_load %arg16[%swap3A_340, %swap3A_341] {strides = array<i32>} : memref<128x16xf32, #tpu.memory_space<vmem>>, vector<1x16xf32>,
    %swap3A_343 = vector.shape_cast %swap3A_342 : vector<1x16xf32> to vector<16xf32>
    %swap3A_344 = vector.shape_cast %broadcast_in_dim3A_9 : vector<16xf32> to vector<1x16xf32>
    tpu.vector_store %arg16[%swap3A_340, %swap3A_341], %swap3A_344 {strides = array<i32>} : memref<128x16xf32, #tpu.memory_space<vmem>>, vector<1x16xf32>,
    %swap3A_345 = arith.constant 56 : i32
    %swap3A_346 = arith.index_cast %swap3A_345 : i32 to index
    %swap3A_347 = arith.constant 0 : index
    %swap3A_348 = tpu.vector_load %arg16[%swap3A_346, %swap3A_347] {strides = array<i32>} : memref<128x16xf32, #tpu.memory_space<vmem>>, vector<1x16xf32>,
    %swap3A_349 = vector.shape_cast %swap3A_348 : vector<1x16xf32> to vector<16xf32>
    %swap3A_350 = vector.shape_cast %broadcast_in_dim3A_9 : vector<16xf32> to vector<1x16xf32>
    tpu.vector_store %arg16[%swap3A_346, %swap3A_347], %swap3A_350 {strides = array<i32>} : memref<128x16xf32, #tpu.memory_space<vmem>>, vector<1x16xf32>,
    %swap3A_351 = arith.constant 57 : i32
    %swap3A_352 = arith.index_cast %swap3A_351 : i32 to index
    %swap3A_353 = arith.constant 0 : index
    %swap3A_354 = tpu.vector_load %arg16[%swap3A_352, %swap3A_353] {strides = array<i32>} : memref<128x16xf32, #tpu.memory_space<vmem>>, vector<1x16xf32>,
    %swap3A_355 = vector.shape_cast %swap3A_354 : vector<1x16xf32> to vector<16xf32>
    %swap3A_356 = vector.shape_cast %broadcast_in_dim3A_9 : vector<16xf32> to vector<1x16xf32>
    tpu.vector_store %arg16[%swap3A_352, %swap3A_353], %swap3A_356 {strides = array<i32>} : memref<128x16xf32, #tpu.memory_space<vmem>>, vector<1x16xf32>,
    %swap3A_357 = arith.constant 58 : i32
    %swap3A_358 = arith.index_cast %swap3A_357 : i32 to index
    %swap3A_359 = arith.constant 0 : index
    %swap3A_360 = tpu.vector_load %arg16[%swap3A_358, %swap3A_359] {strides = array<i32>} : memref<128x16xf32, #tpu.memory_space<vmem>>, vector<1x16xf32>,
    %swap3A_361 = vector.shape_cast %swap3A_360 : vector<1x16xf32> to vector<16xf32>
    %swap3A_362 = vector.shape_cast %broadcast_in_dim3A_9 : vector<16xf32> to vector<1x16xf32>
    tpu.vector_store %arg16[%swap3A_358, %swap3A_359], %swap3A_362 {strides = array<i32>} : memref<128x16xf32, #tpu.memory_space<vmem>>, vector<1x16xf32>,
    %swap3A_363 = arith.constant 59 : i32
    %swap3A_364 = arith.index_cast %swap3A_363 : i32 to index
    %swap3A_365 = arith.constant 0 : index
    %swap3A_366 = tpu.vector_load %arg16[%swap3A_364, %swap3A_365] {strides = array<i32>} : memref<128x16xf32, #tpu.memory_space<vmem>>, vector<1x16xf32>,
    %swap3A_367 = vector.shape_cast %swap3A_366 : vector<1x16xf32> to vector<16xf32>
    %swap3A_368 = vector.shape_cast %broadcast_in_dim3A_9 : vector<16xf32> to vector<1x16xf32>
    tpu.vector_store %arg16[%swap3A_364, %swap3A_365], %swap3A_368 {strides = array<i32>} : memref<128x16xf32, #tpu.memory_space<vmem>>, vector<1x16xf32>,
    %swap3A_369 = arith.constant 60 : i32
    %swap3A_370 = arith.index_cast %swap3A_369 : i32 to index
    %swap3A_371 = arith.constant 0 : index
    %swap3A_372 = tpu.vector_load %arg16[%swap3A_370, %swap3A_371] {strides = array<i32>} : memref<128x16xf32, #tpu.memory_space<vmem>>, vector<1x16xf32>,
    %swap3A_373 = vector.shape_cast %swap3A_372 : vector<1x16xf32> to vector<16xf32>
    %swap3A_374 = vector.shape_cast %broadcast_in_dim3A_9 : vector<16xf32> to vector<1x16xf32>
    tpu.vector_store %arg16[%swap3A_370, %swap3A_371], %swap3A_374 {strides = array<i32>} : memref<128x16xf32, #tpu.memory_space<vmem>>, vector<1x16xf32>,
    %swap3A_375 = arith.constant 61 : i32
    %swap3A_376 = arith.index_cast %swap3A_375 : i32 to index
    %swap3A_377 = arith.constant 0 : index
    %swap3A_378 = tpu.vector_load %arg16[%swap3A_376, %swap3A_377] {strides = array<i32>} : memref<128x16xf32, #tpu.memory_space<vmem>>, vector<1x16xf32>,
    %swap3A_379 = vector.shape_cast %swap3A_378 : vector<1x16xf32> to vector<16xf32>
    %swap3A_380 = vector.shape_cast %broadcast_in_dim3A_9 : vector<16xf32> to vector<1x16xf32>
    tpu.vector_store %arg16[%swap3A_376, %swap3A_377], %swap3A_380 {strides = array<i32>} : memref<128x16xf32, #tpu.memory_space<vmem>>, vector<1x16xf32>,
    %swap3A_381 = arith.constant 62 : i32
    %swap3A_382 = arith.index_cast %swap3A_381 : i32 to index
    %swap3A_383 = arith.constant 0 : index
    %swap3A_384 = tpu.vector_load %arg16[%swap3A_382, %swap3A_383] {strides = array<i32>} : memref<128x16xf32, #tpu.memory_space<vmem>>, vector<1x16xf32>,
    %swap3A_385 = vector.shape_cast %swap3A_384 : vector<1x16xf32> to vector<16xf32>
    %swap3A_386 = vector.shape_cast %broadcast_in_dim3A_9 : vector<16xf32> to vector<1x16xf32>
    tpu.vector_store %arg16[%swap3A_382, %swap3A_383], %swap3A_386 {strides = array<i32>} : memref<128x16xf32, #tpu.memory_space<vmem>>, vector<1x16xf32>,
    %swap3A_387 = arith.constant 63 : i32
    %swap3A_388 = arith.index_cast %swap3A_387 : i32 to index
    %swap3A_389 = arith.constant 0 : index
    %swap3A_390 = tpu.vector_load %arg16[%swap3A_388, %swap3A_389] {strides = array<i32>} : memref<128x16xf32, #tpu.memory_space<vmem>>, vector<1x16xf32>,
    %swap3A_391 = vector.shape_cast %swap3A_390 : vector<1x16xf32> to vector<16xf32>
    %swap3A_392 = vector.shape_cast %broadcast_in_dim3A_9 : vector<16xf32> to vector<1x16xf32>
    tpu.vector_store %arg16[%swap3A_388, %swap3A_389], %swap3A_392 {strides = array<i32>} : memref<128x16xf32, #tpu.memory_space<vmem>>, vector<1x16xf32>,
    %swap3A_393 = arith.constant 64 : i32
    %swap3A_394 = arith.index_cast %swap3A_393 : i32 to index
    %swap3A_395 = arith.constant 0 : index
    %swap3A_396 = tpu.vector_load %arg16[%swap3A_394, %swap3A_395] {strides = array<i32>} : memref<128x16xf32, #tpu.memory_space<vmem>>, vector<1x16xf32>,
    %swap3A_397 = vector.shape_cast %swap3A_396 : vector<1x16xf32> to vector<16xf32>
    %swap3A_398 = vector.shape_cast %broadcast_in_dim3A_9 : vector<16xf32> to vector<1x16xf32>
    tpu.vector_store %arg16[%swap3A_394, %swap3A_395], %swap3A_398 {strides = array<i32>} : memref<128x16xf32, #tpu.memory_space<vmem>>, vector<1x16xf32>,
    %swap3A_399 = arith.constant 65 : i32
    %swap3A_400 = arith.index_cast %swap3A_399 : i32 to index
    %swap3A_401 = arith.constant 0 : index
    %swap3A_402 = tpu.vector_load %arg16[%swap3A_400, %swap3A_401] {strides = array<i32>} : memref<128x16xf32, #tpu.memory_space<vmem>>, vector<1x16xf32>,
    %swap3A_403 = vector.shape_cast %swap3A_402 : vector<1x16xf32> to vector<16xf32>
    %swap3A_404 = vector.shape_cast %broadcast_in_dim3A_9 : vector<16xf32> to vector<1x16xf32>
    tpu.vector_store %arg16[%swap3A_400, %swap3A_401], %swap3A_404 {strides = array<i32>} : memref<128x16xf32, #tpu.memory_space<vmem>>, vector<1x16xf32>,
    %swap3A_405 = arith.constant 66 : i32
    %swap3A_406 = arith.index_cast %swap3A_405 : i32 to index
    %swap3A_407 = arith.constant 0 : index
    %swap3A_408 = tpu.vector_load %arg16[%swap3A_406, %swap3A_407] {strides = array<i32>} : memref<128x16xf32, #tpu.memory_space<vmem>>, vector<1x16xf32>,
    %swap3A_409 = vector.shape_cast %swap3A_408 : vector<1x16xf32> to vector<16xf32>
    %swap3A_410 = vector.shape_cast %broadcast_in_dim3A_9 : vector<16xf32> to vector<1x16xf32>
    tpu.vector_store %arg16[%swap3A_406, %swap3A_407], %swap3A_410 {strides = array<i32>} : memref<128x16xf32, #tpu.memory_space<vmem>>, vector<1x16xf32>,
    %swap3A_411 = arith.constant 67 : i32
    %swap3A_412 = arith.index_cast %swap3A_411 : i32 to index
    %swap3A_413 = arith.constant 0 : index
    %swap3A_414 = tpu.vector_load %arg16[%swap3A_412, %swap3A_413] {strides = array<i32>} : memref<128x16xf32, #tpu.memory_space<vmem>>, vector<1x16xf32>,
    %swap3A_415 = vector.shape_cast %swap3A_414 : vector<1x16xf32> to vector<16xf32>
    %swap3A_416 = vector.shape_cast %broadcast_in_dim3A_9 : vector<16xf32> to vector<1x16xf32>
    tpu.vector_store %arg16[%swap3A_412, %swap3A_413], %swap3A_416 {strides = array<i32>} : memref<128x16xf32, #tpu.memory_space<vmem>>, vector<1x16xf32>,
    %swap3A_417 = arith.constant 68 : i32
    %swap3A_418 = arith.index_cast %swap3A_417 : i32 to index
    %swap3A_419 = arith.constant 0 : index
    %swap3A_420 = tpu.vector_load %arg16[%swap3A_418, %swap3A_419] {strides = array<i32>} : memref<128x16xf32, #tpu.memory_space<vmem>>, vector<1x16xf32>,
    %swap3A_421 = vector.shape_cast %swap3A_420 : vector<1x16xf32> to vector<16xf32>
    %swap3A_422 = vector.shape_cast %broadcast_in_dim3A_9 : vector<16xf32> to vector<1x16xf32>
    tpu.vector_store %arg16[%swap3A_418, %swap3A_419], %swap3A_422 {strides = array<i32>} : memref<128x16xf32, #tpu.memory_space<vmem>>, vector<1x16xf32>,
    %swap3A_423 = arith.constant 69 : i32
    %swap3A_424 = arith.index_cast %swap3A_423 : i32 to index
    %swap3A_425 = arith.constant 0 : index
    %swap3A_426 = tpu.vector_load %arg16[%swap3A_424, %swap3A_425] {strides = array<i32>} : memref<128x16xf32, #tpu.memory_space<vmem>>, vector<1x16xf32>,
    %swap3A_427 = vector.shape_cast %swap3A_426 : vector<1x16xf32> to vector<16xf32>
    %swap3A_428 = vector.shape_cast %broadcast_in_dim3A_9 : vector<16xf32> to vector<1x16xf32>
    tpu.vector_store %arg16[%swap3A_424, %swap3A_425], %swap3A_428 {strides = array<i32>} : memref<128x16xf32, #tpu.memory_space<vmem>>, vector<1x16xf32>,
    %swap3A_429 = arith.constant 70 : i32
    %swap3A_430 = arith.index_cast %swap3A_429 : i32 to index
    %swap3A_431 = arith.constant 0 : index
    %swap3A_432 = tpu.vector_load %arg16[%swap3A_430, %swap3A_431] {strides = array<i32>} : memref<128x16xf32, #tpu.memory_space<vmem>>, vector<1x16xf32>,
    %swap3A_433 = vector.shape_cast %swap3A_432 : vector<1x16xf32> to vector<16xf32>
    %swap3A_434 = vector.shape_cast %broadcast_in_dim3A_9 : vector<16xf32> to vector<1x16xf32>
    tpu.vector_store %arg16[%swap3A_430, %swap3A_431], %swap3A_434 {strides = array<i32>} : memref<128x16xf32, #tpu.memory_space<vmem>>, vector<1x16xf32>,
    %swap3A_435 = arith.constant 71 : i32
    %swap3A_436 = arith.index_cast %swap3A_435 : i32 to index
    %swap3A_437 = arith.constant 0 : index
    %swap3A_438 = tpu.vector_load %arg16[%swap3A_436, %swap3A_437] {strides = array<i32>} : memref<128x16xf32, #tpu.memory_space<vmem>>, vector<1x16xf32>,
    %swap3A_439 = vector.shape_cast %swap3A_438 : vector<1x16xf32> to vector<16xf32>
    %swap3A_440 = vector.shape_cast %broadcast_in_dim3A_9 : vector<16xf32> to vector<1x16xf32>
    tpu.vector_store %arg16[%swap3A_436, %swap3A_437], %swap3A_440 {strides = array<i32>} : memref<128x16xf32, #tpu.memory_space<vmem>>, vector<1x16xf32>,
    %swap3A_441 = arith.constant 72 : i32
    %swap3A_442 = arith.index_cast %swap3A_441 : i32 to index
    %swap3A_443 = arith.constant 0 : index
    %swap3A_444 = tpu.vector_load %arg16[%swap3A_442, %swap3A_443] {strides = array<i32>} : memref<128x16xf32, #tpu.memory_space<vmem>>, vector<1x16xf32>,
    %swap3A_445 = vector.shape_cast %swap3A_444 : vector<1x16xf32> to vector<16xf32>
    %swap3A_446 = vector.shape_cast %broadcast_in_dim3A_9 : vector<16xf32> to vector<1x16xf32>
    tpu.vector_store %arg16[%swap3A_442, %swap3A_443], %swap3A_446 {strides = array<i32>} : memref<128x16xf32, #tpu.memory_space<vmem>>, vector<1x16xf32>,
    %swap3A_447 = arith.constant 73 : i32
    %swap3A_448 = arith.index_cast %swap3A_447 : i32 to index
    %swap3A_449 = arith.constant 0 : index
    %swap3A_450 = tpu.vector_load %arg16[%swap3A_448, %swap3A_449] {strides = array<i32>} : memref<128x16xf32, #tpu.memory_space<vmem>>, vector<1x16xf32>,
    %swap3A_451 = vector.shape_cast %swap3A_450 : vector<1x16xf32> to vector<16xf32>
    %swap3A_452 = vector.shape_cast %broadcast_in_dim3A_9 : vector<16xf32> to vector<1x16xf32>
    tpu.vector_store %arg16[%swap3A_448, %swap3A_449], %swap3A_452 {strides = array<i32>} : memref<128x16xf32, #tpu.memory_space<vmem>>, vector<1x16xf32>,
    %swap3A_453 = arith.constant 74 : i32
    %swap3A_454 = arith.index_cast %swap3A_453 : i32 to index
    %swap3A_455 = arith.constant 0 : index
    %swap3A_456 = tpu.vector_load %arg16[%swap3A_454, %swap3A_455] {strides = array<i32>} : memref<128x16xf32, #tpu.memory_space<vmem>>, vector<1x16xf32>,
    %swap3A_457 = vector.shape_cast %swap3A_456 : vector<1x16xf32> to vector<16xf32>
    %swap3A_458 = vector.shape_cast %broadcast_in_dim3A_9 : vector<16xf32> to vector<1x16xf32>
    tpu.vector_store %arg16[%swap3A_454, %swap3A_455], %swap3A_458 {strides = array<i32>} : memref<128x16xf32, #tpu.memory_space<vmem>>, vector<1x16xf32>,
    %swap3A_459 = arith.constant 75 : i32
    %swap3A_460 = arith.index_cast %swap3A_459 : i32 to index
    %swap3A_461 = arith.constant 0 : index
    %swap3A_462 = tpu.vector_load %arg16[%swap3A_460, %swap3A_461] {strides = array<i32>} : memref<128x16xf32, #tpu.memory_space<vmem>>, vector<1x16xf32>,
    %swap3A_463 = vector.shape_cast %swap3A_462 : vector<1x16xf32> to vector<16xf32>
    %swap3A_464 = vector.shape_cast %broadcast_in_dim3A_9 : vector<16xf32> to vector<1x16xf32>
    tpu.vector_store %arg16[%swap3A_460, %swap3A_461], %swap3A_464 {strides = array<i32>} : memref<128x16xf32, #tpu.memory_space<vmem>>, vector<1x16xf32>,
    %swap3A_465 = arith.constant 76 : i32
    %swap3A_466 = arith.index_cast %swap3A_465 : i32 to index
    %swap3A_467 = arith.constant 0 : index
    %swap3A_468 = tpu.vector_load %arg16[%swap3A_466, %swap3A_467] {strides = array<i32>} : memref<128x16xf32, #tpu.memory_space<vmem>>, vector<1x16xf32>,
    %swap3A_469 = vector.shape_cast %swap3A_468 : vector<1x16xf32> to vector<16xf32>
    %swap3A_470 = vector.shape_cast %broadcast_in_dim3A_9 : vector<16xf32> to vector<1x16xf32>
    tpu.vector_store %arg16[%swap3A_466, %swap3A_467], %swap3A_470 {strides = array<i32>} : memref<128x16xf32, #tpu.memory_space<vmem>>, vector<1x16xf32>,
    %swap3A_471 = arith.constant 77 : i32
    %swap3A_472 = arith.index_cast %swap3A_471 : i32 to index
    %swap3A_473 = arith.constant 0 : index
    %swap3A_474 = tpu.vector_load %arg16[%swap3A_472, %swap3A_473] {strides = array<i32>} : memref<128x16xf32, #tpu.memory_space<vmem>>, vector<1x16xf32>,
    %swap3A_475 = vector.shape_cast %swap3A_474 : vector<1x16xf32> to vector<16xf32>
    %swap3A_476 = vector.shape_cast %broadcast_in_dim3A_9 : vector<16xf32> to vector<1x16xf32>
    tpu.vector_store %arg16[%swap3A_472, %swap3A_473], %swap3A_476 {strides = array<i32>} : memref<128x16xf32, #tpu.memory_space<vmem>>, vector<1x16xf32>,
    %swap3A_477 = arith.constant 78 : i32
    %swap3A_478 = arith.index_cast %swap3A_477 : i32 to index
    %swap3A_479 = arith.constant 0 : index
    %swap3A_480 = tpu.vector_load %arg16[%swap3A_478, %swap3A_479] {strides = array<i32>} : memref<128x16xf32, #tpu.memory_space<vmem>>, vector<1x16xf32>,
    %swap3A_481 = vector.shape_cast %swap3A_480 : vector<1x16xf32> to vector<16xf32>
    %swap3A_482 = vector.shape_cast %broadcast_in_dim3A_9 : vector<16xf32> to vector<1x16xf32>
    tpu.vector_store %arg16[%swap3A_478, %swap3A_479], %swap3A_482 {strides = array<i32>} : memref<128x16xf32, #tpu.memory_space<vmem>>, vector<1x16xf32>,
    %swap3A_483 = arith.constant 79 : i32
    %swap3A_484 = arith.index_cast %swap3A_483 : i32 to index
    %swap3A_485 = arith.constant 0 : index
    %swap3A_486 = tpu.vector_load %arg16[%swap3A_484, %swap3A_485] {strides = array<i32>} : memref<128x16xf32, #tpu.memory_space<vmem>>, vector<1x16xf32>,
    %swap3A_487 = vector.shape_cast %swap3A_486 : vector<1x16xf32> to vector<16xf32>
    %swap3A_488 = vector.shape_cast %broadcast_in_dim3A_9 : vector<16xf32> to vector<1x16xf32>
    tpu.vector_store %arg16[%swap3A_484, %swap3A_485], %swap3A_488 {strides = array<i32>} : memref<128x16xf32, #tpu.memory_space<vmem>>, vector<1x16xf32>,
    %swap3A_489 = arith.constant 80 : i32
    %swap3A_490 = arith.index_cast %swap3A_489 : i32 to index
    %swap3A_491 = arith.constant 0 : index
    %swap3A_492 = tpu.vector_load %arg16[%swap3A_490, %swap3A_491] {strides = array<i32>} : memref<128x16xf32, #tpu.memory_space<vmem>>, vector<1x16xf32>,
    %swap3A_493 = vector.shape_cast %swap3A_492 : vector<1x16xf32> to vector<16xf32>
    %swap3A_494 = vector.shape_cast %broadcast_in_dim3A_9 : vector<16xf32> to vector<1x16xf32>
    tpu.vector_store %arg16[%swap3A_490, %swap3A_491], %swap3A_494 {strides = array<i32>} : memref<128x16xf32, #tpu.memory_space<vmem>>, vector<1x16xf32>,
    %swap3A_495 = arith.constant 81 : i32
    %swap3A_496 = arith.index_cast %swap3A_495 : i32 to index
    %swap3A_497 = arith.constant 0 : index
    %swap3A_498 = tpu.vector_load %arg16[%swap3A_496, %swap3A_497] {strides = array<i32>} : memref<128x16xf32, #tpu.memory_space<vmem>>, vector<1x16xf32>,
    %swap3A_499 = vector.shape_cast %swap3A_498 : vector<1x16xf32> to vector<16xf32>
    %swap3A_500 = vector.shape_cast %broadcast_in_dim3A_9 : vector<16xf32> to vector<1x16xf32>
    tpu.vector_store %arg16[%swap3A_496, %swap3A_497], %swap3A_500 {strides = array<i32>} : memref<128x16xf32, #tpu.memory_space<vmem>>, vector<1x16xf32>,
    %swap3A_501 = arith.constant 82 : i32
    %swap3A_502 = arith.index_cast %swap3A_501 : i32 to index
    %swap3A_503 = arith.constant 0 : index
    %swap3A_504 = tpu.vector_load %arg16[%swap3A_502, %swap3A_503] {strides = array<i32>} : memref<128x16xf32, #tpu.memory_space<vmem>>, vector<1x16xf32>,
    %swap3A_505 = vector.shape_cast %swap3A_504 : vector<1x16xf32> to vector<16xf32>
    %swap3A_506 = vector.shape_cast %broadcast_in_dim3A_9 : vector<16xf32> to vector<1x16xf32>
    tpu.vector_store %arg16[%swap3A_502, %swap3A_503], %swap3A_506 {strides = array<i32>} : memref<128x16xf32, #tpu.memory_space<vmem>>, vector<1x16xf32>,
    %swap3A_507 = arith.constant 83 : i32
    %swap3A_508 = arith.index_cast %swap3A_507 : i32 to index
    %swap3A_509 = arith.constant 0 : index
    %swap3A_510 = tpu.vector_load %arg16[%swap3A_508, %swap3A_509] {strides = array<i32>} : memref<128x16xf32, #tpu.memory_space<vmem>>, vector<1x16xf32>,
    %swap3A_511 = vector.shape_cast %swap3A_510 : vector<1x16xf32> to vector<16xf32>
    %swap3A_512 = vector.shape_cast %broadcast_in_dim3A_9 : vector<16xf32> to vector<1x16xf32>
    tpu.vector_store %arg16[%swap3A_508, %swap3A_509], %swap3A_512 {strides = array<i32>} : memref<128x16xf32, #tpu.memory_space<vmem>>, vector<1x16xf32>,
    %swap3A_513 = arith.constant 84 : i32
    %swap3A_514 = arith.index_cast %swap3A_513 : i32 to index
    %swap3A_515 = arith.constant 0 : index
    %swap3A_516 = tpu.vector_load %arg16[%swap3A_514, %swap3A_515] {strides = array<i32>} : memref<128x16xf32, #tpu.memory_space<vmem>>, vector<1x16xf32>,
    %swap3A_517 = vector.shape_cast %swap3A_516 : vector<1x16xf32> to vector<16xf32>
    %swap3A_518 = vector.shape_cast %broadcast_in_dim3A_9 : vector<16xf32> to vector<1x16xf32>
    tpu.vector_store %arg16[%swap3A_514, %swap3A_515], %swap3A_518 {strides = array<i32>} : memref<128x16xf32, #tpu.memory_space<vmem>>, vector<1x16xf32>,
    %swap3A_519 = arith.constant 85 : i32
    %swap3A_520 = arith.index_cast %swap3A_519 : i32 to index
    %swap3A_521 = arith.constant 0 : index
    %swap3A_522 = tpu.vector_load %arg16[%swap3A_520, %swap3A_521] {strides = array<i32>} : memref<128x16xf32, #tpu.memory_space<vmem>>, vector<1x16xf32>,
    %swap3A_523 = vector.shape_cast %swap3A_522 : vector<1x16xf32> to vector<16xf32>
    %swap3A_524 = vector.shape_cast %broadcast_in_dim3A_9 : vector<16xf32> to vector<1x16xf32>
    tpu.vector_store %arg16[%swap3A_520, %swap3A_521], %swap3A_524 {strides = array<i32>} : memref<128x16xf32, #tpu.memory_space<vmem>>, vector<1x16xf32>,
    %swap3A_525 = arith.constant 86 : i32
    %swap3A_526 = arith.index_cast %swap3A_525 : i32 to index
    %swap3A_527 = arith.constant 0 : index
    %swap3A_528 = tpu.vector_load %arg16[%swap3A_526, %swap3A_527] {strides = array<i32>} : memref<128x16xf32, #tpu.memory_space<vmem>>, vector<1x16xf32>,
    %swap3A_529 = vector.shape_cast %swap3A_528 : vector<1x16xf32> to vector<16xf32>
    %swap3A_530 = vector.shape_cast %broadcast_in_dim3A_9 : vector<16xf32> to vector<1x16xf32>
    tpu.vector_store %arg16[%swap3A_526, %swap3A_527], %swap3A_530 {strides = array<i32>} : memref<128x16xf32, #tpu.memory_space<vmem>>, vector<1x16xf32>,
    %swap3A_531 = arith.constant 87 : i32
    %swap3A_532 = arith.index_cast %swap3A_531 : i32 to index
    %swap3A_533 = arith.constant 0 : index
    %swap3A_534 = tpu.vector_load %arg16[%swap3A_532, %swap3A_533] {strides = array<i32>} : memref<128x16xf32, #tpu.memory_space<vmem>>, vector<1x16xf32>,
    %swap3A_535 = vector.shape_cast %swap3A_534 : vector<1x16xf32> to vector<16xf32>
    %swap3A_536 = vector.shape_cast %broadcast_in_dim3A_9 : vector<16xf32> to vector<1x16xf32>
    tpu.vector_store %arg16[%swap3A_532, %swap3A_533], %swap3A_536 {strides = array<i32>} : memref<128x16xf32, #tpu.memory_space<vmem>>, vector<1x16xf32>,
    %swap3A_537 = arith.constant 88 : i32
    %swap3A_538 = arith.index_cast %swap3A_537 : i32 to index
    %swap3A_539 = arith.constant 0 : index
    %swap3A_540 = tpu.vector_load %arg16[%swap3A_538, %swap3A_539] {strides = array<i32>} : memref<128x16xf32, #tpu.memory_space<vmem>>, vector<1x16xf32>,
    %swap3A_541 = vector.shape_cast %swap3A_540 : vector<1x16xf32> to vector<16xf32>
    %swap3A_542 = vector.shape_cast %broadcast_in_dim3A_9 : vector<16xf32> to vector<1x16xf32>
    tpu.vector_store %arg16[%swap3A_538, %swap3A_539], %swap3A_542 {strides = array<i32>} : memref<128x16xf32, #tpu.memory_space<vmem>>, vector<1x16xf32>,
    %swap3A_543 = arith.constant 89 : i32
    %swap3A_544 = arith.index_cast %swap3A_543 : i32 to index
    %swap3A_545 = arith.constant 0 : index
    %swap3A_546 = tpu.vector_load %arg16[%swap3A_544, %swap3A_545] {strides = array<i32>} : memref<128x16xf32, #tpu.memory_space<vmem>>, vector<1x16xf32>,
    %swap3A_547 = vector.shape_cast %swap3A_546 : vector<1x16xf32> to vector<16xf32>
    %swap3A_548 = vector.shape_cast %broadcast_in_dim3A_9 : vector<16xf32> to vector<1x16xf32>
    tpu.vector_store %arg16[%swap3A_544, %swap3A_545], %swap3A_548 {strides = array<i32>} : memref<128x16xf32, #tpu.memory_space<vmem>>, vector<1x16xf32>,
    %swap3A_549 = arith.constant 90 : i32
    %swap3A_550 = arith.index_cast %swap3A_549 : i32 to index
    %swap3A_551 = arith.constant 0 : index
    %swap3A_552 = tpu.vector_load %arg16[%swap3A_550, %swap3A_551] {strides = array<i32>} : memref<128x16xf32, #tpu.memory_space<vmem>>, vector<1x16xf32>,
    %swap3A_553 = vector.shape_cast %swap3A_552 : vector<1x16xf32> to vector<16xf32>
    %swap3A_554 = vector.shape_cast %broadcast_in_dim3A_9 : vector<16xf32> to vector<1x16xf32>
    tpu.vector_store %arg16[%swap3A_550, %swap3A_551], %swap3A_554 {strides = array<i32>} : memref<128x16xf32, #tpu.memory_space<vmem>>, vector<1x16xf32>,
    %swap3A_555 = arith.constant 91 : i32
    %swap3A_556 = arith.index_cast %swap3A_555 : i32 to index
    %swap3A_557 = arith.constant 0 : index
    %swap3A_558 = tpu.vector_load %arg16[%swap3A_556, %swap3A_557] {strides = array<i32>} : memref<128x16xf32, #tpu.memory_space<vmem>>, vector<1x16xf32>,
    %swap3A_559 = vector.shape_cast %swap3A_558 : vector<1x16xf32> to vector<16xf32>
    %swap3A_560 = vector.shape_cast %broadcast_in_dim3A_9 : vector<16xf32> to vector<1x16xf32>
    tpu.vector_store %arg16[%swap3A_556, %swap3A_557], %swap3A_560 {strides = array<i32>} : memref<128x16xf32, #tpu.memory_space<vmem>>, vector<1x16xf32>,
    %swap3A_561 = arith.constant 92 : i32
    %swap3A_562 = arith.index_cast %swap3A_561 : i32 to index
    %swap3A_563 = arith.constant 0 : index
    %swap3A_564 = tpu.vector_load %arg16[%swap3A_562, %swap3A_563] {strides = array<i32>} : memref<128x16xf32, #tpu.memory_space<vmem>>, vector<1x16xf32>,
    %swap3A_565 = vector.shape_cast %swap3A_564 : vector<1x16xf32> to vector<16xf32>
    %swap3A_566 = vector.shape_cast %broadcast_in_dim3A_9 : vector<16xf32> to vector<1x16xf32>
    tpu.vector_store %arg16[%swap3A_562, %swap3A_563], %swap3A_566 {strides = array<i32>} : memref<128x16xf32, #tpu.memory_space<vmem>>, vector<1x16xf32>,
    %swap3A_567 = arith.constant 93 : i32
    %swap3A_568 = arith.index_cast %swap3A_567 : i32 to index
    %swap3A_569 = arith.constant 0 : index
    %swap3A_570 = tpu.vector_load %arg16[%swap3A_568, %swap3A_569] {strides = array<i32>} : memref<128x16xf32, #tpu.memory_space<vmem>>, vector<1x16xf32>,
    %swap3A_571 = vector.shape_cast %swap3A_570 : vector<1x16xf32> to vector<16xf32>
    %swap3A_572 = vector.shape_cast %broadcast_in_dim3A_9 : vector<16xf32> to vector<1x16xf32>
    tpu.vector_store %arg16[%swap3A_568, %swap3A_569], %swap3A_572 {strides = array<i32>} : memref<128x16xf32, #tpu.memory_space<vmem>>, vector<1x16xf32>,
    %swap3A_573 = arith.constant 94 : i32
    %swap3A_574 = arith.index_cast %swap3A_573 : i32 to index
    %swap3A_575 = arith.constant 0 : index
    %swap3A_576 = tpu.vector_load %arg16[%swap3A_574, %swap3A_575] {strides = array<i32>} : memref<128x16xf32, #tpu.memory_space<vmem>>, vector<1x16xf32>,
    %swap3A_577 = vector.shape_cast %swap3A_576 : vector<1x16xf32> to vector<16xf32>
    %swap3A_578 = vector.shape_cast %broadcast_in_dim3A_9 : vector<16xf32> to vector<1x16xf32>
    tpu.vector_store %arg16[%swap3A_574, %swap3A_575], %swap3A_578 {strides = array<i32>} : memref<128x16xf32, #tpu.memory_space<vmem>>, vector<1x16xf32>,
    %swap3A_579 = arith.constant 95 : i32
    %swap3A_580 = arith.index_cast %swap3A_579 : i32 to index
    %swap3A_581 = arith.constant 0 : index
    %swap3A_582 = tpu.vector_load %arg16[%swap3A_580, %swap3A_581] {strides = array<i32>} : memref<128x16xf32, #tpu.memory_space<vmem>>, vector<1x16xf32>,
    %swap3A_583 = vector.shape_cast %swap3A_582 : vector<1x16xf32> to vector<16xf32>
    %swap3A_584 = vector.shape_cast %broadcast_in_dim3A_9 : vector<16xf32> to vector<1x16xf32>
    tpu.vector_store %arg16[%swap3A_580, %swap3A_581], %swap3A_584 {strides = array<i32>} : memref<128x16xf32, #tpu.memory_space<vmem>>, vector<1x16xf32>,
    %swap3A_585 = arith.constant 96 : i32
    %swap3A_586 = arith.index_cast %swap3A_585 : i32 to index
    %swap3A_587 = arith.constant 0 : index
    %swap3A_588 = tpu.vector_load %arg16[%swap3A_586, %swap3A_587] {strides = array<i32>} : memref<128x16xf32, #tpu.memory_space<vmem>>, vector<1x16xf32>,
    %swap3A_589 = vector.shape_cast %swap3A_588 : vector<1x16xf32> to vector<16xf32>
    %swap3A_590 = vector.shape_cast %broadcast_in_dim3A_9 : vector<16xf32> to vector<1x16xf32>
    tpu.vector_store %arg16[%swap3A_586, %swap3A_587], %swap3A_590 {strides = array<i32>} : memref<128x16xf32, #tpu.memory_space<vmem>>, vector<1x16xf32>,
    %swap3A_591 = arith.constant 97 : i32
    %swap3A_592 = arith.index_cast %swap3A_591 : i32 to index
    %swap3A_593 = arith.constant 0 : index
    %swap3A_594 = tpu.vector_load %arg16[%swap3A_592, %swap3A_593] {strides = array<i32>} : memref<128x16xf32, #tpu.memory_space<vmem>>, vector<1x16xf32>,
    %swap3A_595 = vector.shape_cast %swap3A_594 : vector<1x16xf32> to vector<16xf32>
    %swap3A_596 = vector.shape_cast %broadcast_in_dim3A_9 : vector<16xf32> to vector<1x16xf32>
    tpu.vector_store %arg16[%swap3A_592, %swap3A_593], %swap3A_596 {strides = array<i32>} : memref<128x16xf32, #tpu.memory_space<vmem>>, vector<1x16xf32>,
    %swap3A_597 = arith.constant 98 : i32
    %swap3A_598 = arith.index_cast %swap3A_597 : i32 to index
    %swap3A_599 = arith.constant 0 : index
    %swap3A_600 = tpu.vector_load %arg16[%swap3A_598, %swap3A_599] {strides = array<i32>} : memref<128x16xf32, #tpu.memory_space<vmem>>, vector<1x16xf32>,
    %swap3A_601 = vector.shape_cast %swap3A_600 : vector<1x16xf32> to vector<16xf32>
    %swap3A_602 = vector.shape_cast %broadcast_in_dim3A_9 : vector<16xf32> to vector<1x16xf32>
    tpu.vector_store %arg16[%swap3A_598, %swap3A_599], %swap3A_602 {strides = array<i32>} : memref<128x16xf32, #tpu.memory_space<vmem>>, vector<1x16xf32>,
    %swap3A_603 = arith.constant 99 : i32
    %swap3A_604 = arith.index_cast %swap3A_603 : i32 to index
    %swap3A_605 = arith.constant 0 : index
    %swap3A_606 = tpu.vector_load %arg16[%swap3A_604, %swap3A_605] {strides = array<i32>} : memref<128x16xf32, #tpu.memory_space<vmem>>, vector<1x16xf32>,
    %swap3A_607 = vector.shape_cast %swap3A_606 : vector<1x16xf32> to vector<16xf32>
    %swap3A_608 = vector.shape_cast %broadcast_in_dim3A_9 : vector<16xf32> to vector<1x16xf32>
    tpu.vector_store %arg16[%swap3A_604, %swap3A_605], %swap3A_608 {strides = array<i32>} : memref<128x16xf32, #tpu.memory_space<vmem>>, vector<1x16xf32>,
    %swap3A_609 = arith.constant 100 : i32
    %swap3A_610 = arith.index_cast %swap3A_609 : i32 to index
    %swap3A_611 = arith.constant 0 : index
    %swap3A_612 = tpu.vector_load %arg16[%swap3A_610, %swap3A_611] {strides = array<i32>} : memref<128x16xf32, #tpu.memory_space<vmem>>, vector<1x16xf32>,
    %swap3A_613 = vector.shape_cast %swap3A_612 : vector<1x16xf32> to vector<16xf32>
    %swap3A_614 = vector.shape_cast %broadcast_in_dim3A_9 : vector<16xf32> to vector<1x16xf32>
    tpu.vector_store %arg16[%swap3A_610, %swap3A_611], %swap3A_614 {strides = array<i32>} : memref<128x16xf32, #tpu.memory_space<vmem>>, vector<1x16xf32>,
    %swap3A_615 = arith.constant 101 : i32
    %swap3A_616 = arith.index_cast %swap3A_615 : i32 to index
    %swap3A_617 = arith.constant 0 : index
    %swap3A_618 = tpu.vector_load %arg16[%swap3A_616, %swap3A_617] {strides = array<i32>} : memref<128x16xf32, #tpu.memory_space<vmem>>, vector<1x16xf32>,
    %swap3A_619 = vector.shape_cast %swap3A_618 : vector<1x16xf32> to vector<16xf32>
    %swap3A_620 = vector.shape_cast %broadcast_in_dim3A_9 : vector<16xf32> to vector<1x16xf32>
    tpu.vector_store %arg16[%swap3A_616, %swap3A_617], %swap3A_620 {strides = array<i32>} : memref<128x16xf32, #tpu.memory_space<vmem>>, vector<1x16xf32>,
    %swap3A_621 = arith.constant 102 : i32
    %swap3A_622 = arith.index_cast %swap3A_621 : i32 to index
    %swap3A_623 = arith.constant 0 : index
    %swap3A_624 = tpu.vector_load %arg16[%swap3A_622, %swap3A_623] {strides = array<i32>} : memref<128x16xf32, #tpu.memory_space<vmem>>, vector<1x16xf32>,
    %swap3A_625 = vector.shape_cast %swap3A_624 : vector<1x16xf32> to vector<16xf32>
    %swap3A_626 = vector.shape_cast %broadcast_in_dim3A_9 : vector<16xf32> to vector<1x16xf32>
    tpu.vector_store %arg16[%swap3A_622, %swap3A_623], %swap3A_626 {strides = array<i32>} : memref<128x16xf32, #tpu.memory_space<vmem>>, vector<1x16xf32>,
    %swap3A_627 = arith.constant 103 : i32
    %swap3A_628 = arith.index_cast %swap3A_627 : i32 to index
    %swap3A_629 = arith.constant 0 : index
    %swap3A_630 = tpu.vector_load %arg16[%swap3A_628, %swap3A_629] {strides = array<i32>} : memref<128x16xf32, #tpu.memory_space<vmem>>, vector<1x16xf32>,
    %swap3A_631 = vector.shape_cast %swap3A_630 : vector<1x16xf32> to vector<16xf32>
    %swap3A_632 = vector.shape_cast %broadcast_in_dim3A_9 : vector<16xf32> to vector<1x16xf32>
    tpu.vector_store %arg16[%swap3A_628, %swap3A_629], %swap3A_632 {strides = array<i32>} : memref<128x16xf32, #tpu.memory_space<vmem>>, vector<1x16xf32>,
    %swap3A_633 = arith.constant 104 : i32
    %swap3A_634 = arith.index_cast %swap3A_633 : i32 to index
    %swap3A_635 = arith.constant 0 : index
    %swap3A_636 = tpu.vector_load %arg16[%swap3A_634, %swap3A_635] {strides = array<i32>} : memref<128x16xf32, #tpu.memory_space<vmem>>, vector<1x16xf32>,
    %swap3A_637 = vector.shape_cast %swap3A_636 : vector<1x16xf32> to vector<16xf32>
    %swap3A_638 = vector.shape_cast %broadcast_in_dim3A_9 : vector<16xf32> to vector<1x16xf32>
    tpu.vector_store %arg16[%swap3A_634, %swap3A_635], %swap3A_638 {strides = array<i32>} : memref<128x16xf32, #tpu.memory_space<vmem>>, vector<1x16xf32>,
    %swap3A_639 = arith.constant 105 : i32
    %swap3A_640 = arith.index_cast %swap3A_639 : i32 to index
    %swap3A_641 = arith.constant 0 : index
    %swap3A_642 = tpu.vector_load %arg16[%swap3A_640, %swap3A_641] {strides = array<i32>} : memref<128x16xf32, #tpu.memory_space<vmem>>, vector<1x16xf32>,
    %swap3A_643 = vector.shape_cast %swap3A_642 : vector<1x16xf32> to vector<16xf32>
    %swap3A_644 = vector.shape_cast %broadcast_in_dim3A_9 : vector<16xf32> to vector<1x16xf32>
    tpu.vector_store %arg16[%swap3A_640, %swap3A_641], %swap3A_644 {strides = array<i32>} : memref<128x16xf32, #tpu.memory_space<vmem>>, vector<1x16xf32>,
    %swap3A_645 = arith.constant 106 : i32
    %swap3A_646 = arith.index_cast %swap3A_645 : i32 to index
    %swap3A_647 = arith.constant 0 : index
    %swap3A_648 = tpu.vector_load %arg16[%swap3A_646, %swap3A_647] {strides = array<i32>} : memref<128x16xf32, #tpu.memory_space<vmem>>, vector<1x16xf32>,
    %swap3A_649 = vector.shape_cast %swap3A_648 : vector<1x16xf32> to vector<16xf32>
    %swap3A_650 = vector.shape_cast %broadcast_in_dim3A_9 : vector<16xf32> to vector<1x16xf32>
    tpu.vector_store %arg16[%swap3A_646, %swap3A_647], %swap3A_650 {strides = array<i32>} : memref<128x16xf32, #tpu.memory_space<vmem>>, vector<1x16xf32>,
    %swap3A_651 = arith.constant 107 : i32
    %swap3A_652 = arith.index_cast %swap3A_651 : i32 to index
    %swap3A_653 = arith.constant 0 : index
    %swap3A_654 = tpu.vector_load %arg16[%swap3A_652, %swap3A_653] {strides = array<i32>} : memref<128x16xf32, #tpu.memory_space<vmem>>, vector<1x16xf32>,
    %swap3A_655 = vector.shape_cast %swap3A_654 : vector<1x16xf32> to vector<16xf32>
    %swap3A_656 = vector.shape_cast %broadcast_in_dim3A_9 : vector<16xf32> to vector<1x16xf32>
    tpu.vector_store %arg16[%swap3A_652, %swap3A_653], %swap3A_656 {strides = array<i32>} : memref<128x16xf32, #tpu.memory_space<vmem>>, vector<1x16xf32>,
    %swap3A_657 = arith.constant 108 : i32
    %swap3A_658 = arith.index_cast %swap3A_657 : i32 to index
    %swap3A_659 = arith.constant 0 : index
    %swap3A_660 = tpu.vector_load %arg16[%swap3A_658, %swap3A_659] {strides = array<i32>} : memref<128x16xf32, #tpu.memory_space<vmem>>, vector<1x16xf32>,
    %swap3A_661 = vector.shape_cast %swap3A_660 : vector<1x16xf32> to vector<16xf32>
    %swap3A_662 = vector.shape_cast %broadcast_in_dim3A_9 : vector<16xf32> to vector<1x16xf32>
    tpu.vector_store %arg16[%swap3A_658, %swap3A_659], %swap3A_662 {strides = array<i32>} : memref<128x16xf32, #tpu.memory_space<vmem>>, vector<1x16xf32>,
    %swap3A_663 = arith.constant 109 : i32
    %swap3A_664 = arith.index_cast %swap3A_663 : i32 to index
    %swap3A_665 = arith.constant 0 : index
    %swap3A_666 = tpu.vector_load %arg16[%swap3A_664, %swap3A_665] {strides = array<i32>} : memref<128x16xf32, #tpu.memory_space<vmem>>, vector<1x16xf32>,
    %swap3A_667 = vector.shape_cast %swap3A_666 : vector<1x16xf32> to vector<16xf32>
    %swap3A_668 = vector.shape_cast %broadcast_in_dim3A_9 : vector<16xf32> to vector<1x16xf32>
    tpu.vector_store %arg16[%swap3A_664, %swap3A_665], %swap3A_668 {strides = array<i32>} : memref<128x16xf32, #tpu.memory_space<vmem>>, vector<1x16xf32>,
    %swap3A_669 = arith.constant 110 : i32
    %swap3A_670 = arith.index_cast %swap3A_669 : i32 to index
    %swap3A_671 = arith.constant 0 : index
    %swap3A_672 = tpu.vector_load %arg16[%swap3A_670, %swap3A_671] {strides = array<i32>} : memref<128x16xf32, #tpu.memory_space<vmem>>, vector<1x16xf32>,
    %swap3A_673 = vector.shape_cast %swap3A_672 : vector<1x16xf32> to vector<16xf32>
    %swap3A_674 = vector.shape_cast %broadcast_in_dim3A_9 : vector<16xf32> to vector<1x16xf32>
    tpu.vector_store %arg16[%swap3A_670, %swap3A_671], %swap3A_674 {strides = array<i32>} : memref<128x16xf32, #tpu.memory_space<vmem>>, vector<1x16xf32>,
    %swap3A_675 = arith.constant 111 : i32
    %swap3A_676 = arith.index_cast %swap3A_675 : i32 to index
    %swap3A_677 = arith.constant 0 : index
    %swap3A_678 = tpu.vector_load %arg16[%swap3A_676, %swap3A_677] {strides = array<i32>} : memref<128x16xf32, #tpu.memory_space<vmem>>, vector<1x16xf32>,
    %swap3A_679 = vector.shape_cast %swap3A_678 : vector<1x16xf32> to vector<16xf32>
    %swap3A_680 = vector.shape_cast %broadcast_in_dim3A_9 : vector<16xf32> to vector<1x16xf32>
    tpu.vector_store %arg16[%swap3A_676, %swap3A_677], %swap3A_680 {strides = array<i32>} : memref<128x16xf32, #tpu.memory_space<vmem>>, vector<1x16xf32>,
    %swap3A_681 = arith.constant 112 : i32
    %swap3A_682 = arith.index_cast %swap3A_681 : i32 to index
    %swap3A_683 = arith.constant 0 : index
    %swap3A_684 = tpu.vector_load %arg16[%swap3A_682, %swap3A_683] {strides = array<i32>} : memref<128x16xf32, #tpu.memory_space<vmem>>, vector<1x16xf32>,
    %swap3A_685 = vector.shape_cast %swap3A_684 : vector<1x16xf32> to vector<16xf32>
    %swap3A_686 = vector.shape_cast %broadcast_in_dim3A_9 : vector<16xf32> to vector<1x16xf32>
    tpu.vector_store %arg16[%swap3A_682, %swap3A_683], %swap3A_686 {strides = array<i32>} : memref<128x16xf32, #tpu.memory_space<vmem>>, vector<1x16xf32>,
    %swap3A_687 = arith.constant 113 : i32
    %swap3A_688 = arith.index_cast %swap3A_687 : i32 to index
    %swap3A_689 = arith.constant 0 : index
    %swap3A_690 = tpu.vector_load %arg16[%swap3A_688, %swap3A_689] {strides = array<i32>} : memref<128x16xf32, #tpu.memory_space<vmem>>, vector<1x16xf32>,
    %swap3A_691 = vector.shape_cast %swap3A_690 : vector<1x16xf32> to vector<16xf32>
    %swap3A_692 = vector.shape_cast %broadcast_in_dim3A_9 : vector<16xf32> to vector<1x16xf32>
    tpu.vector_store %arg16[%swap3A_688, %swap3A_689], %swap3A_692 {strides = array<i32>} : memref<128x16xf32, #tpu.memory_space<vmem>>, vector<1x16xf32>,
    %swap3A_693 = arith.constant 114 : i32
    %swap3A_694 = arith.index_cast %swap3A_693 : i32 to index
    %swap3A_695 = arith.constant 0 : index
    %swap3A_696 = tpu.vector_load %arg16[%swap3A_694, %swap3A_695] {strides = array<i32>} : memref<128x16xf32, #tpu.memory_space<vmem>>, vector<1x16xf32>,
    %swap3A_697 = vector.shape_cast %swap3A_696 : vector<1x16xf32> to vector<16xf32>
    %swap3A_698 = vector.shape_cast %broadcast_in_dim3A_9 : vector<16xf32> to vector<1x16xf32>
    tpu.vector_store %arg16[%swap3A_694, %swap3A_695], %swap3A_698 {strides = array<i32>} : memref<128x16xf32, #tpu.memory_space<vmem>>, vector<1x16xf32>,
    %swap3A_699 = arith.constant 115 : i32
    %swap3A_700 = arith.index_cast %swap3A_699 : i32 to index
    %swap3A_701 = arith.constant 0 : index
    %swap3A_702 = tpu.vector_load %arg16[%swap3A_700, %swap3A_701] {strides = array<i32>} : memref<128x16xf32, #tpu.memory_space<vmem>>, vector<1x16xf32>,
    %swap3A_703 = vector.shape_cast %swap3A_702 : vector<1x16xf32> to vector<16xf32>
    %swap3A_704 = vector.shape_cast %broadcast_in_dim3A_9 : vector<16xf32> to vector<1x16xf32>
    tpu.vector_store %arg16[%swap3A_700, %swap3A_701], %swap3A_704 {strides = array<i32>} : memref<128x16xf32, #tpu.memory_space<vmem>>, vector<1x16xf32>,
    %swap3A_705 = arith.constant 116 : i32
    %swap3A_706 = arith.index_cast %swap3A_705 : i32 to index
    %swap3A_707 = arith.constant 0 : index
    %swap3A_708 = tpu.vector_load %arg16[%swap3A_706, %swap3A_707] {strides = array<i32>} : memref<128x16xf32, #tpu.memory_space<vmem>>, vector<1x16xf32>,
    %swap3A_709 = vector.shape_cast %swap3A_708 : vector<1x16xf32> to vector<16xf32>
    %swap3A_710 = vector.shape_cast %broadcast_in_dim3A_9 : vector<16xf32> to vector<1x16xf32>
    tpu.vector_store %arg16[%swap3A_706, %swap3A_707], %swap3A_710 {strides = array<i32>} : memref<128x16xf32, #tpu.memory_space<vmem>>, vector<1x16xf32>,
    %swap3A_711 = arith.constant 117 : i32
    %swap3A_712 = arith.index_cast %swap3A_711 : i32 to index
    %swap3A_713 = arith.constant 0 : index
    %swap3A_714 = tpu.vector_load %arg16[%swap3A_712, %swap3A_713] {strides = array<i32>} : memref<128x16xf32, #tpu.memory_space<vmem>>, vector<1x16xf32>,
    %swap3A_715 = vector.shape_cast %swap3A_714 : vector<1x16xf32> to vector<16xf32>
    %swap3A_716 = vector.shape_cast %broadcast_in_dim3A_9 : vector<16xf32> to vector<1x16xf32>
    tpu.vector_store %arg16[%swap3A_712, %swap3A_713], %swap3A_716 {strides = array<i32>} : memref<128x16xf32, #tpu.memory_space<vmem>>, vector<1x16xf32>,
    %swap3A_717 = arith.constant 118 : i32
    %swap3A_718 = arith.index_cast %swap3A_717 : i32 to index
    %swap3A_719 = arith.constant 0 : index
    %swap3A_720 = tpu.vector_load %arg16[%swap3A_718, %swap3A_719] {strides = array<i32>} : memref<128x16xf32, #tpu.memory_space<vmem>>, vector<1x16xf32>,
    %swap3A_721 = vector.shape_cast %swap3A_720 : vector<1x16xf32> to vector<16xf32>
    %swap3A_722 = vector.shape_cast %broadcast_in_dim3A_9 : vector<16xf32> to vector<1x16xf32>
    tpu.vector_store %arg16[%swap3A_718, %swap3A_719], %swap3A_722 {strides = array<i32>} : memref<128x16xf32, #tpu.memory_space<vmem>>, vector<1x16xf32>,
    %swap3A_723 = arith.constant 119 : i32
    %swap3A_724 = arith.index_cast %swap3A_723 : i32 to index
    %swap3A_725 = arith.constant 0 : index
    %swap3A_726 = tpu.vector_load %arg16[%swap3A_724, %swap3A_725] {strides = array<i32>} : memref<128x16xf32, #tpu.memory_space<vmem>>, vector<1x16xf32>,
    %swap3A_727 = vector.shape_cast %swap3A_726 : vector<1x16xf32> to vector<16xf32>
    %swap3A_728 = vector.shape_cast %broadcast_in_dim3A_9 : vector<16xf32> to vector<1x16xf32>
    tpu.vector_store %arg16[%swap3A_724, %swap3A_725], %swap3A_728 {strides = array<i32>} : memref<128x16xf32, #tpu.memory_space<vmem>>, vector<1x16xf32>,
    %swap3A_729 = arith.constant 120 : i32
    %swap3A_730 = arith.index_cast %swap3A_729 : i32 to index
    %swap3A_731 = arith.constant 0 : index
    %swap3A_732 = tpu.vector_load %arg16[%swap3A_730, %swap3A_731] {strides = array<i32>} : memref<128x16xf32, #tpu.memory_space<vmem>>, vector<1x16xf32>,
    %swap3A_733 = vector.shape_cast %swap3A_732 : vector<1x16xf32> to vector<16xf32>
    %swap3A_734 = vector.shape_cast %broadcast_in_dim3A_9 : vector<16xf32> to vector<1x16xf32>
    tpu.vector_store %arg16[%swap3A_730, %swap3A_731], %swap3A_734 {strides = array<i32>} : memref<128x16xf32, #tpu.memory_space<vmem>>, vector<1x16xf32>,
    %swap3A_735 = arith.constant 121 : i32
    %swap3A_736 = arith.index_cast %swap3A_735 : i32 to index
    %swap3A_737 = arith.constant 0 : index
    %swap3A_738 = tpu.vector_load %arg16[%swap3A_736, %swap3A_737] {strides = array<i32>} : memref<128x16xf32, #tpu.memory_space<vmem>>, vector<1x16xf32>,
    %swap3A_739 = vector.shape_cast %swap3A_738 : vector<1x16xf32> to vector<16xf32>
    %swap3A_740 = vector.shape_cast %broadcast_in_dim3A_9 : vector<16xf32> to vector<1x16xf32>
    tpu.vector_store %arg16[%swap3A_736, %swap3A_737], %swap3A_740 {strides = array<i32>} : memref<128x16xf32, #tpu.memory_space<vmem>>, vector<1x16xf32>,
    %swap3A_741 = arith.constant 122 : i32
    %swap3A_742 = arith.index_cast %swap3A_741 : i32 to index
    %swap3A_743 = arith.constant 0 : index
    %swap3A_744 = tpu.vector_load %arg16[%swap3A_742, %swap3A_743] {strides = array<i32>} : memref<128x16xf32, #tpu.memory_space<vmem>>, vector<1x16xf32>,
    %swap3A_745 = vector.shape_cast %swap3A_744 : vector<1x16xf32> to vector<16xf32>
    %swap3A_746 = vector.shape_cast %broadcast_in_dim3A_9 : vector<16xf32> to vector<1x16xf32>
    tpu.vector_store %arg16[%swap3A_742, %swap3A_743], %swap3A_746 {strides = array<i32>} : memref<128x16xf32, #tpu.memory_space<vmem>>, vector<1x16xf32>,
    %swap3A_747 = arith.constant 123 : i32
    %swap3A_748 = arith.index_cast %swap3A_747 : i32 to index
    %swap3A_749 = arith.constant 0 : index
    %swap3A_750 = tpu.vector_load %arg16[%swap3A_748, %swap3A_749] {strides = array<i32>} : memref<128x16xf32, #tpu.memory_space<vmem>>, vector<1x16xf32>,
    %swap3A_751 = vector.shape_cast %swap3A_750 : vector<1x16xf32> to vector<16xf32>
    %swap3A_752 = vector.shape_cast %broadcast_in_dim3A_9 : vector<16xf32> to vector<1x16xf32>
    tpu.vector_store %arg16[%swap3A_748, %swap3A_749], %swap3A_752 {strides = array<i32>} : memref<128x16xf32, #tpu.memory_space<vmem>>, vector<1x16xf32>,
    %swap3A_753 = arith.constant 124 : i32
    %swap3A_754 = arith.index_cast %swap3A_753 : i32 to index
    %swap3A_755 = arith.constant 0 : index
    %swap3A_756 = tpu.vector_load %arg16[%swap3A_754, %swap3A_755] {strides = array<i32>} : memref<128x16xf32, #tpu.memory_space<vmem>>, vector<1x16xf32>,
    %swap3A_757 = vector.shape_cast %swap3A_756 : vector<1x16xf32> to vector<16xf32>
    %swap3A_758 = vector.shape_cast %broadcast_in_dim3A_9 : vector<16xf32> to vector<1x16xf32>
    tpu.vector_store %arg16[%swap3A_754, %swap3A_755], %swap3A_758 {strides = array<i32>} : memref<128x16xf32, #tpu.memory_space<vmem>>, vector<1x16xf32>,
    %swap3A_759 = arith.constant 125 : i32
    %swap3A_760 = arith.index_cast %swap3A_759 : i32 to index
    %swap3A_761 = arith.constant 0 : index
    %swap3A_762 = tpu.vector_load %arg16[%swap3A_760, %swap3A_761] {strides = array<i32>} : memref<128x16xf32, #tpu.memory_space<vmem>>, vector<1x16xf32>,
    %swap3A_763 = vector.shape_cast %swap3A_762 : vector<1x16xf32> to vector<16xf32>
    %swap3A_764 = vector.shape_cast %broadcast_in_dim3A_9 : vector<16xf32> to vector<1x16xf32>
    tpu.vector_store %arg16[%swap3A_760, %swap3A_761], %swap3A_764 {strides = array<i32>} : memref<128x16xf32, #tpu.memory_space<vmem>>, vector<1x16xf32>,
    %swap3A_765 = arith.constant 126 : i32
    %swap3A_766 = arith.index_cast %swap3A_765 : i32 to index
    %swap3A_767 = arith.constant 0 : index
    %swap3A_768 = tpu.vector_load %arg16[%swap3A_766, %swap3A_767] {strides = array<i32>} : memref<128x16xf32, #tpu.memory_space<vmem>>, vector<1x16xf32>,
    %swap3A_769 = vector.shape_cast %swap3A_768 : vector<1x16xf32> to vector<16xf32>
    %swap3A_770 = vector.shape_cast %broadcast_in_dim3A_9 : vector<16xf32> to vector<1x16xf32>
    tpu.vector_store %arg16[%swap3A_766, %swap3A_767], %swap3A_770 {strides = array<i32>} : memref<128x16xf32, #tpu.memory_space<vmem>>, vector<1x16xf32>,
    %swap3A_771 = arith.constant 127 : i32
    %swap3A_772 = arith.index_cast %swap3A_771 : i32 to index
    %swap3A_773 = arith.constant 0 : index
    %swap3A_774 = tpu.vector_load %arg16[%swap3A_772, %swap3A_773] {strides = array<i32>} : memref<128x16xf32, #tpu.memory_space<vmem>>, vector<1x16xf32>,
    %swap3A_775 = vector.shape_cast %swap3A_774 : vector<1x16xf32> to vector<16xf32>
    %swap3A_776 = vector.shape_cast %broadcast_in_dim3A_9 : vector<16xf32> to vector<1x16xf32>
    tpu.vector_store %arg16[%swap3A_772, %swap3A_773], %swap3A_776 {strides = array<i32>} : memref<128x16xf32, #tpu.memory_space<vmem>>, vector<1x16xf32>,
    %barrier3A = arith.constant 0 : index
    tpu.barrier barrier_id(%barrier3A)
    %mul3A_777 = arith.constant 80 : i32
    %mul3A_778 = arith.muli %add3A, %mul3A_777 : i32
    %run_scoped3A = arith.constant 0 : i32
    "tpu.region"() ({
      %run_scoped3A_806 = tpu.sem_alloc : memref<!tpu.dma_semaphore, #tpu.memory_space<semaphore_mem>>
      %dma_start3A_807 = arith.constant 0 : i32
      %dma_start3A_808 = arith.constant 0 : i32
      %dma_start3A_809 = tpu.memref_slice %arg9[%run_scoped3A, %dma_start3A_807, %dma_start3A_808] : memref<2x8x128xi32, #tpu.memory_space<vmem>> -> memref<1x8x128xi32, #tpu.memory_space<vmem>>
      %dma_start3A_810 = tpu.memref_squeeze %dma_start3A_809 : memref<1x8x128xi32, #tpu.memory_space<vmem>> -> memref<8x128xi32, #tpu.memory_space<vmem>>
      %dma_start3A_811 = arith.constant 0 : i32
      %dma_start3A_812 = tpu.memref_slice %arg3[%mul3A_778, %dma_start3A_811] : memref<2560x128xi32, #tpu.memory_space<hbm>> -> memref<8x128xi32, #tpu.memory_space<hbm>>
      %dma_start3A_813 = arith.constant 0 : i32
      %dma_start3A_814 = arith.constant 0 : i32
      %dma_start3A_815 = tpu.memref_slice %arg9[%run_scoped3A, %dma_start3A_813, %dma_start3A_814] : memref<2x8x128xi32, #tpu.memory_space<vmem>> -> memref<1x8x128xi32, #tpu.memory_space<vmem>>
      %dma_start3A_816 = tpu.memref_squeeze %dma_start3A_815 : memref<1x8x128xi32, #tpu.memory_space<vmem>> -> memref<8x128xi32, #tpu.memory_space<vmem>>
      %dma_start3A_817 = arith.constant 0 : i32
      %dma_start3A_818 = tpu.memref_slice %arg3[%mul3A_778, %dma_start3A_817] : memref<2560x128xi32, #tpu.memory_space<hbm>> -> memref<8x128xi32, #tpu.memory_space<hbm>>
      tpu.enqueue_dma source(%dma_start3A_818 : memref<8x128xi32, #tpu.memory_space<hbm>>) target(%dma_start3A_816 : memref<8x128xi32, #tpu.memory_space<vmem>>) target_semaphore(%run_scoped3A_806 : memref<!tpu.dma_semaphore, #tpu.memory_space<semaphore_mem>>)
      %dma_wait3A = arith.constant 0 : i32
      %dma_wait3A_819 = arith.constant 0 : i32
      %dma_wait3A_820 = tpu.memref_slice %arg9[%run_scoped3A, %dma_wait3A, %dma_wait3A_819] : memref<2x8x128xi32, #tpu.memory_space<vmem>> -> memref<1x8x128xi32, #tpu.memory_space<vmem>>
      %dma_wait3A_821 = tpu.memref_squeeze %dma_wait3A_820 : memref<1x8x128xi32, #tpu.memory_space<vmem>> -> memref<8x128xi32, #tpu.memory_space<vmem>>
      %dma_wait3A_822 = arith.constant 0 : i32
      %dma_wait3A_823 = tpu.memref_slice %arg3[%mul3A_778, %dma_wait3A_822] : memref<2560x128xi32, #tpu.memory_space<hbm>> -> memref<8x128xi32, #tpu.memory_space<hbm>>
      %dma_wait3A_824 = arith.constant 0 : i32
      %dma_wait3A_825 = arith.constant 0 : i32
      %dma_wait3A_826 = tpu.memref_slice %arg9[%run_scoped3A, %dma_wait3A_824, %dma_wait3A_825] : memref<2x8x128xi32, #tpu.memory_space<vmem>> -> memref<1x8x128xi32, #tpu.memory_space<vmem>>
      %dma_wait3A_827 = tpu.memref_squeeze %dma_wait3A_826 : memref<1x8x128xi32, #tpu.memory_space<vmem>> -> memref<8x128xi32, #tpu.memory_space<vmem>>
      %dma_wait3A_828 = arith.constant 0 : i32
      %dma_wait3A_829 = tpu.memref_slice %arg3[%mul3A_778, %dma_wait3A_828] : memref<2560x128xi32, #tpu.memory_space<hbm>> -> memref<8x128xi32, #tpu.memory_space<hbm>>
      tpu.wait_dma2 semaphore(%run_scoped3A_806 : memref<!tpu.dma_semaphore, #tpu.memory_space<semaphore_mem>>) src(%dma_wait3A_829 : memref<8x128xi32, #tpu.memory_space<hbm>>) dst(%dma_wait3A_827 : memref<8x128xi32, #tpu.memory_space<vmem>>)
      tpu.yield
    }) : () -> ()
    %run_scoped3A_779 = arith.constant 0 : i32
    "tpu.region"() ({
      %run_scoped3A_806 = tpu.sem_alloc : memref<!tpu.dma_semaphore, #tpu.memory_space<semaphore_mem>>
      %dma_start3A_807 = arith.constant 0 : i32
      %dma_start3A_808 = arith.constant 0 : i32
      %dma_start3A_809 = tpu.memref_slice %arg10[%run_scoped3A_779, %dma_start3A_807, %dma_start3A_808] : memref<2x8x128xi32, #tpu.memory_space<vmem>> -> memref<1x8x128xi32, #tpu.memory_space<vmem>>
      %dma_start3A_810 = tpu.memref_squeeze %dma_start3A_809 : memref<1x8x128xi32, #tpu.memory_space<vmem>> -> memref<8x128xi32, #tpu.memory_space<vmem>>
      %dma_start3A_811 = arith.constant 0 : i32
      %dma_start3A_812 = tpu.memref_slice %arg4[%mul3A_778, %dma_start3A_811] : memref<2560x128xi32, #tpu.memory_space<hbm>> -> memref<8x128xi32, #tpu.memory_space<hbm>>
      %dma_start3A_813 = arith.constant 0 : i32
      %dma_start3A_814 = arith.constant 0 : i32
      %dma_start3A_815 = tpu.memref_slice %arg10[%run_scoped3A_779, %dma_start3A_813, %dma_start3A_814] : memref<2x8x128xi32, #tpu.memory_space<vmem>> -> memref<1x8x128xi32, #tpu.memory_space<vmem>>
      %dma_start3A_816 = tpu.memref_squeeze %dma_start3A_815 : memref<1x8x128xi32, #tpu.memory_space<vmem>> -> memref<8x128xi32, #tpu.memory_space<vmem>>
      %dma_start3A_817 = arith.constant 0 : i32
      %dma_start3A_818 = tpu.memref_slice %arg4[%mul3A_778, %dma_start3A_817] : memref<2560x128xi32, #tpu.memory_space<hbm>> -> memref<8x128xi32, #tpu.memory_space<hbm>>
      tpu.enqueue_dma source(%dma_start3A_818 : memref<8x128xi32, #tpu.memory_space<hbm>>) target(%dma_start3A_816 : memref<8x128xi32, #tpu.memory_space<vmem>>) target_semaphore(%run_scoped3A_806 : memref<!tpu.dma_semaphore, #tpu.memory_space<semaphore_mem>>)
      %dma_wait3A = arith.constant 0 : i32
      %dma_wait3A_819 = arith.constant 0 : i32
      %dma_wait3A_820 = tpu.memref_slice %arg10[%run_scoped3A_779, %dma_wait3A, %dma_wait3A_819] : memref<2x8x128xi32, #tpu.memory_space<vmem>> -> memref<1x8x128xi32, #tpu.memory_space<vmem>>
      %dma_wait3A_821 = tpu.memref_squeeze %dma_wait3A_820 : memref<1x8x128xi32, #tpu.memory_space<vmem>> -> memref<8x128xi32, #tpu.memory_space<vmem>>
      %dma_wait3A_822 = arith.constant 0 : i32
      %dma_wait3A_823 = tpu.memref_slice %arg4[%mul3A_778, %dma_wait3A_822] : memref<2560x128xi32, #tpu.memory_space<hbm>> -> memref<8x128xi32, #tpu.memory_space<hbm>>
      %dma_wait3A_824 = arith.constant 0 : i32
      %dma_wait3A_825 = arith.constant 0 : i32
      %dma_wait3A_826 = tpu.memref_slice %arg10[%run_scoped3A_779, %dma_wait3A_824, %dma_wait3A_825] : memref<2x8x128xi32, #tpu.memory_space<vmem>> -> memref<1x8x128xi32, #tpu.memory_space<vmem>>
      %dma_wait3A_827 = tpu.memref_squeeze %dma_wait3A_826 : memref<1x8x128xi32, #tpu.memory_space<vmem>> -> memref<8x128xi32, #tpu.memory_space<vmem>>
      %dma_wait3A_828 = arith.constant 0 : i32
      %dma_wait3A_829 = tpu.memref_slice %arg4[%mul3A_778, %dma_wait3A_828] : memref<2560x128xi32, #tpu.memory_space<hbm>> -> memref<8x128xi32, #tpu.memory_space<hbm>>
      tpu.wait_dma2 semaphore(%run_scoped3A_806 : memref<!tpu.dma_semaphore, #tpu.memory_space<semaphore_mem>>) src(%dma_wait3A_829 : memref<8x128xi32, #tpu.memory_space<hbm>>) dst(%dma_wait3A_827 : memref<8x128xi32, #tpu.memory_space<vmem>>)
      tpu.yield
    }) : () -> ()
    %dma_start3A = arith.constant 0 : i32
    %dma_start3A_780 = arith.constant 0 : i32
    %dma_start3A_781 = arith.constant 0 : i32
    %dma_start3A_782 = arith.constant 0 : i32
    %dma_start3A_783 = arith.constant 0 : i32
    %dma_start3A_784 = tpu.memref_slice %arg11[%dma_start3A_781, %dma_start3A_782, %dma_start3A_783] : memref<2x128x64xf32, #tpu.memory_space<vmem>> -> memref<1x128x64xf32, #tpu.memory_space<vmem>>
    %dma_start3A_785 = tpu.memref_squeeze %dma_start3A_784 : memref<1x128x64xf32, #tpu.memory_space<vmem>> -> memref<128x64xf32, #tpu.memory_space<vmem>>
    %dma_start3A_786 = arith.constant 0 : i32
    %dma_start3A_787 = tpu.memref_slice %arg9[%dma_start3A, %dma_start3A_780, %dma_start3A_786] : memref<2x8x128xi32, #tpu.memory_space<vmem>> -> memref<1x1x128xi32, #tpu.memory_space<vmem>>
    %dma_start3A_788 = tpu.memref_squeeze %dma_start3A_787 : memref<1x1x128xi32, #tpu.memory_space<vmem>> -> memref<128xi32, #tpu.memory_space<vmem>>
    %dma_start3A_789 = arith.constant 0 : i32
    %dma_start3A_790 = arith.constant 0 : i32
    %dma_start3A_791 = tpu.memref_slice %arg2[%dma_start3A_789, %dma_start3A_790] : memref<10000x64xf32, #tpu.memory_space<hbm>> -> memref<10000x64xf32, #tpu.memory_space<hbm>>
    tpu.enqueue_indirect_dma source(%dma_start3A_791 : memref<10000x64xf32, #tpu.memory_space<hbm>>) target(%dma_start3A_785 : memref<128x64xf32, #tpu.memory_space<vmem>>) offsets(%dma_start3A_788 : memref<128xi32, #tpu.memory_space<vmem>>) semaphore(%arg13 : memref<!tpu.dma_semaphore, #tpu.memory_space<semaphore_mem>>)
    %scan3A = arith.constant 0 : i32
    %scan3A_792 = arith.constant 0 : i32
    %scan3A_793 = arith.constant 10 : i32
    %scan3A_794 = arith.addi %scan3A_792, %scan3A_793 : i32
    %scan3A_795 = arith.constant 1 : i32
    scf.for %scan3A_806 = %scan3A_792 to %scan3A_794 step %scan3A_795  : i32 {
      %rem3A = arith.constant 2 : i32
      %rem3A_807 = arith.remsi %scan3A_806, %rem3A : i32
      %sub3A = arith.constant 1 : i32
      %sub3A_808 = arith.subi %sub3A, %rem3A_807 : i32
      %add3A_809 = arith.constant 1 : i32
      %add3A_810 = arith.addi %scan3A_806, %add3A_809 : i32
      %lt3A = arith.constant 10 : i32
      %lt3A_811 = arith.cmpi slt, %add3A_810, %lt3A : i32
      %convert_element_type3A = arith.extui %lt3A_811 : i1 to i32
      %cond3A = arith.constant 0 : i32
      %cond3A_812 = arith.cmpi ne, %convert_element_type3A, %cond3A : i32
      scf.if %cond3A_812 {
        %add3A_1023 = arith.constant 1 : i32
        %add3A_1024 = arith.addi %scan3A_806, %add3A_1023 : i32
        %mul3A_1025 = arith.constant 8 : i32
        %mul3A_1026 = arith.muli %add3A_1024, %mul3A_1025 : i32
        %add3A_1027 = arith.addi %mul3A_778, %mul3A_1026 : i32
        %dma_start3A_1028 = arith.constant 0 : i32
        %dma_start3A_1029 = arith.constant 0 : i32
        %dma_start3A_1030 = tpu.memref_slice %arg9[%sub3A_808, %dma_start3A_1028, %dma_start3A_1029] : memref<2x8x128xi32, #tpu.memory_space<vmem>> -> memref<1x8x128xi32, #tpu.memory_space<vmem>>
        %dma_start3A_1031 = tpu.memref_squeeze %dma_start3A_1030 : memref<1x8x128xi32, #tpu.memory_space<vmem>> -> memref<8x128xi32, #tpu.memory_space<vmem>>
        %dma_start3A_1032 = arith.constant 0 : i32
        %dma_start3A_1033 = tpu.memref_slice %arg3[%add3A_1027, %dma_start3A_1032] : memref<2560x128xi32, #tpu.memory_space<hbm>> -> memref<8x128xi32, #tpu.memory_space<hbm>>
        %dma_start3A_1034 = arith.constant 0 : i32
        %dma_start3A_1035 = arith.constant 0 : i32
        %dma_start3A_1036 = tpu.memref_slice %arg9[%sub3A_808, %dma_start3A_1034, %dma_start3A_1035] : memref<2x8x128xi32, #tpu.memory_space<vmem>> -> memref<1x8x128xi32, #tpu.memory_space<vmem>>
        %dma_start3A_1037 = tpu.memref_squeeze %dma_start3A_1036 : memref<1x8x128xi32, #tpu.memory_space<vmem>> -> memref<8x128xi32, #tpu.memory_space<vmem>>
        %dma_start3A_1038 = arith.constant 0 : i32
        %dma_start3A_1039 = tpu.memref_slice %arg3[%add3A_1027, %dma_start3A_1038] : memref<2560x128xi32, #tpu.memory_space<hbm>> -> memref<8x128xi32, #tpu.memory_space<hbm>>
        tpu.enqueue_dma source(%dma_start3A_1039 : memref<8x128xi32, #tpu.memory_space<hbm>>) target(%dma_start3A_1037 : memref<8x128xi32, #tpu.memory_space<vmem>>) target_semaphore(%arg15 : memref<!tpu.dma_semaphore, #tpu.memory_space<semaphore_mem>>)
        %dma_start3A_1040 = arith.constant 0 : i32
        %dma_start3A_1041 = arith.constant 0 : i32
        %dma_start3A_1042 = tpu.memref_slice %arg10[%sub3A_808, %dma_start3A_1040, %dma_start3A_1041] : memref<2x8x128xi32, #tpu.memory_space<vmem>> -> memref<1x8x128xi32, #tpu.memory_space<vmem>>
        %dma_start3A_1043 = tpu.memref_squeeze %dma_start3A_1042 : memref<1x8x128xi32, #tpu.memory_space<vmem>> -> memref<8x128xi32, #tpu.memory_space<vmem>>
        %dma_start3A_1044 = arith.constant 0 : i32
        %dma_start3A_1045 = tpu.memref_slice %arg4[%add3A_1027, %dma_start3A_1044] : memref<2560x128xi32, #tpu.memory_space<hbm>> -> memref<8x128xi32, #tpu.memory_space<hbm>>
        %dma_start3A_1046 = arith.constant 0 : i32
        %dma_start3A_1047 = arith.constant 0 : i32
        %dma_start3A_1048 = tpu.memref_slice %arg10[%sub3A_808, %dma_start3A_1046, %dma_start3A_1047] : memref<2x8x128xi32, #tpu.memory_space<vmem>> -> memref<1x8x128xi32, #tpu.memory_space<vmem>>
        %dma_start3A_1049 = tpu.memref_squeeze %dma_start3A_1048 : memref<1x8x128xi32, #tpu.memory_space<vmem>> -> memref<8x128xi32, #tpu.memory_space<vmem>>
        %dma_start3A_1050 = arith.constant 0 : i32
        %dma_start3A_1051 = tpu.memref_slice %arg4[%add3A_1027, %dma_start3A_1050] : memref<2560x128xi32, #tpu.memory_space<hbm>> -> memref<8x128xi32, #tpu.memory_space<hbm>>
        tpu.enqueue_dma source(%dma_start3A_1051 : memref<8x128xi32, #tpu.memory_space<hbm>>) target(%dma_start3A_1049 : memref<8x128xi32, #tpu.memory_space<vmem>>) target_semaphore(%arg15 : memref<!tpu.dma_semaphore, #tpu.memory_space<semaphore_mem>>)
      } else {
      }
      %dma_start3A_813 = arith.constant 1 : i32
      %dma_start3A_814 = arith.constant 1 : i32
      %dma_start3A_815 = arith.constant 0 : i32
      %dma_start3A_816 = arith.constant 0 : i32
      %dma_start3A_817 = tpu.memref_slice %arg11[%dma_start3A_814, %dma_start3A_815, %dma_start3A_816] : memref<2x128x64xf32, #tpu.memory_space<vmem>> -> memref<1x128x64xf32, #tpu.memory_space<vmem>>
      %dma_start3A_818 = tpu.memref_squeeze %dma_start3A_817 : memref<1x128x64xf32, #tpu.memory_space<vmem>> -> memref<128x64xf32, #tpu.memory_space<vmem>>
      %dma_start3A_819 = arith.constant 0 : i32
      %dma_start3A_820 = tpu.memref_slice %arg9[%rem3A_807, %dma_start3A_813, %dma_start3A_819] : memref<2x8x128xi32, #tpu.memory_space<vmem>> -> memref<1x1x128xi32, #tpu.memory_space<vmem>>
      %dma_start3A_821 = tpu.memref_squeeze %dma_start3A_820 : memref<1x1x128xi32, #tpu.memory_space<vmem>> -> memref<128xi32, #tpu.memory_space<vmem>>
      %dma_start3A_822 = arith.constant 0 : i32
      %dma_start3A_823 = arith.constant 0 : i32
      %dma_start3A_824 = tpu.memref_slice %arg2[%dma_start3A_822, %dma_start3A_823] : memref<10000x64xf32, #tpu.memory_space<hbm>> -> memref<10000x64xf32, #tpu.memory_space<hbm>>
      tpu.enqueue_indirect_dma source(%dma_start3A_824 : memref<10000x64xf32, #tpu.memory_space<hbm>>) target(%dma_start3A_818 : memref<128x64xf32, #tpu.memory_space<vmem>>) offsets(%dma_start3A_821 : memref<128xi32, #tpu.memory_space<vmem>>) semaphore(%arg14 : memref<!tpu.dma_semaphore, #tpu.memory_space<semaphore_mem>>)
      %dma_wait3A = arith.constant 0 : i32
      %dma_wait3A_825 = arith.constant 0 : i32
      %dma_wait3A_826 = arith.constant 0 : i32
      %dma_wait3A_827 = arith.constant 0 : i32
      %dma_wait3A_828 = tpu.memref_slice %arg11[%dma_wait3A_825, %dma_wait3A_826, %dma_wait3A_827] : memref<2x128x64xf32, #tpu.memory_space<vmem>> -> memref<1x128x64xf32, #tpu.memory_space<vmem>>
      %dma_wait3A_829 = tpu.memref_squeeze %dma_wait3A_828 : memref<1x128x64xf32, #tpu.memory_space<vmem>> -> memref<128x64xf32, #tpu.memory_space<vmem>>
      %dma_wait3A_830 = arith.constant 0 : i32
      %dma_wait3A_831 = tpu.memref_slice %arg9[%rem3A_807, %dma_wait3A, %dma_wait3A_830] : memref<2x8x128xi32, #tpu.memory_space<vmem>> -> memref<1x1x128xi32, #tpu.memory_space<vmem>>
      %dma_wait3A_832 = tpu.memref_squeeze %dma_wait3A_831 : memref<1x1x128xi32, #tpu.memory_space<vmem>> -> memref<128xi32, #tpu.memory_space<vmem>>
      %dma_wait3A_833 = arith.constant 0 : i32
      %dma_wait3A_834 = arith.constant 0 : i32
      %dma_wait3A_835 = tpu.memref_slice %arg2[%dma_wait3A_833, %dma_wait3A_834] : memref<10000x64xf32, #tpu.memory_space<hbm>> -> memref<10000x64xf32, #tpu.memory_space<hbm>>
      tpu.wait_indirect_dma semaphore(%arg13 : memref<!tpu.dma_semaphore, #tpu.memory_space<semaphore_mem>>) src(%dma_wait3A_835 : memref<10000x64xf32, #tpu.memory_space<hbm>>) dst(%dma_wait3A_829 : memref<128x64xf32, #tpu.memory_space<vmem>>)
      %run_scoped3A_836 = arith.constant 0 : i32
      %run_scoped3A_837 = arith.constant 0 : i32
      "tpu.region"() ({
        %run_scoped3A_1023 = tpu.sem_alloc : memref<!tpu.dma_semaphore, #tpu.memory_space<semaphore_mem>>
        %dma_start3A_1024 = arith.constant 0 : i32
        %dma_start3A_1025 = arith.constant 0 : i32
        %dma_start3A_1026 = tpu.memref_slice %arg11[%run_scoped3A_836, %dma_start3A_1024, %dma_start3A_1025] : memref<2x128x64xf32, #tpu.memory_space<vmem>> -> memref<1x128x64xf32, #tpu.memory_space<vmem>>
        %dma_start3A_1027 = tpu.memref_squeeze %dma_start3A_1026 : memref<1x128x64xf32, #tpu.memory_space<vmem>> -> memref<128x64xf32, #tpu.memory_space<vmem>>
        %dma_start3A_1028 = arith.constant 0 : i32
        %dma_start3A_1029 = tpu.memref_slice %arg10[%rem3A_807, %run_scoped3A_837, %dma_start3A_1028] : memref<2x8x128xi32, #tpu.memory_space<vmem>> -> memref<1x1x128xi32, #tpu.memory_space<vmem>>
        %dma_start3A_1030 = tpu.memref_squeeze %dma_start3A_1029 : memref<1x1x128xi32, #tpu.memory_space<vmem>> -> memref<128xi32, #tpu.memory_space<vmem>>
        %dma_start3A_1031 = arith.constant 0 : i32
        %dma_start3A_1032 = arith.constant 0 : i32
        %dma_start3A_1033 = tpu.memref_slice %arg12[%dma_start3A_1031, %dma_start3A_1032] : memref<10112x64xf32, #tpu.memory_space<vmem_shared>> -> memref<10112x64xf32, #tpu.memory_space<vmem_shared>>
        tpu.enqueue_indirect_dma source(%dma_start3A_1027 : memref<128x64xf32, #tpu.memory_space<vmem>>) target(%dma_start3A_1033 : memref<10112x64xf32, #tpu.memory_space<vmem_shared>>) offsets(%dma_start3A_1030 : memref<128xi32, #tpu.memory_space<vmem>>) semaphore(%run_scoped3A_1023 : memref<!tpu.dma_semaphore, #tpu.memory_space<semaphore_mem>>) {add = true}
        %dma_wait3A_1034 = arith.constant 0 : i32
        %dma_wait3A_1035 = arith.constant 0 : i32
        %dma_wait3A_1036 = tpu.memref_slice %arg11[%run_scoped3A_836, %dma_wait3A_1034, %dma_wait3A_1035] : memref<2x128x64xf32, #tpu.memory_space<vmem>> -> memref<1x128x64xf32, #tpu.memory_space<vmem>>
        %dma_wait3A_1037 = tpu.memref_squeeze %dma_wait3A_1036 : memref<1x128x64xf32, #tpu.memory_space<vmem>> -> memref<128x64xf32, #tpu.memory_space<vmem>>
        %dma_wait3A_1038 = arith.constant 0 : i32
        %dma_wait3A_1039 = tpu.memref_slice %arg10[%rem3A_807, %run_scoped3A_837, %dma_wait3A_1038] : memref<2x8x128xi32, #tpu.memory_space<vmem>> -> memref<1x1x128xi32, #tpu.memory_space<vmem>>
        %dma_wait3A_1040 = tpu.memref_squeeze %dma_wait3A_1039 : memref<1x1x128xi32, #tpu.memory_space<vmem>> -> memref<128xi32, #tpu.memory_space<vmem>>
        %dma_wait3A_1041 = arith.constant 0 : i32
        %dma_wait3A_1042 = arith.constant 0 : i32
        %dma_wait3A_1043 = tpu.memref_slice %arg12[%dma_wait3A_1041, %dma_wait3A_1042] : memref<10112x64xf32, #tpu.memory_space<vmem_shared>> -> memref<10112x64xf32, #tpu.memory_space<vmem_shared>>
        tpu.wait_indirect_dma semaphore(%run_scoped3A_1023 : memref<!tpu.dma_semaphore, #tpu.memory_space<semaphore_mem>>) src(%dma_wait3A_1037 : memref<128x64xf32, #tpu.memory_space<vmem>>) dst(%dma_wait3A_1043 : memref<10112x64xf32, #tpu.memory_space<vmem_shared>>)
        tpu.yield
      }) : () -> ()
      %run_scoped3A_838 = arith.constant 0 : i32
      "tpu.region"() ({
        %run_scoped3A_1023 = tpu.sem_alloc : memref<!tpu.dma_semaphore, #tpu.memory_space<semaphore_mem>>
        %dma_start3A_1024 = arith.constant 0 : i32
        %dma_start3A_1025 = tpu.memref_slice %arg10[%rem3A_807, %run_scoped3A_838, %dma_start3A_1024] : memref<2x8x128xi32, #tpu.memory_space<vmem>> -> memref<1x1x128xi32, #tpu.memory_space<vmem>>
        %dma_start3A_1026 = tpu.memref_squeeze %dma_start3A_1025 : memref<1x1x128xi32, #tpu.memory_space<vmem>> -> memref<128xi32, #tpu.memory_space<vmem>>
        %dma_start3A_1027 = arith.constant 0 : i32
        %dma_start3A_1028 = arith.constant 0 : i32
        %dma_start3A_1029 = tpu.memref_slice %arg17[%dma_start3A_1027, %dma_start3A_1028] : memref<10112x16xf32, #tpu.memory_space<vmem_shared>> -> memref<10112x16xf32, #tpu.memory_space<vmem_shared>>
        tpu.enqueue_indirect_dma source(%arg16 : memref<128x16xf32, #tpu.memory_space<vmem>>) target(%dma_start3A_1029 : memref<10112x16xf32, #tpu.memory_space<vmem_shared>>) offsets(%dma_start3A_1026 : memref<128xi32, #tpu.memory_space<vmem>>) semaphore(%run_scoped3A_1023 : memref<!tpu.dma_semaphore, #tpu.memory_space<semaphore_mem>>) {add = true}
        %dma_wait3A_1030 = arith.constant 0 : i32
        %dma_wait3A_1031 = tpu.memref_slice %arg10[%rem3A_807, %run_scoped3A_838, %dma_wait3A_1030] : memref<2x8x128xi32, #tpu.memory_space<vmem>> -> memref<1x1x128xi32, #tpu.memory_space<vmem>>
        %dma_wait3A_1032 = tpu.memref_squeeze %dma_wait3A_1031 : memref<1x1x128xi32, #tpu.memory_space<vmem>> -> memref<128xi32, #tpu.memory_space<vmem>>
        %dma_wait3A_1033 = arith.constant 0 : i32
        %dma_wait3A_1034 = arith.constant 0 : i32
        %dma_wait3A_1035 = tpu.memref_slice %arg17[%dma_wait3A_1033, %dma_wait3A_1034] : memref<10112x16xf32, #tpu.memory_space<vmem_shared>> -> memref<10112x16xf32, #tpu.memory_space<vmem_shared>>
        tpu.wait_indirect_dma semaphore(%run_scoped3A_1023 : memref<!tpu.dma_semaphore, #tpu.memory_space<semaphore_mem>>) src(%arg16 : memref<128x16xf32, #tpu.memory_space<vmem>>) dst(%dma_wait3A_1035 : memref<10112x16xf32, #tpu.memory_space<vmem_shared>>)
        tpu.yield
      }) : () -> ()
      %dma_start3A_839 = arith.constant 2 : i32
      %dma_start3A_840 = arith.constant 0 : i32
      %dma_start3A_841 = arith.constant 0 : i32
      %dma_start3A_842 = arith.constant 0 : i32
      %dma_start3A_843 = tpu.memref_slice %arg11[%dma_start3A_840, %dma_start3A_841, %dma_start3A_842] : memref<2x128x64xf32, #tpu.memory_space<vmem>> -> memref<1x128x64xf32, #tpu.memory_space<vmem>>
      %dma_start3A_844 = tpu.memref_squeeze %dma_start3A_843 : memref<1x128x64xf32, #tpu.memory_space<vmem>> -> memref<128x64xf32, #tpu.memory_space<vmem>>
      %dma_start3A_845 = arith.constant 0 : i32
      %dma_start3A_846 = tpu.memref_slice %arg9[%rem3A_807, %dma_start3A_839, %dma_start3A_845] : memref<2x8x128xi32, #tpu.memory_space<vmem>> -> memref<1x1x128xi32, #tpu.memory_space<vmem>>
      %dma_start3A_847 = tpu.memref_squeeze %dma_start3A_846 : memref<1x1x128xi32, #tpu.memory_space<vmem>> -> memref<128xi32, #tpu.memory_space<vmem>>
      %dma_start3A_848 = arith.constant 0 : i32
      %dma_start3A_849 = arith.constant 0 : i32
      %dma_start3A_850 = tpu.memref_slice %arg2[%dma_start3A_848, %dma_start3A_849] : memref<10000x64xf32, #tpu.memory_space<hbm>> -> memref<10000x64xf32, #tpu.memory_space<hbm>>
      tpu.enqueue_indirect_dma source(%dma_start3A_850 : memref<10000x64xf32, #tpu.memory_space<hbm>>) target(%dma_start3A_844 : memref<128x64xf32, #tpu.memory_space<vmem>>) offsets(%dma_start3A_847 : memref<128xi32, #tpu.memory_space<vmem>>) semaphore(%arg13 : memref<!tpu.dma_semaphore, #tpu.memory_space<semaphore_mem>>)
      %dma_wait3A_851 = arith.constant 1 : i32
      %dma_wait3A_852 = arith.constant 1 : i32
      %dma_wait3A_853 = arith.constant 0 : i32
      %dma_wait3A_854 = arith.constant 0 : i32
      %dma_wait3A_855 = tpu.memref_slice %arg11[%dma_wait3A_852, %dma_wait3A_853, %dma_wait3A_854] : memref<2x128x64xf32, #tpu.memory_space<vmem>> -> memref<1x128x64xf32, #tpu.memory_space<vmem>>
      %dma_wait3A_856 = tpu.memref_squeeze %dma_wait3A_855 : memref<1x128x64xf32, #tpu.memory_space<vmem>> -> memref<128x64xf32, #tpu.memory_space<vmem>>
      %dma_wait3A_857 = arith.constant 0 : i32
      %dma_wait3A_858 = tpu.memref_slice %arg9[%rem3A_807, %dma_wait3A_851, %dma_wait3A_857] : memref<2x8x128xi32, #tpu.memory_space<vmem>> -> memref<1x1x128xi32, #tpu.memory_space<vmem>>
      %dma_wait3A_859 = tpu.memref_squeeze %dma_wait3A_858 : memref<1x1x128xi32, #tpu.memory_space<vmem>> -> memref<128xi32, #tpu.memory_space<vmem>>
      %dma_wait3A_860 = arith.constant 0 : i32
      %dma_wait3A_861 = arith.constant 0 : i32
      %dma_wait3A_862 = tpu.memref_slice %arg2[%dma_wait3A_860, %dma_wait3A_861] : memref<10000x64xf32, #tpu.memory_space<hbm>> -> memref<10000x64xf32, #tpu.memory_space<hbm>>
      tpu.wait_indirect_dma semaphore(%arg14 : memref<!tpu.dma_semaphore, #tpu.memory_space<semaphore_mem>>) src(%dma_wait3A_862 : memref<10000x64xf32, #tpu.memory_space<hbm>>) dst(%dma_wait3A_856 : memref<128x64xf32, #tpu.memory_space<vmem>>)
      %run_scoped3A_863 = arith.constant 1 : i32
      %run_scoped3A_864 = arith.constant 1 : i32
      "tpu.region"() ({
        %run_scoped3A_1023 = tpu.sem_alloc : memref<!tpu.dma_semaphore, #tpu.memory_space<semaphore_mem>>
        %dma_start3A_1024 = arith.constant 0 : i32
        %dma_start3A_1025 = arith.constant 0 : i32
        %dma_start3A_1026 = tpu.memref_slice %arg11[%run_scoped3A_863, %dma_start3A_1024, %dma_start3A_1025] : memref<2x128x64xf32, #tpu.memory_space<vmem>> -> memref<1x128x64xf32, #tpu.memory_space<vmem>>
        %dma_start3A_1027 = tpu.memref_squeeze %dma_start3A_1026 : memref<1x128x64xf32, #tpu.memory_space<vmem>> -> memref<128x64xf32, #tpu.memory_space<vmem>>
        %dma_start3A_1028 = arith.constant 0 : i32
        %dma_start3A_1029 = tpu.memref_slice %arg10[%rem3A_807, %run_scoped3A_864, %dma_start3A_1028] : memref<2x8x128xi32, #tpu.memory_space<vmem>> -> memref<1x1x128xi32, #tpu.memory_space<vmem>>
        %dma_start3A_1030 = tpu.memref_squeeze %dma_start3A_1029 : memref<1x1x128xi32, #tpu.memory_space<vmem>> -> memref<128xi32, #tpu.memory_space<vmem>>
        %dma_start3A_1031 = arith.constant 0 : i32
        %dma_start3A_1032 = arith.constant 0 : i32
        %dma_start3A_1033 = tpu.memref_slice %arg12[%dma_start3A_1031, %dma_start3A_1032] : memref<10112x64xf32, #tpu.memory_space<vmem_shared>> -> memref<10112x64xf32, #tpu.memory_space<vmem_shared>>
        tpu.enqueue_indirect_dma source(%dma_start3A_1027 : memref<128x64xf32, #tpu.memory_space<vmem>>) target(%dma_start3A_1033 : memref<10112x64xf32, #tpu.memory_space<vmem_shared>>) offsets(%dma_start3A_1030 : memref<128xi32, #tpu.memory_space<vmem>>) semaphore(%run_scoped3A_1023 : memref<!tpu.dma_semaphore, #tpu.memory_space<semaphore_mem>>) {add = true}
        %dma_wait3A_1034 = arith.constant 0 : i32
        %dma_wait3A_1035 = arith.constant 0 : i32
        %dma_wait3A_1036 = tpu.memref_slice %arg11[%run_scoped3A_863, %dma_wait3A_1034, %dma_wait3A_1035] : memref<2x128x64xf32, #tpu.memory_space<vmem>> -> memref<1x128x64xf32, #tpu.memory_space<vmem>>
        %dma_wait3A_1037 = tpu.memref_squeeze %dma_wait3A_1036 : memref<1x128x64xf32, #tpu.memory_space<vmem>> -> memref<128x64xf32, #tpu.memory_space<vmem>>
        %dma_wait3A_1038 = arith.constant 0 : i32
        %dma_wait3A_1039 = tpu.memref_slice %arg10[%rem3A_807, %run_scoped3A_864, %dma_wait3A_1038] : memref<2x8x128xi32, #tpu.memory_space<vmem>> -> memref<1x1x128xi32, #tpu.memory_space<vmem>>
        %dma_wait3A_1040 = tpu.memref_squeeze %dma_wait3A_1039 : memref<1x1x128xi32, #tpu.memory_space<vmem>> -> memref<128xi32, #tpu.memory_space<vmem>>
        %dma_wait3A_1041 = arith.constant 0 : i32
        %dma_wait3A_1042 = arith.constant 0 : i32
        %dma_wait3A_1043 = tpu.memref_slice %arg12[%dma_wait3A_1041, %dma_wait3A_1042] : memref<10112x64xf32, #tpu.memory_space<vmem_shared>> -> memref<10112x64xf32, #tpu.memory_space<vmem_shared>>
        tpu.wait_indirect_dma semaphore(%run_scoped3A_1023 : memref<!tpu.dma_semaphore, #tpu.memory_space<semaphore_mem>>) src(%dma_wait3A_1037 : memref<128x64xf32, #tpu.memory_space<vmem>>) dst(%dma_wait3A_1043 : memref<10112x64xf32, #tpu.memory_space<vmem_shared>>)
        tpu.yield
      }) : () -> ()
      %run_scoped3A_865 = arith.constant 1 : i32
      "tpu.region"() ({
        %run_scoped3A_1023 = tpu.sem_alloc : memref<!tpu.dma_semaphore, #tpu.memory_space<semaphore_mem>>
        %dma_start3A_1024 = arith.constant 0 : i32
        %dma_start3A_1025 = tpu.memref_slice %arg10[%rem3A_807, %run_scoped3A_865, %dma_start3A_1024] : memref<2x8x128xi32, #tpu.memory_space<vmem>> -> memref<1x1x128xi32, #tpu.memory_space<vmem>>
        %dma_start3A_1026 = tpu.memref_squeeze %dma_start3A_1025 : memref<1x1x128xi32, #tpu.memory_space<vmem>> -> memref<128xi32, #tpu.memory_space<vmem>>
        %dma_start3A_1027 = arith.constant 0 : i32
        %dma_start3A_1028 = arith.constant 0 : i32
        %dma_start3A_1029 = tpu.memref_slice %arg17[%dma_start3A_1027, %dma_start3A_1028] : memref<10112x16xf32, #tpu.memory_space<vmem_shared>> -> memref<10112x16xf32, #tpu.memory_space<vmem_shared>>
        tpu.enqueue_indirect_dma source(%arg16 : memref<128x16xf32, #tpu.memory_space<vmem>>) target(%dma_start3A_1029 : memref<10112x16xf32, #tpu.memory_space<vmem_shared>>) offsets(%dma_start3A_1026 : memref<128xi32, #tpu.memory_space<vmem>>) semaphore(%run_scoped3A_1023 : memref<!tpu.dma_semaphore, #tpu.memory_space<semaphore_mem>>) {add = true}
        %dma_wait3A_1030 = arith.constant 0 : i32
        %dma_wait3A_1031 = tpu.memref_slice %arg10[%rem3A_807, %run_scoped3A_865, %dma_wait3A_1030] : memref<2x8x128xi32, #tpu.memory_space<vmem>> -> memref<1x1x128xi32, #tpu.memory_space<vmem>>
        %dma_wait3A_1032 = tpu.memref_squeeze %dma_wait3A_1031 : memref<1x1x128xi32, #tpu.memory_space<vmem>> -> memref<128xi32, #tpu.memory_space<vmem>>
        %dma_wait3A_1033 = arith.constant 0 : i32
        %dma_wait3A_1034 = arith.constant 0 : i32
        %dma_wait3A_1035 = tpu.memref_slice %arg17[%dma_wait3A_1033, %dma_wait3A_1034] : memref<10112x16xf32, #tpu.memory_space<vmem_shared>> -> memref<10112x16xf32, #tpu.memory_space<vmem_shared>>
        tpu.wait_indirect_dma semaphore(%run_scoped3A_1023 : memref<!tpu.dma_semaphore, #tpu.memory_space<semaphore_mem>>) src(%arg16 : memref<128x16xf32, #tpu.memory_space<vmem>>) dst(%dma_wait3A_1035 : memref<10112x16xf32, #tpu.memory_space<vmem_shared>>)
        tpu.yield
      }) : () -> ()
      %dma_start3A_866 = arith.constant 3 : i32
      %dma_start3A_867 = arith.constant 1 : i32
      %dma_start3A_868 = arith.constant 0 : i32
      %dma_start3A_869 = arith.constant 0 : i32
      %dma_start3A_870 = tpu.memref_slice %arg11[%dma_start3A_867, %dma_start3A_868, %dma_start3A_869] : memref<2x128x64xf32, #tpu.memory_space<vmem>> -> memref<1x128x64xf32, #tpu.memory_space<vmem>>
      %dma_start3A_871 = tpu.memref_squeeze %dma_start3A_870 : memref<1x128x64xf32, #tpu.memory_space<vmem>> -> memref<128x64xf32, #tpu.memory_space<vmem>>
      %dma_start3A_872 = arith.constant 0 : i32
      %dma_start3A_873 = tpu.memref_slice %arg9[%rem3A_807, %dma_start3A_866, %dma_start3A_872] : memref<2x8x128xi32, #tpu.memory_space<vmem>> -> memref<1x1x128xi32, #tpu.memory_space<vmem>>
      %dma_start3A_874 = tpu.memref_squeeze %dma_start3A_873 : memref<1x1x128xi32, #tpu.memory_space<vmem>> -> memref<128xi32, #tpu.memory_space<vmem>>
      %dma_start3A_875 = arith.constant 0 : i32
      %dma_start3A_876 = arith.constant 0 : i32
      %dma_start3A_877 = tpu.memref_slice %arg2[%dma_start3A_875, %dma_start3A_876] : memref<10000x64xf32, #tpu.memory_space<hbm>> -> memref<10000x64xf32, #tpu.memory_space<hbm>>
      tpu.enqueue_indirect_dma source(%dma_start3A_877 : memref<10000x64xf32, #tpu.memory_space<hbm>>) target(%dma_start3A_871 : memref<128x64xf32, #tpu.memory_space<vmem>>) offsets(%dma_start3A_874 : memref<128xi32, #tpu.memory_space<vmem>>) semaphore(%arg14 : memref<!tpu.dma_semaphore, #tpu.memory_space<semaphore_mem>>)
      %dma_wait3A_878 = arith.constant 2 : i32
      %dma_wait3A_879 = arith.constant 0 : i32
      %dma_wait3A_880 = arith.constant 0 : i32
      %dma_wait3A_881 = arith.constant 0 : i32
      %dma_wait3A_882 = tpu.memref_slice %arg11[%dma_wait3A_879, %dma_wait3A_880, %dma_wait3A_881] : memref<2x128x64xf32, #tpu.memory_space<vmem>> -> memref<1x128x64xf32, #tpu.memory_space<vmem>>
      %dma_wait3A_883 = tpu.memref_squeeze %dma_wait3A_882 : memref<1x128x64xf32, #tpu.memory_space<vmem>> -> memref<128x64xf32, #tpu.memory_space<vmem>>
      %dma_wait3A_884 = arith.constant 0 : i32
      %dma_wait3A_885 = tpu.memref_slice %arg9[%rem3A_807, %dma_wait3A_878, %dma_wait3A_884] : memref<2x8x128xi32, #tpu.memory_space<vmem>> -> memref<1x1x128xi32, #tpu.memory_space<vmem>>
      %dma_wait3A_886 = tpu.memref_squeeze %dma_wait3A_885 : memref<1x1x128xi32, #tpu.memory_space<vmem>> -> memref<128xi32, #tpu.memory_space<vmem>>
      %dma_wait3A_887 = arith.constant 0 : i32
      %dma_wait3A_888 = arith.constant 0 : i32
      %dma_wait3A_889 = tpu.memref_slice %arg2[%dma_wait3A_887, %dma_wait3A_888] : memref<10000x64xf32, #tpu.memory_space<hbm>> -> memref<10000x64xf32, #tpu.memory_space<hbm>>
      tpu.wait_indirect_dma semaphore(%arg13 : memref<!tpu.dma_semaphore, #tpu.memory_space<semaphore_mem>>) src(%dma_wait3A_889 : memref<10000x64xf32, #tpu.memory_space<hbm>>) dst(%dma_wait3A_883 : memref<128x64xf32, #tpu.memory_space<vmem>>)
      %run_scoped3A_890 = arith.constant 0 : i32
      %run_scoped3A_891 = arith.constant 2 : i32
      "tpu.region"() ({
        %run_scoped3A_1023 = tpu.sem_alloc : memref<!tpu.dma_semaphore, #tpu.memory_space<semaphore_mem>>
        %dma_start3A_1024 = arith.constant 0 : i32
        %dma_start3A_1025 = arith.constant 0 : i32
        %dma_start3A_1026 = tpu.memref_slice %arg11[%run_scoped3A_890, %dma_start3A_1024, %dma_start3A_1025] : memref<2x128x64xf32, #tpu.memory_space<vmem>> -> memref<1x128x64xf32, #tpu.memory_space<vmem>>
        %dma_start3A_1027 = tpu.memref_squeeze %dma_start3A_1026 : memref<1x128x64xf32, #tpu.memory_space<vmem>> -> memref<128x64xf32, #tpu.memory_space<vmem>>
        %dma_start3A_1028 = arith.constant 0 : i32
        %dma_start3A_1029 = tpu.memref_slice %arg10[%rem3A_807, %run_scoped3A_891, %dma_start3A_1028] : memref<2x8x128xi32, #tpu.memory_space<vmem>> -> memref<1x1x128xi32, #tpu.memory_space<vmem>>
        %dma_start3A_1030 = tpu.memref_squeeze %dma_start3A_1029 : memref<1x1x128xi32, #tpu.memory_space<vmem>> -> memref<128xi32, #tpu.memory_space<vmem>>
        %dma_start3A_1031 = arith.constant 0 : i32
        %dma_start3A_1032 = arith.constant 0 : i32
        %dma_start3A_1033 = tpu.memref_slice %arg12[%dma_start3A_1031, %dma_start3A_1032] : memref<10112x64xf32, #tpu.memory_space<vmem_shared>> -> memref<10112x64xf32, #tpu.memory_space<vmem_shared>>
        tpu.enqueue_indirect_dma source(%dma_start3A_1027 : memref<128x64xf32, #tpu.memory_space<vmem>>) target(%dma_start3A_1033 : memref<10112x64xf32, #tpu.memory_space<vmem_shared>>) offsets(%dma_start3A_1030 : memref<128xi32, #tpu.memory_space<vmem>>) semaphore(%run_scoped3A_1023 : memref<!tpu.dma_semaphore, #tpu.memory_space<semaphore_mem>>) {add = true}
        %dma_wait3A_1034 = arith.constant 0 : i32
        %dma_wait3A_1035 = arith.constant 0 : i32
        %dma_wait3A_1036 = tpu.memref_slice %arg11[%run_scoped3A_890, %dma_wait3A_1034, %dma_wait3A_1035] : memref<2x128x64xf32, #tpu.memory_space<vmem>> -> memref<1x128x64xf32, #tpu.memory_space<vmem>>
        %dma_wait3A_1037 = tpu.memref_squeeze %dma_wait3A_1036 : memref<1x128x64xf32, #tpu.memory_space<vmem>> -> memref<128x64xf32, #tpu.memory_space<vmem>>
        %dma_wait3A_1038 = arith.constant 0 : i32
        %dma_wait3A_1039 = tpu.memref_slice %arg10[%rem3A_807, %run_scoped3A_891, %dma_wait3A_1038] : memref<2x8x128xi32, #tpu.memory_space<vmem>> -> memref<1x1x128xi32, #tpu.memory_space<vmem>>
        %dma_wait3A_1040 = tpu.memref_squeeze %dma_wait3A_1039 : memref<1x1x128xi32, #tpu.memory_space<vmem>> -> memref<128xi32, #tpu.memory_space<vmem>>
        %dma_wait3A_1041 = arith.constant 0 : i32
        %dma_wait3A_1042 = arith.constant 0 : i32
        %dma_wait3A_1043 = tpu.memref_slice %arg12[%dma_wait3A_1041, %dma_wait3A_1042] : memref<10112x64xf32, #tpu.memory_space<vmem_shared>> -> memref<10112x64xf32, #tpu.memory_space<vmem_shared>>
        tpu.wait_indirect_dma semaphore(%run_scoped3A_1023 : memref<!tpu.dma_semaphore, #tpu.memory_space<semaphore_mem>>) src(%dma_wait3A_1037 : memref<128x64xf32, #tpu.memory_space<vmem>>) dst(%dma_wait3A_1043 : memref<10112x64xf32, #tpu.memory_space<vmem_shared>>)
        tpu.yield
      }) : () -> ()
      %run_scoped3A_892 = arith.constant 2 : i32
      "tpu.region"() ({
        %run_scoped3A_1023 = tpu.sem_alloc : memref<!tpu.dma_semaphore, #tpu.memory_space<semaphore_mem>>
        %dma_start3A_1024 = arith.constant 0 : i32
        %dma_start3A_1025 = tpu.memref_slice %arg10[%rem3A_807, %run_scoped3A_892, %dma_start3A_1024] : memref<2x8x128xi32, #tpu.memory_space<vmem>> -> memref<1x1x128xi32, #tpu.memory_space<vmem>>
        %dma_start3A_1026 = tpu.memref_squeeze %dma_start3A_1025 : memref<1x1x128xi32, #tpu.memory_space<vmem>> -> memref<128xi32, #tpu.memory_space<vmem>>
        %dma_start3A_1027 = arith.constant 0 : i32
        %dma_start3A_1028 = arith.constant 0 : i32
        %dma_start3A_1029 = tpu.memref_slice %arg17[%dma_start3A_1027, %dma_start3A_1028] : memref<10112x16xf32, #tpu.memory_space<vmem_shared>> -> memref<10112x16xf32, #tpu.memory_space<vmem_shared>>
        tpu.enqueue_indirect_dma source(%arg16 : memref<128x16xf32, #tpu.memory_space<vmem>>) target(%dma_start3A_1029 : memref<10112x16xf32, #tpu.memory_space<vmem_shared>>) offsets(%dma_start3A_1026 : memref<128xi32, #tpu.memory_space<vmem>>) semaphore(%run_scoped3A_1023 : memref<!tpu.dma_semaphore, #tpu.memory_space<semaphore_mem>>) {add = true}
        %dma_wait3A_1030 = arith.constant 0 : i32
        %dma_wait3A_1031 = tpu.memref_slice %arg10[%rem3A_807, %run_scoped3A_892, %dma_wait3A_1030] : memref<2x8x128xi32, #tpu.memory_space<vmem>> -> memref<1x1x128xi32, #tpu.memory_space<vmem>>
        %dma_wait3A_1032 = tpu.memref_squeeze %dma_wait3A_1031 : memref<1x1x128xi32, #tpu.memory_space<vmem>> -> memref<128xi32, #tpu.memory_space<vmem>>
        %dma_wait3A_1033 = arith.constant 0 : i32
        %dma_wait3A_1034 = arith.constant 0 : i32
        %dma_wait3A_1035 = tpu.memref_slice %arg17[%dma_wait3A_1033, %dma_wait3A_1034] : memref<10112x16xf32, #tpu.memory_space<vmem_shared>> -> memref<10112x16xf32, #tpu.memory_space<vmem_shared>>
        tpu.wait_indirect_dma semaphore(%run_scoped3A_1023 : memref<!tpu.dma_semaphore, #tpu.memory_space<semaphore_mem>>) src(%arg16 : memref<128x16xf32, #tpu.memory_space<vmem>>) dst(%dma_wait3A_1035 : memref<10112x16xf32, #tpu.memory_space<vmem_shared>>)
        tpu.yield
      }) : () -> ()
      %dma_start3A_893 = arith.constant 4 : i32
      %dma_start3A_894 = arith.constant 0 : i32
      %dma_start3A_895 = arith.constant 0 : i32
      %dma_start3A_896 = arith.constant 0 : i32
      %dma_start3A_897 = tpu.memref_slice %arg11[%dma_start3A_894, %dma_start3A_895, %dma_start3A_896] : memref<2x128x64xf32, #tpu.memory_space<vmem>> -> memref<1x128x64xf32, #tpu.memory_space<vmem>>
      %dma_start3A_898 = tpu.memref_squeeze %dma_start3A_897 : memref<1x128x64xf32, #tpu.memory_space<vmem>> -> memref<128x64xf32, #tpu.memory_space<vmem>>
      %dma_start3A_899 = arith.constant 0 : i32
      %dma_start3A_900 = tpu.memref_slice %arg9[%rem3A_807, %dma_start3A_893, %dma_start3A_899] : memref<2x8x128xi32, #tpu.memory_space<vmem>> -> memref<1x1x128xi32, #tpu.memory_space<vmem>>
      %dma_start3A_901 = tpu.memref_squeeze %dma_start3A_900 : memref<1x1x128xi32, #tpu.memory_space<vmem>> -> memref<128xi32, #tpu.memory_space<vmem>>
      %dma_start3A_902 = arith.constant 0 : i32
      %dma_start3A_903 = arith.constant 0 : i32
      %dma_start3A_904 = tpu.memref_slice %arg2[%dma_start3A_902, %dma_start3A_903] : memref<10000x64xf32, #tpu.memory_space<hbm>> -> memref<10000x64xf32, #tpu.memory_space<hbm>>
      tpu.enqueue_indirect_dma source(%dma_start3A_904 : memref<10000x64xf32, #tpu.memory_space<hbm>>) target(%dma_start3A_898 : memref<128x64xf32, #tpu.memory_space<vmem>>) offsets(%dma_start3A_901 : memref<128xi32, #tpu.memory_space<vmem>>) semaphore(%arg13 : memref<!tpu.dma_semaphore, #tpu.memory_space<semaphore_mem>>)
      %dma_wait3A_905 = arith.constant 3 : i32
      %dma_wait3A_906 = arith.constant 1 : i32
      %dma_wait3A_907 = arith.constant 0 : i32
      %dma_wait3A_908 = arith.constant 0 : i32
      %dma_wait3A_909 = tpu.memref_slice %arg11[%dma_wait3A_906, %dma_wait3A_907, %dma_wait3A_908] : memref<2x128x64xf32, #tpu.memory_space<vmem>> -> memref<1x128x64xf32, #tpu.memory_space<vmem>>
      %dma_wait3A_910 = tpu.memref_squeeze %dma_wait3A_909 : memref<1x128x64xf32, #tpu.memory_space<vmem>> -> memref<128x64xf32, #tpu.memory_space<vmem>>
      %dma_wait3A_911 = arith.constant 0 : i32
      %dma_wait3A_912 = tpu.memref_slice %arg9[%rem3A_807, %dma_wait3A_905, %dma_wait3A_911] : memref<2x8x128xi32, #tpu.memory_space<vmem>> -> memref<1x1x128xi32, #tpu.memory_space<vmem>>
      %dma_wait3A_913 = tpu.memref_squeeze %dma_wait3A_912 : memref<1x1x128xi32, #tpu.memory_space<vmem>> -> memref<128xi32, #tpu.memory_space<vmem>>
      %dma_wait3A_914 = arith.constant 0 : i32
      %dma_wait3A_915 = arith.constant 0 : i32
      %dma_wait3A_916 = tpu.memref_slice %arg2[%dma_wait3A_914, %dma_wait3A_915] : memref<10000x64xf32, #tpu.memory_space<hbm>> -> memref<10000x64xf32, #tpu.memory_space<hbm>>
      tpu.wait_indirect_dma semaphore(%arg14 : memref<!tpu.dma_semaphore, #tpu.memory_space<semaphore_mem>>) src(%dma_wait3A_916 : memref<10000x64xf32, #tpu.memory_space<hbm>>) dst(%dma_wait3A_910 : memref<128x64xf32, #tpu.memory_space<vmem>>)
      %run_scoped3A_917 = arith.constant 1 : i32
      %run_scoped3A_918 = arith.constant 3 : i32
      "tpu.region"() ({
        %run_scoped3A_1023 = tpu.sem_alloc : memref<!tpu.dma_semaphore, #tpu.memory_space<semaphore_mem>>
        %dma_start3A_1024 = arith.constant 0 : i32
        %dma_start3A_1025 = arith.constant 0 : i32
        %dma_start3A_1026 = tpu.memref_slice %arg11[%run_scoped3A_917, %dma_start3A_1024, %dma_start3A_1025] : memref<2x128x64xf32, #tpu.memory_space<vmem>> -> memref<1x128x64xf32, #tpu.memory_space<vmem>>
        %dma_start3A_1027 = tpu.memref_squeeze %dma_start3A_1026 : memref<1x128x64xf32, #tpu.memory_space<vmem>> -> memref<128x64xf32, #tpu.memory_space<vmem>>
        %dma_start3A_1028 = arith.constant 0 : i32
        %dma_start3A_1029 = tpu.memref_slice %arg10[%rem3A_807, %run_scoped3A_918, %dma_start3A_1028] : memref<2x8x128xi32, #tpu.memory_space<vmem>> -> memref<1x1x128xi32, #tpu.memory_space<vmem>>
        %dma_start3A_1030 = tpu.memref_squeeze %dma_start3A_1029 : memref<1x1x128xi32, #tpu.memory_space<vmem>> -> memref<128xi32, #tpu.memory_space<vmem>>
        %dma_start3A_1031 = arith.constant 0 : i32
        %dma_start3A_1032 = arith.constant 0 : i32
        %dma_start3A_1033 = tpu.memref_slice %arg12[%dma_start3A_1031, %dma_start3A_1032] : memref<10112x64xf32, #tpu.memory_space<vmem_shared>> -> memref<10112x64xf32, #tpu.memory_space<vmem_shared>>
        tpu.enqueue_indirect_dma source(%dma_start3A_1027 : memref<128x64xf32, #tpu.memory_space<vmem>>) target(%dma_start3A_1033 : memref<10112x64xf32, #tpu.memory_space<vmem_shared>>) offsets(%dma_start3A_1030 : memref<128xi32, #tpu.memory_space<vmem>>) semaphore(%run_scoped3A_1023 : memref<!tpu.dma_semaphore, #tpu.memory_space<semaphore_mem>>) {add = true}
        %dma_wait3A_1034 = arith.constant 0 : i32
        %dma_wait3A_1035 = arith.constant 0 : i32
        %dma_wait3A_1036 = tpu.memref_slice %arg11[%run_scoped3A_917, %dma_wait3A_1034, %dma_wait3A_1035] : memref<2x128x64xf32, #tpu.memory_space<vmem>> -> memref<1x128x64xf32, #tpu.memory_space<vmem>>
        %dma_wait3A_1037 = tpu.memref_squeeze %dma_wait3A_1036 : memref<1x128x64xf32, #tpu.memory_space<vmem>> -> memref<128x64xf32, #tpu.memory_space<vmem>>
        %dma_wait3A_1038 = arith.constant 0 : i32
        %dma_wait3A_1039 = tpu.memref_slice %arg10[%rem3A_807, %run_scoped3A_918, %dma_wait3A_1038] : memref<2x8x128xi32, #tpu.memory_space<vmem>> -> memref<1x1x128xi32, #tpu.memory_space<vmem>>
        %dma_wait3A_1040 = tpu.memref_squeeze %dma_wait3A_1039 : memref<1x1x128xi32, #tpu.memory_space<vmem>> -> memref<128xi32, #tpu.memory_space<vmem>>
        %dma_wait3A_1041 = arith.constant 0 : i32
        %dma_wait3A_1042 = arith.constant 0 : i32
        %dma_wait3A_1043 = tpu.memref_slice %arg12[%dma_wait3A_1041, %dma_wait3A_1042] : memref<10112x64xf32, #tpu.memory_space<vmem_shared>> -> memref<10112x64xf32, #tpu.memory_space<vmem_shared>>
        tpu.wait_indirect_dma semaphore(%run_scoped3A_1023 : memref<!tpu.dma_semaphore, #tpu.memory_space<semaphore_mem>>) src(%dma_wait3A_1037 : memref<128x64xf32, #tpu.memory_space<vmem>>) dst(%dma_wait3A_1043 : memref<10112x64xf32, #tpu.memory_space<vmem_shared>>)
        tpu.yield
      }) : () -> ()
      %run_scoped3A_919 = arith.constant 3 : i32
      "tpu.region"() ({
        %run_scoped3A_1023 = tpu.sem_alloc : memref<!tpu.dma_semaphore, #tpu.memory_space<semaphore_mem>>
        %dma_start3A_1024 = arith.constant 0 : i32
        %dma_start3A_1025 = tpu.memref_slice %arg10[%rem3A_807, %run_scoped3A_919, %dma_start3A_1024] : memref<2x8x128xi32, #tpu.memory_space<vmem>> -> memref<1x1x128xi32, #tpu.memory_space<vmem>>
        %dma_start3A_1026 = tpu.memref_squeeze %dma_start3A_1025 : memref<1x1x128xi32, #tpu.memory_space<vmem>> -> memref<128xi32, #tpu.memory_space<vmem>>
        %dma_start3A_1027 = arith.constant 0 : i32
        %dma_start3A_1028 = arith.constant 0 : i32
        %dma_start3A_1029 = tpu.memref_slice %arg17[%dma_start3A_1027, %dma_start3A_1028] : memref<10112x16xf32, #tpu.memory_space<vmem_shared>> -> memref<10112x16xf32, #tpu.memory_space<vmem_shared>>
        tpu.enqueue_indirect_dma source(%arg16 : memref<128x16xf32, #tpu.memory_space<vmem>>) target(%dma_start3A_1029 : memref<10112x16xf32, #tpu.memory_space<vmem_shared>>) offsets(%dma_start3A_1026 : memref<128xi32, #tpu.memory_space<vmem>>) semaphore(%run_scoped3A_1023 : memref<!tpu.dma_semaphore, #tpu.memory_space<semaphore_mem>>) {add = true}
        %dma_wait3A_1030 = arith.constant 0 : i32
        %dma_wait3A_1031 = tpu.memref_slice %arg10[%rem3A_807, %run_scoped3A_919, %dma_wait3A_1030] : memref<2x8x128xi32, #tpu.memory_space<vmem>> -> memref<1x1x128xi32, #tpu.memory_space<vmem>>
        %dma_wait3A_1032 = tpu.memref_squeeze %dma_wait3A_1031 : memref<1x1x128xi32, #tpu.memory_space<vmem>> -> memref<128xi32, #tpu.memory_space<vmem>>
        %dma_wait3A_1033 = arith.constant 0 : i32
        %dma_wait3A_1034 = arith.constant 0 : i32
        %dma_wait3A_1035 = tpu.memref_slice %arg17[%dma_wait3A_1033, %dma_wait3A_1034] : memref<10112x16xf32, #tpu.memory_space<vmem_shared>> -> memref<10112x16xf32, #tpu.memory_space<vmem_shared>>
        tpu.wait_indirect_dma semaphore(%run_scoped3A_1023 : memref<!tpu.dma_semaphore, #tpu.memory_space<semaphore_mem>>) src(%arg16 : memref<128x16xf32, #tpu.memory_space<vmem>>) dst(%dma_wait3A_1035 : memref<10112x16xf32, #tpu.memory_space<vmem_shared>>)
        tpu.yield
      }) : () -> ()
      %dma_start3A_920 = arith.constant 5 : i32
      %dma_start3A_921 = arith.constant 1 : i32
      %dma_start3A_922 = arith.constant 0 : i32
      %dma_start3A_923 = arith.constant 0 : i32
      %dma_start3A_924 = tpu.memref_slice %arg11[%dma_start3A_921, %dma_start3A_922, %dma_start3A_923] : memref<2x128x64xf32, #tpu.memory_space<vmem>> -> memref<1x128x64xf32, #tpu.memory_space<vmem>>
      %dma_start3A_925 = tpu.memref_squeeze %dma_start3A_924 : memref<1x128x64xf32, #tpu.memory_space<vmem>> -> memref<128x64xf32, #tpu.memory_space<vmem>>
      %dma_start3A_926 = arith.constant 0 : i32
      %dma_start3A_927 = tpu.memref_slice %arg9[%rem3A_807, %dma_start3A_920, %dma_start3A_926] : memref<2x8x128xi32, #tpu.memory_space<vmem>> -> memref<1x1x128xi32, #tpu.memory_space<vmem>>
      %dma_start3A_928 = tpu.memref_squeeze %dma_start3A_927 : memref<1x1x128xi32, #tpu.memory_space<vmem>> -> memref<128xi32, #tpu.memory_space<vmem>>
      %dma_start3A_929 = arith.constant 0 : i32
      %dma_start3A_930 = arith.constant 0 : i32
      %dma_start3A_931 = tpu.memref_slice %arg2[%dma_start3A_929, %dma_start3A_930] : memref<10000x64xf32, #tpu.memory_space<hbm>> -> memref<10000x64xf32, #tpu.memory_space<hbm>>
      tpu.enqueue_indirect_dma source(%dma_start3A_931 : memref<10000x64xf32, #tpu.memory_space<hbm>>) target(%dma_start3A_925 : memref<128x64xf32, #tpu.memory_space<vmem>>) offsets(%dma_start3A_928 : memref<128xi32, #tpu.memory_space<vmem>>) semaphore(%arg14 : memref<!tpu.dma_semaphore, #tpu.memory_space<semaphore_mem>>)
      %dma_wait3A_932 = arith.constant 4 : i32
      %dma_wait3A_933 = arith.constant 0 : i32
      %dma_wait3A_934 = arith.constant 0 : i32
      %dma_wait3A_935 = arith.constant 0 : i32
      %dma_wait3A_936 = tpu.memref_slice %arg11[%dma_wait3A_933, %dma_wait3A_934, %dma_wait3A_935] : memref<2x128x64xf32, #tpu.memory_space<vmem>> -> memref<1x128x64xf32, #tpu.memory_space<vmem>>
      %dma_wait3A_937 = tpu.memref_squeeze %dma_wait3A_936 : memref<1x128x64xf32, #tpu.memory_space<vmem>> -> memref<128x64xf32, #tpu.memory_space<vmem>>
      %dma_wait3A_938 = arith.constant 0 : i32
      %dma_wait3A_939 = tpu.memref_slice %arg9[%rem3A_807, %dma_wait3A_932, %dma_wait3A_938] : memref<2x8x128xi32, #tpu.memory_space<vmem>> -> memref<1x1x128xi32, #tpu.memory_space<vmem>>
      %dma_wait3A_940 = tpu.memref_squeeze %dma_wait3A_939 : memref<1x1x128xi32, #tpu.memory_space<vmem>> -> memref<128xi32, #tpu.memory_space<vmem>>
      %dma_wait3A_941 = arith.constant 0 : i32
      %dma_wait3A_942 = arith.constant 0 : i32
      %dma_wait3A_943 = tpu.memref_slice %arg2[%dma_wait3A_941, %dma_wait3A_942] : memref<10000x64xf32, #tpu.memory_space<hbm>> -> memref<10000x64xf32, #tpu.memory_space<hbm>>
      tpu.wait_indirect_dma semaphore(%arg13 : memref<!tpu.dma_semaphore, #tpu.memory_space<semaphore_mem>>) src(%dma_wait3A_943 : memref<10000x64xf32, #tpu.memory_space<hbm>>) dst(%dma_wait3A_937 : memref<128x64xf32, #tpu.memory_space<vmem>>)
      %run_scoped3A_944 = arith.constant 0 : i32
      %run_scoped3A_945 = arith.constant 4 : i32
      "tpu.region"() ({
        %run_scoped3A_1023 = tpu.sem_alloc : memref<!tpu.dma_semaphore, #tpu.memory_space<semaphore_mem>>
        %dma_start3A_1024 = arith.constant 0 : i32
        %dma_start3A_1025 = arith.constant 0 : i32
        %dma_start3A_1026 = tpu.memref_slice %arg11[%run_scoped3A_944, %dma_start3A_1024, %dma_start3A_1025] : memref<2x128x64xf32, #tpu.memory_space<vmem>> -> memref<1x128x64xf32, #tpu.memory_space<vmem>>
        %dma_start3A_1027 = tpu.memref_squeeze %dma_start3A_1026 : memref<1x128x64xf32, #tpu.memory_space<vmem>> -> memref<128x64xf32, #tpu.memory_space<vmem>>
        %dma_start3A_1028 = arith.constant 0 : i32
        %dma_start3A_1029 = tpu.memref_slice %arg10[%rem3A_807, %run_scoped3A_945, %dma_start3A_1028] : memref<2x8x128xi32, #tpu.memory_space<vmem>> -> memref<1x1x128xi32, #tpu.memory_space<vmem>>
        %dma_start3A_1030 = tpu.memref_squeeze %dma_start3A_1029 : memref<1x1x128xi32, #tpu.memory_space<vmem>> -> memref<128xi32, #tpu.memory_space<vmem>>
        %dma_start3A_1031 = arith.constant 0 : i32
        %dma_start3A_1032 = arith.constant 0 : i32
        %dma_start3A_1033 = tpu.memref_slice %arg12[%dma_start3A_1031, %dma_start3A_1032] : memref<10112x64xf32, #tpu.memory_space<vmem_shared>> -> memref<10112x64xf32, #tpu.memory_space<vmem_shared>>
        tpu.enqueue_indirect_dma source(%dma_start3A_1027 : memref<128x64xf32, #tpu.memory_space<vmem>>) target(%dma_start3A_1033 : memref<10112x64xf32, #tpu.memory_space<vmem_shared>>) offsets(%dma_start3A_1030 : memref<128xi32, #tpu.memory_space<vmem>>) semaphore(%run_scoped3A_1023 : memref<!tpu.dma_semaphore, #tpu.memory_space<semaphore_mem>>) {add = true}
        %dma_wait3A_1034 = arith.constant 0 : i32
        %dma_wait3A_1035 = arith.constant 0 : i32
        %dma_wait3A_1036 = tpu.memref_slice %arg11[%run_scoped3A_944, %dma_wait3A_1034, %dma_wait3A_1035] : memref<2x128x64xf32, #tpu.memory_space<vmem>> -> memref<1x128x64xf32, #tpu.memory_space<vmem>>
        %dma_wait3A_1037 = tpu.memref_squeeze %dma_wait3A_1036 : memref<1x128x64xf32, #tpu.memory_space<vmem>> -> memref<128x64xf32, #tpu.memory_space<vmem>>
        %dma_wait3A_1038 = arith.constant 0 : i32
        %dma_wait3A_1039 = tpu.memref_slice %arg10[%rem3A_807, %run_scoped3A_945, %dma_wait3A_1038] : memref<2x8x128xi32, #tpu.memory_space<vmem>> -> memref<1x1x128xi32, #tpu.memory_space<vmem>>
        %dma_wait3A_1040 = tpu.memref_squeeze %dma_wait3A_1039 : memref<1x1x128xi32, #tpu.memory_space<vmem>> -> memref<128xi32, #tpu.memory_space<vmem>>
        %dma_wait3A_1041 = arith.constant 0 : i32
        %dma_wait3A_1042 = arith.constant 0 : i32
        %dma_wait3A_1043 = tpu.memref_slice %arg12[%dma_wait3A_1041, %dma_wait3A_1042] : memref<10112x64xf32, #tpu.memory_space<vmem_shared>> -> memref<10112x64xf32, #tpu.memory_space<vmem_shared>>
        tpu.wait_indirect_dma semaphore(%run_scoped3A_1023 : memref<!tpu.dma_semaphore, #tpu.memory_space<semaphore_mem>>) src(%dma_wait3A_1037 : memref<128x64xf32, #tpu.memory_space<vmem>>) dst(%dma_wait3A_1043 : memref<10112x64xf32, #tpu.memory_space<vmem_shared>>)
        tpu.yield
      }) : () -> ()
      %run_scoped3A_946 = arith.constant 4 : i32
      "tpu.region"() ({
        %run_scoped3A_1023 = tpu.sem_alloc : memref<!tpu.dma_semaphore, #tpu.memory_space<semaphore_mem>>
        %dma_start3A_1024 = arith.constant 0 : i32
        %dma_start3A_1025 = tpu.memref_slice %arg10[%rem3A_807, %run_scoped3A_946, %dma_start3A_1024] : memref<2x8x128xi32, #tpu.memory_space<vmem>> -> memref<1x1x128xi32, #tpu.memory_space<vmem>>
        %dma_start3A_1026 = tpu.memref_squeeze %dma_start3A_1025 : memref<1x1x128xi32, #tpu.memory_space<vmem>> -> memref<128xi32, #tpu.memory_space<vmem>>
        %dma_start3A_1027 = arith.constant 0 : i32
        %dma_start3A_1028 = arith.constant 0 : i32
        %dma_start3A_1029 = tpu.memref_slice %arg17[%dma_start3A_1027, %dma_start3A_1028] : memref<10112x16xf32, #tpu.memory_space<vmem_shared>> -> memref<10112x16xf32, #tpu.memory_space<vmem_shared>>
        tpu.enqueue_indirect_dma source(%arg16 : memref<128x16xf32, #tpu.memory_space<vmem>>) target(%dma_start3A_1029 : memref<10112x16xf32, #tpu.memory_space<vmem_shared>>) offsets(%dma_start3A_1026 : memref<128xi32, #tpu.memory_space<vmem>>) semaphore(%run_scoped3A_1023 : memref<!tpu.dma_semaphore, #tpu.memory_space<semaphore_mem>>) {add = true}
        %dma_wait3A_1030 = arith.constant 0 : i32
        %dma_wait3A_1031 = tpu.memref_slice %arg10[%rem3A_807, %run_scoped3A_946, %dma_wait3A_1030] : memref<2x8x128xi32, #tpu.memory_space<vmem>> -> memref<1x1x128xi32, #tpu.memory_space<vmem>>
        %dma_wait3A_1032 = tpu.memref_squeeze %dma_wait3A_1031 : memref<1x1x128xi32, #tpu.memory_space<vmem>> -> memref<128xi32, #tpu.memory_space<vmem>>
        %dma_wait3A_1033 = arith.constant 0 : i32
        %dma_wait3A_1034 = arith.constant 0 : i32
        %dma_wait3A_1035 = tpu.memref_slice %arg17[%dma_wait3A_1033, %dma_wait3A_1034] : memref<10112x16xf32, #tpu.memory_space<vmem_shared>> -> memref<10112x16xf32, #tpu.memory_space<vmem_shared>>
        tpu.wait_indirect_dma semaphore(%run_scoped3A_1023 : memref<!tpu.dma_semaphore, #tpu.memory_space<semaphore_mem>>) src(%arg16 : memref<128x16xf32, #tpu.memory_space<vmem>>) dst(%dma_wait3A_1035 : memref<10112x16xf32, #tpu.memory_space<vmem_shared>>)
        tpu.yield
      }) : () -> ()
      %dma_start3A_947 = arith.constant 6 : i32
      %dma_start3A_948 = arith.constant 0 : i32
      %dma_start3A_949 = arith.constant 0 : i32
      %dma_start3A_950 = arith.constant 0 : i32
      %dma_start3A_951 = tpu.memref_slice %arg11[%dma_start3A_948, %dma_start3A_949, %dma_start3A_950] : memref<2x128x64xf32, #tpu.memory_space<vmem>> -> memref<1x128x64xf32, #tpu.memory_space<vmem>>
      %dma_start3A_952 = tpu.memref_squeeze %dma_start3A_951 : memref<1x128x64xf32, #tpu.memory_space<vmem>> -> memref<128x64xf32, #tpu.memory_space<vmem>>
      %dma_start3A_953 = arith.constant 0 : i32
      %dma_start3A_954 = tpu.memref_slice %arg9[%rem3A_807, %dma_start3A_947, %dma_start3A_953] : memref<2x8x128xi32, #tpu.memory_space<vmem>> -> memref<1x1x128xi32, #tpu.memory_space<vmem>>
      %dma_start3A_955 = tpu.memref_squeeze %dma_start3A_954 : memref<1x1x128xi32, #tpu.memory_space<vmem>> -> memref<128xi32, #tpu.memory_space<vmem>>
      %dma_start3A_956 = arith.constant 0 : i32
      %dma_start3A_957 = arith.constant 0 : i32
      %dma_start3A_958 = tpu.memref_slice %arg2[%dma_start3A_956, %dma_start3A_957] : memref<10000x64xf32, #tpu.memory_space<hbm>> -> memref<10000x64xf32, #tpu.memory_space<hbm>>
      tpu.enqueue_indirect_dma source(%dma_start3A_958 : memref<10000x64xf32, #tpu.memory_space<hbm>>) target(%dma_start3A_952 : memref<128x64xf32, #tpu.memory_space<vmem>>) offsets(%dma_start3A_955 : memref<128xi32, #tpu.memory_space<vmem>>) semaphore(%arg13 : memref<!tpu.dma_semaphore, #tpu.memory_space<semaphore_mem>>)
      %dma_wait3A_959 = arith.constant 5 : i32
      %dma_wait3A_960 = arith.constant 1 : i32
      %dma_wait3A_961 = arith.constant 0 : i32
      %dma_wait3A_962 = arith.constant 0 : i32
      %dma_wait3A_963 = tpu.memref_slice %arg11[%dma_wait3A_960, %dma_wait3A_961, %dma_wait3A_962] : memref<2x128x64xf32, #tpu.memory_space<vmem>> -> memref<1x128x64xf32, #tpu.memory_space<vmem>>
      %dma_wait3A_964 = tpu.memref_squeeze %dma_wait3A_963 : memref<1x128x64xf32, #tpu.memory_space<vmem>> -> memref<128x64xf32, #tpu.memory_space<vmem>>
      %dma_wait3A_965 = arith.constant 0 : i32
      %dma_wait3A_966 = tpu.memref_slice %arg9[%rem3A_807, %dma_wait3A_959, %dma_wait3A_965] : memref<2x8x128xi32, #tpu.memory_space<vmem>> -> memref<1x1x128xi32, #tpu.memory_space<vmem>>
      %dma_wait3A_967 = tpu.memref_squeeze %dma_wait3A_966 : memref<1x1x128xi32, #tpu.memory_space<vmem>> -> memref<128xi32, #tpu.memory_space<vmem>>
      %dma_wait3A_968 = arith.constant 0 : i32
      %dma_wait3A_969 = arith.constant 0 : i32
      %dma_wait3A_970 = tpu.memref_slice %arg2[%dma_wait3A_968, %dma_wait3A_969] : memref<10000x64xf32, #tpu.memory_space<hbm>> -> memref<10000x64xf32, #tpu.memory_space<hbm>>
      tpu.wait_indirect_dma semaphore(%arg14 : memref<!tpu.dma_semaphore, #tpu.memory_space<semaphore_mem>>) src(%dma_wait3A_970 : memref<10000x64xf32, #tpu.memory_space<hbm>>) dst(%dma_wait3A_964 : memref<128x64xf32, #tpu.memory_space<vmem>>)
      %run_scoped3A_971 = arith.constant 1 : i32
      %run_scoped3A_972 = arith.constant 5 : i32
      "tpu.region"() ({
        %run_scoped3A_1023 = tpu.sem_alloc : memref<!tpu.dma_semaphore, #tpu.memory_space<semaphore_mem>>
        %dma_start3A_1024 = arith.constant 0 : i32
        %dma_start3A_1025 = arith.constant 0 : i32
        %dma_start3A_1026 = tpu.memref_slice %arg11[%run_scoped3A_971, %dma_start3A_1024, %dma_start3A_1025] : memref<2x128x64xf32, #tpu.memory_space<vmem>> -> memref<1x128x64xf32, #tpu.memory_space<vmem>>
        %dma_start3A_1027 = tpu.memref_squeeze %dma_start3A_1026 : memref<1x128x64xf32, #tpu.memory_space<vmem>> -> memref<128x64xf32, #tpu.memory_space<vmem>>
        %dma_start3A_1028 = arith.constant 0 : i32
        %dma_start3A_1029 = tpu.memref_slice %arg10[%rem3A_807, %run_scoped3A_972, %dma_start3A_1028] : memref<2x8x128xi32, #tpu.memory_space<vmem>> -> memref<1x1x128xi32, #tpu.memory_space<vmem>>
        %dma_start3A_1030 = tpu.memref_squeeze %dma_start3A_1029 : memref<1x1x128xi32, #tpu.memory_space<vmem>> -> memref<128xi32, #tpu.memory_space<vmem>>
        %dma_start3A_1031 = arith.constant 0 : i32
        %dma_start3A_1032 = arith.constant 0 : i32
        %dma_start3A_1033 = tpu.memref_slice %arg12[%dma_start3A_1031, %dma_start3A_1032] : memref<10112x64xf32, #tpu.memory_space<vmem_shared>> -> memref<10112x64xf32, #tpu.memory_space<vmem_shared>>
        tpu.enqueue_indirect_dma source(%dma_start3A_1027 : memref<128x64xf32, #tpu.memory_space<vmem>>) target(%dma_start3A_1033 : memref<10112x64xf32, #tpu.memory_space<vmem_shared>>) offsets(%dma_start3A_1030 : memref<128xi32, #tpu.memory_space<vmem>>) semaphore(%run_scoped3A_1023 : memref<!tpu.dma_semaphore, #tpu.memory_space<semaphore_mem>>) {add = true}
        %dma_wait3A_1034 = arith.constant 0 : i32
        %dma_wait3A_1035 = arith.constant 0 : i32
        %dma_wait3A_1036 = tpu.memref_slice %arg11[%run_scoped3A_971, %dma_wait3A_1034, %dma_wait3A_1035] : memref<2x128x64xf32, #tpu.memory_space<vmem>> -> memref<1x128x64xf32, #tpu.memory_space<vmem>>
        %dma_wait3A_1037 = tpu.memref_squeeze %dma_wait3A_1036 : memref<1x128x64xf32, #tpu.memory_space<vmem>> -> memref<128x64xf32, #tpu.memory_space<vmem>>
        %dma_wait3A_1038 = arith.constant 0 : i32
        %dma_wait3A_1039 = tpu.memref_slice %arg10[%rem3A_807, %run_scoped3A_972, %dma_wait3A_1038] : memref<2x8x128xi32, #tpu.memory_space<vmem>> -> memref<1x1x128xi32, #tpu.memory_space<vmem>>
        %dma_wait3A_1040 = tpu.memref_squeeze %dma_wait3A_1039 : memref<1x1x128xi32, #tpu.memory_space<vmem>> -> memref<128xi32, #tpu.memory_space<vmem>>
        %dma_wait3A_1041 = arith.constant 0 : i32
        %dma_wait3A_1042 = arith.constant 0 : i32
        %dma_wait3A_1043 = tpu.memref_slice %arg12[%dma_wait3A_1041, %dma_wait3A_1042] : memref<10112x64xf32, #tpu.memory_space<vmem_shared>> -> memref<10112x64xf32, #tpu.memory_space<vmem_shared>>
        tpu.wait_indirect_dma semaphore(%run_scoped3A_1023 : memref<!tpu.dma_semaphore, #tpu.memory_space<semaphore_mem>>) src(%dma_wait3A_1037 : memref<128x64xf32, #tpu.memory_space<vmem>>) dst(%dma_wait3A_1043 : memref<10112x64xf32, #tpu.memory_space<vmem_shared>>)
        tpu.yield
      }) : () -> ()
      %run_scoped3A_973 = arith.constant 5 : i32
      "tpu.region"() ({
        %run_scoped3A_1023 = tpu.sem_alloc : memref<!tpu.dma_semaphore, #tpu.memory_space<semaphore_mem>>
        %dma_start3A_1024 = arith.constant 0 : i32
        %dma_start3A_1025 = tpu.memref_slice %arg10[%rem3A_807, %run_scoped3A_973, %dma_start3A_1024] : memref<2x8x128xi32, #tpu.memory_space<vmem>> -> memref<1x1x128xi32, #tpu.memory_space<vmem>>
        %dma_start3A_1026 = tpu.memref_squeeze %dma_start3A_1025 : memref<1x1x128xi32, #tpu.memory_space<vmem>> -> memref<128xi32, #tpu.memory_space<vmem>>
        %dma_start3A_1027 = arith.constant 0 : i32
        %dma_start3A_1028 = arith.constant 0 : i32
        %dma_start3A_1029 = tpu.memref_slice %arg17[%dma_start3A_1027, %dma_start3A_1028] : memref<10112x16xf32, #tpu.memory_space<vmem_shared>> -> memref<10112x16xf32, #tpu.memory_space<vmem_shared>>
        tpu.enqueue_indirect_dma source(%arg16 : memref<128x16xf32, #tpu.memory_space<vmem>>) target(%dma_start3A_1029 : memref<10112x16xf32, #tpu.memory_space<vmem_shared>>) offsets(%dma_start3A_1026 : memref<128xi32, #tpu.memory_space<vmem>>) semaphore(%run_scoped3A_1023 : memref<!tpu.dma_semaphore, #tpu.memory_space<semaphore_mem>>) {add = true}
        %dma_wait3A_1030 = arith.constant 0 : i32
        %dma_wait3A_1031 = tpu.memref_slice %arg10[%rem3A_807, %run_scoped3A_973, %dma_wait3A_1030] : memref<2x8x128xi32, #tpu.memory_space<vmem>> -> memref<1x1x128xi32, #tpu.memory_space<vmem>>
        %dma_wait3A_1032 = tpu.memref_squeeze %dma_wait3A_1031 : memref<1x1x128xi32, #tpu.memory_space<vmem>> -> memref<128xi32, #tpu.memory_space<vmem>>
        %dma_wait3A_1033 = arith.constant 0 : i32
        %dma_wait3A_1034 = arith.constant 0 : i32
        %dma_wait3A_1035 = tpu.memref_slice %arg17[%dma_wait3A_1033, %dma_wait3A_1034] : memref<10112x16xf32, #tpu.memory_space<vmem_shared>> -> memref<10112x16xf32, #tpu.memory_space<vmem_shared>>
        tpu.wait_indirect_dma semaphore(%run_scoped3A_1023 : memref<!tpu.dma_semaphore, #tpu.memory_space<semaphore_mem>>) src(%arg16 : memref<128x16xf32, #tpu.memory_space<vmem>>) dst(%dma_wait3A_1035 : memref<10112x16xf32, #tpu.memory_space<vmem_shared>>)
        tpu.yield
      }) : () -> ()
      %dma_start3A_974 = arith.constant 7 : i32
      %dma_start3A_975 = arith.constant 1 : i32
      %dma_start3A_976 = arith.constant 0 : i32
      %dma_start3A_977 = arith.constant 0 : i32
      %dma_start3A_978 = tpu.memref_slice %arg11[%dma_start3A_975, %dma_start3A_976, %dma_start3A_977] : memref<2x128x64xf32, #tpu.memory_space<vmem>> -> memref<1x128x64xf32, #tpu.memory_space<vmem>>
      %dma_start3A_979 = tpu.memref_squeeze %dma_start3A_978 : memref<1x128x64xf32, #tpu.memory_space<vmem>> -> memref<128x64xf32, #tpu.memory_space<vmem>>
      %dma_start3A_980 = arith.constant 0 : i32
      %dma_start3A_981 = tpu.memref_slice %arg9[%rem3A_807, %dma_start3A_974, %dma_start3A_980] : memref<2x8x128xi32, #tpu.memory_space<vmem>> -> memref<1x1x128xi32, #tpu.memory_space<vmem>>
      %dma_start3A_982 = tpu.memref_squeeze %dma_start3A_981 : memref<1x1x128xi32, #tpu.memory_space<vmem>> -> memref<128xi32, #tpu.memory_space<vmem>>
      %dma_start3A_983 = arith.constant 0 : i32
      %dma_start3A_984 = arith.constant 0 : i32
      %dma_start3A_985 = tpu.memref_slice %arg2[%dma_start3A_983, %dma_start3A_984] : memref<10000x64xf32, #tpu.memory_space<hbm>> -> memref<10000x64xf32, #tpu.memory_space<hbm>>
      tpu.enqueue_indirect_dma source(%dma_start3A_985 : memref<10000x64xf32, #tpu.memory_space<hbm>>) target(%dma_start3A_979 : memref<128x64xf32, #tpu.memory_space<vmem>>) offsets(%dma_start3A_982 : memref<128xi32, #tpu.memory_space<vmem>>) semaphore(%arg14 : memref<!tpu.dma_semaphore, #tpu.memory_space<semaphore_mem>>)
      %dma_wait3A_986 = arith.constant 6 : i32
      %dma_wait3A_987 = arith.constant 0 : i32
      %dma_wait3A_988 = arith.constant 0 : i32
      %dma_wait3A_989 = arith.constant 0 : i32
      %dma_wait3A_990 = tpu.memref_slice %arg11[%dma_wait3A_987, %dma_wait3A_988, %dma_wait3A_989] : memref<2x128x64xf32, #tpu.memory_space<vmem>> -> memref<1x128x64xf32, #tpu.memory_space<vmem>>
      %dma_wait3A_991 = tpu.memref_squeeze %dma_wait3A_990 : memref<1x128x64xf32, #tpu.memory_space<vmem>> -> memref<128x64xf32, #tpu.memory_space<vmem>>
      %dma_wait3A_992 = arith.constant 0 : i32
      %dma_wait3A_993 = tpu.memref_slice %arg9[%rem3A_807, %dma_wait3A_986, %dma_wait3A_992] : memref<2x8x128xi32, #tpu.memory_space<vmem>> -> memref<1x1x128xi32, #tpu.memory_space<vmem>>
      %dma_wait3A_994 = tpu.memref_squeeze %dma_wait3A_993 : memref<1x1x128xi32, #tpu.memory_space<vmem>> -> memref<128xi32, #tpu.memory_space<vmem>>
      %dma_wait3A_995 = arith.constant 0 : i32
      %dma_wait3A_996 = arith.constant 0 : i32
      %dma_wait3A_997 = tpu.memref_slice %arg2[%dma_wait3A_995, %dma_wait3A_996] : memref<10000x64xf32, #tpu.memory_space<hbm>> -> memref<10000x64xf32, #tpu.memory_space<hbm>>
      tpu.wait_indirect_dma semaphore(%arg13 : memref<!tpu.dma_semaphore, #tpu.memory_space<semaphore_mem>>) src(%dma_wait3A_997 : memref<10000x64xf32, #tpu.memory_space<hbm>>) dst(%dma_wait3A_991 : memref<128x64xf32, #tpu.memory_space<vmem>>)
      %run_scoped3A_998 = arith.constant 0 : i32
      %run_scoped3A_999 = arith.constant 6 : i32
      "tpu.region"() ({
        %run_scoped3A_1023 = tpu.sem_alloc : memref<!tpu.dma_semaphore, #tpu.memory_space<semaphore_mem>>
        %dma_start3A_1024 = arith.constant 0 : i32
        %dma_start3A_1025 = arith.constant 0 : i32
        %dma_start3A_1026 = tpu.memref_slice %arg11[%run_scoped3A_998, %dma_start3A_1024, %dma_start3A_1025] : memref<2x128x64xf32, #tpu.memory_space<vmem>> -> memref<1x128x64xf32, #tpu.memory_space<vmem>>
        %dma_start3A_1027 = tpu.memref_squeeze %dma_start3A_1026 : memref<1x128x64xf32, #tpu.memory_space<vmem>> -> memref<128x64xf32, #tpu.memory_space<vmem>>
        %dma_start3A_1028 = arith.constant 0 : i32
        %dma_start3A_1029 = tpu.memref_slice %arg10[%rem3A_807, %run_scoped3A_999, %dma_start3A_1028] : memref<2x8x128xi32, #tpu.memory_space<vmem>> -> memref<1x1x128xi32, #tpu.memory_space<vmem>>
        %dma_start3A_1030 = tpu.memref_squeeze %dma_start3A_1029 : memref<1x1x128xi32, #tpu.memory_space<vmem>> -> memref<128xi32, #tpu.memory_space<vmem>>
        %dma_start3A_1031 = arith.constant 0 : i32
        %dma_start3A_1032 = arith.constant 0 : i32
        %dma_start3A_1033 = tpu.memref_slice %arg12[%dma_start3A_1031, %dma_start3A_1032] : memref<10112x64xf32, #tpu.memory_space<vmem_shared>> -> memref<10112x64xf32, #tpu.memory_space<vmem_shared>>
        tpu.enqueue_indirect_dma source(%dma_start3A_1027 : memref<128x64xf32, #tpu.memory_space<vmem>>) target(%dma_start3A_1033 : memref<10112x64xf32, #tpu.memory_space<vmem_shared>>) offsets(%dma_start3A_1030 : memref<128xi32, #tpu.memory_space<vmem>>) semaphore(%run_scoped3A_1023 : memref<!tpu.dma_semaphore, #tpu.memory_space<semaphore_mem>>) {add = true}
        %dma_wait3A_1034 = arith.constant 0 : i32
        %dma_wait3A_1035 = arith.constant 0 : i32
        %dma_wait3A_1036 = tpu.memref_slice %arg11[%run_scoped3A_998, %dma_wait3A_1034, %dma_wait3A_1035] : memref<2x128x64xf32, #tpu.memory_space<vmem>> -> memref<1x128x64xf32, #tpu.memory_space<vmem>>
        %dma_wait3A_1037 = tpu.memref_squeeze %dma_wait3A_1036 : memref<1x128x64xf32, #tpu.memory_space<vmem>> -> memref<128x64xf32, #tpu.memory_space<vmem>>
        %dma_wait3A_1038 = arith.constant 0 : i32
        %dma_wait3A_1039 = tpu.memref_slice %arg10[%rem3A_807, %run_scoped3A_999, %dma_wait3A_1038] : memref<2x8x128xi32, #tpu.memory_space<vmem>> -> memref<1x1x128xi32, #tpu.memory_space<vmem>>
        %dma_wait3A_1040 = tpu.memref_squeeze %dma_wait3A_1039 : memref<1x1x128xi32, #tpu.memory_space<vmem>> -> memref<128xi32, #tpu.memory_space<vmem>>
        %dma_wait3A_1041 = arith.constant 0 : i32
        %dma_wait3A_1042 = arith.constant 0 : i32
        %dma_wait3A_1043 = tpu.memref_slice %arg12[%dma_wait3A_1041, %dma_wait3A_1042] : memref<10112x64xf32, #tpu.memory_space<vmem_shared>> -> memref<10112x64xf32, #tpu.memory_space<vmem_shared>>
        tpu.wait_indirect_dma semaphore(%run_scoped3A_1023 : memref<!tpu.dma_semaphore, #tpu.memory_space<semaphore_mem>>) src(%dma_wait3A_1037 : memref<128x64xf32, #tpu.memory_space<vmem>>) dst(%dma_wait3A_1043 : memref<10112x64xf32, #tpu.memory_space<vmem_shared>>)
        tpu.yield
      }) : () -> ()
      %run_scoped3A_1000 = arith.constant 6 : i32
      "tpu.region"() ({
        %run_scoped3A_1023 = tpu.sem_alloc : memref<!tpu.dma_semaphore, #tpu.memory_space<semaphore_mem>>
        %dma_start3A_1024 = arith.constant 0 : i32
        %dma_start3A_1025 = tpu.memref_slice %arg10[%rem3A_807, %run_scoped3A_1000, %dma_start3A_1024] : memref<2x8x128xi32, #tpu.memory_space<vmem>> -> memref<1x1x128xi32, #tpu.memory_space<vmem>>
        %dma_start3A_1026 = tpu.memref_squeeze %dma_start3A_1025 : memref<1x1x128xi32, #tpu.memory_space<vmem>> -> memref<128xi32, #tpu.memory_space<vmem>>
        %dma_start3A_1027 = arith.constant 0 : i32
        %dma_start3A_1028 = arith.constant 0 : i32
        %dma_start3A_1029 = tpu.memref_slice %arg17[%dma_start3A_1027, %dma_start3A_1028] : memref<10112x16xf32, #tpu.memory_space<vmem_shared>> -> memref<10112x16xf32, #tpu.memory_space<vmem_shared>>
        tpu.enqueue_indirect_dma source(%arg16 : memref<128x16xf32, #tpu.memory_space<vmem>>) target(%dma_start3A_1029 : memref<10112x16xf32, #tpu.memory_space<vmem_shared>>) offsets(%dma_start3A_1026 : memref<128xi32, #tpu.memory_space<vmem>>) semaphore(%run_scoped3A_1023 : memref<!tpu.dma_semaphore, #tpu.memory_space<semaphore_mem>>) {add = true}
        %dma_wait3A_1030 = arith.constant 0 : i32
        %dma_wait3A_1031 = tpu.memref_slice %arg10[%rem3A_807, %run_scoped3A_1000, %dma_wait3A_1030] : memref<2x8x128xi32, #tpu.memory_space<vmem>> -> memref<1x1x128xi32, #tpu.memory_space<vmem>>
        %dma_wait3A_1032 = tpu.memref_squeeze %dma_wait3A_1031 : memref<1x1x128xi32, #tpu.memory_space<vmem>> -> memref<128xi32, #tpu.memory_space<vmem>>
        %dma_wait3A_1033 = arith.constant 0 : i32
        %dma_wait3A_1034 = arith.constant 0 : i32
        %dma_wait3A_1035 = tpu.memref_slice %arg17[%dma_wait3A_1033, %dma_wait3A_1034] : memref<10112x16xf32, #tpu.memory_space<vmem_shared>> -> memref<10112x16xf32, #tpu.memory_space<vmem_shared>>
        tpu.wait_indirect_dma semaphore(%run_scoped3A_1023 : memref<!tpu.dma_semaphore, #tpu.memory_space<semaphore_mem>>) src(%arg16 : memref<128x16xf32, #tpu.memory_space<vmem>>) dst(%dma_wait3A_1035 : memref<10112x16xf32, #tpu.memory_space<vmem_shared>>)
        tpu.yield
      }) : () -> ()
      %add3A_1001 = arith.constant 1 : i32
      %add3A_1002 = arith.addi %scan3A_806, %add3A_1001 : i32
      %lt3A_1003 = arith.constant 10 : i32
      %lt3A_1004 = arith.cmpi slt, %add3A_1002, %lt3A_1003 : i32
      %convert_element_type3A_1005 = arith.extui %lt3A_1004 : i1 to i32
      %cond3A_1006 = arith.constant 0 : i32
      %cond3A_1007 = arith.cmpi ne, %convert_element_type3A_1005, %cond3A_1006 : i32
      scf.if %cond3A_1007 {
        %add3A_1023 = arith.constant 1 : i32
        %add3A_1024 = arith.addi %scan3A_806, %add3A_1023 : i32
        %mul3A_1025 = arith.constant 8 : i32
        %mul3A_1026 = arith.muli %add3A_1024, %mul3A_1025 : i32
        %add3A_1027 = arith.addi %mul3A_778, %mul3A_1026 : i32
        %dma_wait3A_1028 = arith.constant 0 : i32
        %dma_wait3A_1029 = arith.constant 0 : i32
        %dma_wait3A_1030 = tpu.memref_slice %arg9[%sub3A_808, %dma_wait3A_1028, %dma_wait3A_1029] : memref<2x8x128xi32, #tpu.memory_space<vmem>> -> memref<1x8x128xi32, #tpu.memory_space<vmem>>
        %dma_wait3A_1031 = tpu.memref_squeeze %dma_wait3A_1030 : memref<1x8x128xi32, #tpu.memory_space<vmem>> -> memref<8x128xi32, #tpu.memory_space<vmem>>
        %dma_wait3A_1032 = arith.constant 0 : i32
        %dma_wait3A_1033 = tpu.memref_slice %arg3[%add3A_1027, %dma_wait3A_1032] : memref<2560x128xi32, #tpu.memory_space<hbm>> -> memref<8x128xi32, #tpu.memory_space<hbm>>
        %dma_wait3A_1034 = arith.constant 0 : i32
        %dma_wait3A_1035 = arith.constant 0 : i32
        %dma_wait3A_1036 = tpu.memref_slice %arg9[%sub3A_808, %dma_wait3A_1034, %dma_wait3A_1035] : memref<2x8x128xi32, #tpu.memory_space<vmem>> -> memref<1x8x128xi32, #tpu.memory_space<vmem>>
        %dma_wait3A_1037 = tpu.memref_squeeze %dma_wait3A_1036 : memref<1x8x128xi32, #tpu.memory_space<vmem>> -> memref<8x128xi32, #tpu.memory_space<vmem>>
        %dma_wait3A_1038 = arith.constant 0 : i32
        %dma_wait3A_1039 = tpu.memref_slice %arg3[%add3A_1027, %dma_wait3A_1038] : memref<2560x128xi32, #tpu.memory_space<hbm>> -> memref<8x128xi32, #tpu.memory_space<hbm>>
        tpu.wait_dma2 semaphore(%arg15 : memref<!tpu.dma_semaphore, #tpu.memory_space<semaphore_mem>>) src(%dma_wait3A_1039 : memref<8x128xi32, #tpu.memory_space<hbm>>) dst(%dma_wait3A_1037 : memref<8x128xi32, #tpu.memory_space<vmem>>)
        %dma_wait3A_1040 = arith.constant 0 : i32
        %dma_wait3A_1041 = arith.constant 0 : i32
        %dma_wait3A_1042 = tpu.memref_slice %arg10[%sub3A_808, %dma_wait3A_1040, %dma_wait3A_1041] : memref<2x8x128xi32, #tpu.memory_space<vmem>> -> memref<1x8x128xi32, #tpu.memory_space<vmem>>
        %dma_wait3A_1043 = tpu.memref_squeeze %dma_wait3A_1042 : memref<1x8x128xi32, #tpu.memory_space<vmem>> -> memref<8x128xi32, #tpu.memory_space<vmem>>
        %dma_wait3A_1044 = arith.constant 0 : i32
        %dma_wait3A_1045 = tpu.memref_slice %arg4[%add3A_1027, %dma_wait3A_1044] : memref<2560x128xi32, #tpu.memory_space<hbm>> -> memref<8x128xi32, #tpu.memory_space<hbm>>
        %dma_wait3A_1046 = arith.constant 0 : i32
        %dma_wait3A_1047 = arith.constant 0 : i32
        %dma_wait3A_1048 = tpu.memref_slice %arg10[%sub3A_808, %dma_wait3A_1046, %dma_wait3A_1047] : memref<2x8x128xi32, #tpu.memory_space<vmem>> -> memref<1x8x128xi32, #tpu.memory_space<vmem>>
        %dma_wait3A_1049 = tpu.memref_squeeze %dma_wait3A_1048 : memref<1x8x128xi32, #tpu.memory_space<vmem>> -> memref<8x128xi32, #tpu.memory_space<vmem>>
        %dma_wait3A_1050 = arith.constant 0 : i32
        %dma_wait3A_1051 = tpu.memref_slice %arg4[%add3A_1027, %dma_wait3A_1050] : memref<2560x128xi32, #tpu.memory_space<hbm>> -> memref<8x128xi32, #tpu.memory_space<hbm>>
        tpu.wait_dma2 semaphore(%arg15 : memref<!tpu.dma_semaphore, #tpu.memory_space<semaphore_mem>>) src(%dma_wait3A_1051 : memref<8x128xi32, #tpu.memory_space<hbm>>) dst(%dma_wait3A_1049 : memref<8x128xi32, #tpu.memory_space<vmem>>)
        %dma_start3A_1052 = arith.constant 0 : i32
        %dma_start3A_1053 = arith.constant 0 : i32
        %dma_start3A_1054 = arith.constant 0 : i32
        %dma_start3A_1055 = arith.constant 0 : i32
        %dma_start3A_1056 = tpu.memref_slice %arg11[%dma_start3A_1053, %dma_start3A_1054, %dma_start3A_1055] : memref<2x128x64xf32, #tpu.memory_space<vmem>> -> memref<1x128x64xf32, #tpu.memory_space<vmem>>
        %dma_start3A_1057 = tpu.memref_squeeze %dma_start3A_1056 : memref<1x128x64xf32, #tpu.memory_space<vmem>> -> memref<128x64xf32, #tpu.memory_space<vmem>>
        %dma_start3A_1058 = arith.constant 0 : i32
        %dma_start3A_1059 = tpu.memref_slice %arg9[%sub3A_808, %dma_start3A_1052, %dma_start3A_1058] : memref<2x8x128xi32, #tpu.memory_space<vmem>> -> memref<1x1x128xi32, #tpu.memory_space<vmem>>
        %dma_start3A_1060 = tpu.memref_squeeze %dma_start3A_1059 : memref<1x1x128xi32, #tpu.memory_space<vmem>> -> memref<128xi32, #tpu.memory_space<vmem>>
        %dma_start3A_1061 = arith.constant 0 : i32
        %dma_start3A_1062 = arith.constant 0 : i32
        %dma_start3A_1063 = tpu.memref_slice %arg2[%dma_start3A_1061, %dma_start3A_1062] : memref<10000x64xf32, #tpu.memory_space<hbm>> -> memref<10000x64xf32, #tpu.memory_space<hbm>>
        tpu.enqueue_indirect_dma source(%dma_start3A_1063 : memref<10000x64xf32, #tpu.memory_space<hbm>>) target(%dma_start3A_1057 : memref<128x64xf32, #tpu.memory_space<vmem>>) offsets(%dma_start3A_1060 : memref<128xi32, #tpu.memory_space<vmem>>) semaphore(%arg13 : memref<!tpu.dma_semaphore, #tpu.memory_space<semaphore_mem>>)
      } else {
      }
      %dma_wait3A_1008 = arith.constant 7 : i32
      %dma_wait3A_1009 = arith.constant 1 : i32
      %dma_wait3A_1010 = arith.constant 0 : i32
      %dma_wait3A_1011 = arith.constant 0 : i32
      %dma_wait3A_1012 = tpu.memref_slice %arg11[%dma_wait3A_1009, %dma_wait3A_1010, %dma_wait3A_1011] : memref<2x128x64xf32, #tpu.memory_space<vmem>> -> memref<1x128x64xf32, #tpu.memory_space<vmem>>
      %dma_wait3A_1013 = tpu.memref_squeeze %dma_wait3A_1012 : memref<1x128x64xf32, #tpu.memory_space<vmem>> -> memref<128x64xf32, #tpu.memory_space<vmem>>
      %dma_wait3A_1014 = arith.constant 0 : i32
      %dma_wait3A_1015 = tpu.memref_slice %arg9[%rem3A_807, %dma_wait3A_1008, %dma_wait3A_1014] : memref<2x8x128xi32, #tpu.memory_space<vmem>> -> memref<1x1x128xi32, #tpu.memory_space<vmem>>
      %dma_wait3A_1016 = tpu.memref_squeeze %dma_wait3A_1015 : memref<1x1x128xi32, #tpu.memory_space<vmem>> -> memref<128xi32, #tpu.memory_space<vmem>>
      %dma_wait3A_1017 = arith.constant 0 : i32
      %dma_wait3A_1018 = arith.constant 0 : i32
      %dma_wait3A_1019 = tpu.memref_slice %arg2[%dma_wait3A_1017, %dma_wait3A_1018] : memref<10000x64xf32, #tpu.memory_space<hbm>> -> memref<10000x64xf32, #tpu.memory_space<hbm>>
      tpu.wait_indirect_dma semaphore(%arg14 : memref<!tpu.dma_semaphore, #tpu.memory_space<semaphore_mem>>) src(%dma_wait3A_1019 : memref<10000x64xf32, #tpu.memory_space<hbm>>) dst(%dma_wait3A_1013 : memref<128x64xf32, #tpu.memory_space<vmem>>)
      %run_scoped3A_1020 = arith.constant 1 : i32
      %run_scoped3A_1021 = arith.constant 7 : i32
      "tpu.region"() ({
        %run_scoped3A_1023 = tpu.sem_alloc : memref<!tpu.dma_semaphore, #tpu.memory_space<semaphore_mem>>
        %dma_start3A_1024 = arith.constant 0 : i32
        %dma_start3A_1025 = arith.constant 0 : i32
        %dma_start3A_1026 = tpu.memref_slice %arg11[%run_scoped3A_1020, %dma_start3A_1024, %dma_start3A_1025] : memref<2x128x64xf32, #tpu.memory_space<vmem>> -> memref<1x128x64xf32, #tpu.memory_space<vmem>>
        %dma_start3A_1027 = tpu.memref_squeeze %dma_start3A_1026 : memref<1x128x64xf32, #tpu.memory_space<vmem>> -> memref<128x64xf32, #tpu.memory_space<vmem>>
        %dma_start3A_1028 = arith.constant 0 : i32
        %dma_start3A_1029 = tpu.memref_slice %arg10[%rem3A_807, %run_scoped3A_1021, %dma_start3A_1028] : memref<2x8x128xi32, #tpu.memory_space<vmem>> -> memref<1x1x128xi32, #tpu.memory_space<vmem>>
        %dma_start3A_1030 = tpu.memref_squeeze %dma_start3A_1029 : memref<1x1x128xi32, #tpu.memory_space<vmem>> -> memref<128xi32, #tpu.memory_space<vmem>>
        %dma_start3A_1031 = arith.constant 0 : i32
        %dma_start3A_1032 = arith.constant 0 : i32
        %dma_start3A_1033 = tpu.memref_slice %arg12[%dma_start3A_1031, %dma_start3A_1032] : memref<10112x64xf32, #tpu.memory_space<vmem_shared>> -> memref<10112x64xf32, #tpu.memory_space<vmem_shared>>
        tpu.enqueue_indirect_dma source(%dma_start3A_1027 : memref<128x64xf32, #tpu.memory_space<vmem>>) target(%dma_start3A_1033 : memref<10112x64xf32, #tpu.memory_space<vmem_shared>>) offsets(%dma_start3A_1030 : memref<128xi32, #tpu.memory_space<vmem>>) semaphore(%run_scoped3A_1023 : memref<!tpu.dma_semaphore, #tpu.memory_space<semaphore_mem>>) {add = true}
        %dma_wait3A_1034 = arith.constant 0 : i32
        %dma_wait3A_1035 = arith.constant 0 : i32
        %dma_wait3A_1036 = tpu.memref_slice %arg11[%run_scoped3A_1020, %dma_wait3A_1034, %dma_wait3A_1035] : memref<2x128x64xf32, #tpu.memory_space<vmem>> -> memref<1x128x64xf32, #tpu.memory_space<vmem>>
        %dma_wait3A_1037 = tpu.memref_squeeze %dma_wait3A_1036 : memref<1x128x64xf32, #tpu.memory_space<vmem>> -> memref<128x64xf32, #tpu.memory_space<vmem>>
        %dma_wait3A_1038 = arith.constant 0 : i32
        %dma_wait3A_1039 = tpu.memref_slice %arg10[%rem3A_807, %run_scoped3A_1021, %dma_wait3A_1038] : memref<2x8x128xi32, #tpu.memory_space<vmem>> -> memref<1x1x128xi32, #tpu.memory_space<vmem>>
        %dma_wait3A_1040 = tpu.memref_squeeze %dma_wait3A_1039 : memref<1x1x128xi32, #tpu.memory_space<vmem>> -> memref<128xi32, #tpu.memory_space<vmem>>
        %dma_wait3A_1041 = arith.constant 0 : i32
        %dma_wait3A_1042 = arith.constant 0 : i32
        %dma_wait3A_1043 = tpu.memref_slice %arg12[%dma_wait3A_1041, %dma_wait3A_1042] : memref<10112x64xf32, #tpu.memory_space<vmem_shared>> -> memref<10112x64xf32, #tpu.memory_space<vmem_shared>>
        tpu.wait_indirect_dma semaphore(%run_scoped3A_1023 : memref<!tpu.dma_semaphore, #tpu.memory_space<semaphore_mem>>) src(%dma_wait3A_1037 : memref<128x64xf32, #tpu.memory_space<vmem>>) dst(%dma_wait3A_1043 : memref<10112x64xf32, #tpu.memory_space<vmem_shared>>)
        tpu.yield
      }) : () -> ()
      %run_scoped3A_1022 = arith.constant 7 : i32
      "tpu.region"() ({
        %run_scoped3A_1023 = tpu.sem_alloc : memref<!tpu.dma_semaphore, #tpu.memory_space<semaphore_mem>>
        %dma_start3A_1024 = arith.constant 0 : i32
        %dma_start3A_1025 = tpu.memref_slice %arg10[%rem3A_807, %run_scoped3A_1022, %dma_start3A_1024] : memref<2x8x128xi32, #tpu.memory_space<vmem>> -> memref<1x1x128xi32, #tpu.memory_space<vmem>>
        %dma_start3A_1026 = tpu.memref_squeeze %dma_start3A_1025 : memref<1x1x128xi32, #tpu.memory_space<vmem>> -> memref<128xi32, #tpu.memory_space<vmem>>
        %dma_start3A_1027 = arith.constant 0 : i32
        %dma_start3A_1028 = arith.constant 0 : i32
        %dma_start3A_1029 = tpu.memref_slice %arg17[%dma_start3A_1027, %dma_start3A_1028] : memref<10112x16xf32, #tpu.memory_space<vmem_shared>> -> memref<10112x16xf32, #tpu.memory_space<vmem_shared>>
        tpu.enqueue_indirect_dma source(%arg16 : memref<128x16xf32, #tpu.memory_space<vmem>>) target(%dma_start3A_1029 : memref<10112x16xf32, #tpu.memory_space<vmem_shared>>) offsets(%dma_start3A_1026 : memref<128xi32, #tpu.memory_space<vmem>>) semaphore(%run_scoped3A_1023 : memref<!tpu.dma_semaphore, #tpu.memory_space<semaphore_mem>>) {add = true}
        %dma_wait3A_1030 = arith.constant 0 : i32
        %dma_wait3A_1031 = tpu.memref_slice %arg10[%rem3A_807, %run_scoped3A_1022, %dma_wait3A_1030] : memref<2x8x128xi32, #tpu.memory_space<vmem>> -> memref<1x1x128xi32, #tpu.memory_space<vmem>>
        %dma_wait3A_1032 = tpu.memref_squeeze %dma_wait3A_1031 : memref<1x1x128xi32, #tpu.memory_space<vmem>> -> memref<128xi32, #tpu.memory_space<vmem>>
        %dma_wait3A_1033 = arith.constant 0 : i32
        %dma_wait3A_1034 = arith.constant 0 : i32
        %dma_wait3A_1035 = tpu.memref_slice %arg17[%dma_wait3A_1033, %dma_wait3A_1034] : memref<10112x16xf32, #tpu.memory_space<vmem_shared>> -> memref<10112x16xf32, #tpu.memory_space<vmem_shared>>
        tpu.wait_indirect_dma semaphore(%run_scoped3A_1023 : memref<!tpu.dma_semaphore, #tpu.memory_space<semaphore_mem>>) src(%arg16 : memref<128x16xf32, #tpu.memory_space<vmem>>) dst(%dma_wait3A_1035 : memref<10112x16xf32, #tpu.memory_space<vmem_shared>>)
        tpu.yield
      }) : () -> ()
    }
    %scan3A_796 = arith.constant 10 : i32
    %barrier3A_797 = arith.constant 0 : index
    tpu.barrier barrier_id(%barrier3A_797)
    %mul3A_798 = arith.constant 632 : i32
    %mul3A_799 = arith.muli %arg1, %mul3A_798 : i32
    %mul3A_800 = arith.constant 632 : i32
    %mul3A_801 = arith.muli %arg1, %mul3A_800 : i32
    "tpu.region"() ({
      %run_scoped3A_806 = tpu.sem_alloc : memref<!tpu.dma_semaphore, #tpu.memory_space<semaphore_mem>>
      %dma_start3A_807 = arith.constant 0 : i32
      %dma_start3A_808 = tpu.memref_slice %arg7[%arg0, %mul3A_801, %dma_start3A_807] : memref<2x10112x64xf32, #tpu.memory_space<hbm>> -> memref<1x632x64xf32, #tpu.memory_space<hbm>>
      %dma_start3A_809 = tpu.memref_squeeze %dma_start3A_808 : memref<1x632x64xf32, #tpu.memory_space<hbm>> -> memref<632x64xf32, #tpu.memory_space<hbm>>
      %dma_start3A_810 = arith.constant 0 : i32
      %dma_start3A_811 = tpu.memref_slice %arg12[%mul3A_799, %dma_start3A_810] : memref<10112x64xf32, #tpu.memory_space<vmem_shared>> -> memref<632x64xf32, #tpu.memory_space<vmem_shared>>
      tpu.enqueue_dma source(%dma_start3A_811 : memref<632x64xf32, #tpu.memory_space<vmem_shared>>) target(%dma_start3A_809 : memref<632x64xf32, #tpu.memory_space<hbm>>) target_semaphore(%run_scoped3A_806 : memref<!tpu.dma_semaphore, #tpu.memory_space<semaphore_mem>>)
      %dma_wait3A = arith.constant 0 : i32
      %dma_wait3A_812 = tpu.memref_slice %arg7[%arg0, %mul3A_801, %dma_wait3A] : memref<2x10112x64xf32, #tpu.memory_space<hbm>> -> memref<1x632x64xf32, #tpu.memory_space<hbm>>
      %dma_wait3A_813 = tpu.memref_squeeze %dma_wait3A_812 : memref<1x632x64xf32, #tpu.memory_space<hbm>> -> memref<632x64xf32, #tpu.memory_space<hbm>>
      %dma_wait3A_814 = arith.constant 0 : i32
      %dma_wait3A_815 = tpu.memref_slice %arg12[%mul3A_799, %dma_wait3A_814] : memref<10112x64xf32, #tpu.memory_space<vmem_shared>> -> memref<632x64xf32, #tpu.memory_space<vmem_shared>>
      tpu.wait_dma2 semaphore(%run_scoped3A_806 : memref<!tpu.dma_semaphore, #tpu.memory_space<semaphore_mem>>) src(%dma_wait3A_815 : memref<632x64xf32, #tpu.memory_space<vmem_shared>>) dst(%dma_wait3A_813 : memref<632x64xf32, #tpu.memory_space<hbm>>)
      tpu.yield
    }) : () -> ()
    %mul3A_802 = arith.constant 632 : i32
    %mul3A_803 = arith.muli %arg1, %mul3A_802 : i32
    %mul3A_804 = arith.constant 632 : i32
    %mul3A_805 = arith.muli %arg1, %mul3A_804 : i32
    "tpu.region"() ({
      %run_scoped3A_806 = tpu.sem_alloc : memref<!tpu.dma_semaphore, #tpu.memory_space<semaphore_mem>>
      %dma_start3A_807 = arith.constant 0 : i32
      %dma_start3A_808 = tpu.memref_slice %arg8[%arg0, %mul3A_805, %dma_start3A_807] : memref<2x10112x16xf32, #tpu.memory_space<hbm>> -> memref<1x632x16xf32, #tpu.memory_space<hbm>>
      %dma_start3A_809 = tpu.memref_squeeze %dma_start3A_808 : memref<1x632x16xf32, #tpu.memory_space<hbm>> -> memref<632x16xf32, #tpu.memory_space<hbm>>
      %dma_start3A_810 = arith.constant 0 : i32
      %dma_start3A_811 = tpu.memref_slice %arg17[%mul3A_803, %dma_start3A_810] : memref<10112x16xf32, #tpu.memory_space<vmem_shared>> -> memref<632x16xf32, #tpu.memory_space<vmem_shared>>
      tpu.enqueue_dma source(%dma_start3A_811 : memref<632x16xf32, #tpu.memory_space<vmem_shared>>) target(%dma_start3A_809 : memref<632x16xf32, #tpu.memory_space<hbm>>) target_semaphore(%run_scoped3A_806 : memref<!tpu.dma_semaphore, #tpu.memory_space<semaphore_mem>>)
      %dma_wait3A = arith.constant 0 : i32
      %dma_wait3A_812 = tpu.memref_slice %arg8[%arg0, %mul3A_805, %dma_wait3A] : memref<2x10112x16xf32, #tpu.memory_space<hbm>> -> memref<1x632x16xf32, #tpu.memory_space<hbm>>
      %dma_wait3A_813 = tpu.memref_squeeze %dma_wait3A_812 : memref<1x632x16xf32, #tpu.memory_space<hbm>> -> memref<632x16xf32, #tpu.memory_space<hbm>>
      %dma_wait3A_814 = arith.constant 0 : i32
      %dma_wait3A_815 = tpu.memref_slice %arg17[%mul3A_803, %dma_wait3A_814] : memref<10112x16xf32, #tpu.memory_space<vmem_shared>> -> memref<632x16xf32, #tpu.memory_space<vmem_shared>>
      tpu.wait_dma2 semaphore(%run_scoped3A_806 : memref<!tpu.dma_semaphore, #tpu.memory_space<semaphore_mem>>) src(%dma_wait3A_815 : memref<632x16xf32, #tpu.memory_space<vmem_shared>>) dst(%dma_wait3A_813 : memref<632x16xf32, #tpu.memory_space<hbm>>)
      tpu.yield
    }) : () -> ()
    return
  }
}

#map = affine_map<(d0, d1) -> (0, 0)>
#map1 = affine_map<(d0, d1) -> (0, 0, 0)>
module attributes {stable_mosaic.version = 14 : i64} {
  func.func @body(%arg0: i32, %arg1: i32, %arg2: memref<10000x32xf32, #tpu.memory_space<hbm>>, %arg3: memref<2560x128xi32, #tpu.memory_space<hbm>>, %arg4: memref<2560x128xi32, #tpu.memory_space<hbm>>, %arg5: memref<10112x32xf32, #tpu.memory_space<hbm>>, %arg6: memref<2x10112x32xf32, #tpu.memory_space<hbm>>, %arg7: memref<2x8x128xi32, #tpu.memory_space<vmem>>, %arg8: memref<2x8x128xi32, #tpu.memory_space<vmem>>, %arg9: memref<2x128x32xf32, #tpu.memory_space<vmem>>, %arg10: memref<10112x32xf32, #tpu.memory_space<vmem_shared>>, %arg11: memref<!tpu.dma_semaphore, #tpu.memory_space<semaphore_mem>>, %arg12: memref<!tpu.dma_semaphore, #tpu.memory_space<semaphore_mem>>, %arg13: memref<!tpu.dma_semaphore, #tpu.memory_space<semaphore_mem>>) attributes {dimension_semantics = [#tpu.dimension_semantics<core_parallel>, #tpu.dimension_semantics<subcore_parallel>], iteration_bounds = array<i64: 2, 16>, scalar_prefetch = 0 : i64, scratch_operands = 7 : i64, tpu.core_type = #tpu.core_type<sc_vector_subcore>, window_params = [{transform_indices = #map}, {transform_indices = #map}, {transform_indices = #map}, {transform_indices = #map}, {transform_indices = #map1}]} {
    %mul3A = arith.constant 16 : i32
    %mul3A_0 = arith.muli %arg0, %mul3A : i32
    %add3A = arith.addi %mul3A_0, %arg1 : i32
    %mul3A_1 = arith.constant 632 : i32
    %mul3A_2 = arith.muli %arg1, %mul3A_1 : i32
    %mul3A_3 = arith.constant 632 : i32
    %mul3A_4 = arith.muli %arg1, %mul3A_3 : i32
    "tpu.region"() ({
      %run_scoped3A_30 = tpu.sem_alloc : memref<!tpu.dma_semaphore, #tpu.memory_space<semaphore_mem>>
      %dma_start3A_31 = arith.constant 0 : i32
      %dma_start3A_32 = tpu.memref_slice %arg10[%mul3A_4, %dma_start3A_31] : memref<10112x32xf32, #tpu.memory_space<vmem_shared>> -> memref<632x32xf32, #tpu.memory_space<vmem_shared>>
      %dma_start3A_33 = arith.constant 0 : i32
      %dma_start3A_34 = tpu.memref_slice %arg5[%mul3A_2, %dma_start3A_33] : memref<10112x32xf32, #tpu.memory_space<hbm>> -> memref<632x32xf32, #tpu.memory_space<hbm>>
      tpu.enqueue_dma source(%dma_start3A_34 : memref<632x32xf32, #tpu.memory_space<hbm>>) target(%dma_start3A_32 : memref<632x32xf32, #tpu.memory_space<vmem_shared>>) target_semaphore(%run_scoped3A_30 : memref<!tpu.dma_semaphore, #tpu.memory_space<semaphore_mem>>)
      %dma_wait3A = arith.constant 0 : i32
      %dma_wait3A_35 = tpu.memref_slice %arg10[%mul3A_4, %dma_wait3A] : memref<10112x32xf32, #tpu.memory_space<vmem_shared>> -> memref<632x32xf32, #tpu.memory_space<vmem_shared>>
      %dma_wait3A_36 = arith.constant 0 : i32
      %dma_wait3A_37 = tpu.memref_slice %arg5[%mul3A_2, %dma_wait3A_36] : memref<10112x32xf32, #tpu.memory_space<hbm>> -> memref<632x32xf32, #tpu.memory_space<hbm>>
      tpu.wait_dma2 semaphore(%run_scoped3A_30 : memref<!tpu.dma_semaphore, #tpu.memory_space<semaphore_mem>>) src(%dma_wait3A_37 : memref<632x32xf32, #tpu.memory_space<hbm>>) dst(%dma_wait3A_35 : memref<632x32xf32, #tpu.memory_space<vmem_shared>>)
      tpu.yield
    }) : () -> ()
    %barrier3A = arith.constant 0 : index
    tpu.barrier barrier_id(%barrier3A)
    %mul3A_5 = arith.constant 80 : i32
    %mul3A_6 = arith.muli %add3A, %mul3A_5 : i32
    %run_scoped3A = arith.constant 0 : i32
    "tpu.region"() ({
      %run_scoped3A_30 = tpu.sem_alloc : memref<!tpu.dma_semaphore, #tpu.memory_space<semaphore_mem>>
      %dma_start3A_31 = arith.constant 0 : i32
      %dma_start3A_32 = arith.constant 0 : i32
      %dma_start3A_33 = tpu.memref_slice %arg7[%run_scoped3A, %dma_start3A_31, %dma_start3A_32] : memref<2x8x128xi32, #tpu.memory_space<vmem>> -> memref<1x8x128xi32, #tpu.memory_space<vmem>>
      %dma_start3A_34 = tpu.memref_squeeze %dma_start3A_33 : memref<1x8x128xi32, #tpu.memory_space<vmem>> -> memref<8x128xi32, #tpu.memory_space<vmem>>
      %dma_start3A_35 = arith.constant 0 : i32
      %dma_start3A_36 = tpu.memref_slice %arg3[%mul3A_6, %dma_start3A_35] : memref<2560x128xi32, #tpu.memory_space<hbm>> -> memref<8x128xi32, #tpu.memory_space<hbm>>
      %dma_start3A_37 = arith.constant 0 : i32
      %dma_start3A_38 = arith.constant 0 : i32
      %dma_start3A_39 = tpu.memref_slice %arg7[%run_scoped3A, %dma_start3A_37, %dma_start3A_38] : memref<2x8x128xi32, #tpu.memory_space<vmem>> -> memref<1x8x128xi32, #tpu.memory_space<vmem>>
      %dma_start3A_40 = tpu.memref_squeeze %dma_start3A_39 : memref<1x8x128xi32, #tpu.memory_space<vmem>> -> memref<8x128xi32, #tpu.memory_space<vmem>>
      %dma_start3A_41 = arith.constant 0 : i32
      %dma_start3A_42 = tpu.memref_slice %arg3[%mul3A_6, %dma_start3A_41] : memref<2560x128xi32, #tpu.memory_space<hbm>> -> memref<8x128xi32, #tpu.memory_space<hbm>>
      tpu.enqueue_dma source(%dma_start3A_42 : memref<8x128xi32, #tpu.memory_space<hbm>>) target(%dma_start3A_40 : memref<8x128xi32, #tpu.memory_space<vmem>>) target_semaphore(%run_scoped3A_30 : memref<!tpu.dma_semaphore, #tpu.memory_space<semaphore_mem>>)
      %dma_wait3A = arith.constant 0 : i32
      %dma_wait3A_43 = arith.constant 0 : i32
      %dma_wait3A_44 = tpu.memref_slice %arg7[%run_scoped3A, %dma_wait3A, %dma_wait3A_43] : memref<2x8x128xi32, #tpu.memory_space<vmem>> -> memref<1x8x128xi32, #tpu.memory_space<vmem>>
      %dma_wait3A_45 = tpu.memref_squeeze %dma_wait3A_44 : memref<1x8x128xi32, #tpu.memory_space<vmem>> -> memref<8x128xi32, #tpu.memory_space<vmem>>
      %dma_wait3A_46 = arith.constant 0 : i32
      %dma_wait3A_47 = tpu.memref_slice %arg3[%mul3A_6, %dma_wait3A_46] : memref<2560x128xi32, #tpu.memory_space<hbm>> -> memref<8x128xi32, #tpu.memory_space<hbm>>
      %dma_wait3A_48 = arith.constant 0 : i32
      %dma_wait3A_49 = arith.constant 0 : i32
      %dma_wait3A_50 = tpu.memref_slice %arg7[%run_scoped3A, %dma_wait3A_48, %dma_wait3A_49] : memref<2x8x128xi32, #tpu.memory_space<vmem>> -> memref<1x8x128xi32, #tpu.memory_space<vmem>>
      %dma_wait3A_51 = tpu.memref_squeeze %dma_wait3A_50 : memref<1x8x128xi32, #tpu.memory_space<vmem>> -> memref<8x128xi32, #tpu.memory_space<vmem>>
      %dma_wait3A_52 = arith.constant 0 : i32
      %dma_wait3A_53 = tpu.memref_slice %arg3[%mul3A_6, %dma_wait3A_52] : memref<2560x128xi32, #tpu.memory_space<hbm>> -> memref<8x128xi32, #tpu.memory_space<hbm>>
      tpu.wait_dma2 semaphore(%run_scoped3A_30 : memref<!tpu.dma_semaphore, #tpu.memory_space<semaphore_mem>>) src(%dma_wait3A_53 : memref<8x128xi32, #tpu.memory_space<hbm>>) dst(%dma_wait3A_51 : memref<8x128xi32, #tpu.memory_space<vmem>>)
      tpu.yield
    }) : () -> ()
    %run_scoped3A_7 = arith.constant 0 : i32
    "tpu.region"() ({
      %run_scoped3A_30 = tpu.sem_alloc : memref<!tpu.dma_semaphore, #tpu.memory_space<semaphore_mem>>
      %dma_start3A_31 = arith.constant 0 : i32
      %dma_start3A_32 = arith.constant 0 : i32
      %dma_start3A_33 = tpu.memref_slice %arg8[%run_scoped3A_7, %dma_start3A_31, %dma_start3A_32] : memref<2x8x128xi32, #tpu.memory_space<vmem>> -> memref<1x8x128xi32, #tpu.memory_space<vmem>>
      %dma_start3A_34 = tpu.memref_squeeze %dma_start3A_33 : memref<1x8x128xi32, #tpu.memory_space<vmem>> -> memref<8x128xi32, #tpu.memory_space<vmem>>
      %dma_start3A_35 = arith.constant 0 : i32
      %dma_start3A_36 = tpu.memref_slice %arg4[%mul3A_6, %dma_start3A_35] : memref<2560x128xi32, #tpu.memory_space<hbm>> -> memref<8x128xi32, #tpu.memory_space<hbm>>
      %dma_start3A_37 = arith.constant 0 : i32
      %dma_start3A_38 = arith.constant 0 : i32
      %dma_start3A_39 = tpu.memref_slice %arg8[%run_scoped3A_7, %dma_start3A_37, %dma_start3A_38] : memref<2x8x128xi32, #tpu.memory_space<vmem>> -> memref<1x8x128xi32, #tpu.memory_space<vmem>>
      %dma_start3A_40 = tpu.memref_squeeze %dma_start3A_39 : memref<1x8x128xi32, #tpu.memory_space<vmem>> -> memref<8x128xi32, #tpu.memory_space<vmem>>
      %dma_start3A_41 = arith.constant 0 : i32
      %dma_start3A_42 = tpu.memref_slice %arg4[%mul3A_6, %dma_start3A_41] : memref<2560x128xi32, #tpu.memory_space<hbm>> -> memref<8x128xi32, #tpu.memory_space<hbm>>
      tpu.enqueue_dma source(%dma_start3A_42 : memref<8x128xi32, #tpu.memory_space<hbm>>) target(%dma_start3A_40 : memref<8x128xi32, #tpu.memory_space<vmem>>) target_semaphore(%run_scoped3A_30 : memref<!tpu.dma_semaphore, #tpu.memory_space<semaphore_mem>>)
      %dma_wait3A = arith.constant 0 : i32
      %dma_wait3A_43 = arith.constant 0 : i32
      %dma_wait3A_44 = tpu.memref_slice %arg8[%run_scoped3A_7, %dma_wait3A, %dma_wait3A_43] : memref<2x8x128xi32, #tpu.memory_space<vmem>> -> memref<1x8x128xi32, #tpu.memory_space<vmem>>
      %dma_wait3A_45 = tpu.memref_squeeze %dma_wait3A_44 : memref<1x8x128xi32, #tpu.memory_space<vmem>> -> memref<8x128xi32, #tpu.memory_space<vmem>>
      %dma_wait3A_46 = arith.constant 0 : i32
      %dma_wait3A_47 = tpu.memref_slice %arg4[%mul3A_6, %dma_wait3A_46] : memref<2560x128xi32, #tpu.memory_space<hbm>> -> memref<8x128xi32, #tpu.memory_space<hbm>>
      %dma_wait3A_48 = arith.constant 0 : i32
      %dma_wait3A_49 = arith.constant 0 : i32
      %dma_wait3A_50 = tpu.memref_slice %arg8[%run_scoped3A_7, %dma_wait3A_48, %dma_wait3A_49] : memref<2x8x128xi32, #tpu.memory_space<vmem>> -> memref<1x8x128xi32, #tpu.memory_space<vmem>>
      %dma_wait3A_51 = tpu.memref_squeeze %dma_wait3A_50 : memref<1x8x128xi32, #tpu.memory_space<vmem>> -> memref<8x128xi32, #tpu.memory_space<vmem>>
      %dma_wait3A_52 = arith.constant 0 : i32
      %dma_wait3A_53 = tpu.memref_slice %arg4[%mul3A_6, %dma_wait3A_52] : memref<2560x128xi32, #tpu.memory_space<hbm>> -> memref<8x128xi32, #tpu.memory_space<hbm>>
      tpu.wait_dma2 semaphore(%run_scoped3A_30 : memref<!tpu.dma_semaphore, #tpu.memory_space<semaphore_mem>>) src(%dma_wait3A_53 : memref<8x128xi32, #tpu.memory_space<hbm>>) dst(%dma_wait3A_51 : memref<8x128xi32, #tpu.memory_space<vmem>>)
      tpu.yield
    }) : () -> ()
    %dma_start3A = arith.constant 0 : i32
    %dma_start3A_8 = arith.constant 0 : i32
    %dma_start3A_9 = arith.constant 0 : i32
    %dma_start3A_10 = arith.constant 0 : i32
    %dma_start3A_11 = arith.constant 0 : i32
    %dma_start3A_12 = tpu.memref_slice %arg9[%dma_start3A_9, %dma_start3A_10, %dma_start3A_11] : memref<2x128x32xf32, #tpu.memory_space<vmem>> -> memref<1x128x32xf32, #tpu.memory_space<vmem>>
    %dma_start3A_13 = tpu.memref_squeeze %dma_start3A_12 : memref<1x128x32xf32, #tpu.memory_space<vmem>> -> memref<128x32xf32, #tpu.memory_space<vmem>>
    %dma_start3A_14 = arith.constant 0 : i32
    %dma_start3A_15 = tpu.memref_slice %arg7[%dma_start3A, %dma_start3A_8, %dma_start3A_14] : memref<2x8x128xi32, #tpu.memory_space<vmem>> -> memref<1x1x128xi32, #tpu.memory_space<vmem>>
    %dma_start3A_16 = tpu.memref_squeeze %dma_start3A_15 : memref<1x1x128xi32, #tpu.memory_space<vmem>> -> memref<128xi32, #tpu.memory_space<vmem>>
    %dma_start3A_17 = arith.constant 0 : i32
    %dma_start3A_18 = arith.constant 0 : i32
    %dma_start3A_19 = tpu.memref_slice %arg2[%dma_start3A_17, %dma_start3A_18] : memref<10000x32xf32, #tpu.memory_space<hbm>> -> memref<10000x32xf32, #tpu.memory_space<hbm>>
    tpu.enqueue_indirect_dma source(%dma_start3A_19 : memref<10000x32xf32, #tpu.memory_space<hbm>>) target(%dma_start3A_13 : memref<128x32xf32, #tpu.memory_space<vmem>>) offsets(%dma_start3A_16 : memref<128xi32, #tpu.memory_space<vmem>>) semaphore(%arg11 : memref<!tpu.dma_semaphore, #tpu.memory_space<semaphore_mem>>)
    %scan3A = arith.constant 0 : i32
    %scan3A_20 = arith.constant 0 : i32
    %scan3A_21 = arith.constant 10 : i32
    %scan3A_22 = arith.addi %scan3A_20, %scan3A_21 : i32
    %scan3A_23 = arith.constant 1 : i32
    scf.for %scan3A_30 = %scan3A_20 to %scan3A_22 step %scan3A_23  : i32 {
      %rem3A = arith.constant 2 : i32
      %rem3A_31 = arith.remsi %scan3A_30, %rem3A : i32
      %sub3A = arith.constant 1 : i32
      %sub3A_32 = arith.subi %sub3A, %rem3A_31 : i32
      %add3A_33 = arith.constant 1 : i32
      %add3A_34 = arith.addi %scan3A_30, %add3A_33 : i32
      %lt3A = arith.constant 10 : i32
      %lt3A_35 = arith.cmpi slt, %add3A_34, %lt3A : i32
      %convert_element_type3A = arith.extui %lt3A_35 : i1 to i32
      %cond3A = arith.constant 0 : i32
      %cond3A_36 = arith.cmpi ne, %convert_element_type3A, %cond3A : i32
      scf.if %cond3A_36 {
        %add3A_239 = arith.constant 1 : i32
        %add3A_240 = arith.addi %scan3A_30, %add3A_239 : i32
        %mul3A_241 = arith.constant 8 : i32
        %mul3A_242 = arith.muli %add3A_240, %mul3A_241 : i32
        %add3A_243 = arith.addi %mul3A_6, %mul3A_242 : i32
        %dma_start3A_244 = arith.constant 0 : i32
        %dma_start3A_245 = arith.constant 0 : i32
        %dma_start3A_246 = tpu.memref_slice %arg7[%sub3A_32, %dma_start3A_244, %dma_start3A_245] : memref<2x8x128xi32, #tpu.memory_space<vmem>> -> memref<1x8x128xi32, #tpu.memory_space<vmem>>
        %dma_start3A_247 = tpu.memref_squeeze %dma_start3A_246 : memref<1x8x128xi32, #tpu.memory_space<vmem>> -> memref<8x128xi32, #tpu.memory_space<vmem>>
        %dma_start3A_248 = arith.constant 0 : i32
        %dma_start3A_249 = tpu.memref_slice %arg3[%add3A_243, %dma_start3A_248] : memref<2560x128xi32, #tpu.memory_space<hbm>> -> memref<8x128xi32, #tpu.memory_space<hbm>>
        %dma_start3A_250 = arith.constant 0 : i32
        %dma_start3A_251 = arith.constant 0 : i32
        %dma_start3A_252 = tpu.memref_slice %arg7[%sub3A_32, %dma_start3A_250, %dma_start3A_251] : memref<2x8x128xi32, #tpu.memory_space<vmem>> -> memref<1x8x128xi32, #tpu.memory_space<vmem>>
        %dma_start3A_253 = tpu.memref_squeeze %dma_start3A_252 : memref<1x8x128xi32, #tpu.memory_space<vmem>> -> memref<8x128xi32, #tpu.memory_space<vmem>>
        %dma_start3A_254 = arith.constant 0 : i32
        %dma_start3A_255 = tpu.memref_slice %arg3[%add3A_243, %dma_start3A_254] : memref<2560x128xi32, #tpu.memory_space<hbm>> -> memref<8x128xi32, #tpu.memory_space<hbm>>
        tpu.enqueue_dma source(%dma_start3A_255 : memref<8x128xi32, #tpu.memory_space<hbm>>) target(%dma_start3A_253 : memref<8x128xi32, #tpu.memory_space<vmem>>) target_semaphore(%arg13 : memref<!tpu.dma_semaphore, #tpu.memory_space<semaphore_mem>>)
        %dma_start3A_256 = arith.constant 0 : i32
        %dma_start3A_257 = arith.constant 0 : i32
        %dma_start3A_258 = tpu.memref_slice %arg8[%sub3A_32, %dma_start3A_256, %dma_start3A_257] : memref<2x8x128xi32, #tpu.memory_space<vmem>> -> memref<1x8x128xi32, #tpu.memory_space<vmem>>
        %dma_start3A_259 = tpu.memref_squeeze %dma_start3A_258 : memref<1x8x128xi32, #tpu.memory_space<vmem>> -> memref<8x128xi32, #tpu.memory_space<vmem>>
        %dma_start3A_260 = arith.constant 0 : i32
        %dma_start3A_261 = tpu.memref_slice %arg4[%add3A_243, %dma_start3A_260] : memref<2560x128xi32, #tpu.memory_space<hbm>> -> memref<8x128xi32, #tpu.memory_space<hbm>>
        %dma_start3A_262 = arith.constant 0 : i32
        %dma_start3A_263 = arith.constant 0 : i32
        %dma_start3A_264 = tpu.memref_slice %arg8[%sub3A_32, %dma_start3A_262, %dma_start3A_263] : memref<2x8x128xi32, #tpu.memory_space<vmem>> -> memref<1x8x128xi32, #tpu.memory_space<vmem>>
        %dma_start3A_265 = tpu.memref_squeeze %dma_start3A_264 : memref<1x8x128xi32, #tpu.memory_space<vmem>> -> memref<8x128xi32, #tpu.memory_space<vmem>>
        %dma_start3A_266 = arith.constant 0 : i32
        %dma_start3A_267 = tpu.memref_slice %arg4[%add3A_243, %dma_start3A_266] : memref<2560x128xi32, #tpu.memory_space<hbm>> -> memref<8x128xi32, #tpu.memory_space<hbm>>
        tpu.enqueue_dma source(%dma_start3A_267 : memref<8x128xi32, #tpu.memory_space<hbm>>) target(%dma_start3A_265 : memref<8x128xi32, #tpu.memory_space<vmem>>) target_semaphore(%arg13 : memref<!tpu.dma_semaphore, #tpu.memory_space<semaphore_mem>>)
      } else {
      }
      %dma_start3A_37 = arith.constant 1 : i32
      %dma_start3A_38 = arith.constant 1 : i32
      %dma_start3A_39 = arith.constant 0 : i32
      %dma_start3A_40 = arith.constant 0 : i32
      %dma_start3A_41 = tpu.memref_slice %arg9[%dma_start3A_38, %dma_start3A_39, %dma_start3A_40] : memref<2x128x32xf32, #tpu.memory_space<vmem>> -> memref<1x128x32xf32, #tpu.memory_space<vmem>>
      %dma_start3A_42 = tpu.memref_squeeze %dma_start3A_41 : memref<1x128x32xf32, #tpu.memory_space<vmem>> -> memref<128x32xf32, #tpu.memory_space<vmem>>
      %dma_start3A_43 = arith.constant 0 : i32
      %dma_start3A_44 = tpu.memref_slice %arg7[%rem3A_31, %dma_start3A_37, %dma_start3A_43] : memref<2x8x128xi32, #tpu.memory_space<vmem>> -> memref<1x1x128xi32, #tpu.memory_space<vmem>>
      %dma_start3A_45 = tpu.memref_squeeze %dma_start3A_44 : memref<1x1x128xi32, #tpu.memory_space<vmem>> -> memref<128xi32, #tpu.memory_space<vmem>>
      %dma_start3A_46 = arith.constant 0 : i32
      %dma_start3A_47 = arith.constant 0 : i32
      %dma_start3A_48 = tpu.memref_slice %arg2[%dma_start3A_46, %dma_start3A_47] : memref<10000x32xf32, #tpu.memory_space<hbm>> -> memref<10000x32xf32, #tpu.memory_space<hbm>>
      tpu.enqueue_indirect_dma source(%dma_start3A_48 : memref<10000x32xf32, #tpu.memory_space<hbm>>) target(%dma_start3A_42 : memref<128x32xf32, #tpu.memory_space<vmem>>) offsets(%dma_start3A_45 : memref<128xi32, #tpu.memory_space<vmem>>) semaphore(%arg12 : memref<!tpu.dma_semaphore, #tpu.memory_space<semaphore_mem>>)
      %dma_wait3A = arith.constant 0 : i32
      %dma_wait3A_49 = arith.constant 0 : i32
      %dma_wait3A_50 = arith.constant 0 : i32
      %dma_wait3A_51 = arith.constant 0 : i32
      %dma_wait3A_52 = tpu.memref_slice %arg9[%dma_wait3A_49, %dma_wait3A_50, %dma_wait3A_51] : memref<2x128x32xf32, #tpu.memory_space<vmem>> -> memref<1x128x32xf32, #tpu.memory_space<vmem>>
      %dma_wait3A_53 = tpu.memref_squeeze %dma_wait3A_52 : memref<1x128x32xf32, #tpu.memory_space<vmem>> -> memref<128x32xf32, #tpu.memory_space<vmem>>
      %dma_wait3A_54 = arith.constant 0 : i32
      %dma_wait3A_55 = tpu.memref_slice %arg7[%rem3A_31, %dma_wait3A, %dma_wait3A_54] : memref<2x8x128xi32, #tpu.memory_space<vmem>> -> memref<1x1x128xi32, #tpu.memory_space<vmem>>
      %dma_wait3A_56 = tpu.memref_squeeze %dma_wait3A_55 : memref<1x1x128xi32, #tpu.memory_space<vmem>> -> memref<128xi32, #tpu.memory_space<vmem>>
      %dma_wait3A_57 = arith.constant 0 : i32
      %dma_wait3A_58 = arith.constant 0 : i32
      %dma_wait3A_59 = tpu.memref_slice %arg2[%dma_wait3A_57, %dma_wait3A_58] : memref<10000x32xf32, #tpu.memory_space<hbm>> -> memref<10000x32xf32, #tpu.memory_space<hbm>>
      tpu.wait_indirect_dma semaphore(%arg11 : memref<!tpu.dma_semaphore, #tpu.memory_space<semaphore_mem>>) src(%dma_wait3A_59 : memref<10000x32xf32, #tpu.memory_space<hbm>>) dst(%dma_wait3A_53 : memref<128x32xf32, #tpu.memory_space<vmem>>)
      %run_scoped3A_60 = arith.constant 0 : i32
      %run_scoped3A_61 = arith.constant 0 : i32
      "tpu.region"() ({
        %run_scoped3A_239 = tpu.sem_alloc : memref<!tpu.dma_semaphore, #tpu.memory_space<semaphore_mem>>
        %dma_start3A_240 = arith.constant 0 : i32
        %dma_start3A_241 = arith.constant 0 : i32
        %dma_start3A_242 = tpu.memref_slice %arg9[%run_scoped3A_60, %dma_start3A_240, %dma_start3A_241] : memref<2x128x32xf32, #tpu.memory_space<vmem>> -> memref<1x128x32xf32, #tpu.memory_space<vmem>>
        %dma_start3A_243 = tpu.memref_squeeze %dma_start3A_242 : memref<1x128x32xf32, #tpu.memory_space<vmem>> -> memref<128x32xf32, #tpu.memory_space<vmem>>
        %dma_start3A_244 = arith.constant 0 : i32
        %dma_start3A_245 = tpu.memref_slice %arg8[%rem3A_31, %run_scoped3A_61, %dma_start3A_244] : memref<2x8x128xi32, #tpu.memory_space<vmem>> -> memref<1x1x128xi32, #tpu.memory_space<vmem>>
        %dma_start3A_246 = tpu.memref_squeeze %dma_start3A_245 : memref<1x1x128xi32, #tpu.memory_space<vmem>> -> memref<128xi32, #tpu.memory_space<vmem>>
        %dma_start3A_247 = arith.constant 0 : i32
        %dma_start3A_248 = arith.constant 0 : i32
        %dma_start3A_249 = tpu.memref_slice %arg10[%dma_start3A_247, %dma_start3A_248] : memref<10112x32xf32, #tpu.memory_space<vmem_shared>> -> memref<10112x32xf32, #tpu.memory_space<vmem_shared>>
        tpu.enqueue_indirect_dma source(%dma_start3A_243 : memref<128x32xf32, #tpu.memory_space<vmem>>) target(%dma_start3A_249 : memref<10112x32xf32, #tpu.memory_space<vmem_shared>>) offsets(%dma_start3A_246 : memref<128xi32, #tpu.memory_space<vmem>>) semaphore(%run_scoped3A_239 : memref<!tpu.dma_semaphore, #tpu.memory_space<semaphore_mem>>) {add = true}
        %dma_wait3A_250 = arith.constant 0 : i32
        %dma_wait3A_251 = arith.constant 0 : i32
        %dma_wait3A_252 = tpu.memref_slice %arg9[%run_scoped3A_60, %dma_wait3A_250, %dma_wait3A_251] : memref<2x128x32xf32, #tpu.memory_space<vmem>> -> memref<1x128x32xf32, #tpu.memory_space<vmem>>
        %dma_wait3A_253 = tpu.memref_squeeze %dma_wait3A_252 : memref<1x128x32xf32, #tpu.memory_space<vmem>> -> memref<128x32xf32, #tpu.memory_space<vmem>>
        %dma_wait3A_254 = arith.constant 0 : i32
        %dma_wait3A_255 = tpu.memref_slice %arg8[%rem3A_31, %run_scoped3A_61, %dma_wait3A_254] : memref<2x8x128xi32, #tpu.memory_space<vmem>> -> memref<1x1x128xi32, #tpu.memory_space<vmem>>
        %dma_wait3A_256 = tpu.memref_squeeze %dma_wait3A_255 : memref<1x1x128xi32, #tpu.memory_space<vmem>> -> memref<128xi32, #tpu.memory_space<vmem>>
        %dma_wait3A_257 = arith.constant 0 : i32
        %dma_wait3A_258 = arith.constant 0 : i32
        %dma_wait3A_259 = tpu.memref_slice %arg10[%dma_wait3A_257, %dma_wait3A_258] : memref<10112x32xf32, #tpu.memory_space<vmem_shared>> -> memref<10112x32xf32, #tpu.memory_space<vmem_shared>>
        tpu.wait_indirect_dma semaphore(%run_scoped3A_239 : memref<!tpu.dma_semaphore, #tpu.memory_space<semaphore_mem>>) src(%dma_wait3A_253 : memref<128x32xf32, #tpu.memory_space<vmem>>) dst(%dma_wait3A_259 : memref<10112x32xf32, #tpu.memory_space<vmem_shared>>)
        tpu.yield
      }) : () -> ()
      %dma_start3A_62 = arith.constant 2 : i32
      %dma_start3A_63 = arith.constant 0 : i32
      %dma_start3A_64 = arith.constant 0 : i32
      %dma_start3A_65 = arith.constant 0 : i32
      %dma_start3A_66 = tpu.memref_slice %arg9[%dma_start3A_63, %dma_start3A_64, %dma_start3A_65] : memref<2x128x32xf32, #tpu.memory_space<vmem>> -> memref<1x128x32xf32, #tpu.memory_space<vmem>>
      %dma_start3A_67 = tpu.memref_squeeze %dma_start3A_66 : memref<1x128x32xf32, #tpu.memory_space<vmem>> -> memref<128x32xf32, #tpu.memory_space<vmem>>
      %dma_start3A_68 = arith.constant 0 : i32
      %dma_start3A_69 = tpu.memref_slice %arg7[%rem3A_31, %dma_start3A_62, %dma_start3A_68] : memref<2x8x128xi32, #tpu.memory_space<vmem>> -> memref<1x1x128xi32, #tpu.memory_space<vmem>>
      %dma_start3A_70 = tpu.memref_squeeze %dma_start3A_69 : memref<1x1x128xi32, #tpu.memory_space<vmem>> -> memref<128xi32, #tpu.memory_space<vmem>>
      %dma_start3A_71 = arith.constant 0 : i32
      %dma_start3A_72 = arith.constant 0 : i32
      %dma_start3A_73 = tpu.memref_slice %arg2[%dma_start3A_71, %dma_start3A_72] : memref<10000x32xf32, #tpu.memory_space<hbm>> -> memref<10000x32xf32, #tpu.memory_space<hbm>>
      tpu.enqueue_indirect_dma source(%dma_start3A_73 : memref<10000x32xf32, #tpu.memory_space<hbm>>) target(%dma_start3A_67 : memref<128x32xf32, #tpu.memory_space<vmem>>) offsets(%dma_start3A_70 : memref<128xi32, #tpu.memory_space<vmem>>) semaphore(%arg11 : memref<!tpu.dma_semaphore, #tpu.memory_space<semaphore_mem>>)
      %dma_wait3A_74 = arith.constant 1 : i32
      %dma_wait3A_75 = arith.constant 1 : i32
      %dma_wait3A_76 = arith.constant 0 : i32
      %dma_wait3A_77 = arith.constant 0 : i32
      %dma_wait3A_78 = tpu.memref_slice %arg9[%dma_wait3A_75, %dma_wait3A_76, %dma_wait3A_77] : memref<2x128x32xf32, #tpu.memory_space<vmem>> -> memref<1x128x32xf32, #tpu.memory_space<vmem>>
      %dma_wait3A_79 = tpu.memref_squeeze %dma_wait3A_78 : memref<1x128x32xf32, #tpu.memory_space<vmem>> -> memref<128x32xf32, #tpu.memory_space<vmem>>
      %dma_wait3A_80 = arith.constant 0 : i32
      %dma_wait3A_81 = tpu.memref_slice %arg7[%rem3A_31, %dma_wait3A_74, %dma_wait3A_80] : memref<2x8x128xi32, #tpu.memory_space<vmem>> -> memref<1x1x128xi32, #tpu.memory_space<vmem>>
      %dma_wait3A_82 = tpu.memref_squeeze %dma_wait3A_81 : memref<1x1x128xi32, #tpu.memory_space<vmem>> -> memref<128xi32, #tpu.memory_space<vmem>>
      %dma_wait3A_83 = arith.constant 0 : i32
      %dma_wait3A_84 = arith.constant 0 : i32
      %dma_wait3A_85 = tpu.memref_slice %arg2[%dma_wait3A_83, %dma_wait3A_84] : memref<10000x32xf32, #tpu.memory_space<hbm>> -> memref<10000x32xf32, #tpu.memory_space<hbm>>
      tpu.wait_indirect_dma semaphore(%arg12 : memref<!tpu.dma_semaphore, #tpu.memory_space<semaphore_mem>>) src(%dma_wait3A_85 : memref<10000x32xf32, #tpu.memory_space<hbm>>) dst(%dma_wait3A_79 : memref<128x32xf32, #tpu.memory_space<vmem>>)
      %run_scoped3A_86 = arith.constant 1 : i32
      %run_scoped3A_87 = arith.constant 1 : i32
      "tpu.region"() ({
        %run_scoped3A_239 = tpu.sem_alloc : memref<!tpu.dma_semaphore, #tpu.memory_space<semaphore_mem>>
        %dma_start3A_240 = arith.constant 0 : i32
        %dma_start3A_241 = arith.constant 0 : i32
        %dma_start3A_242 = tpu.memref_slice %arg9[%run_scoped3A_86, %dma_start3A_240, %dma_start3A_241] : memref<2x128x32xf32, #tpu.memory_space<vmem>> -> memref<1x128x32xf32, #tpu.memory_space<vmem>>
        %dma_start3A_243 = tpu.memref_squeeze %dma_start3A_242 : memref<1x128x32xf32, #tpu.memory_space<vmem>> -> memref<128x32xf32, #tpu.memory_space<vmem>>
        %dma_start3A_244 = arith.constant 0 : i32
        %dma_start3A_245 = tpu.memref_slice %arg8[%rem3A_31, %run_scoped3A_87, %dma_start3A_244] : memref<2x8x128xi32, #tpu.memory_space<vmem>> -> memref<1x1x128xi32, #tpu.memory_space<vmem>>
        %dma_start3A_246 = tpu.memref_squeeze %dma_start3A_245 : memref<1x1x128xi32, #tpu.memory_space<vmem>> -> memref<128xi32, #tpu.memory_space<vmem>>
        %dma_start3A_247 = arith.constant 0 : i32
        %dma_start3A_248 = arith.constant 0 : i32
        %dma_start3A_249 = tpu.memref_slice %arg10[%dma_start3A_247, %dma_start3A_248] : memref<10112x32xf32, #tpu.memory_space<vmem_shared>> -> memref<10112x32xf32, #tpu.memory_space<vmem_shared>>
        tpu.enqueue_indirect_dma source(%dma_start3A_243 : memref<128x32xf32, #tpu.memory_space<vmem>>) target(%dma_start3A_249 : memref<10112x32xf32, #tpu.memory_space<vmem_shared>>) offsets(%dma_start3A_246 : memref<128xi32, #tpu.memory_space<vmem>>) semaphore(%run_scoped3A_239 : memref<!tpu.dma_semaphore, #tpu.memory_space<semaphore_mem>>) {add = true}
        %dma_wait3A_250 = arith.constant 0 : i32
        %dma_wait3A_251 = arith.constant 0 : i32
        %dma_wait3A_252 = tpu.memref_slice %arg9[%run_scoped3A_86, %dma_wait3A_250, %dma_wait3A_251] : memref<2x128x32xf32, #tpu.memory_space<vmem>> -> memref<1x128x32xf32, #tpu.memory_space<vmem>>
        %dma_wait3A_253 = tpu.memref_squeeze %dma_wait3A_252 : memref<1x128x32xf32, #tpu.memory_space<vmem>> -> memref<128x32xf32, #tpu.memory_space<vmem>>
        %dma_wait3A_254 = arith.constant 0 : i32
        %dma_wait3A_255 = tpu.memref_slice %arg8[%rem3A_31, %run_scoped3A_87, %dma_wait3A_254] : memref<2x8x128xi32, #tpu.memory_space<vmem>> -> memref<1x1x128xi32, #tpu.memory_space<vmem>>
        %dma_wait3A_256 = tpu.memref_squeeze %dma_wait3A_255 : memref<1x1x128xi32, #tpu.memory_space<vmem>> -> memref<128xi32, #tpu.memory_space<vmem>>
        %dma_wait3A_257 = arith.constant 0 : i32
        %dma_wait3A_258 = arith.constant 0 : i32
        %dma_wait3A_259 = tpu.memref_slice %arg10[%dma_wait3A_257, %dma_wait3A_258] : memref<10112x32xf32, #tpu.memory_space<vmem_shared>> -> memref<10112x32xf32, #tpu.memory_space<vmem_shared>>
        tpu.wait_indirect_dma semaphore(%run_scoped3A_239 : memref<!tpu.dma_semaphore, #tpu.memory_space<semaphore_mem>>) src(%dma_wait3A_253 : memref<128x32xf32, #tpu.memory_space<vmem>>) dst(%dma_wait3A_259 : memref<10112x32xf32, #tpu.memory_space<vmem_shared>>)
        tpu.yield
      }) : () -> ()
      %dma_start3A_88 = arith.constant 3 : i32
      %dma_start3A_89 = arith.constant 1 : i32
      %dma_start3A_90 = arith.constant 0 : i32
      %dma_start3A_91 = arith.constant 0 : i32
      %dma_start3A_92 = tpu.memref_slice %arg9[%dma_start3A_89, %dma_start3A_90, %dma_start3A_91] : memref<2x128x32xf32, #tpu.memory_space<vmem>> -> memref<1x128x32xf32, #tpu.memory_space<vmem>>
      %dma_start3A_93 = tpu.memref_squeeze %dma_start3A_92 : memref<1x128x32xf32, #tpu.memory_space<vmem>> -> memref<128x32xf32, #tpu.memory_space<vmem>>
      %dma_start3A_94 = arith.constant 0 : i32
      %dma_start3A_95 = tpu.memref_slice %arg7[%rem3A_31, %dma_start3A_88, %dma_start3A_94] : memref<2x8x128xi32, #tpu.memory_space<vmem>> -> memref<1x1x128xi32, #tpu.memory_space<vmem>>
      %dma_start3A_96 = tpu.memref_squeeze %dma_start3A_95 : memref<1x1x128xi32, #tpu.memory_space<vmem>> -> memref<128xi32, #tpu.memory_space<vmem>>
      %dma_start3A_97 = arith.constant 0 : i32
      %dma_start3A_98 = arith.constant 0 : i32
      %dma_start3A_99 = tpu.memref_slice %arg2[%dma_start3A_97, %dma_start3A_98] : memref<10000x32xf32, #tpu.memory_space<hbm>> -> memref<10000x32xf32, #tpu.memory_space<hbm>>
      tpu.enqueue_indirect_dma source(%dma_start3A_99 : memref<10000x32xf32, #tpu.memory_space<hbm>>) target(%dma_start3A_93 : memref<128x32xf32, #tpu.memory_space<vmem>>) offsets(%dma_start3A_96 : memref<128xi32, #tpu.memory_space<vmem>>) semaphore(%arg12 : memref<!tpu.dma_semaphore, #tpu.memory_space<semaphore_mem>>)
      %dma_wait3A_100 = arith.constant 2 : i32
      %dma_wait3A_101 = arith.constant 0 : i32
      %dma_wait3A_102 = arith.constant 0 : i32
      %dma_wait3A_103 = arith.constant 0 : i32
      %dma_wait3A_104 = tpu.memref_slice %arg9[%dma_wait3A_101, %dma_wait3A_102, %dma_wait3A_103] : memref<2x128x32xf32, #tpu.memory_space<vmem>> -> memref<1x128x32xf32, #tpu.memory_space<vmem>>
      %dma_wait3A_105 = tpu.memref_squeeze %dma_wait3A_104 : memref<1x128x32xf32, #tpu.memory_space<vmem>> -> memref<128x32xf32, #tpu.memory_space<vmem>>
      %dma_wait3A_106 = arith.constant 0 : i32
      %dma_wait3A_107 = tpu.memref_slice %arg7[%rem3A_31, %dma_wait3A_100, %dma_wait3A_106] : memref<2x8x128xi32, #tpu.memory_space<vmem>> -> memref<1x1x128xi32, #tpu.memory_space<vmem>>
      %dma_wait3A_108 = tpu.memref_squeeze %dma_wait3A_107 : memref<1x1x128xi32, #tpu.memory_space<vmem>> -> memref<128xi32, #tpu.memory_space<vmem>>
      %dma_wait3A_109 = arith.constant 0 : i32
      %dma_wait3A_110 = arith.constant 0 : i32
      %dma_wait3A_111 = tpu.memref_slice %arg2[%dma_wait3A_109, %dma_wait3A_110] : memref<10000x32xf32, #tpu.memory_space<hbm>> -> memref<10000x32xf32, #tpu.memory_space<hbm>>
      tpu.wait_indirect_dma semaphore(%arg11 : memref<!tpu.dma_semaphore, #tpu.memory_space<semaphore_mem>>) src(%dma_wait3A_111 : memref<10000x32xf32, #tpu.memory_space<hbm>>) dst(%dma_wait3A_105 : memref<128x32xf32, #tpu.memory_space<vmem>>)
      %run_scoped3A_112 = arith.constant 0 : i32
      %run_scoped3A_113 = arith.constant 2 : i32
      "tpu.region"() ({
        %run_scoped3A_239 = tpu.sem_alloc : memref<!tpu.dma_semaphore, #tpu.memory_space<semaphore_mem>>
        %dma_start3A_240 = arith.constant 0 : i32
        %dma_start3A_241 = arith.constant 0 : i32
        %dma_start3A_242 = tpu.memref_slice %arg9[%run_scoped3A_112, %dma_start3A_240, %dma_start3A_241] : memref<2x128x32xf32, #tpu.memory_space<vmem>> -> memref<1x128x32xf32, #tpu.memory_space<vmem>>
        %dma_start3A_243 = tpu.memref_squeeze %dma_start3A_242 : memref<1x128x32xf32, #tpu.memory_space<vmem>> -> memref<128x32xf32, #tpu.memory_space<vmem>>
        %dma_start3A_244 = arith.constant 0 : i32
        %dma_start3A_245 = tpu.memref_slice %arg8[%rem3A_31, %run_scoped3A_113, %dma_start3A_244] : memref<2x8x128xi32, #tpu.memory_space<vmem>> -> memref<1x1x128xi32, #tpu.memory_space<vmem>>
        %dma_start3A_246 = tpu.memref_squeeze %dma_start3A_245 : memref<1x1x128xi32, #tpu.memory_space<vmem>> -> memref<128xi32, #tpu.memory_space<vmem>>
        %dma_start3A_247 = arith.constant 0 : i32
        %dma_start3A_248 = arith.constant 0 : i32
        %dma_start3A_249 = tpu.memref_slice %arg10[%dma_start3A_247, %dma_start3A_248] : memref<10112x32xf32, #tpu.memory_space<vmem_shared>> -> memref<10112x32xf32, #tpu.memory_space<vmem_shared>>
        tpu.enqueue_indirect_dma source(%dma_start3A_243 : memref<128x32xf32, #tpu.memory_space<vmem>>) target(%dma_start3A_249 : memref<10112x32xf32, #tpu.memory_space<vmem_shared>>) offsets(%dma_start3A_246 : memref<128xi32, #tpu.memory_space<vmem>>) semaphore(%run_scoped3A_239 : memref<!tpu.dma_semaphore, #tpu.memory_space<semaphore_mem>>) {add = true}
        %dma_wait3A_250 = arith.constant 0 : i32
        %dma_wait3A_251 = arith.constant 0 : i32
        %dma_wait3A_252 = tpu.memref_slice %arg9[%run_scoped3A_112, %dma_wait3A_250, %dma_wait3A_251] : memref<2x128x32xf32, #tpu.memory_space<vmem>> -> memref<1x128x32xf32, #tpu.memory_space<vmem>>
        %dma_wait3A_253 = tpu.memref_squeeze %dma_wait3A_252 : memref<1x128x32xf32, #tpu.memory_space<vmem>> -> memref<128x32xf32, #tpu.memory_space<vmem>>
        %dma_wait3A_254 = arith.constant 0 : i32
        %dma_wait3A_255 = tpu.memref_slice %arg8[%rem3A_31, %run_scoped3A_113, %dma_wait3A_254] : memref<2x8x128xi32, #tpu.memory_space<vmem>> -> memref<1x1x128xi32, #tpu.memory_space<vmem>>
        %dma_wait3A_256 = tpu.memref_squeeze %dma_wait3A_255 : memref<1x1x128xi32, #tpu.memory_space<vmem>> -> memref<128xi32, #tpu.memory_space<vmem>>
        %dma_wait3A_257 = arith.constant 0 : i32
        %dma_wait3A_258 = arith.constant 0 : i32
        %dma_wait3A_259 = tpu.memref_slice %arg10[%dma_wait3A_257, %dma_wait3A_258] : memref<10112x32xf32, #tpu.memory_space<vmem_shared>> -> memref<10112x32xf32, #tpu.memory_space<vmem_shared>>
        tpu.wait_indirect_dma semaphore(%run_scoped3A_239 : memref<!tpu.dma_semaphore, #tpu.memory_space<semaphore_mem>>) src(%dma_wait3A_253 : memref<128x32xf32, #tpu.memory_space<vmem>>) dst(%dma_wait3A_259 : memref<10112x32xf32, #tpu.memory_space<vmem_shared>>)
        tpu.yield
      }) : () -> ()
      %dma_start3A_114 = arith.constant 4 : i32
      %dma_start3A_115 = arith.constant 0 : i32
      %dma_start3A_116 = arith.constant 0 : i32
      %dma_start3A_117 = arith.constant 0 : i32
      %dma_start3A_118 = tpu.memref_slice %arg9[%dma_start3A_115, %dma_start3A_116, %dma_start3A_117] : memref<2x128x32xf32, #tpu.memory_space<vmem>> -> memref<1x128x32xf32, #tpu.memory_space<vmem>>
      %dma_start3A_119 = tpu.memref_squeeze %dma_start3A_118 : memref<1x128x32xf32, #tpu.memory_space<vmem>> -> memref<128x32xf32, #tpu.memory_space<vmem>>
      %dma_start3A_120 = arith.constant 0 : i32
      %dma_start3A_121 = tpu.memref_slice %arg7[%rem3A_31, %dma_start3A_114, %dma_start3A_120] : memref<2x8x128xi32, #tpu.memory_space<vmem>> -> memref<1x1x128xi32, #tpu.memory_space<vmem>>
      %dma_start3A_122 = tpu.memref_squeeze %dma_start3A_121 : memref<1x1x128xi32, #tpu.memory_space<vmem>> -> memref<128xi32, #tpu.memory_space<vmem>>
      %dma_start3A_123 = arith.constant 0 : i32
      %dma_start3A_124 = arith.constant 0 : i32
      %dma_start3A_125 = tpu.memref_slice %arg2[%dma_start3A_123, %dma_start3A_124] : memref<10000x32xf32, #tpu.memory_space<hbm>> -> memref<10000x32xf32, #tpu.memory_space<hbm>>
      tpu.enqueue_indirect_dma source(%dma_start3A_125 : memref<10000x32xf32, #tpu.memory_space<hbm>>) target(%dma_start3A_119 : memref<128x32xf32, #tpu.memory_space<vmem>>) offsets(%dma_start3A_122 : memref<128xi32, #tpu.memory_space<vmem>>) semaphore(%arg11 : memref<!tpu.dma_semaphore, #tpu.memory_space<semaphore_mem>>)
      %dma_wait3A_126 = arith.constant 3 : i32
      %dma_wait3A_127 = arith.constant 1 : i32
      %dma_wait3A_128 = arith.constant 0 : i32
      %dma_wait3A_129 = arith.constant 0 : i32
      %dma_wait3A_130 = tpu.memref_slice %arg9[%dma_wait3A_127, %dma_wait3A_128, %dma_wait3A_129] : memref<2x128x32xf32, #tpu.memory_space<vmem>> -> memref<1x128x32xf32, #tpu.memory_space<vmem>>
      %dma_wait3A_131 = tpu.memref_squeeze %dma_wait3A_130 : memref<1x128x32xf32, #tpu.memory_space<vmem>> -> memref<128x32xf32, #tpu.memory_space<vmem>>
      %dma_wait3A_132 = arith.constant 0 : i32
      %dma_wait3A_133 = tpu.memref_slice %arg7[%rem3A_31, %dma_wait3A_126, %dma_wait3A_132] : memref<2x8x128xi32, #tpu.memory_space<vmem>> -> memref<1x1x128xi32, #tpu.memory_space<vmem>>
      %dma_wait3A_134 = tpu.memref_squeeze %dma_wait3A_133 : memref<1x1x128xi32, #tpu.memory_space<vmem>> -> memref<128xi32, #tpu.memory_space<vmem>>
      %dma_wait3A_135 = arith.constant 0 : i32
      %dma_wait3A_136 = arith.constant 0 : i32
      %dma_wait3A_137 = tpu.memref_slice %arg2[%dma_wait3A_135, %dma_wait3A_136] : memref<10000x32xf32, #tpu.memory_space<hbm>> -> memref<10000x32xf32, #tpu.memory_space<hbm>>
      tpu.wait_indirect_dma semaphore(%arg12 : memref<!tpu.dma_semaphore, #tpu.memory_space<semaphore_mem>>) src(%dma_wait3A_137 : memref<10000x32xf32, #tpu.memory_space<hbm>>) dst(%dma_wait3A_131 : memref<128x32xf32, #tpu.memory_space<vmem>>)
      %run_scoped3A_138 = arith.constant 1 : i32
      %run_scoped3A_139 = arith.constant 3 : i32
      "tpu.region"() ({
        %run_scoped3A_239 = tpu.sem_alloc : memref<!tpu.dma_semaphore, #tpu.memory_space<semaphore_mem>>
        %dma_start3A_240 = arith.constant 0 : i32
        %dma_start3A_241 = arith.constant 0 : i32
        %dma_start3A_242 = tpu.memref_slice %arg9[%run_scoped3A_138, %dma_start3A_240, %dma_start3A_241] : memref<2x128x32xf32, #tpu.memory_space<vmem>> -> memref<1x128x32xf32, #tpu.memory_space<vmem>>
        %dma_start3A_243 = tpu.memref_squeeze %dma_start3A_242 : memref<1x128x32xf32, #tpu.memory_space<vmem>> -> memref<128x32xf32, #tpu.memory_space<vmem>>
        %dma_start3A_244 = arith.constant 0 : i32
        %dma_start3A_245 = tpu.memref_slice %arg8[%rem3A_31, %run_scoped3A_139, %dma_start3A_244] : memref<2x8x128xi32, #tpu.memory_space<vmem>> -> memref<1x1x128xi32, #tpu.memory_space<vmem>>
        %dma_start3A_246 = tpu.memref_squeeze %dma_start3A_245 : memref<1x1x128xi32, #tpu.memory_space<vmem>> -> memref<128xi32, #tpu.memory_space<vmem>>
        %dma_start3A_247 = arith.constant 0 : i32
        %dma_start3A_248 = arith.constant 0 : i32
        %dma_start3A_249 = tpu.memref_slice %arg10[%dma_start3A_247, %dma_start3A_248] : memref<10112x32xf32, #tpu.memory_space<vmem_shared>> -> memref<10112x32xf32, #tpu.memory_space<vmem_shared>>
        tpu.enqueue_indirect_dma source(%dma_start3A_243 : memref<128x32xf32, #tpu.memory_space<vmem>>) target(%dma_start3A_249 : memref<10112x32xf32, #tpu.memory_space<vmem_shared>>) offsets(%dma_start3A_246 : memref<128xi32, #tpu.memory_space<vmem>>) semaphore(%run_scoped3A_239 : memref<!tpu.dma_semaphore, #tpu.memory_space<semaphore_mem>>) {add = true}
        %dma_wait3A_250 = arith.constant 0 : i32
        %dma_wait3A_251 = arith.constant 0 : i32
        %dma_wait3A_252 = tpu.memref_slice %arg9[%run_scoped3A_138, %dma_wait3A_250, %dma_wait3A_251] : memref<2x128x32xf32, #tpu.memory_space<vmem>> -> memref<1x128x32xf32, #tpu.memory_space<vmem>>
        %dma_wait3A_253 = tpu.memref_squeeze %dma_wait3A_252 : memref<1x128x32xf32, #tpu.memory_space<vmem>> -> memref<128x32xf32, #tpu.memory_space<vmem>>
        %dma_wait3A_254 = arith.constant 0 : i32
        %dma_wait3A_255 = tpu.memref_slice %arg8[%rem3A_31, %run_scoped3A_139, %dma_wait3A_254] : memref<2x8x128xi32, #tpu.memory_space<vmem>> -> memref<1x1x128xi32, #tpu.memory_space<vmem>>
        %dma_wait3A_256 = tpu.memref_squeeze %dma_wait3A_255 : memref<1x1x128xi32, #tpu.memory_space<vmem>> -> memref<128xi32, #tpu.memory_space<vmem>>
        %dma_wait3A_257 = arith.constant 0 : i32
        %dma_wait3A_258 = arith.constant 0 : i32
        %dma_wait3A_259 = tpu.memref_slice %arg10[%dma_wait3A_257, %dma_wait3A_258] : memref<10112x32xf32, #tpu.memory_space<vmem_shared>> -> memref<10112x32xf32, #tpu.memory_space<vmem_shared>>
        tpu.wait_indirect_dma semaphore(%run_scoped3A_239 : memref<!tpu.dma_semaphore, #tpu.memory_space<semaphore_mem>>) src(%dma_wait3A_253 : memref<128x32xf32, #tpu.memory_space<vmem>>) dst(%dma_wait3A_259 : memref<10112x32xf32, #tpu.memory_space<vmem_shared>>)
        tpu.yield
      }) : () -> ()
      %dma_start3A_140 = arith.constant 5 : i32
      %dma_start3A_141 = arith.constant 1 : i32
      %dma_start3A_142 = arith.constant 0 : i32
      %dma_start3A_143 = arith.constant 0 : i32
      %dma_start3A_144 = tpu.memref_slice %arg9[%dma_start3A_141, %dma_start3A_142, %dma_start3A_143] : memref<2x128x32xf32, #tpu.memory_space<vmem>> -> memref<1x128x32xf32, #tpu.memory_space<vmem>>
      %dma_start3A_145 = tpu.memref_squeeze %dma_start3A_144 : memref<1x128x32xf32, #tpu.memory_space<vmem>> -> memref<128x32xf32, #tpu.memory_space<vmem>>
      %dma_start3A_146 = arith.constant 0 : i32
      %dma_start3A_147 = tpu.memref_slice %arg7[%rem3A_31, %dma_start3A_140, %dma_start3A_146] : memref<2x8x128xi32, #tpu.memory_space<vmem>> -> memref<1x1x128xi32, #tpu.memory_space<vmem>>
      %dma_start3A_148 = tpu.memref_squeeze %dma_start3A_147 : memref<1x1x128xi32, #tpu.memory_space<vmem>> -> memref<128xi32, #tpu.memory_space<vmem>>
      %dma_start3A_149 = arith.constant 0 : i32
      %dma_start3A_150 = arith.constant 0 : i32
      %dma_start3A_151 = tpu.memref_slice %arg2[%dma_start3A_149, %dma_start3A_150] : memref<10000x32xf32, #tpu.memory_space<hbm>> -> memref<10000x32xf32, #tpu.memory_space<hbm>>
      tpu.enqueue_indirect_dma source(%dma_start3A_151 : memref<10000x32xf32, #tpu.memory_space<hbm>>) target(%dma_start3A_145 : memref<128x32xf32, #tpu.memory_space<vmem>>) offsets(%dma_start3A_148 : memref<128xi32, #tpu.memory_space<vmem>>) semaphore(%arg12 : memref<!tpu.dma_semaphore, #tpu.memory_space<semaphore_mem>>)
      %dma_wait3A_152 = arith.constant 4 : i32
      %dma_wait3A_153 = arith.constant 0 : i32
      %dma_wait3A_154 = arith.constant 0 : i32
      %dma_wait3A_155 = arith.constant 0 : i32
      %dma_wait3A_156 = tpu.memref_slice %arg9[%dma_wait3A_153, %dma_wait3A_154, %dma_wait3A_155] : memref<2x128x32xf32, #tpu.memory_space<vmem>> -> memref<1x128x32xf32, #tpu.memory_space<vmem>>
      %dma_wait3A_157 = tpu.memref_squeeze %dma_wait3A_156 : memref<1x128x32xf32, #tpu.memory_space<vmem>> -> memref<128x32xf32, #tpu.memory_space<vmem>>
      %dma_wait3A_158 = arith.constant 0 : i32
      %dma_wait3A_159 = tpu.memref_slice %arg7[%rem3A_31, %dma_wait3A_152, %dma_wait3A_158] : memref<2x8x128xi32, #tpu.memory_space<vmem>> -> memref<1x1x128xi32, #tpu.memory_space<vmem>>
      %dma_wait3A_160 = tpu.memref_squeeze %dma_wait3A_159 : memref<1x1x128xi32, #tpu.memory_space<vmem>> -> memref<128xi32, #tpu.memory_space<vmem>>
      %dma_wait3A_161 = arith.constant 0 : i32
      %dma_wait3A_162 = arith.constant 0 : i32
      %dma_wait3A_163 = tpu.memref_slice %arg2[%dma_wait3A_161, %dma_wait3A_162] : memref<10000x32xf32, #tpu.memory_space<hbm>> -> memref<10000x32xf32, #tpu.memory_space<hbm>>
      tpu.wait_indirect_dma semaphore(%arg11 : memref<!tpu.dma_semaphore, #tpu.memory_space<semaphore_mem>>) src(%dma_wait3A_163 : memref<10000x32xf32, #tpu.memory_space<hbm>>) dst(%dma_wait3A_157 : memref<128x32xf32, #tpu.memory_space<vmem>>)
      %run_scoped3A_164 = arith.constant 0 : i32
      %run_scoped3A_165 = arith.constant 4 : i32
      "tpu.region"() ({
        %run_scoped3A_239 = tpu.sem_alloc : memref<!tpu.dma_semaphore, #tpu.memory_space<semaphore_mem>>
        %dma_start3A_240 = arith.constant 0 : i32
        %dma_start3A_241 = arith.constant 0 : i32
        %dma_start3A_242 = tpu.memref_slice %arg9[%run_scoped3A_164, %dma_start3A_240, %dma_start3A_241] : memref<2x128x32xf32, #tpu.memory_space<vmem>> -> memref<1x128x32xf32, #tpu.memory_space<vmem>>
        %dma_start3A_243 = tpu.memref_squeeze %dma_start3A_242 : memref<1x128x32xf32, #tpu.memory_space<vmem>> -> memref<128x32xf32, #tpu.memory_space<vmem>>
        %dma_start3A_244 = arith.constant 0 : i32
        %dma_start3A_245 = tpu.memref_slice %arg8[%rem3A_31, %run_scoped3A_165, %dma_start3A_244] : memref<2x8x128xi32, #tpu.memory_space<vmem>> -> memref<1x1x128xi32, #tpu.memory_space<vmem>>
        %dma_start3A_246 = tpu.memref_squeeze %dma_start3A_245 : memref<1x1x128xi32, #tpu.memory_space<vmem>> -> memref<128xi32, #tpu.memory_space<vmem>>
        %dma_start3A_247 = arith.constant 0 : i32
        %dma_start3A_248 = arith.constant 0 : i32
        %dma_start3A_249 = tpu.memref_slice %arg10[%dma_start3A_247, %dma_start3A_248] : memref<10112x32xf32, #tpu.memory_space<vmem_shared>> -> memref<10112x32xf32, #tpu.memory_space<vmem_shared>>
        tpu.enqueue_indirect_dma source(%dma_start3A_243 : memref<128x32xf32, #tpu.memory_space<vmem>>) target(%dma_start3A_249 : memref<10112x32xf32, #tpu.memory_space<vmem_shared>>) offsets(%dma_start3A_246 : memref<128xi32, #tpu.memory_space<vmem>>) semaphore(%run_scoped3A_239 : memref<!tpu.dma_semaphore, #tpu.memory_space<semaphore_mem>>) {add = true}
        %dma_wait3A_250 = arith.constant 0 : i32
        %dma_wait3A_251 = arith.constant 0 : i32
        %dma_wait3A_252 = tpu.memref_slice %arg9[%run_scoped3A_164, %dma_wait3A_250, %dma_wait3A_251] : memref<2x128x32xf32, #tpu.memory_space<vmem>> -> memref<1x128x32xf32, #tpu.memory_space<vmem>>
        %dma_wait3A_253 = tpu.memref_squeeze %dma_wait3A_252 : memref<1x128x32xf32, #tpu.memory_space<vmem>> -> memref<128x32xf32, #tpu.memory_space<vmem>>
        %dma_wait3A_254 = arith.constant 0 : i32
        %dma_wait3A_255 = tpu.memref_slice %arg8[%rem3A_31, %run_scoped3A_165, %dma_wait3A_254] : memref<2x8x128xi32, #tpu.memory_space<vmem>> -> memref<1x1x128xi32, #tpu.memory_space<vmem>>
        %dma_wait3A_256 = tpu.memref_squeeze %dma_wait3A_255 : memref<1x1x128xi32, #tpu.memory_space<vmem>> -> memref<128xi32, #tpu.memory_space<vmem>>
        %dma_wait3A_257 = arith.constant 0 : i32
        %dma_wait3A_258 = arith.constant 0 : i32
        %dma_wait3A_259 = tpu.memref_slice %arg10[%dma_wait3A_257, %dma_wait3A_258] : memref<10112x32xf32, #tpu.memory_space<vmem_shared>> -> memref<10112x32xf32, #tpu.memory_space<vmem_shared>>
        tpu.wait_indirect_dma semaphore(%run_scoped3A_239 : memref<!tpu.dma_semaphore, #tpu.memory_space<semaphore_mem>>) src(%dma_wait3A_253 : memref<128x32xf32, #tpu.memory_space<vmem>>) dst(%dma_wait3A_259 : memref<10112x32xf32, #tpu.memory_space<vmem_shared>>)
        tpu.yield
      }) : () -> ()
      %dma_start3A_166 = arith.constant 6 : i32
      %dma_start3A_167 = arith.constant 0 : i32
      %dma_start3A_168 = arith.constant 0 : i32
      %dma_start3A_169 = arith.constant 0 : i32
      %dma_start3A_170 = tpu.memref_slice %arg9[%dma_start3A_167, %dma_start3A_168, %dma_start3A_169] : memref<2x128x32xf32, #tpu.memory_space<vmem>> -> memref<1x128x32xf32, #tpu.memory_space<vmem>>
      %dma_start3A_171 = tpu.memref_squeeze %dma_start3A_170 : memref<1x128x32xf32, #tpu.memory_space<vmem>> -> memref<128x32xf32, #tpu.memory_space<vmem>>
      %dma_start3A_172 = arith.constant 0 : i32
      %dma_start3A_173 = tpu.memref_slice %arg7[%rem3A_31, %dma_start3A_166, %dma_start3A_172] : memref<2x8x128xi32, #tpu.memory_space<vmem>> -> memref<1x1x128xi32, #tpu.memory_space<vmem>>
      %dma_start3A_174 = tpu.memref_squeeze %dma_start3A_173 : memref<1x1x128xi32, #tpu.memory_space<vmem>> -> memref<128xi32, #tpu.memory_space<vmem>>
      %dma_start3A_175 = arith.constant 0 : i32
      %dma_start3A_176 = arith.constant 0 : i32
      %dma_start3A_177 = tpu.memref_slice %arg2[%dma_start3A_175, %dma_start3A_176] : memref<10000x32xf32, #tpu.memory_space<hbm>> -> memref<10000x32xf32, #tpu.memory_space<hbm>>
      tpu.enqueue_indirect_dma source(%dma_start3A_177 : memref<10000x32xf32, #tpu.memory_space<hbm>>) target(%dma_start3A_171 : memref<128x32xf32, #tpu.memory_space<vmem>>) offsets(%dma_start3A_174 : memref<128xi32, #tpu.memory_space<vmem>>) semaphore(%arg11 : memref<!tpu.dma_semaphore, #tpu.memory_space<semaphore_mem>>)
      %dma_wait3A_178 = arith.constant 5 : i32
      %dma_wait3A_179 = arith.constant 1 : i32
      %dma_wait3A_180 = arith.constant 0 : i32
      %dma_wait3A_181 = arith.constant 0 : i32
      %dma_wait3A_182 = tpu.memref_slice %arg9[%dma_wait3A_179, %dma_wait3A_180, %dma_wait3A_181] : memref<2x128x32xf32, #tpu.memory_space<vmem>> -> memref<1x128x32xf32, #tpu.memory_space<vmem>>
      %dma_wait3A_183 = tpu.memref_squeeze %dma_wait3A_182 : memref<1x128x32xf32, #tpu.memory_space<vmem>> -> memref<128x32xf32, #tpu.memory_space<vmem>>
      %dma_wait3A_184 = arith.constant 0 : i32
      %dma_wait3A_185 = tpu.memref_slice %arg7[%rem3A_31, %dma_wait3A_178, %dma_wait3A_184] : memref<2x8x128xi32, #tpu.memory_space<vmem>> -> memref<1x1x128xi32, #tpu.memory_space<vmem>>
      %dma_wait3A_186 = tpu.memref_squeeze %dma_wait3A_185 : memref<1x1x128xi32, #tpu.memory_space<vmem>> -> memref<128xi32, #tpu.memory_space<vmem>>
      %dma_wait3A_187 = arith.constant 0 : i32
      %dma_wait3A_188 = arith.constant 0 : i32
      %dma_wait3A_189 = tpu.memref_slice %arg2[%dma_wait3A_187, %dma_wait3A_188] : memref<10000x32xf32, #tpu.memory_space<hbm>> -> memref<10000x32xf32, #tpu.memory_space<hbm>>
      tpu.wait_indirect_dma semaphore(%arg12 : memref<!tpu.dma_semaphore, #tpu.memory_space<semaphore_mem>>) src(%dma_wait3A_189 : memref<10000x32xf32, #tpu.memory_space<hbm>>) dst(%dma_wait3A_183 : memref<128x32xf32, #tpu.memory_space<vmem>>)
      %run_scoped3A_190 = arith.constant 1 : i32
      %run_scoped3A_191 = arith.constant 5 : i32
      "tpu.region"() ({
        %run_scoped3A_239 = tpu.sem_alloc : memref<!tpu.dma_semaphore, #tpu.memory_space<semaphore_mem>>
        %dma_start3A_240 = arith.constant 0 : i32
        %dma_start3A_241 = arith.constant 0 : i32
        %dma_start3A_242 = tpu.memref_slice %arg9[%run_scoped3A_190, %dma_start3A_240, %dma_start3A_241] : memref<2x128x32xf32, #tpu.memory_space<vmem>> -> memref<1x128x32xf32, #tpu.memory_space<vmem>>
        %dma_start3A_243 = tpu.memref_squeeze %dma_start3A_242 : memref<1x128x32xf32, #tpu.memory_space<vmem>> -> memref<128x32xf32, #tpu.memory_space<vmem>>
        %dma_start3A_244 = arith.constant 0 : i32
        %dma_start3A_245 = tpu.memref_slice %arg8[%rem3A_31, %run_scoped3A_191, %dma_start3A_244] : memref<2x8x128xi32, #tpu.memory_space<vmem>> -> memref<1x1x128xi32, #tpu.memory_space<vmem>>
        %dma_start3A_246 = tpu.memref_squeeze %dma_start3A_245 : memref<1x1x128xi32, #tpu.memory_space<vmem>> -> memref<128xi32, #tpu.memory_space<vmem>>
        %dma_start3A_247 = arith.constant 0 : i32
        %dma_start3A_248 = arith.constant 0 : i32
        %dma_start3A_249 = tpu.memref_slice %arg10[%dma_start3A_247, %dma_start3A_248] : memref<10112x32xf32, #tpu.memory_space<vmem_shared>> -> memref<10112x32xf32, #tpu.memory_space<vmem_shared>>
        tpu.enqueue_indirect_dma source(%dma_start3A_243 : memref<128x32xf32, #tpu.memory_space<vmem>>) target(%dma_start3A_249 : memref<10112x32xf32, #tpu.memory_space<vmem_shared>>) offsets(%dma_start3A_246 : memref<128xi32, #tpu.memory_space<vmem>>) semaphore(%run_scoped3A_239 : memref<!tpu.dma_semaphore, #tpu.memory_space<semaphore_mem>>) {add = true}
        %dma_wait3A_250 = arith.constant 0 : i32
        %dma_wait3A_251 = arith.constant 0 : i32
        %dma_wait3A_252 = tpu.memref_slice %arg9[%run_scoped3A_190, %dma_wait3A_250, %dma_wait3A_251] : memref<2x128x32xf32, #tpu.memory_space<vmem>> -> memref<1x128x32xf32, #tpu.memory_space<vmem>>
        %dma_wait3A_253 = tpu.memref_squeeze %dma_wait3A_252 : memref<1x128x32xf32, #tpu.memory_space<vmem>> -> memref<128x32xf32, #tpu.memory_space<vmem>>
        %dma_wait3A_254 = arith.constant 0 : i32
        %dma_wait3A_255 = tpu.memref_slice %arg8[%rem3A_31, %run_scoped3A_191, %dma_wait3A_254] : memref<2x8x128xi32, #tpu.memory_space<vmem>> -> memref<1x1x128xi32, #tpu.memory_space<vmem>>
        %dma_wait3A_256 = tpu.memref_squeeze %dma_wait3A_255 : memref<1x1x128xi32, #tpu.memory_space<vmem>> -> memref<128xi32, #tpu.memory_space<vmem>>
        %dma_wait3A_257 = arith.constant 0 : i32
        %dma_wait3A_258 = arith.constant 0 : i32
        %dma_wait3A_259 = tpu.memref_slice %arg10[%dma_wait3A_257, %dma_wait3A_258] : memref<10112x32xf32, #tpu.memory_space<vmem_shared>> -> memref<10112x32xf32, #tpu.memory_space<vmem_shared>>
        tpu.wait_indirect_dma semaphore(%run_scoped3A_239 : memref<!tpu.dma_semaphore, #tpu.memory_space<semaphore_mem>>) src(%dma_wait3A_253 : memref<128x32xf32, #tpu.memory_space<vmem>>) dst(%dma_wait3A_259 : memref<10112x32xf32, #tpu.memory_space<vmem_shared>>)
        tpu.yield
      }) : () -> ()
      %dma_start3A_192 = arith.constant 7 : i32
      %dma_start3A_193 = arith.constant 1 : i32
      %dma_start3A_194 = arith.constant 0 : i32
      %dma_start3A_195 = arith.constant 0 : i32
      %dma_start3A_196 = tpu.memref_slice %arg9[%dma_start3A_193, %dma_start3A_194, %dma_start3A_195] : memref<2x128x32xf32, #tpu.memory_space<vmem>> -> memref<1x128x32xf32, #tpu.memory_space<vmem>>
      %dma_start3A_197 = tpu.memref_squeeze %dma_start3A_196 : memref<1x128x32xf32, #tpu.memory_space<vmem>> -> memref<128x32xf32, #tpu.memory_space<vmem>>
      %dma_start3A_198 = arith.constant 0 : i32
      %dma_start3A_199 = tpu.memref_slice %arg7[%rem3A_31, %dma_start3A_192, %dma_start3A_198] : memref<2x8x128xi32, #tpu.memory_space<vmem>> -> memref<1x1x128xi32, #tpu.memory_space<vmem>>
      %dma_start3A_200 = tpu.memref_squeeze %dma_start3A_199 : memref<1x1x128xi32, #tpu.memory_space<vmem>> -> memref<128xi32, #tpu.memory_space<vmem>>
      %dma_start3A_201 = arith.constant 0 : i32
      %dma_start3A_202 = arith.constant 0 : i32
      %dma_start3A_203 = tpu.memref_slice %arg2[%dma_start3A_201, %dma_start3A_202] : memref<10000x32xf32, #tpu.memory_space<hbm>> -> memref<10000x32xf32, #tpu.memory_space<hbm>>
      tpu.enqueue_indirect_dma source(%dma_start3A_203 : memref<10000x32xf32, #tpu.memory_space<hbm>>) target(%dma_start3A_197 : memref<128x32xf32, #tpu.memory_space<vmem>>) offsets(%dma_start3A_200 : memref<128xi32, #tpu.memory_space<vmem>>) semaphore(%arg12 : memref<!tpu.dma_semaphore, #tpu.memory_space<semaphore_mem>>)
      %dma_wait3A_204 = arith.constant 6 : i32
      %dma_wait3A_205 = arith.constant 0 : i32
      %dma_wait3A_206 = arith.constant 0 : i32
      %dma_wait3A_207 = arith.constant 0 : i32
      %dma_wait3A_208 = tpu.memref_slice %arg9[%dma_wait3A_205, %dma_wait3A_206, %dma_wait3A_207] : memref<2x128x32xf32, #tpu.memory_space<vmem>> -> memref<1x128x32xf32, #tpu.memory_space<vmem>>
      %dma_wait3A_209 = tpu.memref_squeeze %dma_wait3A_208 : memref<1x128x32xf32, #tpu.memory_space<vmem>> -> memref<128x32xf32, #tpu.memory_space<vmem>>
      %dma_wait3A_210 = arith.constant 0 : i32
      %dma_wait3A_211 = tpu.memref_slice %arg7[%rem3A_31, %dma_wait3A_204, %dma_wait3A_210] : memref<2x8x128xi32, #tpu.memory_space<vmem>> -> memref<1x1x128xi32, #tpu.memory_space<vmem>>
      %dma_wait3A_212 = tpu.memref_squeeze %dma_wait3A_211 : memref<1x1x128xi32, #tpu.memory_space<vmem>> -> memref<128xi32, #tpu.memory_space<vmem>>
      %dma_wait3A_213 = arith.constant 0 : i32
      %dma_wait3A_214 = arith.constant 0 : i32
      %dma_wait3A_215 = tpu.memref_slice %arg2[%dma_wait3A_213, %dma_wait3A_214] : memref<10000x32xf32, #tpu.memory_space<hbm>> -> memref<10000x32xf32, #tpu.memory_space<hbm>>
      tpu.wait_indirect_dma semaphore(%arg11 : memref<!tpu.dma_semaphore, #tpu.memory_space<semaphore_mem>>) src(%dma_wait3A_215 : memref<10000x32xf32, #tpu.memory_space<hbm>>) dst(%dma_wait3A_209 : memref<128x32xf32, #tpu.memory_space<vmem>>)
      %run_scoped3A_216 = arith.constant 0 : i32
      %run_scoped3A_217 = arith.constant 6 : i32
      "tpu.region"() ({
        %run_scoped3A_239 = tpu.sem_alloc : memref<!tpu.dma_semaphore, #tpu.memory_space<semaphore_mem>>
        %dma_start3A_240 = arith.constant 0 : i32
        %dma_start3A_241 = arith.constant 0 : i32
        %dma_start3A_242 = tpu.memref_slice %arg9[%run_scoped3A_216, %dma_start3A_240, %dma_start3A_241] : memref<2x128x32xf32, #tpu.memory_space<vmem>> -> memref<1x128x32xf32, #tpu.memory_space<vmem>>
        %dma_start3A_243 = tpu.memref_squeeze %dma_start3A_242 : memref<1x128x32xf32, #tpu.memory_space<vmem>> -> memref<128x32xf32, #tpu.memory_space<vmem>>
        %dma_start3A_244 = arith.constant 0 : i32
        %dma_start3A_245 = tpu.memref_slice %arg8[%rem3A_31, %run_scoped3A_217, %dma_start3A_244] : memref<2x8x128xi32, #tpu.memory_space<vmem>> -> memref<1x1x128xi32, #tpu.memory_space<vmem>>
        %dma_start3A_246 = tpu.memref_squeeze %dma_start3A_245 : memref<1x1x128xi32, #tpu.memory_space<vmem>> -> memref<128xi32, #tpu.memory_space<vmem>>
        %dma_start3A_247 = arith.constant 0 : i32
        %dma_start3A_248 = arith.constant 0 : i32
        %dma_start3A_249 = tpu.memref_slice %arg10[%dma_start3A_247, %dma_start3A_248] : memref<10112x32xf32, #tpu.memory_space<vmem_shared>> -> memref<10112x32xf32, #tpu.memory_space<vmem_shared>>
        tpu.enqueue_indirect_dma source(%dma_start3A_243 : memref<128x32xf32, #tpu.memory_space<vmem>>) target(%dma_start3A_249 : memref<10112x32xf32, #tpu.memory_space<vmem_shared>>) offsets(%dma_start3A_246 : memref<128xi32, #tpu.memory_space<vmem>>) semaphore(%run_scoped3A_239 : memref<!tpu.dma_semaphore, #tpu.memory_space<semaphore_mem>>) {add = true}
        %dma_wait3A_250 = arith.constant 0 : i32
        %dma_wait3A_251 = arith.constant 0 : i32
        %dma_wait3A_252 = tpu.memref_slice %arg9[%run_scoped3A_216, %dma_wait3A_250, %dma_wait3A_251] : memref<2x128x32xf32, #tpu.memory_space<vmem>> -> memref<1x128x32xf32, #tpu.memory_space<vmem>>
        %dma_wait3A_253 = tpu.memref_squeeze %dma_wait3A_252 : memref<1x128x32xf32, #tpu.memory_space<vmem>> -> memref<128x32xf32, #tpu.memory_space<vmem>>
        %dma_wait3A_254 = arith.constant 0 : i32
        %dma_wait3A_255 = tpu.memref_slice %arg8[%rem3A_31, %run_scoped3A_217, %dma_wait3A_254] : memref<2x8x128xi32, #tpu.memory_space<vmem>> -> memref<1x1x128xi32, #tpu.memory_space<vmem>>
        %dma_wait3A_256 = tpu.memref_squeeze %dma_wait3A_255 : memref<1x1x128xi32, #tpu.memory_space<vmem>> -> memref<128xi32, #tpu.memory_space<vmem>>
        %dma_wait3A_257 = arith.constant 0 : i32
        %dma_wait3A_258 = arith.constant 0 : i32
        %dma_wait3A_259 = tpu.memref_slice %arg10[%dma_wait3A_257, %dma_wait3A_258] : memref<10112x32xf32, #tpu.memory_space<vmem_shared>> -> memref<10112x32xf32, #tpu.memory_space<vmem_shared>>
        tpu.wait_indirect_dma semaphore(%run_scoped3A_239 : memref<!tpu.dma_semaphore, #tpu.memory_space<semaphore_mem>>) src(%dma_wait3A_253 : memref<128x32xf32, #tpu.memory_space<vmem>>) dst(%dma_wait3A_259 : memref<10112x32xf32, #tpu.memory_space<vmem_shared>>)
        tpu.yield
      }) : () -> ()
      %add3A_218 = arith.constant 1 : i32
      %add3A_219 = arith.addi %scan3A_30, %add3A_218 : i32
      %lt3A_220 = arith.constant 10 : i32
      %lt3A_221 = arith.cmpi slt, %add3A_219, %lt3A_220 : i32
      %convert_element_type3A_222 = arith.extui %lt3A_221 : i1 to i32
      %cond3A_223 = arith.constant 0 : i32
      %cond3A_224 = arith.cmpi ne, %convert_element_type3A_222, %cond3A_223 : i32
      scf.if %cond3A_224 {
        %add3A_239 = arith.constant 1 : i32
        %add3A_240 = arith.addi %scan3A_30, %add3A_239 : i32
        %mul3A_241 = arith.constant 8 : i32
        %mul3A_242 = arith.muli %add3A_240, %mul3A_241 : i32
        %add3A_243 = arith.addi %mul3A_6, %mul3A_242 : i32
        %dma_wait3A_244 = arith.constant 0 : i32
        %dma_wait3A_245 = arith.constant 0 : i32
        %dma_wait3A_246 = tpu.memref_slice %arg7[%sub3A_32, %dma_wait3A_244, %dma_wait3A_245] : memref<2x8x128xi32, #tpu.memory_space<vmem>> -> memref<1x8x128xi32, #tpu.memory_space<vmem>>
        %dma_wait3A_247 = tpu.memref_squeeze %dma_wait3A_246 : memref<1x8x128xi32, #tpu.memory_space<vmem>> -> memref<8x128xi32, #tpu.memory_space<vmem>>
        %dma_wait3A_248 = arith.constant 0 : i32
        %dma_wait3A_249 = tpu.memref_slice %arg3[%add3A_243, %dma_wait3A_248] : memref<2560x128xi32, #tpu.memory_space<hbm>> -> memref<8x128xi32, #tpu.memory_space<hbm>>
        %dma_wait3A_250 = arith.constant 0 : i32
        %dma_wait3A_251 = arith.constant 0 : i32
        %dma_wait3A_252 = tpu.memref_slice %arg7[%sub3A_32, %dma_wait3A_250, %dma_wait3A_251] : memref<2x8x128xi32, #tpu.memory_space<vmem>> -> memref<1x8x128xi32, #tpu.memory_space<vmem>>
        %dma_wait3A_253 = tpu.memref_squeeze %dma_wait3A_252 : memref<1x8x128xi32, #tpu.memory_space<vmem>> -> memref<8x128xi32, #tpu.memory_space<vmem>>
        %dma_wait3A_254 = arith.constant 0 : i32
        %dma_wait3A_255 = tpu.memref_slice %arg3[%add3A_243, %dma_wait3A_254] : memref<2560x128xi32, #tpu.memory_space<hbm>> -> memref<8x128xi32, #tpu.memory_space<hbm>>
        tpu.wait_dma2 semaphore(%arg13 : memref<!tpu.dma_semaphore, #tpu.memory_space<semaphore_mem>>) src(%dma_wait3A_255 : memref<8x128xi32, #tpu.memory_space<hbm>>) dst(%dma_wait3A_253 : memref<8x128xi32, #tpu.memory_space<vmem>>)
        %dma_wait3A_256 = arith.constant 0 : i32
        %dma_wait3A_257 = arith.constant 0 : i32
        %dma_wait3A_258 = tpu.memref_slice %arg8[%sub3A_32, %dma_wait3A_256, %dma_wait3A_257] : memref<2x8x128xi32, #tpu.memory_space<vmem>> -> memref<1x8x128xi32, #tpu.memory_space<vmem>>
        %dma_wait3A_259 = tpu.memref_squeeze %dma_wait3A_258 : memref<1x8x128xi32, #tpu.memory_space<vmem>> -> memref<8x128xi32, #tpu.memory_space<vmem>>
        %dma_wait3A_260 = arith.constant 0 : i32
        %dma_wait3A_261 = tpu.memref_slice %arg4[%add3A_243, %dma_wait3A_260] : memref<2560x128xi32, #tpu.memory_space<hbm>> -> memref<8x128xi32, #tpu.memory_space<hbm>>
        %dma_wait3A_262 = arith.constant 0 : i32
        %dma_wait3A_263 = arith.constant 0 : i32
        %dma_wait3A_264 = tpu.memref_slice %arg8[%sub3A_32, %dma_wait3A_262, %dma_wait3A_263] : memref<2x8x128xi32, #tpu.memory_space<vmem>> -> memref<1x8x128xi32, #tpu.memory_space<vmem>>
        %dma_wait3A_265 = tpu.memref_squeeze %dma_wait3A_264 : memref<1x8x128xi32, #tpu.memory_space<vmem>> -> memref<8x128xi32, #tpu.memory_space<vmem>>
        %dma_wait3A_266 = arith.constant 0 : i32
        %dma_wait3A_267 = tpu.memref_slice %arg4[%add3A_243, %dma_wait3A_266] : memref<2560x128xi32, #tpu.memory_space<hbm>> -> memref<8x128xi32, #tpu.memory_space<hbm>>
        tpu.wait_dma2 semaphore(%arg13 : memref<!tpu.dma_semaphore, #tpu.memory_space<semaphore_mem>>) src(%dma_wait3A_267 : memref<8x128xi32, #tpu.memory_space<hbm>>) dst(%dma_wait3A_265 : memref<8x128xi32, #tpu.memory_space<vmem>>)
        %dma_start3A_268 = arith.constant 0 : i32
        %dma_start3A_269 = arith.constant 0 : i32
        %dma_start3A_270 = arith.constant 0 : i32
        %dma_start3A_271 = arith.constant 0 : i32
        %dma_start3A_272 = tpu.memref_slice %arg9[%dma_start3A_269, %dma_start3A_270, %dma_start3A_271] : memref<2x128x32xf32, #tpu.memory_space<vmem>> -> memref<1x128x32xf32, #tpu.memory_space<vmem>>
        %dma_start3A_273 = tpu.memref_squeeze %dma_start3A_272 : memref<1x128x32xf32, #tpu.memory_space<vmem>> -> memref<128x32xf32, #tpu.memory_space<vmem>>
        %dma_start3A_274 = arith.constant 0 : i32
        %dma_start3A_275 = tpu.memref_slice %arg7[%sub3A_32, %dma_start3A_268, %dma_start3A_274] : memref<2x8x128xi32, #tpu.memory_space<vmem>> -> memref<1x1x128xi32, #tpu.memory_space<vmem>>
        %dma_start3A_276 = tpu.memref_squeeze %dma_start3A_275 : memref<1x1x128xi32, #tpu.memory_space<vmem>> -> memref<128xi32, #tpu.memory_space<vmem>>
        %dma_start3A_277 = arith.constant 0 : i32
        %dma_start3A_278 = arith.constant 0 : i32
        %dma_start3A_279 = tpu.memref_slice %arg2[%dma_start3A_277, %dma_start3A_278] : memref<10000x32xf32, #tpu.memory_space<hbm>> -> memref<10000x32xf32, #tpu.memory_space<hbm>>
        tpu.enqueue_indirect_dma source(%dma_start3A_279 : memref<10000x32xf32, #tpu.memory_space<hbm>>) target(%dma_start3A_273 : memref<128x32xf32, #tpu.memory_space<vmem>>) offsets(%dma_start3A_276 : memref<128xi32, #tpu.memory_space<vmem>>) semaphore(%arg11 : memref<!tpu.dma_semaphore, #tpu.memory_space<semaphore_mem>>)
      } else {
      }
      %dma_wait3A_225 = arith.constant 7 : i32
      %dma_wait3A_226 = arith.constant 1 : i32
      %dma_wait3A_227 = arith.constant 0 : i32
      %dma_wait3A_228 = arith.constant 0 : i32
      %dma_wait3A_229 = tpu.memref_slice %arg9[%dma_wait3A_226, %dma_wait3A_227, %dma_wait3A_228] : memref<2x128x32xf32, #tpu.memory_space<vmem>> -> memref<1x128x32xf32, #tpu.memory_space<vmem>>
      %dma_wait3A_230 = tpu.memref_squeeze %dma_wait3A_229 : memref<1x128x32xf32, #tpu.memory_space<vmem>> -> memref<128x32xf32, #tpu.memory_space<vmem>>
      %dma_wait3A_231 = arith.constant 0 : i32
      %dma_wait3A_232 = tpu.memref_slice %arg7[%rem3A_31, %dma_wait3A_225, %dma_wait3A_231] : memref<2x8x128xi32, #tpu.memory_space<vmem>> -> memref<1x1x128xi32, #tpu.memory_space<vmem>>
      %dma_wait3A_233 = tpu.memref_squeeze %dma_wait3A_232 : memref<1x1x128xi32, #tpu.memory_space<vmem>> -> memref<128xi32, #tpu.memory_space<vmem>>
      %dma_wait3A_234 = arith.constant 0 : i32
      %dma_wait3A_235 = arith.constant 0 : i32
      %dma_wait3A_236 = tpu.memref_slice %arg2[%dma_wait3A_234, %dma_wait3A_235] : memref<10000x32xf32, #tpu.memory_space<hbm>> -> memref<10000x32xf32, #tpu.memory_space<hbm>>
      tpu.wait_indirect_dma semaphore(%arg12 : memref<!tpu.dma_semaphore, #tpu.memory_space<semaphore_mem>>) src(%dma_wait3A_236 : memref<10000x32xf32, #tpu.memory_space<hbm>>) dst(%dma_wait3A_230 : memref<128x32xf32, #tpu.memory_space<vmem>>)
      %run_scoped3A_237 = arith.constant 1 : i32
      %run_scoped3A_238 = arith.constant 7 : i32
      "tpu.region"() ({
        %run_scoped3A_239 = tpu.sem_alloc : memref<!tpu.dma_semaphore, #tpu.memory_space<semaphore_mem>>
        %dma_start3A_240 = arith.constant 0 : i32
        %dma_start3A_241 = arith.constant 0 : i32
        %dma_start3A_242 = tpu.memref_slice %arg9[%run_scoped3A_237, %dma_start3A_240, %dma_start3A_241] : memref<2x128x32xf32, #tpu.memory_space<vmem>> -> memref<1x128x32xf32, #tpu.memory_space<vmem>>
        %dma_start3A_243 = tpu.memref_squeeze %dma_start3A_242 : memref<1x128x32xf32, #tpu.memory_space<vmem>> -> memref<128x32xf32, #tpu.memory_space<vmem>>
        %dma_start3A_244 = arith.constant 0 : i32
        %dma_start3A_245 = tpu.memref_slice %arg8[%rem3A_31, %run_scoped3A_238, %dma_start3A_244] : memref<2x8x128xi32, #tpu.memory_space<vmem>> -> memref<1x1x128xi32, #tpu.memory_space<vmem>>
        %dma_start3A_246 = tpu.memref_squeeze %dma_start3A_245 : memref<1x1x128xi32, #tpu.memory_space<vmem>> -> memref<128xi32, #tpu.memory_space<vmem>>
        %dma_start3A_247 = arith.constant 0 : i32
        %dma_start3A_248 = arith.constant 0 : i32
        %dma_start3A_249 = tpu.memref_slice %arg10[%dma_start3A_247, %dma_start3A_248] : memref<10112x32xf32, #tpu.memory_space<vmem_shared>> -> memref<10112x32xf32, #tpu.memory_space<vmem_shared>>
        tpu.enqueue_indirect_dma source(%dma_start3A_243 : memref<128x32xf32, #tpu.memory_space<vmem>>) target(%dma_start3A_249 : memref<10112x32xf32, #tpu.memory_space<vmem_shared>>) offsets(%dma_start3A_246 : memref<128xi32, #tpu.memory_space<vmem>>) semaphore(%run_scoped3A_239 : memref<!tpu.dma_semaphore, #tpu.memory_space<semaphore_mem>>) {add = true}
        %dma_wait3A_250 = arith.constant 0 : i32
        %dma_wait3A_251 = arith.constant 0 : i32
        %dma_wait3A_252 = tpu.memref_slice %arg9[%run_scoped3A_237, %dma_wait3A_250, %dma_wait3A_251] : memref<2x128x32xf32, #tpu.memory_space<vmem>> -> memref<1x128x32xf32, #tpu.memory_space<vmem>>
        %dma_wait3A_253 = tpu.memref_squeeze %dma_wait3A_252 : memref<1x128x32xf32, #tpu.memory_space<vmem>> -> memref<128x32xf32, #tpu.memory_space<vmem>>
        %dma_wait3A_254 = arith.constant 0 : i32
        %dma_wait3A_255 = tpu.memref_slice %arg8[%rem3A_31, %run_scoped3A_238, %dma_wait3A_254] : memref<2x8x128xi32, #tpu.memory_space<vmem>> -> memref<1x1x128xi32, #tpu.memory_space<vmem>>
        %dma_wait3A_256 = tpu.memref_squeeze %dma_wait3A_255 : memref<1x1x128xi32, #tpu.memory_space<vmem>> -> memref<128xi32, #tpu.memory_space<vmem>>
        %dma_wait3A_257 = arith.constant 0 : i32
        %dma_wait3A_258 = arith.constant 0 : i32
        %dma_wait3A_259 = tpu.memref_slice %arg10[%dma_wait3A_257, %dma_wait3A_258] : memref<10112x32xf32, #tpu.memory_space<vmem_shared>> -> memref<10112x32xf32, #tpu.memory_space<vmem_shared>>
        tpu.wait_indirect_dma semaphore(%run_scoped3A_239 : memref<!tpu.dma_semaphore, #tpu.memory_space<semaphore_mem>>) src(%dma_wait3A_253 : memref<128x32xf32, #tpu.memory_space<vmem>>) dst(%dma_wait3A_259 : memref<10112x32xf32, #tpu.memory_space<vmem_shared>>)
        tpu.yield
      }) : () -> ()
    }
    %scan3A_24 = arith.constant 10 : i32
    %barrier3A_25 = arith.constant 0 : index
    tpu.barrier barrier_id(%barrier3A_25)
    %mul3A_26 = arith.constant 632 : i32
    %mul3A_27 = arith.muli %arg1, %mul3A_26 : i32
    %mul3A_28 = arith.constant 632 : i32
    %mul3A_29 = arith.muli %arg1, %mul3A_28 : i32
    "tpu.region"() ({
      %run_scoped3A_30 = tpu.sem_alloc : memref<!tpu.dma_semaphore, #tpu.memory_space<semaphore_mem>>
      %dma_start3A_31 = arith.constant 0 : i32
      %dma_start3A_32 = tpu.memref_slice %arg6[%arg0, %mul3A_29, %dma_start3A_31] : memref<2x10112x32xf32, #tpu.memory_space<hbm>> -> memref<1x632x32xf32, #tpu.memory_space<hbm>>
      %dma_start3A_33 = tpu.memref_squeeze %dma_start3A_32 : memref<1x632x32xf32, #tpu.memory_space<hbm>> -> memref<632x32xf32, #tpu.memory_space<hbm>>
      %dma_start3A_34 = arith.constant 0 : i32
      %dma_start3A_35 = tpu.memref_slice %arg10[%mul3A_27, %dma_start3A_34] : memref<10112x32xf32, #tpu.memory_space<vmem_shared>> -> memref<632x32xf32, #tpu.memory_space<vmem_shared>>
      tpu.enqueue_dma source(%dma_start3A_35 : memref<632x32xf32, #tpu.memory_space<vmem_shared>>) target(%dma_start3A_33 : memref<632x32xf32, #tpu.memory_space<hbm>>) target_semaphore(%run_scoped3A_30 : memref<!tpu.dma_semaphore, #tpu.memory_space<semaphore_mem>>)
      %dma_wait3A = arith.constant 0 : i32
      %dma_wait3A_36 = tpu.memref_slice %arg6[%arg0, %mul3A_29, %dma_wait3A] : memref<2x10112x32xf32, #tpu.memory_space<hbm>> -> memref<1x632x32xf32, #tpu.memory_space<hbm>>
      %dma_wait3A_37 = tpu.memref_squeeze %dma_wait3A_36 : memref<1x632x32xf32, #tpu.memory_space<hbm>> -> memref<632x32xf32, #tpu.memory_space<hbm>>
      %dma_wait3A_38 = arith.constant 0 : i32
      %dma_wait3A_39 = tpu.memref_slice %arg10[%mul3A_27, %dma_wait3A_38] : memref<10112x32xf32, #tpu.memory_space<vmem_shared>> -> memref<632x32xf32, #tpu.memory_space<vmem_shared>>
      tpu.wait_dma2 semaphore(%run_scoped3A_30 : memref<!tpu.dma_semaphore, #tpu.memory_space<semaphore_mem>>) src(%dma_wait3A_39 : memref<632x32xf32, #tpu.memory_space<vmem_shared>>) dst(%dma_wait3A_37 : memref<632x32xf32, #tpu.memory_space<hbm>>)
      tpu.yield
    }) : () -> ()
    return
  }
}

#map = affine_map<(d0, d1) -> (0, 0)>
#map1 = affine_map<(d0, d1) -> (0, 0, 0)>
module attributes {stable_mosaic.version = 14 : i64} {
  func.func @body(%arg0: i32, %arg1: i32, %arg2: memref<10000x32xf32, #tpu.memory_space<hbm>>, %arg3: memref<2560x128xi32, #tpu.memory_space<hbm>>, %arg4: memref<2560x128xi32, #tpu.memory_space<hbm>>, %arg5: memref<10112x32xf32, #tpu.memory_space<hbm>>, %arg6: memref<2x10112x32xf32, #tpu.memory_space<hbm>>, %arg7: memref<2x8x128xi32, #tpu.memory_space<vmem>>, %arg8: memref<2x8x128xi32, #tpu.memory_space<vmem>>, %arg9: memref<2x128x32xf32, #tpu.memory_space<vmem>>, %arg10: memref<10112x32xf32, #tpu.memory_space<vmem_shared>>, %arg11: memref<!tpu.dma_semaphore, #tpu.memory_space<semaphore_mem>>, %arg12: memref<!tpu.dma_semaphore, #tpu.memory_space<semaphore_mem>>, %arg13: memref<!tpu.dma_semaphore, #tpu.memory_space<semaphore_mem>>) attributes {dimension_semantics = [#tpu.dimension_semantics<core_parallel>, #tpu.dimension_semantics<subcore_parallel>], iteration_bounds = array<i64: 2, 16>, scalar_prefetch = 0 : i64, scratch_operands = 7 : i64, tpu.core_type = #tpu.core_type<sc_vector_subcore>, window_params = [{transform_indices = #map}, {transform_indices = #map}, {transform_indices = #map}, {transform_indices = #map}, {transform_indices = #map1}]} {
    %mul3A = arith.constant 16 : i32
    %mul3A_0 = arith.muli %arg0, %mul3A : i32
    %add3A = arith.addi %mul3A_0, %arg1 : i32
    %mul3A_1 = arith.constant 632 : i32
    %mul3A_2 = arith.muli %arg1, %mul3A_1 : i32
    %mul3A_3 = arith.constant 632 : i32
    %mul3A_4 = arith.muli %arg1, %mul3A_3 : i32
    "tpu.region"() ({
      %run_scoped3A_30 = tpu.sem_alloc : memref<!tpu.dma_semaphore, #tpu.memory_space<semaphore_mem>>
      %dma_start3A_31 = arith.constant 0 : i32
      %dma_start3A_32 = tpu.memref_slice %arg10[%mul3A_4, %dma_start3A_31] : memref<10112x32xf32, #tpu.memory_space<vmem_shared>> -> memref<632x32xf32, #tpu.memory_space<vmem_shared>>
      %dma_start3A_33 = arith.constant 0 : i32
      %dma_start3A_34 = tpu.memref_slice %arg5[%mul3A_2, %dma_start3A_33] : memref<10112x32xf32, #tpu.memory_space<hbm>> -> memref<632x32xf32, #tpu.memory_space<hbm>>
      tpu.enqueue_dma source(%dma_start3A_34 : memref<632x32xf32, #tpu.memory_space<hbm>>) target(%dma_start3A_32 : memref<632x32xf32, #tpu.memory_space<vmem_shared>>) target_semaphore(%run_scoped3A_30 : memref<!tpu.dma_semaphore, #tpu.memory_space<semaphore_mem>>)
      %dma_wait3A = arith.constant 0 : i32
      %dma_wait3A_35 = tpu.memref_slice %arg10[%mul3A_4, %dma_wait3A] : memref<10112x32xf32, #tpu.memory_space<vmem_shared>> -> memref<632x32xf32, #tpu.memory_space<vmem_shared>>
      %dma_wait3A_36 = arith.constant 0 : i32
      %dma_wait3A_37 = tpu.memref_slice %arg5[%mul3A_2, %dma_wait3A_36] : memref<10112x32xf32, #tpu.memory_space<hbm>> -> memref<632x32xf32, #tpu.memory_space<hbm>>
      tpu.wait_dma2 semaphore(%run_scoped3A_30 : memref<!tpu.dma_semaphore, #tpu.memory_space<semaphore_mem>>) src(%dma_wait3A_37 : memref<632x32xf32, #tpu.memory_space<hbm>>) dst(%dma_wait3A_35 : memref<632x32xf32, #tpu.memory_space<vmem_shared>>)
      tpu.yield
    }) : () -> ()
    %barrier3A = arith.constant 0 : index
    tpu.barrier barrier_id(%barrier3A)
    %mul3A_5 = arith.constant 80 : i32
    %mul3A_6 = arith.muli %add3A, %mul3A_5 : i32
    %run_scoped3A = arith.constant 0 : i32
    "tpu.region"() ({
      %run_scoped3A_30 = tpu.sem_alloc : memref<!tpu.dma_semaphore, #tpu.memory_space<semaphore_mem>>
      %dma_start3A_31 = arith.constant 0 : i32
      %dma_start3A_32 = arith.constant 0 : i32
      %dma_start3A_33 = tpu.memref_slice %arg7[%run_scoped3A, %dma_start3A_31, %dma_start3A_32] : memref<2x8x128xi32, #tpu.memory_space<vmem>> -> memref<1x8x128xi32, #tpu.memory_space<vmem>>
      %dma_start3A_34 = tpu.memref_squeeze %dma_start3A_33 : memref<1x8x128xi32, #tpu.memory_space<vmem>> -> memref<8x128xi32, #tpu.memory_space<vmem>>
      %dma_start3A_35 = arith.constant 0 : i32
      %dma_start3A_36 = tpu.memref_slice %arg3[%mul3A_6, %dma_start3A_35] : memref<2560x128xi32, #tpu.memory_space<hbm>> -> memref<8x128xi32, #tpu.memory_space<hbm>>
      %dma_start3A_37 = arith.constant 0 : i32
      %dma_start3A_38 = arith.constant 0 : i32
      %dma_start3A_39 = tpu.memref_slice %arg7[%run_scoped3A, %dma_start3A_37, %dma_start3A_38] : memref<2x8x128xi32, #tpu.memory_space<vmem>> -> memref<1x8x128xi32, #tpu.memory_space<vmem>>
      %dma_start3A_40 = tpu.memref_squeeze %dma_start3A_39 : memref<1x8x128xi32, #tpu.memory_space<vmem>> -> memref<8x128xi32, #tpu.memory_space<vmem>>
      %dma_start3A_41 = arith.constant 0 : i32
      %dma_start3A_42 = tpu.memref_slice %arg3[%mul3A_6, %dma_start3A_41] : memref<2560x128xi32, #tpu.memory_space<hbm>> -> memref<8x128xi32, #tpu.memory_space<hbm>>
      tpu.enqueue_dma source(%dma_start3A_42 : memref<8x128xi32, #tpu.memory_space<hbm>>) target(%dma_start3A_40 : memref<8x128xi32, #tpu.memory_space<vmem>>) target_semaphore(%run_scoped3A_30 : memref<!tpu.dma_semaphore, #tpu.memory_space<semaphore_mem>>)
      %dma_wait3A = arith.constant 0 : i32
      %dma_wait3A_43 = arith.constant 0 : i32
      %dma_wait3A_44 = tpu.memref_slice %arg7[%run_scoped3A, %dma_wait3A, %dma_wait3A_43] : memref<2x8x128xi32, #tpu.memory_space<vmem>> -> memref<1x8x128xi32, #tpu.memory_space<vmem>>
      %dma_wait3A_45 = tpu.memref_squeeze %dma_wait3A_44 : memref<1x8x128xi32, #tpu.memory_space<vmem>> -> memref<8x128xi32, #tpu.memory_space<vmem>>
      %dma_wait3A_46 = arith.constant 0 : i32
      %dma_wait3A_47 = tpu.memref_slice %arg3[%mul3A_6, %dma_wait3A_46] : memref<2560x128xi32, #tpu.memory_space<hbm>> -> memref<8x128xi32, #tpu.memory_space<hbm>>
      %dma_wait3A_48 = arith.constant 0 : i32
      %dma_wait3A_49 = arith.constant 0 : i32
      %dma_wait3A_50 = tpu.memref_slice %arg7[%run_scoped3A, %dma_wait3A_48, %dma_wait3A_49] : memref<2x8x128xi32, #tpu.memory_space<vmem>> -> memref<1x8x128xi32, #tpu.memory_space<vmem>>
      %dma_wait3A_51 = tpu.memref_squeeze %dma_wait3A_50 : memref<1x8x128xi32, #tpu.memory_space<vmem>> -> memref<8x128xi32, #tpu.memory_space<vmem>>
      %dma_wait3A_52 = arith.constant 0 : i32
      %dma_wait3A_53 = tpu.memref_slice %arg3[%mul3A_6, %dma_wait3A_52] : memref<2560x128xi32, #tpu.memory_space<hbm>> -> memref<8x128xi32, #tpu.memory_space<hbm>>
      tpu.wait_dma2 semaphore(%run_scoped3A_30 : memref<!tpu.dma_semaphore, #tpu.memory_space<semaphore_mem>>) src(%dma_wait3A_53 : memref<8x128xi32, #tpu.memory_space<hbm>>) dst(%dma_wait3A_51 : memref<8x128xi32, #tpu.memory_space<vmem>>)
      tpu.yield
    }) : () -> ()
    %run_scoped3A_7 = arith.constant 0 : i32
    "tpu.region"() ({
      %run_scoped3A_30 = tpu.sem_alloc : memref<!tpu.dma_semaphore, #tpu.memory_space<semaphore_mem>>
      %dma_start3A_31 = arith.constant 0 : i32
      %dma_start3A_32 = arith.constant 0 : i32
      %dma_start3A_33 = tpu.memref_slice %arg8[%run_scoped3A_7, %dma_start3A_31, %dma_start3A_32] : memref<2x8x128xi32, #tpu.memory_space<vmem>> -> memref<1x8x128xi32, #tpu.memory_space<vmem>>
      %dma_start3A_34 = tpu.memref_squeeze %dma_start3A_33 : memref<1x8x128xi32, #tpu.memory_space<vmem>> -> memref<8x128xi32, #tpu.memory_space<vmem>>
      %dma_start3A_35 = arith.constant 0 : i32
      %dma_start3A_36 = tpu.memref_slice %arg4[%mul3A_6, %dma_start3A_35] : memref<2560x128xi32, #tpu.memory_space<hbm>> -> memref<8x128xi32, #tpu.memory_space<hbm>>
      %dma_start3A_37 = arith.constant 0 : i32
      %dma_start3A_38 = arith.constant 0 : i32
      %dma_start3A_39 = tpu.memref_slice %arg8[%run_scoped3A_7, %dma_start3A_37, %dma_start3A_38] : memref<2x8x128xi32, #tpu.memory_space<vmem>> -> memref<1x8x128xi32, #tpu.memory_space<vmem>>
      %dma_start3A_40 = tpu.memref_squeeze %dma_start3A_39 : memref<1x8x128xi32, #tpu.memory_space<vmem>> -> memref<8x128xi32, #tpu.memory_space<vmem>>
      %dma_start3A_41 = arith.constant 0 : i32
      %dma_start3A_42 = tpu.memref_slice %arg4[%mul3A_6, %dma_start3A_41] : memref<2560x128xi32, #tpu.memory_space<hbm>> -> memref<8x128xi32, #tpu.memory_space<hbm>>
      tpu.enqueue_dma source(%dma_start3A_42 : memref<8x128xi32, #tpu.memory_space<hbm>>) target(%dma_start3A_40 : memref<8x128xi32, #tpu.memory_space<vmem>>) target_semaphore(%run_scoped3A_30 : memref<!tpu.dma_semaphore, #tpu.memory_space<semaphore_mem>>)
      %dma_wait3A = arith.constant 0 : i32
      %dma_wait3A_43 = arith.constant 0 : i32
      %dma_wait3A_44 = tpu.memref_slice %arg8[%run_scoped3A_7, %dma_wait3A, %dma_wait3A_43] : memref<2x8x128xi32, #tpu.memory_space<vmem>> -> memref<1x8x128xi32, #tpu.memory_space<vmem>>
      %dma_wait3A_45 = tpu.memref_squeeze %dma_wait3A_44 : memref<1x8x128xi32, #tpu.memory_space<vmem>> -> memref<8x128xi32, #tpu.memory_space<vmem>>
      %dma_wait3A_46 = arith.constant 0 : i32
      %dma_wait3A_47 = tpu.memref_slice %arg4[%mul3A_6, %dma_wait3A_46] : memref<2560x128xi32, #tpu.memory_space<hbm>> -> memref<8x128xi32, #tpu.memory_space<hbm>>
      %dma_wait3A_48 = arith.constant 0 : i32
      %dma_wait3A_49 = arith.constant 0 : i32
      %dma_wait3A_50 = tpu.memref_slice %arg8[%run_scoped3A_7, %dma_wait3A_48, %dma_wait3A_49] : memref<2x8x128xi32, #tpu.memory_space<vmem>> -> memref<1x8x128xi32, #tpu.memory_space<vmem>>
      %dma_wait3A_51 = tpu.memref_squeeze %dma_wait3A_50 : memref<1x8x128xi32, #tpu.memory_space<vmem>> -> memref<8x128xi32, #tpu.memory_space<vmem>>
      %dma_wait3A_52 = arith.constant 0 : i32
      %dma_wait3A_53 = tpu.memref_slice %arg4[%mul3A_6, %dma_wait3A_52] : memref<2560x128xi32, #tpu.memory_space<hbm>> -> memref<8x128xi32, #tpu.memory_space<hbm>>
      tpu.wait_dma2 semaphore(%run_scoped3A_30 : memref<!tpu.dma_semaphore, #tpu.memory_space<semaphore_mem>>) src(%dma_wait3A_53 : memref<8x128xi32, #tpu.memory_space<hbm>>) dst(%dma_wait3A_51 : memref<8x128xi32, #tpu.memory_space<vmem>>)
      tpu.yield
    }) : () -> ()
    %dma_start3A = arith.constant 0 : i32
    %dma_start3A_8 = arith.constant 0 : i32
    %dma_start3A_9 = arith.constant 0 : i32
    %dma_start3A_10 = arith.constant 0 : i32
    %dma_start3A_11 = arith.constant 0 : i32
    %dma_start3A_12 = tpu.memref_slice %arg9[%dma_start3A_9, %dma_start3A_10, %dma_start3A_11] : memref<2x128x32xf32, #tpu.memory_space<vmem>> -> memref<1x128x32xf32, #tpu.memory_space<vmem>>
    %dma_start3A_13 = tpu.memref_squeeze %dma_start3A_12 : memref<1x128x32xf32, #tpu.memory_space<vmem>> -> memref<128x32xf32, #tpu.memory_space<vmem>>
    %dma_start3A_14 = arith.constant 0 : i32
    %dma_start3A_15 = tpu.memref_slice %arg7[%dma_start3A, %dma_start3A_8, %dma_start3A_14] : memref<2x8x128xi32, #tpu.memory_space<vmem>> -> memref<1x1x128xi32, #tpu.memory_space<vmem>>
    %dma_start3A_16 = tpu.memref_squeeze %dma_start3A_15 : memref<1x1x128xi32, #tpu.memory_space<vmem>> -> memref<128xi32, #tpu.memory_space<vmem>>
    %dma_start3A_17 = arith.constant 0 : i32
    %dma_start3A_18 = arith.constant 0 : i32
    %dma_start3A_19 = tpu.memref_slice %arg2[%dma_start3A_17, %dma_start3A_18] : memref<10000x32xf32, #tpu.memory_space<hbm>> -> memref<10000x32xf32, #tpu.memory_space<hbm>>
    tpu.enqueue_indirect_dma source(%dma_start3A_19 : memref<10000x32xf32, #tpu.memory_space<hbm>>) target(%dma_start3A_13 : memref<128x32xf32, #tpu.memory_space<vmem>>) offsets(%dma_start3A_16 : memref<128xi32, #tpu.memory_space<vmem>>) semaphore(%arg11 : memref<!tpu.dma_semaphore, #tpu.memory_space<semaphore_mem>>)
    %scan3A = arith.constant 0 : i32
    %scan3A_20 = arith.constant 0 : i32
    %scan3A_21 = arith.constant 10 : i32
    %scan3A_22 = arith.addi %scan3A_20, %scan3A_21 : i32
    %scan3A_23 = arith.constant 1 : i32
    scf.for %scan3A_30 = %scan3A_20 to %scan3A_22 step %scan3A_23  : i32 {
      %rem3A = arith.constant 2 : i32
      %rem3A_31 = arith.remsi %scan3A_30, %rem3A : i32
      %sub3A = arith.constant 1 : i32
      %sub3A_32 = arith.subi %sub3A, %rem3A_31 : i32
      %add3A_33 = arith.constant 1 : i32
      %add3A_34 = arith.addi %scan3A_30, %add3A_33 : i32
      %lt3A = arith.constant 10 : i32
      %lt3A_35 = arith.cmpi slt, %add3A_34, %lt3A : i32
      %convert_element_type3A = arith.extui %lt3A_35 : i1 to i32
      %cond3A = arith.constant 0 : i32
      %cond3A_36 = arith.cmpi ne, %convert_element_type3A, %cond3A : i32
      scf.if %cond3A_36 {
        %add3A_239 = arith.constant 1 : i32
        %add3A_240 = arith.addi %scan3A_30, %add3A_239 : i32
        %mul3A_241 = arith.constant 8 : i32
        %mul3A_242 = arith.muli %add3A_240, %mul3A_241 : i32
        %add3A_243 = arith.addi %mul3A_6, %mul3A_242 : i32
        %dma_start3A_244 = arith.constant 0 : i32
        %dma_start3A_245 = arith.constant 0 : i32
        %dma_start3A_246 = tpu.memref_slice %arg7[%sub3A_32, %dma_start3A_244, %dma_start3A_245] : memref<2x8x128xi32, #tpu.memory_space<vmem>> -> memref<1x8x128xi32, #tpu.memory_space<vmem>>
        %dma_start3A_247 = tpu.memref_squeeze %dma_start3A_246 : memref<1x8x128xi32, #tpu.memory_space<vmem>> -> memref<8x128xi32, #tpu.memory_space<vmem>>
        %dma_start3A_248 = arith.constant 0 : i32
        %dma_start3A_249 = tpu.memref_slice %arg3[%add3A_243, %dma_start3A_248] : memref<2560x128xi32, #tpu.memory_space<hbm>> -> memref<8x128xi32, #tpu.memory_space<hbm>>
        %dma_start3A_250 = arith.constant 0 : i32
        %dma_start3A_251 = arith.constant 0 : i32
        %dma_start3A_252 = tpu.memref_slice %arg7[%sub3A_32, %dma_start3A_250, %dma_start3A_251] : memref<2x8x128xi32, #tpu.memory_space<vmem>> -> memref<1x8x128xi32, #tpu.memory_space<vmem>>
        %dma_start3A_253 = tpu.memref_squeeze %dma_start3A_252 : memref<1x8x128xi32, #tpu.memory_space<vmem>> -> memref<8x128xi32, #tpu.memory_space<vmem>>
        %dma_start3A_254 = arith.constant 0 : i32
        %dma_start3A_255 = tpu.memref_slice %arg3[%add3A_243, %dma_start3A_254] : memref<2560x128xi32, #tpu.memory_space<hbm>> -> memref<8x128xi32, #tpu.memory_space<hbm>>
        tpu.enqueue_dma source(%dma_start3A_255 : memref<8x128xi32, #tpu.memory_space<hbm>>) target(%dma_start3A_253 : memref<8x128xi32, #tpu.memory_space<vmem>>) target_semaphore(%arg13 : memref<!tpu.dma_semaphore, #tpu.memory_space<semaphore_mem>>)
        %dma_start3A_256 = arith.constant 0 : i32
        %dma_start3A_257 = arith.constant 0 : i32
        %dma_start3A_258 = tpu.memref_slice %arg8[%sub3A_32, %dma_start3A_256, %dma_start3A_257] : memref<2x8x128xi32, #tpu.memory_space<vmem>> -> memref<1x8x128xi32, #tpu.memory_space<vmem>>
        %dma_start3A_259 = tpu.memref_squeeze %dma_start3A_258 : memref<1x8x128xi32, #tpu.memory_space<vmem>> -> memref<8x128xi32, #tpu.memory_space<vmem>>
        %dma_start3A_260 = arith.constant 0 : i32
        %dma_start3A_261 = tpu.memref_slice %arg4[%add3A_243, %dma_start3A_260] : memref<2560x128xi32, #tpu.memory_space<hbm>> -> memref<8x128xi32, #tpu.memory_space<hbm>>
        %dma_start3A_262 = arith.constant 0 : i32
        %dma_start3A_263 = arith.constant 0 : i32
        %dma_start3A_264 = tpu.memref_slice %arg8[%sub3A_32, %dma_start3A_262, %dma_start3A_263] : memref<2x8x128xi32, #tpu.memory_space<vmem>> -> memref<1x8x128xi32, #tpu.memory_space<vmem>>
        %dma_start3A_265 = tpu.memref_squeeze %dma_start3A_264 : memref<1x8x128xi32, #tpu.memory_space<vmem>> -> memref<8x128xi32, #tpu.memory_space<vmem>>
        %dma_start3A_266 = arith.constant 0 : i32
        %dma_start3A_267 = tpu.memref_slice %arg4[%add3A_243, %dma_start3A_266] : memref<2560x128xi32, #tpu.memory_space<hbm>> -> memref<8x128xi32, #tpu.memory_space<hbm>>
        tpu.enqueue_dma source(%dma_start3A_267 : memref<8x128xi32, #tpu.memory_space<hbm>>) target(%dma_start3A_265 : memref<8x128xi32, #tpu.memory_space<vmem>>) target_semaphore(%arg13 : memref<!tpu.dma_semaphore, #tpu.memory_space<semaphore_mem>>)
      } else {
      }
      %dma_start3A_37 = arith.constant 1 : i32
      %dma_start3A_38 = arith.constant 1 : i32
      %dma_start3A_39 = arith.constant 0 : i32
      %dma_start3A_40 = arith.constant 0 : i32
      %dma_start3A_41 = tpu.memref_slice %arg9[%dma_start3A_38, %dma_start3A_39, %dma_start3A_40] : memref<2x128x32xf32, #tpu.memory_space<vmem>> -> memref<1x128x32xf32, #tpu.memory_space<vmem>>
      %dma_start3A_42 = tpu.memref_squeeze %dma_start3A_41 : memref<1x128x32xf32, #tpu.memory_space<vmem>> -> memref<128x32xf32, #tpu.memory_space<vmem>>
      %dma_start3A_43 = arith.constant 0 : i32
      %dma_start3A_44 = tpu.memref_slice %arg7[%rem3A_31, %dma_start3A_37, %dma_start3A_43] : memref<2x8x128xi32, #tpu.memory_space<vmem>> -> memref<1x1x128xi32, #tpu.memory_space<vmem>>
      %dma_start3A_45 = tpu.memref_squeeze %dma_start3A_44 : memref<1x1x128xi32, #tpu.memory_space<vmem>> -> memref<128xi32, #tpu.memory_space<vmem>>
      %dma_start3A_46 = arith.constant 0 : i32
      %dma_start3A_47 = arith.constant 0 : i32
      %dma_start3A_48 = tpu.memref_slice %arg2[%dma_start3A_46, %dma_start3A_47] : memref<10000x32xf32, #tpu.memory_space<hbm>> -> memref<10000x32xf32, #tpu.memory_space<hbm>>
      tpu.enqueue_indirect_dma source(%dma_start3A_48 : memref<10000x32xf32, #tpu.memory_space<hbm>>) target(%dma_start3A_42 : memref<128x32xf32, #tpu.memory_space<vmem>>) offsets(%dma_start3A_45 : memref<128xi32, #tpu.memory_space<vmem>>) semaphore(%arg12 : memref<!tpu.dma_semaphore, #tpu.memory_space<semaphore_mem>>)
      %dma_wait3A = arith.constant 0 : i32
      %dma_wait3A_49 = arith.constant 0 : i32
      %dma_wait3A_50 = arith.constant 0 : i32
      %dma_wait3A_51 = arith.constant 0 : i32
      %dma_wait3A_52 = tpu.memref_slice %arg9[%dma_wait3A_49, %dma_wait3A_50, %dma_wait3A_51] : memref<2x128x32xf32, #tpu.memory_space<vmem>> -> memref<1x128x32xf32, #tpu.memory_space<vmem>>
      %dma_wait3A_53 = tpu.memref_squeeze %dma_wait3A_52 : memref<1x128x32xf32, #tpu.memory_space<vmem>> -> memref<128x32xf32, #tpu.memory_space<vmem>>
      %dma_wait3A_54 = arith.constant 0 : i32
      %dma_wait3A_55 = tpu.memref_slice %arg7[%rem3A_31, %dma_wait3A, %dma_wait3A_54] : memref<2x8x128xi32, #tpu.memory_space<vmem>> -> memref<1x1x128xi32, #tpu.memory_space<vmem>>
      %dma_wait3A_56 = tpu.memref_squeeze %dma_wait3A_55 : memref<1x1x128xi32, #tpu.memory_space<vmem>> -> memref<128xi32, #tpu.memory_space<vmem>>
      %dma_wait3A_57 = arith.constant 0 : i32
      %dma_wait3A_58 = arith.constant 0 : i32
      %dma_wait3A_59 = tpu.memref_slice %arg2[%dma_wait3A_57, %dma_wait3A_58] : memref<10000x32xf32, #tpu.memory_space<hbm>> -> memref<10000x32xf32, #tpu.memory_space<hbm>>
      tpu.wait_indirect_dma semaphore(%arg11 : memref<!tpu.dma_semaphore, #tpu.memory_space<semaphore_mem>>) src(%dma_wait3A_59 : memref<10000x32xf32, #tpu.memory_space<hbm>>) dst(%dma_wait3A_53 : memref<128x32xf32, #tpu.memory_space<vmem>>)
      %run_scoped3A_60 = arith.constant 0 : i32
      %run_scoped3A_61 = arith.constant 0 : i32
      "tpu.region"() ({
        %run_scoped3A_239 = tpu.sem_alloc : memref<!tpu.dma_semaphore, #tpu.memory_space<semaphore_mem>>
        %dma_start3A_240 = arith.constant 0 : i32
        %dma_start3A_241 = arith.constant 0 : i32
        %dma_start3A_242 = tpu.memref_slice %arg9[%run_scoped3A_60, %dma_start3A_240, %dma_start3A_241] : memref<2x128x32xf32, #tpu.memory_space<vmem>> -> memref<1x128x32xf32, #tpu.memory_space<vmem>>
        %dma_start3A_243 = tpu.memref_squeeze %dma_start3A_242 : memref<1x128x32xf32, #tpu.memory_space<vmem>> -> memref<128x32xf32, #tpu.memory_space<vmem>>
        %dma_start3A_244 = arith.constant 0 : i32
        %dma_start3A_245 = tpu.memref_slice %arg8[%rem3A_31, %run_scoped3A_61, %dma_start3A_244] : memref<2x8x128xi32, #tpu.memory_space<vmem>> -> memref<1x1x128xi32, #tpu.memory_space<vmem>>
        %dma_start3A_246 = tpu.memref_squeeze %dma_start3A_245 : memref<1x1x128xi32, #tpu.memory_space<vmem>> -> memref<128xi32, #tpu.memory_space<vmem>>
        %dma_start3A_247 = arith.constant 0 : i32
        %dma_start3A_248 = arith.constant 0 : i32
        %dma_start3A_249 = tpu.memref_slice %arg10[%dma_start3A_247, %dma_start3A_248] : memref<10112x32xf32, #tpu.memory_space<vmem_shared>> -> memref<10112x32xf32, #tpu.memory_space<vmem_shared>>
        tpu.enqueue_indirect_dma source(%dma_start3A_243 : memref<128x32xf32, #tpu.memory_space<vmem>>) target(%dma_start3A_249 : memref<10112x32xf32, #tpu.memory_space<vmem_shared>>) offsets(%dma_start3A_246 : memref<128xi32, #tpu.memory_space<vmem>>) semaphore(%run_scoped3A_239 : memref<!tpu.dma_semaphore, #tpu.memory_space<semaphore_mem>>) {add = true}
        %dma_wait3A_250 = arith.constant 0 : i32
        %dma_wait3A_251 = arith.constant 0 : i32
        %dma_wait3A_252 = tpu.memref_slice %arg9[%run_scoped3A_60, %dma_wait3A_250, %dma_wait3A_251] : memref<2x128x32xf32, #tpu.memory_space<vmem>> -> memref<1x128x32xf32, #tpu.memory_space<vmem>>
        %dma_wait3A_253 = tpu.memref_squeeze %dma_wait3A_252 : memref<1x128x32xf32, #tpu.memory_space<vmem>> -> memref<128x32xf32, #tpu.memory_space<vmem>>
        %dma_wait3A_254 = arith.constant 0 : i32
        %dma_wait3A_255 = tpu.memref_slice %arg8[%rem3A_31, %run_scoped3A_61, %dma_wait3A_254] : memref<2x8x128xi32, #tpu.memory_space<vmem>> -> memref<1x1x128xi32, #tpu.memory_space<vmem>>
        %dma_wait3A_256 = tpu.memref_squeeze %dma_wait3A_255 : memref<1x1x128xi32, #tpu.memory_space<vmem>> -> memref<128xi32, #tpu.memory_space<vmem>>
        %dma_wait3A_257 = arith.constant 0 : i32
        %dma_wait3A_258 = arith.constant 0 : i32
        %dma_wait3A_259 = tpu.memref_slice %arg10[%dma_wait3A_257, %dma_wait3A_258] : memref<10112x32xf32, #tpu.memory_space<vmem_shared>> -> memref<10112x32xf32, #tpu.memory_space<vmem_shared>>
        tpu.wait_indirect_dma semaphore(%run_scoped3A_239 : memref<!tpu.dma_semaphore, #tpu.memory_space<semaphore_mem>>) src(%dma_wait3A_253 : memref<128x32xf32, #tpu.memory_space<vmem>>) dst(%dma_wait3A_259 : memref<10112x32xf32, #tpu.memory_space<vmem_shared>>)
        tpu.yield
      }) : () -> ()
      %dma_start3A_62 = arith.constant 2 : i32
      %dma_start3A_63 = arith.constant 0 : i32
      %dma_start3A_64 = arith.constant 0 : i32
      %dma_start3A_65 = arith.constant 0 : i32
      %dma_start3A_66 = tpu.memref_slice %arg9[%dma_start3A_63, %dma_start3A_64, %dma_start3A_65] : memref<2x128x32xf32, #tpu.memory_space<vmem>> -> memref<1x128x32xf32, #tpu.memory_space<vmem>>
      %dma_start3A_67 = tpu.memref_squeeze %dma_start3A_66 : memref<1x128x32xf32, #tpu.memory_space<vmem>> -> memref<128x32xf32, #tpu.memory_space<vmem>>
      %dma_start3A_68 = arith.constant 0 : i32
      %dma_start3A_69 = tpu.memref_slice %arg7[%rem3A_31, %dma_start3A_62, %dma_start3A_68] : memref<2x8x128xi32, #tpu.memory_space<vmem>> -> memref<1x1x128xi32, #tpu.memory_space<vmem>>
      %dma_start3A_70 = tpu.memref_squeeze %dma_start3A_69 : memref<1x1x128xi32, #tpu.memory_space<vmem>> -> memref<128xi32, #tpu.memory_space<vmem>>
      %dma_start3A_71 = arith.constant 0 : i32
      %dma_start3A_72 = arith.constant 0 : i32
      %dma_start3A_73 = tpu.memref_slice %arg2[%dma_start3A_71, %dma_start3A_72] : memref<10000x32xf32, #tpu.memory_space<hbm>> -> memref<10000x32xf32, #tpu.memory_space<hbm>>
      tpu.enqueue_indirect_dma source(%dma_start3A_73 : memref<10000x32xf32, #tpu.memory_space<hbm>>) target(%dma_start3A_67 : memref<128x32xf32, #tpu.memory_space<vmem>>) offsets(%dma_start3A_70 : memref<128xi32, #tpu.memory_space<vmem>>) semaphore(%arg11 : memref<!tpu.dma_semaphore, #tpu.memory_space<semaphore_mem>>)
      %dma_wait3A_74 = arith.constant 1 : i32
      %dma_wait3A_75 = arith.constant 1 : i32
      %dma_wait3A_76 = arith.constant 0 : i32
      %dma_wait3A_77 = arith.constant 0 : i32
      %dma_wait3A_78 = tpu.memref_slice %arg9[%dma_wait3A_75, %dma_wait3A_76, %dma_wait3A_77] : memref<2x128x32xf32, #tpu.memory_space<vmem>> -> memref<1x128x32xf32, #tpu.memory_space<vmem>>
      %dma_wait3A_79 = tpu.memref_squeeze %dma_wait3A_78 : memref<1x128x32xf32, #tpu.memory_space<vmem>> -> memref<128x32xf32, #tpu.memory_space<vmem>>
      %dma_wait3A_80 = arith.constant 0 : i32
      %dma_wait3A_81 = tpu.memref_slice %arg7[%rem3A_31, %dma_wait3A_74, %dma_wait3A_80] : memref<2x8x128xi32, #tpu.memory_space<vmem>> -> memref<1x1x128xi32, #tpu.memory_space<vmem>>
      %dma_wait3A_82 = tpu.memref_squeeze %dma_wait3A_81 : memref<1x1x128xi32, #tpu.memory_space<vmem>> -> memref<128xi32, #tpu.memory_space<vmem>>
      %dma_wait3A_83 = arith.constant 0 : i32
      %dma_wait3A_84 = arith.constant 0 : i32
      %dma_wait3A_85 = tpu.memref_slice %arg2[%dma_wait3A_83, %dma_wait3A_84] : memref<10000x32xf32, #tpu.memory_space<hbm>> -> memref<10000x32xf32, #tpu.memory_space<hbm>>
      tpu.wait_indirect_dma semaphore(%arg12 : memref<!tpu.dma_semaphore, #tpu.memory_space<semaphore_mem>>) src(%dma_wait3A_85 : memref<10000x32xf32, #tpu.memory_space<hbm>>) dst(%dma_wait3A_79 : memref<128x32xf32, #tpu.memory_space<vmem>>)
      %run_scoped3A_86 = arith.constant 1 : i32
      %run_scoped3A_87 = arith.constant 1 : i32
      "tpu.region"() ({
        %run_scoped3A_239 = tpu.sem_alloc : memref<!tpu.dma_semaphore, #tpu.memory_space<semaphore_mem>>
        %dma_start3A_240 = arith.constant 0 : i32
        %dma_start3A_241 = arith.constant 0 : i32
        %dma_start3A_242 = tpu.memref_slice %arg9[%run_scoped3A_86, %dma_start3A_240, %dma_start3A_241] : memref<2x128x32xf32, #tpu.memory_space<vmem>> -> memref<1x128x32xf32, #tpu.memory_space<vmem>>
        %dma_start3A_243 = tpu.memref_squeeze %dma_start3A_242 : memref<1x128x32xf32, #tpu.memory_space<vmem>> -> memref<128x32xf32, #tpu.memory_space<vmem>>
        %dma_start3A_244 = arith.constant 0 : i32
        %dma_start3A_245 = tpu.memref_slice %arg8[%rem3A_31, %run_scoped3A_87, %dma_start3A_244] : memref<2x8x128xi32, #tpu.memory_space<vmem>> -> memref<1x1x128xi32, #tpu.memory_space<vmem>>
        %dma_start3A_246 = tpu.memref_squeeze %dma_start3A_245 : memref<1x1x128xi32, #tpu.memory_space<vmem>> -> memref<128xi32, #tpu.memory_space<vmem>>
        %dma_start3A_247 = arith.constant 0 : i32
        %dma_start3A_248 = arith.constant 0 : i32
        %dma_start3A_249 = tpu.memref_slice %arg10[%dma_start3A_247, %dma_start3A_248] : memref<10112x32xf32, #tpu.memory_space<vmem_shared>> -> memref<10112x32xf32, #tpu.memory_space<vmem_shared>>
        tpu.enqueue_indirect_dma source(%dma_start3A_243 : memref<128x32xf32, #tpu.memory_space<vmem>>) target(%dma_start3A_249 : memref<10112x32xf32, #tpu.memory_space<vmem_shared>>) offsets(%dma_start3A_246 : memref<128xi32, #tpu.memory_space<vmem>>) semaphore(%run_scoped3A_239 : memref<!tpu.dma_semaphore, #tpu.memory_space<semaphore_mem>>) {add = true}
        %dma_wait3A_250 = arith.constant 0 : i32
        %dma_wait3A_251 = arith.constant 0 : i32
        %dma_wait3A_252 = tpu.memref_slice %arg9[%run_scoped3A_86, %dma_wait3A_250, %dma_wait3A_251] : memref<2x128x32xf32, #tpu.memory_space<vmem>> -> memref<1x128x32xf32, #tpu.memory_space<vmem>>
        %dma_wait3A_253 = tpu.memref_squeeze %dma_wait3A_252 : memref<1x128x32xf32, #tpu.memory_space<vmem>> -> memref<128x32xf32, #tpu.memory_space<vmem>>
        %dma_wait3A_254 = arith.constant 0 : i32
        %dma_wait3A_255 = tpu.memref_slice %arg8[%rem3A_31, %run_scoped3A_87, %dma_wait3A_254] : memref<2x8x128xi32, #tpu.memory_space<vmem>> -> memref<1x1x128xi32, #tpu.memory_space<vmem>>
        %dma_wait3A_256 = tpu.memref_squeeze %dma_wait3A_255 : memref<1x1x128xi32, #tpu.memory_space<vmem>> -> memref<128xi32, #tpu.memory_space<vmem>>
        %dma_wait3A_257 = arith.constant 0 : i32
        %dma_wait3A_258 = arith.constant 0 : i32
        %dma_wait3A_259 = tpu.memref_slice %arg10[%dma_wait3A_257, %dma_wait3A_258] : memref<10112x32xf32, #tpu.memory_space<vmem_shared>> -> memref<10112x32xf32, #tpu.memory_space<vmem_shared>>
        tpu.wait_indirect_dma semaphore(%run_scoped3A_239 : memref<!tpu.dma_semaphore, #tpu.memory_space<semaphore_mem>>) src(%dma_wait3A_253 : memref<128x32xf32, #tpu.memory_space<vmem>>) dst(%dma_wait3A_259 : memref<10112x32xf32, #tpu.memory_space<vmem_shared>>)
        tpu.yield
      }) : () -> ()
      %dma_start3A_88 = arith.constant 3 : i32
      %dma_start3A_89 = arith.constant 1 : i32
      %dma_start3A_90 = arith.constant 0 : i32
      %dma_start3A_91 = arith.constant 0 : i32
      %dma_start3A_92 = tpu.memref_slice %arg9[%dma_start3A_89, %dma_start3A_90, %dma_start3A_91] : memref<2x128x32xf32, #tpu.memory_space<vmem>> -> memref<1x128x32xf32, #tpu.memory_space<vmem>>
      %dma_start3A_93 = tpu.memref_squeeze %dma_start3A_92 : memref<1x128x32xf32, #tpu.memory_space<vmem>> -> memref<128x32xf32, #tpu.memory_space<vmem>>
      %dma_start3A_94 = arith.constant 0 : i32
      %dma_start3A_95 = tpu.memref_slice %arg7[%rem3A_31, %dma_start3A_88, %dma_start3A_94] : memref<2x8x128xi32, #tpu.memory_space<vmem>> -> memref<1x1x128xi32, #tpu.memory_space<vmem>>
      %dma_start3A_96 = tpu.memref_squeeze %dma_start3A_95 : memref<1x1x128xi32, #tpu.memory_space<vmem>> -> memref<128xi32, #tpu.memory_space<vmem>>
      %dma_start3A_97 = arith.constant 0 : i32
      %dma_start3A_98 = arith.constant 0 : i32
      %dma_start3A_99 = tpu.memref_slice %arg2[%dma_start3A_97, %dma_start3A_98] : memref<10000x32xf32, #tpu.memory_space<hbm>> -> memref<10000x32xf32, #tpu.memory_space<hbm>>
      tpu.enqueue_indirect_dma source(%dma_start3A_99 : memref<10000x32xf32, #tpu.memory_space<hbm>>) target(%dma_start3A_93 : memref<128x32xf32, #tpu.memory_space<vmem>>) offsets(%dma_start3A_96 : memref<128xi32, #tpu.memory_space<vmem>>) semaphore(%arg12 : memref<!tpu.dma_semaphore, #tpu.memory_space<semaphore_mem>>)
      %dma_wait3A_100 = arith.constant 2 : i32
      %dma_wait3A_101 = arith.constant 0 : i32
      %dma_wait3A_102 = arith.constant 0 : i32
      %dma_wait3A_103 = arith.constant 0 : i32
      %dma_wait3A_104 = tpu.memref_slice %arg9[%dma_wait3A_101, %dma_wait3A_102, %dma_wait3A_103] : memref<2x128x32xf32, #tpu.memory_space<vmem>> -> memref<1x128x32xf32, #tpu.memory_space<vmem>>
      %dma_wait3A_105 = tpu.memref_squeeze %dma_wait3A_104 : memref<1x128x32xf32, #tpu.memory_space<vmem>> -> memref<128x32xf32, #tpu.memory_space<vmem>>
      %dma_wait3A_106 = arith.constant 0 : i32
      %dma_wait3A_107 = tpu.memref_slice %arg7[%rem3A_31, %dma_wait3A_100, %dma_wait3A_106] : memref<2x8x128xi32, #tpu.memory_space<vmem>> -> memref<1x1x128xi32, #tpu.memory_space<vmem>>
      %dma_wait3A_108 = tpu.memref_squeeze %dma_wait3A_107 : memref<1x1x128xi32, #tpu.memory_space<vmem>> -> memref<128xi32, #tpu.memory_space<vmem>>
      %dma_wait3A_109 = arith.constant 0 : i32
      %dma_wait3A_110 = arith.constant 0 : i32
      %dma_wait3A_111 = tpu.memref_slice %arg2[%dma_wait3A_109, %dma_wait3A_110] : memref<10000x32xf32, #tpu.memory_space<hbm>> -> memref<10000x32xf32, #tpu.memory_space<hbm>>
      tpu.wait_indirect_dma semaphore(%arg11 : memref<!tpu.dma_semaphore, #tpu.memory_space<semaphore_mem>>) src(%dma_wait3A_111 : memref<10000x32xf32, #tpu.memory_space<hbm>>) dst(%dma_wait3A_105 : memref<128x32xf32, #tpu.memory_space<vmem>>)
      %run_scoped3A_112 = arith.constant 0 : i32
      %run_scoped3A_113 = arith.constant 2 : i32
      "tpu.region"() ({
        %run_scoped3A_239 = tpu.sem_alloc : memref<!tpu.dma_semaphore, #tpu.memory_space<semaphore_mem>>
        %dma_start3A_240 = arith.constant 0 : i32
        %dma_start3A_241 = arith.constant 0 : i32
        %dma_start3A_242 = tpu.memref_slice %arg9[%run_scoped3A_112, %dma_start3A_240, %dma_start3A_241] : memref<2x128x32xf32, #tpu.memory_space<vmem>> -> memref<1x128x32xf32, #tpu.memory_space<vmem>>
        %dma_start3A_243 = tpu.memref_squeeze %dma_start3A_242 : memref<1x128x32xf32, #tpu.memory_space<vmem>> -> memref<128x32xf32, #tpu.memory_space<vmem>>
        %dma_start3A_244 = arith.constant 0 : i32
        %dma_start3A_245 = tpu.memref_slice %arg8[%rem3A_31, %run_scoped3A_113, %dma_start3A_244] : memref<2x8x128xi32, #tpu.memory_space<vmem>> -> memref<1x1x128xi32, #tpu.memory_space<vmem>>
        %dma_start3A_246 = tpu.memref_squeeze %dma_start3A_245 : memref<1x1x128xi32, #tpu.memory_space<vmem>> -> memref<128xi32, #tpu.memory_space<vmem>>
        %dma_start3A_247 = arith.constant 0 : i32
        %dma_start3A_248 = arith.constant 0 : i32
        %dma_start3A_249 = tpu.memref_slice %arg10[%dma_start3A_247, %dma_start3A_248] : memref<10112x32xf32, #tpu.memory_space<vmem_shared>> -> memref<10112x32xf32, #tpu.memory_space<vmem_shared>>
        tpu.enqueue_indirect_dma source(%dma_start3A_243 : memref<128x32xf32, #tpu.memory_space<vmem>>) target(%dma_start3A_249 : memref<10112x32xf32, #tpu.memory_space<vmem_shared>>) offsets(%dma_start3A_246 : memref<128xi32, #tpu.memory_space<vmem>>) semaphore(%run_scoped3A_239 : memref<!tpu.dma_semaphore, #tpu.memory_space<semaphore_mem>>) {add = true}
        %dma_wait3A_250 = arith.constant 0 : i32
        %dma_wait3A_251 = arith.constant 0 : i32
        %dma_wait3A_252 = tpu.memref_slice %arg9[%run_scoped3A_112, %dma_wait3A_250, %dma_wait3A_251] : memref<2x128x32xf32, #tpu.memory_space<vmem>> -> memref<1x128x32xf32, #tpu.memory_space<vmem>>
        %dma_wait3A_253 = tpu.memref_squeeze %dma_wait3A_252 : memref<1x128x32xf32, #tpu.memory_space<vmem>> -> memref<128x32xf32, #tpu.memory_space<vmem>>
        %dma_wait3A_254 = arith.constant 0 : i32
        %dma_wait3A_255 = tpu.memref_slice %arg8[%rem3A_31, %run_scoped3A_113, %dma_wait3A_254] : memref<2x8x128xi32, #tpu.memory_space<vmem>> -> memref<1x1x128xi32, #tpu.memory_space<vmem>>
        %dma_wait3A_256 = tpu.memref_squeeze %dma_wait3A_255 : memref<1x1x128xi32, #tpu.memory_space<vmem>> -> memref<128xi32, #tpu.memory_space<vmem>>
        %dma_wait3A_257 = arith.constant 0 : i32
        %dma_wait3A_258 = arith.constant 0 : i32
        %dma_wait3A_259 = tpu.memref_slice %arg10[%dma_wait3A_257, %dma_wait3A_258] : memref<10112x32xf32, #tpu.memory_space<vmem_shared>> -> memref<10112x32xf32, #tpu.memory_space<vmem_shared>>
        tpu.wait_indirect_dma semaphore(%run_scoped3A_239 : memref<!tpu.dma_semaphore, #tpu.memory_space<semaphore_mem>>) src(%dma_wait3A_253 : memref<128x32xf32, #tpu.memory_space<vmem>>) dst(%dma_wait3A_259 : memref<10112x32xf32, #tpu.memory_space<vmem_shared>>)
        tpu.yield
      }) : () -> ()
      %dma_start3A_114 = arith.constant 4 : i32
      %dma_start3A_115 = arith.constant 0 : i32
      %dma_start3A_116 = arith.constant 0 : i32
      %dma_start3A_117 = arith.constant 0 : i32
      %dma_start3A_118 = tpu.memref_slice %arg9[%dma_start3A_115, %dma_start3A_116, %dma_start3A_117] : memref<2x128x32xf32, #tpu.memory_space<vmem>> -> memref<1x128x32xf32, #tpu.memory_space<vmem>>
      %dma_start3A_119 = tpu.memref_squeeze %dma_start3A_118 : memref<1x128x32xf32, #tpu.memory_space<vmem>> -> memref<128x32xf32, #tpu.memory_space<vmem>>
      %dma_start3A_120 = arith.constant 0 : i32
      %dma_start3A_121 = tpu.memref_slice %arg7[%rem3A_31, %dma_start3A_114, %dma_start3A_120] : memref<2x8x128xi32, #tpu.memory_space<vmem>> -> memref<1x1x128xi32, #tpu.memory_space<vmem>>
      %dma_start3A_122 = tpu.memref_squeeze %dma_start3A_121 : memref<1x1x128xi32, #tpu.memory_space<vmem>> -> memref<128xi32, #tpu.memory_space<vmem>>
      %dma_start3A_123 = arith.constant 0 : i32
      %dma_start3A_124 = arith.constant 0 : i32
      %dma_start3A_125 = tpu.memref_slice %arg2[%dma_start3A_123, %dma_start3A_124] : memref<10000x32xf32, #tpu.memory_space<hbm>> -> memref<10000x32xf32, #tpu.memory_space<hbm>>
      tpu.enqueue_indirect_dma source(%dma_start3A_125 : memref<10000x32xf32, #tpu.memory_space<hbm>>) target(%dma_start3A_119 : memref<128x32xf32, #tpu.memory_space<vmem>>) offsets(%dma_start3A_122 : memref<128xi32, #tpu.memory_space<vmem>>) semaphore(%arg11 : memref<!tpu.dma_semaphore, #tpu.memory_space<semaphore_mem>>)
      %dma_wait3A_126 = arith.constant 3 : i32
      %dma_wait3A_127 = arith.constant 1 : i32
      %dma_wait3A_128 = arith.constant 0 : i32
      %dma_wait3A_129 = arith.constant 0 : i32
      %dma_wait3A_130 = tpu.memref_slice %arg9[%dma_wait3A_127, %dma_wait3A_128, %dma_wait3A_129] : memref<2x128x32xf32, #tpu.memory_space<vmem>> -> memref<1x128x32xf32, #tpu.memory_space<vmem>>
      %dma_wait3A_131 = tpu.memref_squeeze %dma_wait3A_130 : memref<1x128x32xf32, #tpu.memory_space<vmem>> -> memref<128x32xf32, #tpu.memory_space<vmem>>
      %dma_wait3A_132 = arith.constant 0 : i32
      %dma_wait3A_133 = tpu.memref_slice %arg7[%rem3A_31, %dma_wait3A_126, %dma_wait3A_132] : memref<2x8x128xi32, #tpu.memory_space<vmem>> -> memref<1x1x128xi32, #tpu.memory_space<vmem>>
      %dma_wait3A_134 = tpu.memref_squeeze %dma_wait3A_133 : memref<1x1x128xi32, #tpu.memory_space<vmem>> -> memref<128xi32, #tpu.memory_space<vmem>>
      %dma_wait3A_135 = arith.constant 0 : i32
      %dma_wait3A_136 = arith.constant 0 : i32
      %dma_wait3A_137 = tpu.memref_slice %arg2[%dma_wait3A_135, %dma_wait3A_136] : memref<10000x32xf32, #tpu.memory_space<hbm>> -> memref<10000x32xf32, #tpu.memory_space<hbm>>
      tpu.wait_indirect_dma semaphore(%arg12 : memref<!tpu.dma_semaphore, #tpu.memory_space<semaphore_mem>>) src(%dma_wait3A_137 : memref<10000x32xf32, #tpu.memory_space<hbm>>) dst(%dma_wait3A_131 : memref<128x32xf32, #tpu.memory_space<vmem>>)
      %run_scoped3A_138 = arith.constant 1 : i32
      %run_scoped3A_139 = arith.constant 3 : i32
      "tpu.region"() ({
        %run_scoped3A_239 = tpu.sem_alloc : memref<!tpu.dma_semaphore, #tpu.memory_space<semaphore_mem>>
        %dma_start3A_240 = arith.constant 0 : i32
        %dma_start3A_241 = arith.constant 0 : i32
        %dma_start3A_242 = tpu.memref_slice %arg9[%run_scoped3A_138, %dma_start3A_240, %dma_start3A_241] : memref<2x128x32xf32, #tpu.memory_space<vmem>> -> memref<1x128x32xf32, #tpu.memory_space<vmem>>
        %dma_start3A_243 = tpu.memref_squeeze %dma_start3A_242 : memref<1x128x32xf32, #tpu.memory_space<vmem>> -> memref<128x32xf32, #tpu.memory_space<vmem>>
        %dma_start3A_244 = arith.constant 0 : i32
        %dma_start3A_245 = tpu.memref_slice %arg8[%rem3A_31, %run_scoped3A_139, %dma_start3A_244] : memref<2x8x128xi32, #tpu.memory_space<vmem>> -> memref<1x1x128xi32, #tpu.memory_space<vmem>>
        %dma_start3A_246 = tpu.memref_squeeze %dma_start3A_245 : memref<1x1x128xi32, #tpu.memory_space<vmem>> -> memref<128xi32, #tpu.memory_space<vmem>>
        %dma_start3A_247 = arith.constant 0 : i32
        %dma_start3A_248 = arith.constant 0 : i32
        %dma_start3A_249 = tpu.memref_slice %arg10[%dma_start3A_247, %dma_start3A_248] : memref<10112x32xf32, #tpu.memory_space<vmem_shared>> -> memref<10112x32xf32, #tpu.memory_space<vmem_shared>>
        tpu.enqueue_indirect_dma source(%dma_start3A_243 : memref<128x32xf32, #tpu.memory_space<vmem>>) target(%dma_start3A_249 : memref<10112x32xf32, #tpu.memory_space<vmem_shared>>) offsets(%dma_start3A_246 : memref<128xi32, #tpu.memory_space<vmem>>) semaphore(%run_scoped3A_239 : memref<!tpu.dma_semaphore, #tpu.memory_space<semaphore_mem>>) {add = true}
        %dma_wait3A_250 = arith.constant 0 : i32
        %dma_wait3A_251 = arith.constant 0 : i32
        %dma_wait3A_252 = tpu.memref_slice %arg9[%run_scoped3A_138, %dma_wait3A_250, %dma_wait3A_251] : memref<2x128x32xf32, #tpu.memory_space<vmem>> -> memref<1x128x32xf32, #tpu.memory_space<vmem>>
        %dma_wait3A_253 = tpu.memref_squeeze %dma_wait3A_252 : memref<1x128x32xf32, #tpu.memory_space<vmem>> -> memref<128x32xf32, #tpu.memory_space<vmem>>
        %dma_wait3A_254 = arith.constant 0 : i32
        %dma_wait3A_255 = tpu.memref_slice %arg8[%rem3A_31, %run_scoped3A_139, %dma_wait3A_254] : memref<2x8x128xi32, #tpu.memory_space<vmem>> -> memref<1x1x128xi32, #tpu.memory_space<vmem>>
        %dma_wait3A_256 = tpu.memref_squeeze %dma_wait3A_255 : memref<1x1x128xi32, #tpu.memory_space<vmem>> -> memref<128xi32, #tpu.memory_space<vmem>>
        %dma_wait3A_257 = arith.constant 0 : i32
        %dma_wait3A_258 = arith.constant 0 : i32
        %dma_wait3A_259 = tpu.memref_slice %arg10[%dma_wait3A_257, %dma_wait3A_258] : memref<10112x32xf32, #tpu.memory_space<vmem_shared>> -> memref<10112x32xf32, #tpu.memory_space<vmem_shared>>
        tpu.wait_indirect_dma semaphore(%run_scoped3A_239 : memref<!tpu.dma_semaphore, #tpu.memory_space<semaphore_mem>>) src(%dma_wait3A_253 : memref<128x32xf32, #tpu.memory_space<vmem>>) dst(%dma_wait3A_259 : memref<10112x32xf32, #tpu.memory_space<vmem_shared>>)
        tpu.yield
      }) : () -> ()
      %dma_start3A_140 = arith.constant 5 : i32
      %dma_start3A_141 = arith.constant 1 : i32
      %dma_start3A_142 = arith.constant 0 : i32
      %dma_start3A_143 = arith.constant 0 : i32
      %dma_start3A_144 = tpu.memref_slice %arg9[%dma_start3A_141, %dma_start3A_142, %dma_start3A_143] : memref<2x128x32xf32, #tpu.memory_space<vmem>> -> memref<1x128x32xf32, #tpu.memory_space<vmem>>
      %dma_start3A_145 = tpu.memref_squeeze %dma_start3A_144 : memref<1x128x32xf32, #tpu.memory_space<vmem>> -> memref<128x32xf32, #tpu.memory_space<vmem>>
      %dma_start3A_146 = arith.constant 0 : i32
      %dma_start3A_147 = tpu.memref_slice %arg7[%rem3A_31, %dma_start3A_140, %dma_start3A_146] : memref<2x8x128xi32, #tpu.memory_space<vmem>> -> memref<1x1x128xi32, #tpu.memory_space<vmem>>
      %dma_start3A_148 = tpu.memref_squeeze %dma_start3A_147 : memref<1x1x128xi32, #tpu.memory_space<vmem>> -> memref<128xi32, #tpu.memory_space<vmem>>
      %dma_start3A_149 = arith.constant 0 : i32
      %dma_start3A_150 = arith.constant 0 : i32
      %dma_start3A_151 = tpu.memref_slice %arg2[%dma_start3A_149, %dma_start3A_150] : memref<10000x32xf32, #tpu.memory_space<hbm>> -> memref<10000x32xf32, #tpu.memory_space<hbm>>
      tpu.enqueue_indirect_dma source(%dma_start3A_151 : memref<10000x32xf32, #tpu.memory_space<hbm>>) target(%dma_start3A_145 : memref<128x32xf32, #tpu.memory_space<vmem>>) offsets(%dma_start3A_148 : memref<128xi32, #tpu.memory_space<vmem>>) semaphore(%arg12 : memref<!tpu.dma_semaphore, #tpu.memory_space<semaphore_mem>>)
      %dma_wait3A_152 = arith.constant 4 : i32
      %dma_wait3A_153 = arith.constant 0 : i32
      %dma_wait3A_154 = arith.constant 0 : i32
      %dma_wait3A_155 = arith.constant 0 : i32
      %dma_wait3A_156 = tpu.memref_slice %arg9[%dma_wait3A_153, %dma_wait3A_154, %dma_wait3A_155] : memref<2x128x32xf32, #tpu.memory_space<vmem>> -> memref<1x128x32xf32, #tpu.memory_space<vmem>>
      %dma_wait3A_157 = tpu.memref_squeeze %dma_wait3A_156 : memref<1x128x32xf32, #tpu.memory_space<vmem>> -> memref<128x32xf32, #tpu.memory_space<vmem>>
      %dma_wait3A_158 = arith.constant 0 : i32
      %dma_wait3A_159 = tpu.memref_slice %arg7[%rem3A_31, %dma_wait3A_152, %dma_wait3A_158] : memref<2x8x128xi32, #tpu.memory_space<vmem>> -> memref<1x1x128xi32, #tpu.memory_space<vmem>>
      %dma_wait3A_160 = tpu.memref_squeeze %dma_wait3A_159 : memref<1x1x128xi32, #tpu.memory_space<vmem>> -> memref<128xi32, #tpu.memory_space<vmem>>
      %dma_wait3A_161 = arith.constant 0 : i32
      %dma_wait3A_162 = arith.constant 0 : i32
      %dma_wait3A_163 = tpu.memref_slice %arg2[%dma_wait3A_161, %dma_wait3A_162] : memref<10000x32xf32, #tpu.memory_space<hbm>> -> memref<10000x32xf32, #tpu.memory_space<hbm>>
      tpu.wait_indirect_dma semaphore(%arg11 : memref<!tpu.dma_semaphore, #tpu.memory_space<semaphore_mem>>) src(%dma_wait3A_163 : memref<10000x32xf32, #tpu.memory_space<hbm>>) dst(%dma_wait3A_157 : memref<128x32xf32, #tpu.memory_space<vmem>>)
      %run_scoped3A_164 = arith.constant 0 : i32
      %run_scoped3A_165 = arith.constant 4 : i32
      "tpu.region"() ({
        %run_scoped3A_239 = tpu.sem_alloc : memref<!tpu.dma_semaphore, #tpu.memory_space<semaphore_mem>>
        %dma_start3A_240 = arith.constant 0 : i32
        %dma_start3A_241 = arith.constant 0 : i32
        %dma_start3A_242 = tpu.memref_slice %arg9[%run_scoped3A_164, %dma_start3A_240, %dma_start3A_241] : memref<2x128x32xf32, #tpu.memory_space<vmem>> -> memref<1x128x32xf32, #tpu.memory_space<vmem>>
        %dma_start3A_243 = tpu.memref_squeeze %dma_start3A_242 : memref<1x128x32xf32, #tpu.memory_space<vmem>> -> memref<128x32xf32, #tpu.memory_space<vmem>>
        %dma_start3A_244 = arith.constant 0 : i32
        %dma_start3A_245 = tpu.memref_slice %arg8[%rem3A_31, %run_scoped3A_165, %dma_start3A_244] : memref<2x8x128xi32, #tpu.memory_space<vmem>> -> memref<1x1x128xi32, #tpu.memory_space<vmem>>
        %dma_start3A_246 = tpu.memref_squeeze %dma_start3A_245 : memref<1x1x128xi32, #tpu.memory_space<vmem>> -> memref<128xi32, #tpu.memory_space<vmem>>
        %dma_start3A_247 = arith.constant 0 : i32
        %dma_start3A_248 = arith.constant 0 : i32
        %dma_start3A_249 = tpu.memref_slice %arg10[%dma_start3A_247, %dma_start3A_248] : memref<10112x32xf32, #tpu.memory_space<vmem_shared>> -> memref<10112x32xf32, #tpu.memory_space<vmem_shared>>
        tpu.enqueue_indirect_dma source(%dma_start3A_243 : memref<128x32xf32, #tpu.memory_space<vmem>>) target(%dma_start3A_249 : memref<10112x32xf32, #tpu.memory_space<vmem_shared>>) offsets(%dma_start3A_246 : memref<128xi32, #tpu.memory_space<vmem>>) semaphore(%run_scoped3A_239 : memref<!tpu.dma_semaphore, #tpu.memory_space<semaphore_mem>>) {add = true}
        %dma_wait3A_250 = arith.constant 0 : i32
        %dma_wait3A_251 = arith.constant 0 : i32
        %dma_wait3A_252 = tpu.memref_slice %arg9[%run_scoped3A_164, %dma_wait3A_250, %dma_wait3A_251] : memref<2x128x32xf32, #tpu.memory_space<vmem>> -> memref<1x128x32xf32, #tpu.memory_space<vmem>>
        %dma_wait3A_253 = tpu.memref_squeeze %dma_wait3A_252 : memref<1x128x32xf32, #tpu.memory_space<vmem>> -> memref<128x32xf32, #tpu.memory_space<vmem>>
        %dma_wait3A_254 = arith.constant 0 : i32
        %dma_wait3A_255 = tpu.memref_slice %arg8[%rem3A_31, %run_scoped3A_165, %dma_wait3A_254] : memref<2x8x128xi32, #tpu.memory_space<vmem>> -> memref<1x1x128xi32, #tpu.memory_space<vmem>>
        %dma_wait3A_256 = tpu.memref_squeeze %dma_wait3A_255 : memref<1x1x128xi32, #tpu.memory_space<vmem>> -> memref<128xi32, #tpu.memory_space<vmem>>
        %dma_wait3A_257 = arith.constant 0 : i32
        %dma_wait3A_258 = arith.constant 0 : i32
        %dma_wait3A_259 = tpu.memref_slice %arg10[%dma_wait3A_257, %dma_wait3A_258] : memref<10112x32xf32, #tpu.memory_space<vmem_shared>> -> memref<10112x32xf32, #tpu.memory_space<vmem_shared>>
        tpu.wait_indirect_dma semaphore(%run_scoped3A_239 : memref<!tpu.dma_semaphore, #tpu.memory_space<semaphore_mem>>) src(%dma_wait3A_253 : memref<128x32xf32, #tpu.memory_space<vmem>>) dst(%dma_wait3A_259 : memref<10112x32xf32, #tpu.memory_space<vmem_shared>>)
        tpu.yield
      }) : () -> ()
      %dma_start3A_166 = arith.constant 6 : i32
      %dma_start3A_167 = arith.constant 0 : i32
      %dma_start3A_168 = arith.constant 0 : i32
      %dma_start3A_169 = arith.constant 0 : i32
      %dma_start3A_170 = tpu.memref_slice %arg9[%dma_start3A_167, %dma_start3A_168, %dma_start3A_169] : memref<2x128x32xf32, #tpu.memory_space<vmem>> -> memref<1x128x32xf32, #tpu.memory_space<vmem>>
      %dma_start3A_171 = tpu.memref_squeeze %dma_start3A_170 : memref<1x128x32xf32, #tpu.memory_space<vmem>> -> memref<128x32xf32, #tpu.memory_space<vmem>>
      %dma_start3A_172 = arith.constant 0 : i32
      %dma_start3A_173 = tpu.memref_slice %arg7[%rem3A_31, %dma_start3A_166, %dma_start3A_172] : memref<2x8x128xi32, #tpu.memory_space<vmem>> -> memref<1x1x128xi32, #tpu.memory_space<vmem>>
      %dma_start3A_174 = tpu.memref_squeeze %dma_start3A_173 : memref<1x1x128xi32, #tpu.memory_space<vmem>> -> memref<128xi32, #tpu.memory_space<vmem>>
      %dma_start3A_175 = arith.constant 0 : i32
      %dma_start3A_176 = arith.constant 0 : i32
      %dma_start3A_177 = tpu.memref_slice %arg2[%dma_start3A_175, %dma_start3A_176] : memref<10000x32xf32, #tpu.memory_space<hbm>> -> memref<10000x32xf32, #tpu.memory_space<hbm>>
      tpu.enqueue_indirect_dma source(%dma_start3A_177 : memref<10000x32xf32, #tpu.memory_space<hbm>>) target(%dma_start3A_171 : memref<128x32xf32, #tpu.memory_space<vmem>>) offsets(%dma_start3A_174 : memref<128xi32, #tpu.memory_space<vmem>>) semaphore(%arg11 : memref<!tpu.dma_semaphore, #tpu.memory_space<semaphore_mem>>)
      %dma_wait3A_178 = arith.constant 5 : i32
      %dma_wait3A_179 = arith.constant 1 : i32
      %dma_wait3A_180 = arith.constant 0 : i32
      %dma_wait3A_181 = arith.constant 0 : i32
      %dma_wait3A_182 = tpu.memref_slice %arg9[%dma_wait3A_179, %dma_wait3A_180, %dma_wait3A_181] : memref<2x128x32xf32, #tpu.memory_space<vmem>> -> memref<1x128x32xf32, #tpu.memory_space<vmem>>
      %dma_wait3A_183 = tpu.memref_squeeze %dma_wait3A_182 : memref<1x128x32xf32, #tpu.memory_space<vmem>> -> memref<128x32xf32, #tpu.memory_space<vmem>>
      %dma_wait3A_184 = arith.constant 0 : i32
      %dma_wait3A_185 = tpu.memref_slice %arg7[%rem3A_31, %dma_wait3A_178, %dma_wait3A_184] : memref<2x8x128xi32, #tpu.memory_space<vmem>> -> memref<1x1x128xi32, #tpu.memory_space<vmem>>
      %dma_wait3A_186 = tpu.memref_squeeze %dma_wait3A_185 : memref<1x1x128xi32, #tpu.memory_space<vmem>> -> memref<128xi32, #tpu.memory_space<vmem>>
      %dma_wait3A_187 = arith.constant 0 : i32
      %dma_wait3A_188 = arith.constant 0 : i32
      %dma_wait3A_189 = tpu.memref_slice %arg2[%dma_wait3A_187, %dma_wait3A_188] : memref<10000x32xf32, #tpu.memory_space<hbm>> -> memref<10000x32xf32, #tpu.memory_space<hbm>>
      tpu.wait_indirect_dma semaphore(%arg12 : memref<!tpu.dma_semaphore, #tpu.memory_space<semaphore_mem>>) src(%dma_wait3A_189 : memref<10000x32xf32, #tpu.memory_space<hbm>>) dst(%dma_wait3A_183 : memref<128x32xf32, #tpu.memory_space<vmem>>)
      %run_scoped3A_190 = arith.constant 1 : i32
      %run_scoped3A_191 = arith.constant 5 : i32
      "tpu.region"() ({
        %run_scoped3A_239 = tpu.sem_alloc : memref<!tpu.dma_semaphore, #tpu.memory_space<semaphore_mem>>
        %dma_start3A_240 = arith.constant 0 : i32
        %dma_start3A_241 = arith.constant 0 : i32
        %dma_start3A_242 = tpu.memref_slice %arg9[%run_scoped3A_190, %dma_start3A_240, %dma_start3A_241] : memref<2x128x32xf32, #tpu.memory_space<vmem>> -> memref<1x128x32xf32, #tpu.memory_space<vmem>>
        %dma_start3A_243 = tpu.memref_squeeze %dma_start3A_242 : memref<1x128x32xf32, #tpu.memory_space<vmem>> -> memref<128x32xf32, #tpu.memory_space<vmem>>
        %dma_start3A_244 = arith.constant 0 : i32
        %dma_start3A_245 = tpu.memref_slice %arg8[%rem3A_31, %run_scoped3A_191, %dma_start3A_244] : memref<2x8x128xi32, #tpu.memory_space<vmem>> -> memref<1x1x128xi32, #tpu.memory_space<vmem>>
        %dma_start3A_246 = tpu.memref_squeeze %dma_start3A_245 : memref<1x1x128xi32, #tpu.memory_space<vmem>> -> memref<128xi32, #tpu.memory_space<vmem>>
        %dma_start3A_247 = arith.constant 0 : i32
        %dma_start3A_248 = arith.constant 0 : i32
        %dma_start3A_249 = tpu.memref_slice %arg10[%dma_start3A_247, %dma_start3A_248] : memref<10112x32xf32, #tpu.memory_space<vmem_shared>> -> memref<10112x32xf32, #tpu.memory_space<vmem_shared>>
        tpu.enqueue_indirect_dma source(%dma_start3A_243 : memref<128x32xf32, #tpu.memory_space<vmem>>) target(%dma_start3A_249 : memref<10112x32xf32, #tpu.memory_space<vmem_shared>>) offsets(%dma_start3A_246 : memref<128xi32, #tpu.memory_space<vmem>>) semaphore(%run_scoped3A_239 : memref<!tpu.dma_semaphore, #tpu.memory_space<semaphore_mem>>) {add = true}
        %dma_wait3A_250 = arith.constant 0 : i32
        %dma_wait3A_251 = arith.constant 0 : i32
        %dma_wait3A_252 = tpu.memref_slice %arg9[%run_scoped3A_190, %dma_wait3A_250, %dma_wait3A_251] : memref<2x128x32xf32, #tpu.memory_space<vmem>> -> memref<1x128x32xf32, #tpu.memory_space<vmem>>
        %dma_wait3A_253 = tpu.memref_squeeze %dma_wait3A_252 : memref<1x128x32xf32, #tpu.memory_space<vmem>> -> memref<128x32xf32, #tpu.memory_space<vmem>>
        %dma_wait3A_254 = arith.constant 0 : i32
        %dma_wait3A_255 = tpu.memref_slice %arg8[%rem3A_31, %run_scoped3A_191, %dma_wait3A_254] : memref<2x8x128xi32, #tpu.memory_space<vmem>> -> memref<1x1x128xi32, #tpu.memory_space<vmem>>
        %dma_wait3A_256 = tpu.memref_squeeze %dma_wait3A_255 : memref<1x1x128xi32, #tpu.memory_space<vmem>> -> memref<128xi32, #tpu.memory_space<vmem>>
        %dma_wait3A_257 = arith.constant 0 : i32
        %dma_wait3A_258 = arith.constant 0 : i32
        %dma_wait3A_259 = tpu.memref_slice %arg10[%dma_wait3A_257, %dma_wait3A_258] : memref<10112x32xf32, #tpu.memory_space<vmem_shared>> -> memref<10112x32xf32, #tpu.memory_space<vmem_shared>>
        tpu.wait_indirect_dma semaphore(%run_scoped3A_239 : memref<!tpu.dma_semaphore, #tpu.memory_space<semaphore_mem>>) src(%dma_wait3A_253 : memref<128x32xf32, #tpu.memory_space<vmem>>) dst(%dma_wait3A_259 : memref<10112x32xf32, #tpu.memory_space<vmem_shared>>)
        tpu.yield
      }) : () -> ()
      %dma_start3A_192 = arith.constant 7 : i32
      %dma_start3A_193 = arith.constant 1 : i32
      %dma_start3A_194 = arith.constant 0 : i32
      %dma_start3A_195 = arith.constant 0 : i32
      %dma_start3A_196 = tpu.memref_slice %arg9[%dma_start3A_193, %dma_start3A_194, %dma_start3A_195] : memref<2x128x32xf32, #tpu.memory_space<vmem>> -> memref<1x128x32xf32, #tpu.memory_space<vmem>>
      %dma_start3A_197 = tpu.memref_squeeze %dma_start3A_196 : memref<1x128x32xf32, #tpu.memory_space<vmem>> -> memref<128x32xf32, #tpu.memory_space<vmem>>
      %dma_start3A_198 = arith.constant 0 : i32
      %dma_start3A_199 = tpu.memref_slice %arg7[%rem3A_31, %dma_start3A_192, %dma_start3A_198] : memref<2x8x128xi32, #tpu.memory_space<vmem>> -> memref<1x1x128xi32, #tpu.memory_space<vmem>>
      %dma_start3A_200 = tpu.memref_squeeze %dma_start3A_199 : memref<1x1x128xi32, #tpu.memory_space<vmem>> -> memref<128xi32, #tpu.memory_space<vmem>>
      %dma_start3A_201 = arith.constant 0 : i32
      %dma_start3A_202 = arith.constant 0 : i32
      %dma_start3A_203 = tpu.memref_slice %arg2[%dma_start3A_201, %dma_start3A_202] : memref<10000x32xf32, #tpu.memory_space<hbm>> -> memref<10000x32xf32, #tpu.memory_space<hbm>>
      tpu.enqueue_indirect_dma source(%dma_start3A_203 : memref<10000x32xf32, #tpu.memory_space<hbm>>) target(%dma_start3A_197 : memref<128x32xf32, #tpu.memory_space<vmem>>) offsets(%dma_start3A_200 : memref<128xi32, #tpu.memory_space<vmem>>) semaphore(%arg12 : memref<!tpu.dma_semaphore, #tpu.memory_space<semaphore_mem>>)
      %dma_wait3A_204 = arith.constant 6 : i32
      %dma_wait3A_205 = arith.constant 0 : i32
      %dma_wait3A_206 = arith.constant 0 : i32
      %dma_wait3A_207 = arith.constant 0 : i32
      %dma_wait3A_208 = tpu.memref_slice %arg9[%dma_wait3A_205, %dma_wait3A_206, %dma_wait3A_207] : memref<2x128x32xf32, #tpu.memory_space<vmem>> -> memref<1x128x32xf32, #tpu.memory_space<vmem>>
      %dma_wait3A_209 = tpu.memref_squeeze %dma_wait3A_208 : memref<1x128x32xf32, #tpu.memory_space<vmem>> -> memref<128x32xf32, #tpu.memory_space<vmem>>
      %dma_wait3A_210 = arith.constant 0 : i32
      %dma_wait3A_211 = tpu.memref_slice %arg7[%rem3A_31, %dma_wait3A_204, %dma_wait3A_210] : memref<2x8x128xi32, #tpu.memory_space<vmem>> -> memref<1x1x128xi32, #tpu.memory_space<vmem>>
      %dma_wait3A_212 = tpu.memref_squeeze %dma_wait3A_211 : memref<1x1x128xi32, #tpu.memory_space<vmem>> -> memref<128xi32, #tpu.memory_space<vmem>>
      %dma_wait3A_213 = arith.constant 0 : i32
      %dma_wait3A_214 = arith.constant 0 : i32
      %dma_wait3A_215 = tpu.memref_slice %arg2[%dma_wait3A_213, %dma_wait3A_214] : memref<10000x32xf32, #tpu.memory_space<hbm>> -> memref<10000x32xf32, #tpu.memory_space<hbm>>
      tpu.wait_indirect_dma semaphore(%arg11 : memref<!tpu.dma_semaphore, #tpu.memory_space<semaphore_mem>>) src(%dma_wait3A_215 : memref<10000x32xf32, #tpu.memory_space<hbm>>) dst(%dma_wait3A_209 : memref<128x32xf32, #tpu.memory_space<vmem>>)
      %run_scoped3A_216 = arith.constant 0 : i32
      %run_scoped3A_217 = arith.constant 6 : i32
      "tpu.region"() ({
        %run_scoped3A_239 = tpu.sem_alloc : memref<!tpu.dma_semaphore, #tpu.memory_space<semaphore_mem>>
        %dma_start3A_240 = arith.constant 0 : i32
        %dma_start3A_241 = arith.constant 0 : i32
        %dma_start3A_242 = tpu.memref_slice %arg9[%run_scoped3A_216, %dma_start3A_240, %dma_start3A_241] : memref<2x128x32xf32, #tpu.memory_space<vmem>> -> memref<1x128x32xf32, #tpu.memory_space<vmem>>
        %dma_start3A_243 = tpu.memref_squeeze %dma_start3A_242 : memref<1x128x32xf32, #tpu.memory_space<vmem>> -> memref<128x32xf32, #tpu.memory_space<vmem>>
        %dma_start3A_244 = arith.constant 0 : i32
        %dma_start3A_245 = tpu.memref_slice %arg8[%rem3A_31, %run_scoped3A_217, %dma_start3A_244] : memref<2x8x128xi32, #tpu.memory_space<vmem>> -> memref<1x1x128xi32, #tpu.memory_space<vmem>>
        %dma_start3A_246 = tpu.memref_squeeze %dma_start3A_245 : memref<1x1x128xi32, #tpu.memory_space<vmem>> -> memref<128xi32, #tpu.memory_space<vmem>>
        %dma_start3A_247 = arith.constant 0 : i32
        %dma_start3A_248 = arith.constant 0 : i32
        %dma_start3A_249 = tpu.memref_slice %arg10[%dma_start3A_247, %dma_start3A_248] : memref<10112x32xf32, #tpu.memory_space<vmem_shared>> -> memref<10112x32xf32, #tpu.memory_space<vmem_shared>>
        tpu.enqueue_indirect_dma source(%dma_start3A_243 : memref<128x32xf32, #tpu.memory_space<vmem>>) target(%dma_start3A_249 : memref<10112x32xf32, #tpu.memory_space<vmem_shared>>) offsets(%dma_start3A_246 : memref<128xi32, #tpu.memory_space<vmem>>) semaphore(%run_scoped3A_239 : memref<!tpu.dma_semaphore, #tpu.memory_space<semaphore_mem>>) {add = true}
        %dma_wait3A_250 = arith.constant 0 : i32
        %dma_wait3A_251 = arith.constant 0 : i32
        %dma_wait3A_252 = tpu.memref_slice %arg9[%run_scoped3A_216, %dma_wait3A_250, %dma_wait3A_251] : memref<2x128x32xf32, #tpu.memory_space<vmem>> -> memref<1x128x32xf32, #tpu.memory_space<vmem>>
        %dma_wait3A_253 = tpu.memref_squeeze %dma_wait3A_252 : memref<1x128x32xf32, #tpu.memory_space<vmem>> -> memref<128x32xf32, #tpu.memory_space<vmem>>
        %dma_wait3A_254 = arith.constant 0 : i32
        %dma_wait3A_255 = tpu.memref_slice %arg8[%rem3A_31, %run_scoped3A_217, %dma_wait3A_254] : memref<2x8x128xi32, #tpu.memory_space<vmem>> -> memref<1x1x128xi32, #tpu.memory_space<vmem>>
        %dma_wait3A_256 = tpu.memref_squeeze %dma_wait3A_255 : memref<1x1x128xi32, #tpu.memory_space<vmem>> -> memref<128xi32, #tpu.memory_space<vmem>>
        %dma_wait3A_257 = arith.constant 0 : i32
        %dma_wait3A_258 = arith.constant 0 : i32
        %dma_wait3A_259 = tpu.memref_slice %arg10[%dma_wait3A_257, %dma_wait3A_258] : memref<10112x32xf32, #tpu.memory_space<vmem_shared>> -> memref<10112x32xf32, #tpu.memory_space<vmem_shared>>
        tpu.wait_indirect_dma semaphore(%run_scoped3A_239 : memref<!tpu.dma_semaphore, #tpu.memory_space<semaphore_mem>>) src(%dma_wait3A_253 : memref<128x32xf32, #tpu.memory_space<vmem>>) dst(%dma_wait3A_259 : memref<10112x32xf32, #tpu.memory_space<vmem_shared>>)
        tpu.yield
      }) : () -> ()
      %add3A_218 = arith.constant 1 : i32
      %add3A_219 = arith.addi %scan3A_30, %add3A_218 : i32
      %lt3A_220 = arith.constant 10 : i32
      %lt3A_221 = arith.cmpi slt, %add3A_219, %lt3A_220 : i32
      %convert_element_type3A_222 = arith.extui %lt3A_221 : i1 to i32
      %cond3A_223 = arith.constant 0 : i32
      %cond3A_224 = arith.cmpi ne, %convert_element_type3A_222, %cond3A_223 : i32
      scf.if %cond3A_224 {
        %add3A_239 = arith.constant 1 : i32
        %add3A_240 = arith.addi %scan3A_30, %add3A_239 : i32
        %mul3A_241 = arith.constant 8 : i32
        %mul3A_242 = arith.muli %add3A_240, %mul3A_241 : i32
        %add3A_243 = arith.addi %mul3A_6, %mul3A_242 : i32
        %dma_wait3A_244 = arith.constant 0 : i32
        %dma_wait3A_245 = arith.constant 0 : i32
        %dma_wait3A_246 = tpu.memref_slice %arg7[%sub3A_32, %dma_wait3A_244, %dma_wait3A_245] : memref<2x8x128xi32, #tpu.memory_space<vmem>> -> memref<1x8x128xi32, #tpu.memory_space<vmem>>
        %dma_wait3A_247 = tpu.memref_squeeze %dma_wait3A_246 : memref<1x8x128xi32, #tpu.memory_space<vmem>> -> memref<8x128xi32, #tpu.memory_space<vmem>>
        %dma_wait3A_248 = arith.constant 0 : i32
        %dma_wait3A_249 = tpu.memref_slice %arg3[%add3A_243, %dma_wait3A_248] : memref<2560x128xi32, #tpu.memory_space<hbm>> -> memref<8x128xi32, #tpu.memory_space<hbm>>
        %dma_wait3A_250 = arith.constant 0 : i32
        %dma_wait3A_251 = arith.constant 0 : i32
        %dma_wait3A_252 = tpu.memref_slice %arg7[%sub3A_32, %dma_wait3A_250, %dma_wait3A_251] : memref<2x8x128xi32, #tpu.memory_space<vmem>> -> memref<1x8x128xi32, #tpu.memory_space<vmem>>
        %dma_wait3A_253 = tpu.memref_squeeze %dma_wait3A_252 : memref<1x8x128xi32, #tpu.memory_space<vmem>> -> memref<8x128xi32, #tpu.memory_space<vmem>>
        %dma_wait3A_254 = arith.constant 0 : i32
        %dma_wait3A_255 = tpu.memref_slice %arg3[%add3A_243, %dma_wait3A_254] : memref<2560x128xi32, #tpu.memory_space<hbm>> -> memref<8x128xi32, #tpu.memory_space<hbm>>
        tpu.wait_dma2 semaphore(%arg13 : memref<!tpu.dma_semaphore, #tpu.memory_space<semaphore_mem>>) src(%dma_wait3A_255 : memref<8x128xi32, #tpu.memory_space<hbm>>) dst(%dma_wait3A_253 : memref<8x128xi32, #tpu.memory_space<vmem>>)
        %dma_wait3A_256 = arith.constant 0 : i32
        %dma_wait3A_257 = arith.constant 0 : i32
        %dma_wait3A_258 = tpu.memref_slice %arg8[%sub3A_32, %dma_wait3A_256, %dma_wait3A_257] : memref<2x8x128xi32, #tpu.memory_space<vmem>> -> memref<1x8x128xi32, #tpu.memory_space<vmem>>
        %dma_wait3A_259 = tpu.memref_squeeze %dma_wait3A_258 : memref<1x8x128xi32, #tpu.memory_space<vmem>> -> memref<8x128xi32, #tpu.memory_space<vmem>>
        %dma_wait3A_260 = arith.constant 0 : i32
        %dma_wait3A_261 = tpu.memref_slice %arg4[%add3A_243, %dma_wait3A_260] : memref<2560x128xi32, #tpu.memory_space<hbm>> -> memref<8x128xi32, #tpu.memory_space<hbm>>
        %dma_wait3A_262 = arith.constant 0 : i32
        %dma_wait3A_263 = arith.constant 0 : i32
        %dma_wait3A_264 = tpu.memref_slice %arg8[%sub3A_32, %dma_wait3A_262, %dma_wait3A_263] : memref<2x8x128xi32, #tpu.memory_space<vmem>> -> memref<1x8x128xi32, #tpu.memory_space<vmem>>
        %dma_wait3A_265 = tpu.memref_squeeze %dma_wait3A_264 : memref<1x8x128xi32, #tpu.memory_space<vmem>> -> memref<8x128xi32, #tpu.memory_space<vmem>>
        %dma_wait3A_266 = arith.constant 0 : i32
        %dma_wait3A_267 = tpu.memref_slice %arg4[%add3A_243, %dma_wait3A_266] : memref<2560x128xi32, #tpu.memory_space<hbm>> -> memref<8x128xi32, #tpu.memory_space<hbm>>
        tpu.wait_dma2 semaphore(%arg13 : memref<!tpu.dma_semaphore, #tpu.memory_space<semaphore_mem>>) src(%dma_wait3A_267 : memref<8x128xi32, #tpu.memory_space<hbm>>) dst(%dma_wait3A_265 : memref<8x128xi32, #tpu.memory_space<vmem>>)
        %dma_start3A_268 = arith.constant 0 : i32
        %dma_start3A_269 = arith.constant 0 : i32
        %dma_start3A_270 = arith.constant 0 : i32
        %dma_start3A_271 = arith.constant 0 : i32
        %dma_start3A_272 = tpu.memref_slice %arg9[%dma_start3A_269, %dma_start3A_270, %dma_start3A_271] : memref<2x128x32xf32, #tpu.memory_space<vmem>> -> memref<1x128x32xf32, #tpu.memory_space<vmem>>
        %dma_start3A_273 = tpu.memref_squeeze %dma_start3A_272 : memref<1x128x32xf32, #tpu.memory_space<vmem>> -> memref<128x32xf32, #tpu.memory_space<vmem>>
        %dma_start3A_274 = arith.constant 0 : i32
        %dma_start3A_275 = tpu.memref_slice %arg7[%sub3A_32, %dma_start3A_268, %dma_start3A_274] : memref<2x8x128xi32, #tpu.memory_space<vmem>> -> memref<1x1x128xi32, #tpu.memory_space<vmem>>
        %dma_start3A_276 = tpu.memref_squeeze %dma_start3A_275 : memref<1x1x128xi32, #tpu.memory_space<vmem>> -> memref<128xi32, #tpu.memory_space<vmem>>
        %dma_start3A_277 = arith.constant 0 : i32
        %dma_start3A_278 = arith.constant 0 : i32
        %dma_start3A_279 = tpu.memref_slice %arg2[%dma_start3A_277, %dma_start3A_278] : memref<10000x32xf32, #tpu.memory_space<hbm>> -> memref<10000x32xf32, #tpu.memory_space<hbm>>
        tpu.enqueue_indirect_dma source(%dma_start3A_279 : memref<10000x32xf32, #tpu.memory_space<hbm>>) target(%dma_start3A_273 : memref<128x32xf32, #tpu.memory_space<vmem>>) offsets(%dma_start3A_276 : memref<128xi32, #tpu.memory_space<vmem>>) semaphore(%arg11 : memref<!tpu.dma_semaphore, #tpu.memory_space<semaphore_mem>>)
      } else {
      }
      %dma_wait3A_225 = arith.constant 7 : i32
      %dma_wait3A_226 = arith.constant 1 : i32
      %dma_wait3A_227 = arith.constant 0 : i32
      %dma_wait3A_228 = arith.constant 0 : i32
      %dma_wait3A_229 = tpu.memref_slice %arg9[%dma_wait3A_226, %dma_wait3A_227, %dma_wait3A_228] : memref<2x128x32xf32, #tpu.memory_space<vmem>> -> memref<1x128x32xf32, #tpu.memory_space<vmem>>
      %dma_wait3A_230 = tpu.memref_squeeze %dma_wait3A_229 : memref<1x128x32xf32, #tpu.memory_space<vmem>> -> memref<128x32xf32, #tpu.memory_space<vmem>>
      %dma_wait3A_231 = arith.constant 0 : i32
      %dma_wait3A_232 = tpu.memref_slice %arg7[%rem3A_31, %dma_wait3A_225, %dma_wait3A_231] : memref<2x8x128xi32, #tpu.memory_space<vmem>> -> memref<1x1x128xi32, #tpu.memory_space<vmem>>
      %dma_wait3A_233 = tpu.memref_squeeze %dma_wait3A_232 : memref<1x1x128xi32, #tpu.memory_space<vmem>> -> memref<128xi32, #tpu.memory_space<vmem>>
      %dma_wait3A_234 = arith.constant 0 : i32
      %dma_wait3A_235 = arith.constant 0 : i32
      %dma_wait3A_236 = tpu.memref_slice %arg2[%dma_wait3A_234, %dma_wait3A_235] : memref<10000x32xf32, #tpu.memory_space<hbm>> -> memref<10000x32xf32, #tpu.memory_space<hbm>>
      tpu.wait_indirect_dma semaphore(%arg12 : memref<!tpu.dma_semaphore, #tpu.memory_space<semaphore_mem>>) src(%dma_wait3A_236 : memref<10000x32xf32, #tpu.memory_space<hbm>>) dst(%dma_wait3A_230 : memref<128x32xf32, #tpu.memory_space<vmem>>)
      %run_scoped3A_237 = arith.constant 1 : i32
      %run_scoped3A_238 = arith.constant 7 : i32
      "tpu.region"() ({
        %run_scoped3A_239 = tpu.sem_alloc : memref<!tpu.dma_semaphore, #tpu.memory_space<semaphore_mem>>
        %dma_start3A_240 = arith.constant 0 : i32
        %dma_start3A_241 = arith.constant 0 : i32
        %dma_start3A_242 = tpu.memref_slice %arg9[%run_scoped3A_237, %dma_start3A_240, %dma_start3A_241] : memref<2x128x32xf32, #tpu.memory_space<vmem>> -> memref<1x128x32xf32, #tpu.memory_space<vmem>>
        %dma_start3A_243 = tpu.memref_squeeze %dma_start3A_242 : memref<1x128x32xf32, #tpu.memory_space<vmem>> -> memref<128x32xf32, #tpu.memory_space<vmem>>
        %dma_start3A_244 = arith.constant 0 : i32
        %dma_start3A_245 = tpu.memref_slice %arg8[%rem3A_31, %run_scoped3A_238, %dma_start3A_244] : memref<2x8x128xi32, #tpu.memory_space<vmem>> -> memref<1x1x128xi32, #tpu.memory_space<vmem>>
        %dma_start3A_246 = tpu.memref_squeeze %dma_start3A_245 : memref<1x1x128xi32, #tpu.memory_space<vmem>> -> memref<128xi32, #tpu.memory_space<vmem>>
        %dma_start3A_247 = arith.constant 0 : i32
        %dma_start3A_248 = arith.constant 0 : i32
        %dma_start3A_249 = tpu.memref_slice %arg10[%dma_start3A_247, %dma_start3A_248] : memref<10112x32xf32, #tpu.memory_space<vmem_shared>> -> memref<10112x32xf32, #tpu.memory_space<vmem_shared>>
        tpu.enqueue_indirect_dma source(%dma_start3A_243 : memref<128x32xf32, #tpu.memory_space<vmem>>) target(%dma_start3A_249 : memref<10112x32xf32, #tpu.memory_space<vmem_shared>>) offsets(%dma_start3A_246 : memref<128xi32, #tpu.memory_space<vmem>>) semaphore(%run_scoped3A_239 : memref<!tpu.dma_semaphore, #tpu.memory_space<semaphore_mem>>) {add = true}
        %dma_wait3A_250 = arith.constant 0 : i32
        %dma_wait3A_251 = arith.constant 0 : i32
        %dma_wait3A_252 = tpu.memref_slice %arg9[%run_scoped3A_237, %dma_wait3A_250, %dma_wait3A_251] : memref<2x128x32xf32, #tpu.memory_space<vmem>> -> memref<1x128x32xf32, #tpu.memory_space<vmem>>
        %dma_wait3A_253 = tpu.memref_squeeze %dma_wait3A_252 : memref<1x128x32xf32, #tpu.memory_space<vmem>> -> memref<128x32xf32, #tpu.memory_space<vmem>>
        %dma_wait3A_254 = arith.constant 0 : i32
        %dma_wait3A_255 = tpu.memref_slice %arg8[%rem3A_31, %run_scoped3A_238, %dma_wait3A_254] : memref<2x8x128xi32, #tpu.memory_space<vmem>> -> memref<1x1x128xi32, #tpu.memory_space<vmem>>
        %dma_wait3A_256 = tpu.memref_squeeze %dma_wait3A_255 : memref<1x1x128xi32, #tpu.memory_space<vmem>> -> memref<128xi32, #tpu.memory_space<vmem>>
        %dma_wait3A_257 = arith.constant 0 : i32
        %dma_wait3A_258 = arith.constant 0 : i32
        %dma_wait3A_259 = tpu.memref_slice %arg10[%dma_wait3A_257, %dma_wait3A_258] : memref<10112x32xf32, #tpu.memory_space<vmem_shared>> -> memref<10112x32xf32, #tpu.memory_space<vmem_shared>>
        tpu.wait_indirect_dma semaphore(%run_scoped3A_239 : memref<!tpu.dma_semaphore, #tpu.memory_space<semaphore_mem>>) src(%dma_wait3A_253 : memref<128x32xf32, #tpu.memory_space<vmem>>) dst(%dma_wait3A_259 : memref<10112x32xf32, #tpu.memory_space<vmem_shared>>)
        tpu.yield
      }) : () -> ()
    }
    %scan3A_24 = arith.constant 10 : i32
    %barrier3A_25 = arith.constant 0 : index
    tpu.barrier barrier_id(%barrier3A_25)
    %mul3A_26 = arith.constant 632 : i32
    %mul3A_27 = arith.muli %arg1, %mul3A_26 : i32
    %mul3A_28 = arith.constant 632 : i32
    %mul3A_29 = arith.muli %arg1, %mul3A_28 : i32
    "tpu.region"() ({
      %run_scoped3A_30 = tpu.sem_alloc : memref<!tpu.dma_semaphore, #tpu.memory_space<semaphore_mem>>
      %dma_start3A_31 = arith.constant 0 : i32
      %dma_start3A_32 = tpu.memref_slice %arg6[%arg0, %mul3A_29, %dma_start3A_31] : memref<2x10112x32xf32, #tpu.memory_space<hbm>> -> memref<1x632x32xf32, #tpu.memory_space<hbm>>
      %dma_start3A_33 = tpu.memref_squeeze %dma_start3A_32 : memref<1x632x32xf32, #tpu.memory_space<hbm>> -> memref<632x32xf32, #tpu.memory_space<hbm>>
      %dma_start3A_34 = arith.constant 0 : i32
      %dma_start3A_35 = tpu.memref_slice %arg10[%mul3A_27, %dma_start3A_34] : memref<10112x32xf32, #tpu.memory_space<vmem_shared>> -> memref<632x32xf32, #tpu.memory_space<vmem_shared>>
      tpu.enqueue_dma source(%dma_start3A_35 : memref<632x32xf32, #tpu.memory_space<vmem_shared>>) target(%dma_start3A_33 : memref<632x32xf32, #tpu.memory_space<hbm>>) target_semaphore(%run_scoped3A_30 : memref<!tpu.dma_semaphore, #tpu.memory_space<semaphore_mem>>)
      %dma_wait3A = arith.constant 0 : i32
      %dma_wait3A_36 = tpu.memref_slice %arg6[%arg0, %mul3A_29, %dma_wait3A] : memref<2x10112x32xf32, #tpu.memory_space<hbm>> -> memref<1x632x32xf32, #tpu.memory_space<hbm>>
      %dma_wait3A_37 = tpu.memref_squeeze %dma_wait3A_36 : memref<1x632x32xf32, #tpu.memory_space<hbm>> -> memref<632x32xf32, #tpu.memory_space<hbm>>
      %dma_wait3A_38 = arith.constant 0 : i32
      %dma_wait3A_39 = tpu.memref_slice %arg10[%mul3A_27, %dma_wait3A_38] : memref<10112x32xf32, #tpu.memory_space<vmem_shared>> -> memref<632x32xf32, #tpu.memory_space<vmem_shared>>
      tpu.wait_dma2 semaphore(%run_scoped3A_30 : memref<!tpu.dma_semaphore, #tpu.memory_space<semaphore_mem>>) src(%dma_wait3A_39 : memref<632x32xf32, #tpu.memory_space<vmem_shared>>) dst(%dma_wait3A_37 : memref<632x32xf32, #tpu.memory_space<hbm>>)
      tpu.yield
    }) : () -> ()
    return
  }
}

module attributes {stable_mosaic.version = 14 : i64} {
  func.func @_lin2_body(%arg0: i32, %arg1: memref<1000x128xf32, #tpu.memory_space<vmem>>, %arg2: memref<128x64xf32, #tpu.memory_space<vmem>>, %arg3: memref<128x64xf32, #tpu.memory_space<vmem>>, %arg4: memref<1000x64xf32, #tpu.memory_space<vmem>>, %arg5: memref<1000x64xf32, #tpu.memory_space<vmem>>) attributes {dimension_semantics = [#tpu.dimension_semantics<arbitrary>], iteration_bounds = array<i64: 10>, scalar_prefetch = 0 : i64, scratch_operands = 0 : i64, tpu.core_type = #tpu.core_type<tc>, window_params = [{transform_indices = @transform_0, window_bounds = array<i64: 1000, 128>}, {pipeline_mode = #tpu.pipeline_mode<synchronous>, transform_indices = @transform_1, window_bounds = array<i64: 128, 64>}, {pipeline_mode = #tpu.pipeline_mode<synchronous>, transform_indices = @transform_2, window_bounds = array<i64: 128, 64>}, {transform_indices = @transform_3, window_bounds = array<i64: 1000, 64>}, {transform_indices = @transform_4, window_bounds = array<i64: 1000, 64>}]} {
    %get3A = arith.constant 0 : index
    %get3A_0 = arith.constant 0 : index
    %get3A_1 = vector.load %arg1[%get3A, %get3A_0] : memref<1000x128xf32, #tpu.memory_space<vmem>>, vector<1000x128xf32>
    %get3A_2 = arith.constant 0 : index
    %get3A_3 = arith.constant 0 : index
    %get3A_4 = vector.load %arg2[%get3A_2, %get3A_3] : memref<128x64xf32, #tpu.memory_space<vmem>>, vector<128x64xf32>
    %dot_general3A = arith.constant dense<0.000000e+00> : vector<1000x64xf32>
    %dot_general3A_5 = tpu.matmul %get3A_1, %get3A_4, %dot_general3A {dimension_numbers = #tpu.dot_dimension_numbers<[1], [0], [0], [1], [0, 0, 1, 1], [], []>, transpose_lhs_hint = false} : vector<1000x128xf32>, vector<128x64xf32>, vector<1000x64xf32> -> vector<1000x64xf32>
    %swap3A = arith.constant 0 : index
    %swap3A_6 = arith.constant 0 : index
    %swap3A_7 = vector.load %arg4[%swap3A, %swap3A_6] : memref<1000x64xf32, #tpu.memory_space<vmem>>, vector<1000x64xf32>
    tpu.vector_store %arg4[%swap3A, %swap3A_6], %dot_general3A_5 {strides = array<i32>} : memref<1000x64xf32, #tpu.memory_space<vmem>>, vector<1000x64xf32>,
    %get3A_8 = arith.constant 0 : index
    %get3A_9 = arith.constant 0 : index
    %get3A_10 = vector.load %arg3[%get3A_8, %get3A_9] : memref<128x64xf32, #tpu.memory_space<vmem>>, vector<128x64xf32>
    %dot_general3A_11 = arith.constant dense<0.000000e+00> : vector<1000x64xf32>
    %dot_general3A_12 = tpu.matmul %get3A_1, %get3A_10, %dot_general3A_11 {dimension_numbers = #tpu.dot_dimension_numbers<[1], [0], [0], [1], [0, 0, 1, 1], [], []>, transpose_lhs_hint = false} : vector<1000x128xf32>, vector<128x64xf32>, vector<1000x64xf32> -> vector<1000x64xf32>
    %swap3A_13 = arith.constant 0 : index
    %swap3A_14 = arith.constant 0 : index
    %swap3A_15 = vector.load %arg5[%swap3A_13, %swap3A_14] : memref<1000x64xf32, #tpu.memory_space<vmem>>, vector<1000x64xf32>
    tpu.vector_store %arg5[%swap3A_13, %swap3A_14], %dot_general3A_12 {strides = array<i32>} : memref<1000x64xf32, #tpu.memory_space<vmem>>, vector<1000x64xf32>,
    return
  }
  func.func @transform_0(%arg0: i32) -> (i32, i32) {
    %c0_i32 = arith.constant 0 : i32
    %c0_i32_0 = arith.constant 0 : i32
    return %arg0, %c0_i32 : i32, i32
  }
  func.func @transform_1(%arg0: i32) -> (i32, i32) {
    %c0_i32 = arith.constant 0 : i32
    %c0_i32_0 = arith.constant 0 : i32
    %c0_i32_1 = arith.constant 0 : i32
    return %c0_i32, %c0_i32_0 : i32, i32
  }
  func.func @transform_2(%arg0: i32) -> (i32, i32) {
    %c0_i32 = arith.constant 0 : i32
    %c0_i32_0 = arith.constant 0 : i32
    %c0_i32_1 = arith.constant 0 : i32
    return %c0_i32, %c0_i32_0 : i32, i32
  }
  func.func @transform_3(%arg0: i32) -> (i32, i32) {
    %c0_i32 = arith.constant 0 : i32
    %c0_i32_0 = arith.constant 0 : i32
    return %arg0, %c0_i32 : i32, i32
  }
  func.func @transform_4(%arg0: i32) -> (i32, i32) {
    %c0_i32 = arith.constant 0 : i32
    %c0_i32_0 = arith.constant 0 : i32
    return %arg0, %c0_i32 : i32, i32
  }
}

module attributes {stable_mosaic.version = 14 : i64} {
  func.func @_combine_body(%arg0: i32, %arg1: memref<2x1000x64xf32, #tpu.memory_space<vmem>>, %arg2: memref<2x1000x16xf32, #tpu.memory_space<vmem>>, %arg3: memref<1000x64xf32, #tpu.memory_space<vmem>>, %arg4: memref<1x64xf32, #tpu.memory_space<vmem>>, %arg5: memref<64x32xf32, #tpu.memory_space<vmem>>, %arg6: memref<64x32xf32, #tpu.memory_space<vmem>>, %arg7: memref<1000x32xf32, #tpu.memory_space<vmem>>, %arg8: memref<1000x32xf32, #tpu.memory_space<vmem>>) attributes {dimension_semantics = [#tpu.dimension_semantics<arbitrary>], iteration_bounds = array<i64: 10>, scalar_prefetch = 0 : i64, scratch_operands = 0 : i64, tpu.core_type = #tpu.core_type<tc>, window_params = [{transform_indices = @transform_0, window_bounds = array<i64: 2, 1000, 64>}, {transform_indices = @transform_1, window_bounds = array<i64: 2, 1000, 16>}, {transform_indices = @transform_2, window_bounds = array<i64: 1000, 64>}, {pipeline_mode = #tpu.pipeline_mode<synchronous>, transform_indices = @transform_3, window_bounds = array<i64: 1, 64>}, {pipeline_mode = #tpu.pipeline_mode<synchronous>, transform_indices = @transform_4, window_bounds = array<i64: 64, 32>}, {pipeline_mode = #tpu.pipeline_mode<synchronous>, transform_indices = @transform_5, window_bounds = array<i64: 64, 32>}, {transform_indices = @transform_6, window_bounds = array<i64: 1000, 32>}, {transform_indices = @transform_7, window_bounds = array<i64: 1000, 32>}]} {
    %get3A = arith.constant 0 : index
    %get3A_0 = arith.constant 0 : index
    %get3A_1 = arith.constant 0 : index
    %get3A_2 = vector.load %arg1[%get3A, %get3A_0, %get3A_1] : memref<2x1000x64xf32, #tpu.memory_space<vmem>>, vector<1x1000x64xf32>
    %get3A_3 = vector.shape_cast %get3A_2 : vector<1x1000x64xf32> to vector<1000x64xf32>
    %get3A_4 = arith.constant 1 : index
    %get3A_5 = arith.constant 0 : index
    %get3A_6 = arith.constant 0 : index
    %get3A_7 = vector.load %arg1[%get3A_4, %get3A_5, %get3A_6] : memref<2x1000x64xf32, #tpu.memory_space<vmem>>, vector<1x1000x64xf32>
    %get3A_8 = vector.shape_cast %get3A_7 : vector<1x1000x64xf32> to vector<1000x64xf32>
    %add3A = arith.addf %get3A_3, %get3A_8 : vector<1000x64xf32>
    %get3A_9 = arith.constant 0 : index
    %get3A_10 = arith.constant 0 : index
    %get3A_11 = arith.constant 0 : index
    %get3A_12 = vector.load %arg2[%get3A_9, %get3A_10, %get3A_11] : memref<2x1000x16xf32, #tpu.memory_space<vmem>>, vector<1x1000x1xf32>
    %get3A_13 = vector.shape_cast %get3A_12 : vector<1x1000x1xf32> to vector<1000xf32>
    %get3A_14 = arith.constant 1 : index
    %get3A_15 = arith.constant 0 : index
    %get3A_16 = arith.constant 0 : index
    %get3A_17 = vector.load %arg2[%get3A_14, %get3A_15, %get3A_16] : memref<2x1000x16xf32, #tpu.memory_space<vmem>>, vector<1x1000x1xf32>
    %get3A_18 = vector.shape_cast %get3A_17 : vector<1x1000x1xf32> to vector<1000xf32>
    %add3A_19 = arith.addf %get3A_13, %get3A_18 : vector<1000xf32>
    %max3A = arith.constant 1.000000e+00 : f32
    %max3A_20 = vector.broadcast %max3A : f32 to vector<1000xf32>
    %max3A_21 = arith.maximumf %add3A_19, %max3A_20 : vector<1000xf32>
    %div3A = arith.constant 1.000000e+00 : f32
    %div3A_22 = vector.broadcast %div3A : f32 to vector<1000xf32>
    %div3A_23 = arith.divf %div3A_22, %max3A_21 : vector<1000xf32>
    %broadcast_in_dim3A = vector.shape_cast %div3A_23 : vector<1000xf32> to vector<1000x1xf32>
    %mul3A = vector.broadcast %broadcast_in_dim3A : vector<1000x1xf32> to vector<1000x64xf32>
    %mul3A_24 = arith.mulf %add3A, %mul3A : vector<1000x64xf32>
    %get3A_25 = arith.constant 0 : index
    %get3A_26 = arith.constant 0 : index
    %get3A_27 = vector.load %arg4[%get3A_25, %get3A_26] : memref<1x64xf32, #tpu.memory_space<vmem>>, vector<1x64xf32>
    %add3A_28 = vector.broadcast %get3A_27 : vector<1x64xf32> to vector<1000x64xf32>
    %add3A_29 = arith.addf %mul3A_24, %add3A_28 : vector<1000x64xf32>
    %get3A_30 = arith.constant 0 : index
    %get3A_31 = arith.constant 0 : index
    %get3A_32 = vector.load %arg3[%get3A_30, %get3A_31] : memref<1000x64xf32, #tpu.memory_space<vmem>>, vector<1000x64xf32>
    %add3A_33 = arith.addf %add3A_29, %get3A_32 : vector<1000x64xf32>
    %max3A_34 = arith.constant 0.000000e+00 : f32
    %max3A_35 = vector.broadcast %max3A_34 : f32 to vector<1000x64xf32>
    %max3A_36 = arith.maximumf %add3A_33, %max3A_35 : vector<1000x64xf32>
    %get3A_37 = arith.constant 0 : index
    %get3A_38 = arith.constant 0 : index
    %get3A_39 = vector.load %arg5[%get3A_37, %get3A_38] : memref<64x32xf32, #tpu.memory_space<vmem>>, vector<64x32xf32>
    %dot_general3A = arith.constant dense<0.000000e+00> : vector<1000x32xf32>
    %dot_general3A_40 = tpu.matmul %max3A_36, %get3A_39, %dot_general3A {dimension_numbers = #tpu.dot_dimension_numbers<[1], [0], [0], [1], [0, 0, 1, 1], [], []>, transpose_lhs_hint = false} : vector<1000x64xf32>, vector<64x32xf32>, vector<1000x32xf32> -> vector<1000x32xf32>
    %swap3A = arith.constant 0 : index
    %swap3A_41 = arith.constant 0 : index
    %swap3A_42 = vector.load %arg7[%swap3A, %swap3A_41] : memref<1000x32xf32, #tpu.memory_space<vmem>>, vector<1000x32xf32>
    tpu.vector_store %arg7[%swap3A, %swap3A_41], %dot_general3A_40 {strides = array<i32>} : memref<1000x32xf32, #tpu.memory_space<vmem>>, vector<1000x32xf32>,
    %get3A_43 = arith.constant 0 : index
    %get3A_44 = arith.constant 0 : index
    %get3A_45 = vector.load %arg6[%get3A_43, %get3A_44] : memref<64x32xf32, #tpu.memory_space<vmem>>, vector<64x32xf32>
    %dot_general3A_46 = arith.constant dense<0.000000e+00> : vector<1000x32xf32>
    %dot_general3A_47 = tpu.matmul %max3A_36, %get3A_45, %dot_general3A_46 {dimension_numbers = #tpu.dot_dimension_numbers<[1], [0], [0], [1], [0, 0, 1, 1], [], []>, transpose_lhs_hint = false} : vector<1000x64xf32>, vector<64x32xf32>, vector<1000x32xf32> -> vector<1000x32xf32>
    %swap3A_48 = arith.constant 0 : index
    %swap3A_49 = arith.constant 0 : index
    %swap3A_50 = vector.load %arg8[%swap3A_48, %swap3A_49] : memref<1000x32xf32, #tpu.memory_space<vmem>>, vector<1000x32xf32>
    tpu.vector_store %arg8[%swap3A_48, %swap3A_49], %dot_general3A_47 {strides = array<i32>} : memref<1000x32xf32, #tpu.memory_space<vmem>>, vector<1000x32xf32>,
    return
  }
  func.func @transform_0(%arg0: i32) -> (i32, i32, i32) {
    %c0_i32 = arith.constant 0 : i32
    %c0_i32_0 = arith.constant 0 : i32
    %c0_i32_1 = arith.constant 0 : i32
    return %c0_i32, %arg0, %c0_i32_0 : i32, i32, i32
  }
  func.func @transform_1(%arg0: i32) -> (i32, i32, i32) {
    %c0_i32 = arith.constant 0 : i32
    %c0_i32_0 = arith.constant 0 : i32
    %c0_i32_1 = arith.constant 0 : i32
    return %c0_i32, %arg0, %c0_i32_0 : i32, i32, i32
  }
  func.func @transform_2(%arg0: i32) -> (i32, i32) {
    %c0_i32 = arith.constant 0 : i32
    %c0_i32_0 = arith.constant 0 : i32
    return %arg0, %c0_i32 : i32, i32
  }
  func.func @transform_3(%arg0: i32) -> (i32, i32) {
    %c0_i32 = arith.constant 0 : i32
    %c0_i32_0 = arith.constant 0 : i32
    %c0_i32_1 = arith.constant 0 : i32
    return %c0_i32, %c0_i32_0 : i32, i32
  }
  func.func @transform_4(%arg0: i32) -> (i32, i32) {
    %c0_i32 = arith.constant 0 : i32
    %c0_i32_0 = arith.constant 0 : i32
    %c0_i32_1 = arith.constant 0 : i32
    return %c0_i32, %c0_i32_0 : i32, i32
  }
  func.func @transform_5(%arg0: i32) -> (i32, i32) {
    %c0_i32 = arith.constant 0 : i32
    %c0_i32_0 = arith.constant 0 : i32
    %c0_i32_1 = arith.constant 0 : i32
    return %c0_i32, %c0_i32_0 : i32, i32
  }
  func.func @transform_6(%arg0: i32) -> (i32, i32) {
    %c0_i32 = arith.constant 0 : i32
    %c0_i32_0 = arith.constant 0 : i32
    return %arg0, %c0_i32 : i32, i32
  }
  func.func @transform_7(%arg0: i32) -> (i32, i32) {
    %c0_i32 = arith.constant 0 : i32
    %c0_i32_0 = arith.constant 0 : i32
    return %arg0, %c0_i32 : i32, i32
  }
}

module attributes {stable_mosaic.version = 14 : i64} {
  func.func @_combine_body(%arg0: i32, %arg1: memref<2x1000x32xf32, #tpu.memory_space<vmem>>, %arg2: memref<2x1000x16xf32, #tpu.memory_space<vmem>>, %arg3: memref<1000x32xf32, #tpu.memory_space<vmem>>, %arg4: memref<1x32xf32, #tpu.memory_space<vmem>>, %arg5: memref<32x32xf32, #tpu.memory_space<vmem>>, %arg6: memref<32x20xf32, #tpu.memory_space<vmem>>, %arg7: memref<1000x32xf32, #tpu.memory_space<vmem>>, %arg8: memref<1000x20xf32, #tpu.memory_space<vmem>>) attributes {dimension_semantics = [#tpu.dimension_semantics<arbitrary>], iteration_bounds = array<i64: 10>, scalar_prefetch = 0 : i64, scratch_operands = 0 : i64, tpu.core_type = #tpu.core_type<tc>, window_params = [{transform_indices = @transform_0, window_bounds = array<i64: 2, 1000, 32>}, {transform_indices = @transform_1, window_bounds = array<i64: 2, 1000, 16>}, {transform_indices = @transform_2, window_bounds = array<i64: 1000, 32>}, {pipeline_mode = #tpu.pipeline_mode<synchronous>, transform_indices = @transform_3, window_bounds = array<i64: 1, 32>}, {pipeline_mode = #tpu.pipeline_mode<synchronous>, transform_indices = @transform_4, window_bounds = array<i64: 32, 32>}, {pipeline_mode = #tpu.pipeline_mode<synchronous>, transform_indices = @transform_5, window_bounds = array<i64: 32, 20>}, {transform_indices = @transform_6, window_bounds = array<i64: 1000, 32>}, {transform_indices = @transform_7, window_bounds = array<i64: 1000, 20>}]} {
    %get3A = arith.constant 0 : index
    %get3A_0 = arith.constant 0 : index
    %get3A_1 = arith.constant 0 : index
    %get3A_2 = vector.load %arg1[%get3A, %get3A_0, %get3A_1] : memref<2x1000x32xf32, #tpu.memory_space<vmem>>, vector<1x1000x32xf32>
    %get3A_3 = vector.shape_cast %get3A_2 : vector<1x1000x32xf32> to vector<1000x32xf32>
    %get3A_4 = arith.constant 1 : index
    %get3A_5 = arith.constant 0 : index
    %get3A_6 = arith.constant 0 : index
    %get3A_7 = vector.load %arg1[%get3A_4, %get3A_5, %get3A_6] : memref<2x1000x32xf32, #tpu.memory_space<vmem>>, vector<1x1000x32xf32>
    %get3A_8 = vector.shape_cast %get3A_7 : vector<1x1000x32xf32> to vector<1000x32xf32>
    %add3A = arith.addf %get3A_3, %get3A_8 : vector<1000x32xf32>
    %get3A_9 = arith.constant 0 : index
    %get3A_10 = arith.constant 0 : index
    %get3A_11 = arith.constant 0 : index
    %get3A_12 = vector.load %arg2[%get3A_9, %get3A_10, %get3A_11] : memref<2x1000x16xf32, #tpu.memory_space<vmem>>, vector<1x1000x1xf32>
    %get3A_13 = vector.shape_cast %get3A_12 : vector<1x1000x1xf32> to vector<1000xf32>
    %get3A_14 = arith.constant 1 : index
    %get3A_15 = arith.constant 0 : index
    %get3A_16 = arith.constant 0 : index
    %get3A_17 = vector.load %arg2[%get3A_14, %get3A_15, %get3A_16] : memref<2x1000x16xf32, #tpu.memory_space<vmem>>, vector<1x1000x1xf32>
    %get3A_18 = vector.shape_cast %get3A_17 : vector<1x1000x1xf32> to vector<1000xf32>
    %add3A_19 = arith.addf %get3A_13, %get3A_18 : vector<1000xf32>
    %max3A = arith.constant 1.000000e+00 : f32
    %max3A_20 = vector.broadcast %max3A : f32 to vector<1000xf32>
    %max3A_21 = arith.maximumf %add3A_19, %max3A_20 : vector<1000xf32>
    %div3A = arith.constant 1.000000e+00 : f32
    %div3A_22 = vector.broadcast %div3A : f32 to vector<1000xf32>
    %div3A_23 = arith.divf %div3A_22, %max3A_21 : vector<1000xf32>
    %broadcast_in_dim3A = vector.shape_cast %div3A_23 : vector<1000xf32> to vector<1000x1xf32>
    %mul3A = vector.broadcast %broadcast_in_dim3A : vector<1000x1xf32> to vector<1000x32xf32>
    %mul3A_24 = arith.mulf %add3A, %mul3A : vector<1000x32xf32>
    %get3A_25 = arith.constant 0 : index
    %get3A_26 = arith.constant 0 : index
    %get3A_27 = vector.load %arg4[%get3A_25, %get3A_26] : memref<1x32xf32, #tpu.memory_space<vmem>>, vector<1x32xf32>
    %add3A_28 = vector.broadcast %get3A_27 : vector<1x32xf32> to vector<1000x32xf32>
    %add3A_29 = arith.addf %mul3A_24, %add3A_28 : vector<1000x32xf32>
    %get3A_30 = arith.constant 0 : index
    %get3A_31 = arith.constant 0 : index
    %get3A_32 = vector.load %arg3[%get3A_30, %get3A_31] : memref<1000x32xf32, #tpu.memory_space<vmem>>, vector<1000x32xf32>
    %add3A_33 = arith.addf %add3A_29, %get3A_32 : vector<1000x32xf32>
    %max3A_34 = arith.constant 0.000000e+00 : f32
    %max3A_35 = vector.broadcast %max3A_34 : f32 to vector<1000x32xf32>
    %max3A_36 = arith.maximumf %add3A_33, %max3A_35 : vector<1000x32xf32>
    %get3A_37 = arith.constant 0 : index
    %get3A_38 = arith.constant 0 : index
    %get3A_39 = vector.load %arg5[%get3A_37, %get3A_38] : memref<32x32xf32, #tpu.memory_space<vmem>>, vector<32x32xf32>
    %dot_general3A = arith.constant dense<0.000000e+00> : vector<1000x32xf32>
    %dot_general3A_40 = tpu.matmul %max3A_36, %get3A_39, %dot_general3A {dimension_numbers = #tpu.dot_dimension_numbers<[1], [0], [0], [1], [0, 0, 1, 1], [], []>, transpose_lhs_hint = false} : vector<1000x32xf32>, vector<32x32xf32>, vector<1000x32xf32> -> vector<1000x32xf32>
    %swap3A = arith.constant 0 : index
    %swap3A_41 = arith.constant 0 : index
    %swap3A_42 = vector.load %arg7[%swap3A, %swap3A_41] : memref<1000x32xf32, #tpu.memory_space<vmem>>, vector<1000x32xf32>
    tpu.vector_store %arg7[%swap3A, %swap3A_41], %dot_general3A_40 {strides = array<i32>} : memref<1000x32xf32, #tpu.memory_space<vmem>>, vector<1000x32xf32>,
    %get3A_43 = arith.constant 0 : index
    %get3A_44 = arith.constant 0 : index
    %get3A_45 = vector.load %arg6[%get3A_43, %get3A_44] : memref<32x20xf32, #tpu.memory_space<vmem>>, vector<32x20xf32>
    %dot_general3A_46 = arith.constant dense<0.000000e+00> : vector<1000x20xf32>
    %dot_general3A_47 = tpu.matmul %max3A_36, %get3A_45, %dot_general3A_46 {dimension_numbers = #tpu.dot_dimension_numbers<[1], [0], [0], [1], [0, 0, 1, 1], [], []>, transpose_lhs_hint = false} : vector<1000x32xf32>, vector<32x20xf32>, vector<1000x20xf32> -> vector<1000x20xf32>
    %swap3A_48 = arith.constant 0 : index
    %swap3A_49 = arith.constant 0 : index
    %swap3A_50 = vector.load %arg8[%swap3A_48, %swap3A_49] : memref<1000x20xf32, #tpu.memory_space<vmem>>, vector<1000x20xf32>
    tpu.vector_store %arg8[%swap3A_48, %swap3A_49], %dot_general3A_47 {strides = array<i32>} : memref<1000x20xf32, #tpu.memory_space<vmem>>, vector<1000x20xf32>,
    return
  }
  func.func @transform_0(%arg0: i32) -> (i32, i32, i32) {
    %c0_i32 = arith.constant 0 : i32
    %c0_i32_0 = arith.constant 0 : i32
    %c0_i32_1 = arith.constant 0 : i32
    return %c0_i32, %arg0, %c0_i32_0 : i32, i32, i32
  }
  func.func @transform_1(%arg0: i32) -> (i32, i32, i32) {
    %c0_i32 = arith.constant 0 : i32
    %c0_i32_0 = arith.constant 0 : i32
    %c0_i32_1 = arith.constant 0 : i32
    return %c0_i32, %arg0, %c0_i32_0 : i32, i32, i32
  }
  func.func @transform_2(%arg0: i32) -> (i32, i32) {
    %c0_i32 = arith.constant 0 : i32
    %c0_i32_0 = arith.constant 0 : i32
    return %arg0, %c0_i32 : i32, i32
  }
  func.func @transform_3(%arg0: i32) -> (i32, i32) {
    %c0_i32 = arith.constant 0 : i32
    %c0_i32_0 = arith.constant 0 : i32
    %c0_i32_1 = arith.constant 0 : i32
    return %c0_i32, %c0_i32_0 : i32, i32
  }
  func.func @transform_4(%arg0: i32) -> (i32, i32) {
    %c0_i32 = arith.constant 0 : i32
    %c0_i32_0 = arith.constant 0 : i32
    %c0_i32_1 = arith.constant 0 : i32
    return %c0_i32, %c0_i32_0 : i32, i32
  }
  func.func @transform_5(%arg0: i32) -> (i32, i32) {
    %c0_i32 = arith.constant 0 : i32
    %c0_i32_0 = arith.constant 0 : i32
    %c0_i32_1 = arith.constant 0 : i32
    return %c0_i32, %c0_i32_0 : i32, i32
  }
  func.func @transform_6(%arg0: i32) -> (i32, i32) {
    %c0_i32 = arith.constant 0 : i32
    %c0_i32_0 = arith.constant 0 : i32
    return %arg0, %c0_i32 : i32, i32
  }
  func.func @transform_7(%arg0: i32) -> (i32, i32) {
    %c0_i32 = arith.constant 0 : i32
    %c0_i32_0 = arith.constant 0 : i32
    return %arg0, %c0_i32 : i32, i32
  }
}

module attributes {stable_mosaic.version = 14 : i64} {
  func.func @_final_body(%arg0: i32, %arg1: memref<2x1000x32xf32, #tpu.memory_space<vmem>>, %arg2: memref<2x1000x16xf32, #tpu.memory_space<vmem>>, %arg3: memref<1000x20xf32, #tpu.memory_space<vmem>>, %arg4: memref<1x20xf32, #tpu.memory_space<vmem>>, %arg5: memref<1000x20xf32, #tpu.memory_space<vmem>>) attributes {dimension_semantics = [#tpu.dimension_semantics<arbitrary>], iteration_bounds = array<i64: 10>, scalar_prefetch = 0 : i64, scratch_operands = 0 : i64, tpu.core_type = #tpu.core_type<tc>, window_params = [{transform_indices = @transform_0, window_bounds = array<i64: 2, 1000, 32>}, {transform_indices = @transform_1, window_bounds = array<i64: 2, 1000, 16>}, {transform_indices = @transform_2, window_bounds = array<i64: 1000, 20>}, {pipeline_mode = #tpu.pipeline_mode<synchronous>, transform_indices = @transform_3, window_bounds = array<i64: 1, 20>}, {transform_indices = @transform_4, window_bounds = array<i64: 1000, 20>}]} {
    %get3A = arith.constant 0 : index
    %get3A_0 = arith.constant 0 : index
    %get3A_1 = arith.constant 0 : index
    %get3A_2 = vector.load %arg1[%get3A, %get3A_0, %get3A_1] : memref<2x1000x32xf32, #tpu.memory_space<vmem>>, vector<1x1000x32xf32>
    %get3A_3 = vector.shape_cast %get3A_2 : vector<1x1000x32xf32> to vector<1000x32xf32>
    %get3A_4 = arith.constant 1 : index
    %get3A_5 = arith.constant 0 : index
    %get3A_6 = arith.constant 0 : index
    %get3A_7 = vector.load %arg1[%get3A_4, %get3A_5, %get3A_6] : memref<2x1000x32xf32, #tpu.memory_space<vmem>>, vector<1x1000x32xf32>
    %get3A_8 = vector.shape_cast %get3A_7 : vector<1x1000x32xf32> to vector<1000x32xf32>
    %add3A = arith.addf %get3A_3, %get3A_8 : vector<1000x32xf32>
    %get3A_9 = arith.constant 0 : index
    %get3A_10 = arith.constant 0 : index
    %get3A_11 = arith.constant 0 : index
    %get3A_12 = vector.load %arg2[%get3A_9, %get3A_10, %get3A_11] : memref<2x1000x16xf32, #tpu.memory_space<vmem>>, vector<1x1000x1xf32>
    %get3A_13 = vector.shape_cast %get3A_12 : vector<1x1000x1xf32> to vector<1000xf32>
    %get3A_14 = arith.constant 1 : index
    %get3A_15 = arith.constant 0 : index
    %get3A_16 = arith.constant 0 : index
    %get3A_17 = vector.load %arg2[%get3A_14, %get3A_15, %get3A_16] : memref<2x1000x16xf32, #tpu.memory_space<vmem>>, vector<1x1000x1xf32>
    %get3A_18 = vector.shape_cast %get3A_17 : vector<1x1000x1xf32> to vector<1000xf32>
    %add3A_19 = arith.addf %get3A_13, %get3A_18 : vector<1000xf32>
    %max3A = arith.constant 1.000000e+00 : f32
    %max3A_20 = vector.broadcast %max3A : f32 to vector<1000xf32>
    %max3A_21 = arith.maximumf %add3A_19, %max3A_20 : vector<1000xf32>
    %div3A = arith.constant 1.000000e+00 : f32
    %div3A_22 = vector.broadcast %div3A : f32 to vector<1000xf32>
    %div3A_23 = arith.divf %div3A_22, %max3A_21 : vector<1000xf32>
    %slice3A = vector.extract_strided_slice %add3A {offsets = [0, 0], sizes = [1000, 20], strides = [1, 1]} : vector<1000x32xf32> to vector<1000x20xf32>
    %broadcast_in_dim3A = vector.shape_cast %div3A_23 : vector<1000xf32> to vector<1000x1xf32>
    %mul3A = vector.broadcast %broadcast_in_dim3A : vector<1000x1xf32> to vector<1000x20xf32>
    %mul3A_24 = arith.mulf %slice3A, %mul3A : vector<1000x20xf32>
    %get3A_25 = arith.constant 0 : index
    %get3A_26 = arith.constant 0 : index
    %get3A_27 = vector.load %arg4[%get3A_25, %get3A_26] : memref<1x20xf32, #tpu.memory_space<vmem>>, vector<1x20xf32>
    %add3A_28 = vector.broadcast %get3A_27 : vector<1x20xf32> to vector<1000x20xf32>
    %add3A_29 = arith.addf %mul3A_24, %add3A_28 : vector<1000x20xf32>
    %get3A_30 = arith.constant 0 : index
    %get3A_31 = arith.constant 0 : index
    %get3A_32 = vector.load %arg3[%get3A_30, %get3A_31] : memref<1000x20xf32, #tpu.memory_space<vmem>>, vector<1000x20xf32>
    %add3A_33 = arith.addf %add3A_29, %get3A_32 : vector<1000x20xf32>
    %swap3A = arith.constant 0 : index
    %swap3A_34 = arith.constant 0 : index
    %swap3A_35 = vector.load %arg5[%swap3A, %swap3A_34] : memref<1000x20xf32, #tpu.memory_space<vmem>>, vector<1000x20xf32>
    tpu.vector_store %arg5[%swap3A, %swap3A_34], %add3A_33 {strides = array<i32>} : memref<1000x20xf32, #tpu.memory_space<vmem>>, vector<1000x20xf32>,
    return
  }
  func.func @transform_0(%arg0: i32) -> (i32, i32, i32) {
    %c0_i32 = arith.constant 0 : i32
    %c0_i32_0 = arith.constant 0 : i32
    %c0_i32_1 = arith.constant 0 : i32
    return %c0_i32, %arg0, %c0_i32_0 : i32, i32, i32
  }
  func.func @transform_1(%arg0: i32) -> (i32, i32, i32) {
    %c0_i32 = arith.constant 0 : i32
    %c0_i32_0 = arith.constant 0 : i32
    %c0_i32_1 = arith.constant 0 : i32
    return %c0_i32, %arg0, %c0_i32_0 : i32, i32, i32
  }
  func.func @transform_2(%arg0: i32) -> (i32, i32) {
    %c0_i32 = arith.constant 0 : i32
    %c0_i32_0 = arith.constant 0 : i32
    return %arg0, %c0_i32 : i32, i32
  }
  func.func @transform_3(%arg0: i32) -> (i32, i32) {
    %c0_i32 = arith.constant 0 : i32
    %c0_i32_0 = arith.constant 0 : i32
    %c0_i32_1 = arith.constant 0 : i32
    return %c0_i32, %c0_i32_0 : i32, i32
  }
  func.func @transform_4(%arg0: i32) -> (i32, i32) {
    %c0_i32 = arith.constant 0 : i32
    %c0_i32_0 = arith.constant 0 : i32
    return %arg0, %c0_i32 : i32, i32
  }
}

</mosaic_0001>

<sc_bundles>
// kernel: kernel.12.cloned.1.call-start
scs
__scs_entry_jumppad:
0x0: {  	(pc) =	sbr.rel $0x88, $3  }
0x1: {  	(tag) =	ssettag $0x0;
	lr =	simm.s32 $0x1  }
0x2: {  	[smem:$0x3F96] =	sst lr;
	_ =	strace $0xD0000000  }
0x3: {  	_ = 	snop  }
0x4: {  	_ = 	snop  }
0x5: {  	_ = 	snop  }
0x6: {  	_ = 	snop  }
0x7: {  	_ = 	snop  }
__scs_overlays_trampoline_lowered:
0x8: {  	[smem:$0x3FA5] =	sst s0  }
0x9: {  	[smem:$0x3FA6] =	sst s1  }
0xa: {  	[smem:$0x3FA7] =	sst s2  }
0xb: {  	[smem:$0x3FA8] =	sst s3  }
0xc: {  	[smem:$0x3FA9] =	sst s4  }
0xd: {  	[smem:$0x3FAA] =	sst s5  }
0xe: {  	[smem:$0x3FAB] =	sst s6  }
0xf: {  	[smem:$0x3FAC] =	sst s7  }
0x10: {  	[smem:$0x3FAD] =	sst s8  }
0x11: {  	[smem:$0x3FAE] =	sst s9;
	s0 =	simm.s32 @!p0 $0x0  }
0x12: {  	s1 =	sld [smem:$0x3F94];
	s0 =	simm.s32 @p0 $0x1  }
0x13: {  	[smem:$0x3FAF] =	sst s0;
	s0 =	simm.s32 @!p1 $0x0  }
0x14: {  	s2 =	sld [smem:$0x3F93];
	s0 =	simm.s32 @p1 $0x1  }
0x15: {  	[smem:$0x3FB0] =	sst s0;
	s0 =	simm.s32 @!p2 $0x0  }
0x16: {  	s3 =	sld [smem:$0x3FDB];
	s0 =	simm.s32 @p2 $0x1  }
0x17: {  	s4 =	simm.s32 $0x1BF5;
	[smem:$0x3FB2] =	sst s0  }
0x18: {  	s0 =	sld [smem:$0x3F95];
	_ =	swait.ge [sflag:s4], $0x0  }
0x19: {  	s7 =	sld [smem:$0x3F96]  }
0x1a: {  	s8 =	sadd.s32 $0xFFFFE003, lr  }
0x1b: {  	s9 =	sadd.s32 $0xFFFFFEF7, lr;
	s5 =	simm.s32 $0xFFFFFFFF;
	p2 =	slt.u32 s8, $0xFFFFF086  }
0x1c: {  	p1 =	slt.u32 s9, $0xF7A;
	s5 =	simm.s32 @!p2 $0x0  }
0x1d: {  	s5 =	simm.s32 @p1 $0x1;
	p0 =	seq.s32 s7, s2  }
0x1e: {  	s7 =	smul.u32 @!p0 $0xF7A, s2;
	p2 =	seq.s32 @!p0 s5, $0x0  }
0x1f: {  	s9 =	smul.u32 $0xF7A, s1;
	s8 =	simm.s32 @!p0 $0x1BF5;
	p2 =	por !p2, p0  }
0x20: {  	[sflag:s8] =	ssyncset.s32 @!p0 $0xFFFFF086;
	s6 =	sadd.s32 @!p0 s3, s7;
	s7 =	simm.s32 @!p0 $0x108  }
0x21: {  	s3 =	sadd.s32 s3, s9;
	s6 =	sadd.s32 @!p0 $0x88, s6;
	s7 =	simm.s32 @p2 $0x1082  }
0x22: {  	[simem:s7], [sflag:s8] =	dma.local @!p0 [hbm:s6], $0xF7A  }
0x23: {  	s9 =	sor.u32 $0xD0000000, s2;
	s6 =	simm.s32 $0x108;
	_ =	swait.ge @!p0 [sflag:s8], $0x0  }
0x24: {  	s3 =	sadd.s32 $0x88, s3;
	s6 =	simm.s32 @!p1 $0x1082;
	[sflag:s4] =	ssyncset.s32 $0xFFFFF086  }
0x25: {  	[simem:s6], [sflag:s4] =	dma.local [hbm:s3], $0xF7A  }
0x26: {  	[smem:$0x3F96] =	sst s1;
	(tag) =	ssettag s2;
	_ =	strace s9  }
0x27: {  	s1 =	sld [smem:$0x3FA6]  }
0x28: {  	s2 =	sld [smem:$0x3FA7]  }
0x29: {  	s4 =	sld [smem:$0x3FA9]  }
0x2a: {  	p0 =	seq.s32 s5, $0x0;
	s5 =	sld [smem:$0x3FAA]  }
0x2b: {  	s6 =	sld [smem:$0x3FAB]  }
0x2c: {  	s7 =	sld [smem:$0x3FAC]  }
0x2d: {  	s3 =	simm.s32 $0x108;
	s8 =	sld [smem:$0x3FAD]  }
0x2e: {  	s3 =	simm.s32 @!p0 $0x1082;
	s9 =	sld [smem:$0x3FAE]  }
0x2f: {  	lr =	sadd.s32 s0, s3;
	s0 =	sld [smem:$0x3FA5]  }
0x30: {  	s3 =	sld [smem:$0x3FA8]  }
0x31: {  	[smem:$0x3FB1] =	sst s10  }
0x32: {  	s10 =	sld [smem:$0x3FAF];
	_ =	sdelay $0x3  }
0x33: {  	p0 =	seq.s32 s10, $0x1;
	s10 =	sld [smem:$0x3FB1];
	_ =	sdelay $0x3  }
0x34: {  	[smem:$0x3FB1] =	sst s10  }
0x35: {  	s10 =	sld [smem:$0x3FB0];
	_ =	sdelay $0x3  }
0x36: {  	p1 =	seq.s32 s10, $0x1;
	s10 =	sld [smem:$0x3FB1];
	_ =	sdelay $0x3  }
0x37: {  	[smem:$0x3FB1] =	sst s10  }
0x38: {  	s10 =	sld [smem:$0x3FB2]  }
0x39: {  	_ = 	snop;
	(pc) =	sbr.ind lr, $3  }
0x3a: {  	_ = 	snop  }
0x3b: {  	_ = 	snop  }
0x3c: {  	p2 =	seq.s32 s10, $0x1;
	s10 =	sld [smem:$0x3FB1]  }
0x3d: {  	_ =	shalt  }
0x3e: {  	_ =	shalt  }
0x3f: {  	_ =	shalt  }
0x40: {  	_ =	shalt  }
0x41: {  	_ =	shalt  }
0x42: {  	_ =	shalt  }
0x43: {  	_ =	shalt  }
0x44: {  	_ =	shalt  }
0x45: {  	_ =	shalt  }
0x46: {  	_ =	shalt  }
0x47: {  	_ =	shalt  }
0x48: {  	_ =	shalt  }
0x49: {  	_ =	shalt  }
0x4a: {  	_ =	shalt  }
0x4b: {  	_ =	shalt  }
0x4c: {  	_ =	shalt  }
0x4d: {  	_ =	shalt  }
0x4e: {  	_ =	shalt  }
0x4f: {  	_ =	shalt  }
0x50: {  	_ =	shalt  }
0x51: {  	_ =	shalt  }
0x52: {  	_ =	shalt  }
0x53: {  	_ =	shalt  }
0x54: {  	_ =	shalt  }
0x55: {  	_ =	shalt  }
0x56: {  	_ =	shalt  }
0x57: {  	_ =	shalt  }
0x58: {  	_ =	shalt  }
0x59: {  	_ =	shalt  }
0x5a: {  	_ =	shalt  }
0x5b: {  	_ =	shalt  }
0x5c: {  	_ =	shalt  }
0x5d: {  	_ =	shalt  }
0x5e: {  	_ =	shalt  }
0x5f: {  	_ =	shalt  }
0x60: {  	_ =	shalt  }
0x61: {  	_ =	shalt  }
0x62: {  	_ =	shalt  }
0x63: {  	_ =	shalt  }
0x64: {  	_ =	shalt  }
0x65: {  	_ =	shalt  }
0x66: {  	_ =	shalt  }
0x67: {  	_ =	shalt  }
0x68: {  	_ =	shalt  }
0x69: {  	_ =	shalt  }
0x6a: {  	_ =	shalt  }
0x6b: {  	_ =	shalt  }
0x6c: {  	_ =	shalt  }
0x6d: {  	_ =	shalt  }
0x6e: {  	_ =	shalt  }
0x6f: {  	_ =	shalt  }
0x70: {  	_ =	shalt  }
0x71: {  	_ =	shalt  }
0x72: {  	_ =	shalt  }
0x73: {  	_ =	shalt  }
0x74: {  	_ =	shalt  }
0x75: {  	_ =	shalt  }
0x76: {  	_ =	shalt  }
0x77: {  	_ =	shalt  }
0x78: {  	_ =	shalt  }
0x79: {  	_ =	shalt  }
0x7a: {  	_ =	shalt  }
0x7b: {  	_ =	shalt  }
0x7c: {  	_ =	shalt  }
0x7d: {  	_ =	shalt  }
0x7e: {  	_ =	shalt  }
0x7f: {  	_ =	shalt  }
0x80: {  	_ =	shalt  }
0x81: {  	_ =	shalt  }
0x82: {  	_ =	shalt  }
0x83: {  	_ =	shalt  }
0x84: {  	_ =	shalt  }
0x85: {  	_ =	shalt  }
0x86: {  	_ =	shalt  }
0x87: {  	_ =	shalt  }
.Lfunc_end0:
.L_simem_size_0:
called_computation.1_lowered:
.L_overlay_start_0:
0x88: {  	s2 =	sld [smem:$0x3FD9]  }
0x89: {  	s3 =	sld [smem:$0x3FFE];
	_ =	sdelay $0x1  }
0x8a: {  	s1 =	srdreg.scid  }
0x8b: {  	s0 =	sand.u32 $0x1, s1  }
0x8c: {  	s16 =	sshll.u32 s0, $0xA;
	s2 =	sadd.s32 s3, s2  }
0x8d: {  	s2 =	sadd.s32 s2, s16  }
0x8e: {  	[smem:$0x3FBD] =	sst s2  }
0x8f: {  	_ = 	snop  }
0x90: {  	(tm) =	ssettm $0x1  }
0x91: {  	s17 =	sld [smem:$0x3FFB];
	_ =	sdelay $0x3  }
0x92: {  	_ =	strace s17  }
0x93: {  	s2 =	sld [smem:$0x3FFC];
	_ =	sdelay $0x3  }
0x94: {  	_ =	strace s2  }
0x95: {  	s2 =	sld [smem:$0x3FFD];
	_ =	sdelay $0x3  }
0x96: {  	_ =	strace s2  }
0x97: {  	_ =	strace $0x8FFFFFFF  }
0x98: {  	s18 =	sld [smem:$0x3FDB];
	_ =	sdelay $0x1  }
0x99: {  	s19 =	simm.s32 $_scs_section_size  }
0x9a: {  	s4 =	simm.s32 $_size__tile_overlayer_lowered;
	s5 =	simm.s32 $_tile_overlayer_lowered  }
0x9b: {  	s22 =	simm.s32 $0x1BFF;
	s21 =	sshll.u32 s5, $0x1;
	s2 =	sadd.s32 s19, s18  }
0x9c: {  	s6 =	simm.s32 $0x0;
	s20 =	sshll.u32 s4, $0x1;
	s4 =	sadd.s32 s21, s2  }
0x9d: {  	[timem:s6], [sflag:s22] =	dma.local [hbm:s4], s20  }
0x9e: {  	_ =	swait.ge [sflag:s22], s20  }
0x9f: {  	s3 =	ssub.s32 $0x0, s20;
	[sflag:s22] =	ssyncset.done $0x0  }
0xa0: {  	[sflag:s22] =	ssyncadd.s32 s3;
	_ =	sdelay $0x1  }
0xa1: {  	s23 =	simm.s32 $0x1B8B  }
0xa2: {  	_ =	swait.ge [sflag:s23], $0x1  }
0xa3: {  	[sflag:s23] =	ssyncset.done $0x0  }
0xa4: {  	s25 =	simm.s32 $0x1B8E;
	s24 =	sld [smem:$0x3FFE];
	[sflag:s23] =	ssyncadd.s32 $0xFFFFFFFF  }
0xa5: {  	s26 =	simm.s32 $execute0_lowered;
	[smem:$0x3FD2] =	sst s25  }
0xa6: {  	s4 =	sshll.u32 s26, $0x1;
	_ =	strace $0x80000049;
	[dreg:$0x1] =	wrdreg $0xFFFFFFFF  }
0xa7: {  	s28 =	simm.s32 $_size_execute0_lowered;
	s2 =	sadd.s32 s2, s4;
	[dreg:$0x0] =	wrdreg $0x0  }
0xa8: {  	s4 =	sshll.u32 s28, $0x1;
	[dreg:$0x2] =	wrdreg s2  }
0xa9: {  	[dreg:$0x3] =	wrdreg s4  }
0xaa: {  	[dreg:$0x4] =	wrdreg $0xC0  }
0xab: {  	_ =	task [dreg:s6], $0x5FFFF  }
0xac: {  	[dreg:$0x1] =	wrdreg $0xFFFFFFFF  }
0xad: {  	[dreg:$0x0] =	wrdreg $0x60  }
0xae: {  	[dreg:$0x2] =	wrdreg s24  }
0xaf: {  	[dreg:$0x3] =	wrdreg $0x30000  }
0xb0: {  	[dreg:$0x4] =	wrdreg $0x9  }
0xb1: {  	_ =	task.clear_ibuf [dreg:s6], $0x5FFFF;
	_ =	strace $0x90000049  }
0xb2: {  	s29 =	simm.s32 $0x9;
	_ =	strace $0x8000004B  }
0xb3: {  	_ =	swait.ge [sflag:s29], $0x1  }
0xb4: {  	[sflag:s29] =	ssyncadd.s32 $0xFFFFFFFF  }
0xb5: {  	_ =	strace $0x9000004B  }
0xb6: {  	_ =	sfence  }
0xb7: {  	s30 =	sld [smem:$0x0];
	_ =	sdelay $0x2  }
0xb8: {  	s31 =	sshll.u32 s1, $0xD;
	s1 =	sshrl.u32 s1, $0x2  }
0xb9: {  	s3 =	sand.u32 $0x4000, s31;
	s1 =	sadd.s32 s1, s30  }
0xba: {  	s0 =	sor.u32 s3, s0;
	s1 =	sshll.u32 s1, $0x11  }
0xbb: {  	s0 =	sor.u32 s1, s0  }
0xbc: {  	s0 =	sadd.s32 $0x8F2B, s0  }
0xbd: {  	[sflag:s0] =	ssyncadd.remote.s32 $0x1  }
0xbe: {  	_ =	sfence.sel $0xFFFF  }
0xbf: {  	[dreg:$0x0] =	wrdreg $0xFFFFFFFF;
	(pc) =	sbr.abs _section_cstart, $3  }
0xc0: {  	[dreg:$0x1] =	wrdreg $0xFFFFFFFF  }
0xc1: {  	_ =	task.clear_ibuf [dreg:s6], $0x2FFFF;
	_ =	strace $0x9FFFFFFF  }
0xc2: {  	(tm) =	ssettm $0x7FFFFFFF  }
0xc3: {  	_ =	shalt  }
tec
execute0_lowered:
.L_overlay_start_1:
0x0: {  	(tag) =	ssettag $0x1  }
0x1: {  	s5 =	rddreg [dreg:$0x0];
	s0 =	stileid.u32  }
0x2: {  	s1 =	srdreg.scid;
	s2 =	rddreg [dreg:$0x1]  }
0x3: {  	s3 =	simm.s32 $0x0;
	s16 =	simm.s32 $0x80;
	s17 =	simm.s32 $0x1000  }
0x4: {  	s18 =	simm.s32 $0x2000;
	s19 =	simm.s32 $0x1;
	s20 =	simm.s32 $0x2  }
0x5: {  	s21 =	simm.s32 $0x0;
	s7 =	sand.u32 $0x1, s1;
	s1 =	rddreg [dreg:$0x2]  }
0x6: {  	s6 =	smul.u32 $0x4F00, s0;
	[smem:$0x7FF] =	sst s3;
	s4 =	sadd.s32 $0x2400, s5  }
0x7: {  	s12 =	sadd.s32 $0x1FE00, s5;
	s11 =	sadd.s32 $0x15E00, s5;
	s14 =	smul.u32 $0x2800, s0  }
0x8: {  	s30 =	sshll.u32 s0, $0x6;
	s8 =	smul.u32 $0x4F000, s7;
	_ =	strace $0x8000004A  }
0x9: {  	s28 =	ssub.s32 $0x2, s7;
	s29 =	sshll.u32 s7, $0x4;
	s7 =	smul.u32 $0x28000, s7  }
0xa: {  	s9 =	sshrl.u32 s6, $0x3;
	s13 =	sshrl.u32 s28, $0x1;
	s15 =	sadd.s32 s6, s2  }
0xb: {  	s8 =	sadd.s32 s6, s8;
	s9 =	sadd.s32 s9, s5;
	s13 =	ssub.s32 s28, s13  }
0xc: {  	s31 =	sadd.s32 s14, s7;
	s6 =	sor.u32 $0x1C04, s30;
	s8 =	sshrl.u32 s8, $0x3  }
0xd: {  	s14 =	sor.u32 $0x400, s31;
	s10 =	sadd.s32 s8, s5;
	s8 =	sor.u32 s0, s29  }
0xe: {  	s5 =	sadd.s32 $0x29E00, s9;
	s14 =	sshrl.u32 s14, $0x3;
	s8 =	smul.u32 $0x500, s8  }
0xf: {  	s9 =	sadd.s32 $0x33C00, s10;
	s10 =	smax.u32 s13, $0x1;
	s13 =	sshrl.u32 s15, $0x3  }
0x10: {  	s15 =	simm.s32 $0x800;
	s7 =	sadd.s32 s12, s8;
	s8 =	sadd.s32 s11, s8  }
0x11: {  	s11 =	sadd.s32 s14, s11;
	s12 =	sadd.s32 s14, s12;
	s14 =	simm.s32 $0x4  }
.LBB2_1:
0x12: {  	[spmem:s13], [sflag:s6] =	dma.local [hbm:s5], $0x9E0  }
0x13: {  	_ =	swait.ge [sflag:s14], $0x9E0  }
0x14: {  	[sflag:s14] =	ssyncset.done $0x0  }
0x15: {  	[sflag:s14] =	ssyncadd.s32 $0xFFFFF620  }
0x16: {  	[bflag:$0x0] =	sbarrier.arrive $0xFFFF  }
0x17: {  	[tilespmem:s3], [sflag:$0x4] =	stream.linear.gather [hbm4b:s7+s3], $0x400, $0x38;
	[tilespmem:$0x7F00] =	vst v63  }
0x18: {  	_ =	swait.ge [sflag:s14], $0x400  }
0x19: {  	[sflag:s14] =	ssyncset.done $0x0  }
0x1a: {  	[sflag:s14] =	ssyncadd.s32 $0xFFFFFC00  }
0x1b: {  	[tilespmem:s15], [sflag:$0x4] =	stream.linear.gather [hbm4b:s8+s3], $0x400, $0x38;
	[tilespmem:$0x7F00] =	vst v63  }
0x1c: {  	_ =	swait.ge [sflag:s14], $0x400  }
0x1d: {  	s23 =	sand.u32 $0x1, s3;
	[sflag:s14] =	ssyncset.done $0x0  }
0x1e: {  	p0 =	por $0x0, $0x0;
	s22 =	sxor.u32 $0x1, s23;
	[sflag:s14] =	ssyncadd.s32 $0xFFFFFC00  }
0x1f: {  	[tilespmem:s17], [sflag:$0x1] =	stream.indirect.gather [hbm4b:s4+s16], $0x20, s3, s16, $0xb8;
	[tilespmem:$0x7F00] =	vst v63  }
0x20: {  	s24 =	simm.s32 @!p0 $0x0;
	s22 =	sshll.u32 @!p0 s22, $0xA  }
0x21: {  	[tilespmem:s22], [sflag:$0x3] =	stream.linear.gather @!p0 [hbm4b:s12+s24], $0x400, $0x38;
	[tilespmem:$0x7F00] =	vst v63  }
0x22: {  	s23 =	sshll.u32 s23, $0xA;
	s25 =	sor.u32 @!p0 $0x800, s22  }
0x23: {  	[tilespmem:s25], [sflag:$0x3] =	stream.linear.gather @!p0 [hbm4b:s11+s24], $0x400, $0x38;
	[tilespmem:$0x7F00] =	vst v63  }
0x24: {  	s30 =	sor.u32 $0x80, s23  }
0x25: {  	[tilespmem:s18], [sflag:$0x2] =	stream.indirect.gather [hbm4b:s4+s16], $0x20, s30, s16, $0xb8;
	[tilespmem:$0x7F00] =	vst v63  }
0x26: {  	_ =	swait.ge [sflag:s19], $0x1000  }
0x27: {  	[sflag:s19] =	ssyncset.done $0x0  }
0x28: {  	s31 =	sor.u32 $0x800, s23;
	[sflag:s19] =	ssyncadd.s32 $0xFFFFF000  }
0x29: {  	[spmem:s2] =	stream.indirect.scatter.add.f32 [tilespmem:s17], [sflag:$0x4], $0x20, s31, s16, $0xb8;
	[tilespmem:$0x7F00] =	vst v63  }
0x2a: {  	_ =	swait.ge [sflag:s14], $0x1000  }
0x2b: {  	[sflag:s14] =	ssyncset.done $0x0  }
0x2c: {  	s25 =	sor.u32 $0x100, s23;
	[sflag:s14] =	ssyncadd.s32 $0xFFFFF000  }
0x2d: {  	[tilespmem:s17], [sflag:$0x1] =	stream.indirect.gather [hbm4b:s4+s16], $0x20, s25, s16, $0xb8;
	[tilespmem:$0x7F00] =	vst v63  }
0x2e: {  	_ =	swait.ge [sflag:s20], $0x1000  }
0x2f: {  	[sflag:s20] =	ssyncset.done $0x0  }
0x30: {  	s26 =	sor.u32 $0x880, s23;
	[sflag:s20] =	ssyncadd.s32 $0xFFFFF000  }
0x31: {  	[spmem:s2] =	stream.indirect.scatter.add.f32 [tilespmem:s18], [sflag:$0x4], $0x20, s26, s16, $0xb8;
	[tilespmem:$0x7F00] =	vst v63  }
0x32: {  	_ =	swait.ge [sflag:s14], $0x1000  }
0x33: {  	[sflag:s14] =	ssyncset.done $0x0  }
0x34: {  	s28 =	sor.u32 $0x180, s23;
	[sflag:s14] =	ssyncadd.s32 $0xFFFFF000  }
0x35: {  	[tilespmem:s18], [sflag:$0x2] =	stream.indirect.gather [hbm4b:s4+s16], $0x20, s28, s16, $0xb8;
	[tilespmem:$0x7F00] =	vst v63  }
0x36: {  	_ =	swait.ge [sflag:s19], $0x1000  }
0x37: {  	[sflag:s19] =	ssyncset.done $0x0  }
0x38: {  	s29 =	sor.u32 $0x900, s23;
	[sflag:s19] =	ssyncadd.s32 $0xFFFFF000  }
0x39: {  	[spmem:s2] =	stream.indirect.scatter.add.f32 [tilespmem:s17], [sflag:$0x4], $0x20, s29, s16, $0xb8;
	[tilespmem:$0x7F00] =	vst v63  }
0x3a: {  	_ =	swait.ge [sflag:s14], $0x1000  }
0x3b: {  	[sflag:s14] =	ssyncset.done $0x0  }
0x3c: {  	s30 =	sor.u32 $0x200, s23;
	[sflag:s14] =	ssyncadd.s32 $0xFFFFF000  }
0x3d: {  	[tilespmem:s17], [sflag:$0x1] =	stream.indirect.gather [hbm4b:s4+s16], $0x20, s30, s16, $0xb8;
	[tilespmem:$0x7F00] =	vst v63  }
0x3e: {  	_ =	swait.ge [sflag:s20], $0x1000  }
0x3f: {  	[sflag:s20] =	ssyncset.done $0x0  }
0x40: {  	s31 =	sor.u32 $0x980, s23;
	[sflag:s20] =	ssyncadd.s32 $0xFFFFF000  }
0x41: {  	[spmem:s2] =	stream.indirect.scatter.add.f32 [tilespmem:s18], [sflag:$0x4], $0x20, s31, s16, $0xb8;
	[tilespmem:$0x7F00] =	vst v63  }
0x42: {  	_ =	swait.ge [sflag:s14], $0x1000  }
0x43: {  	[sflag:s14] =	ssyncset.done $0x0  }
0x44: {  	s25 =	sor.u32 $0x280, s23;
	[sflag:s14] =	ssyncadd.s32 $0xFFFFF000  }
0x45: {  	[tilespmem:s18], [sflag:$0x2] =	stream.indirect.gather [hbm4b:s4+s16], $0x20, s25, s16, $0xb8;
	[tilespmem:$0x7F00] =	vst v63  }
0x46: {  	_ =	swait.ge [sflag:s19], $0x1000  }
0x47: {  	[sflag:s19] =	ssyncset.done $0x0  }
0x48: {  	s26 =	sor.u32 $0xA00, s23;
	[sflag:s19] =	ssyncadd.s32 $0xFFFFF000  }
0x49: {  	[spmem:s2] =	stream.indirect.scatter.add.f32 [tilespmem:s17], [sflag:$0x4], $0x20, s26, s16, $0xb8;
	[tilespmem:$0x7F00] =	vst v63  }
0x4a: {  	_ =	swait.ge [sflag:s14], $0x1000  }
0x4b: {  	[sflag:s14] =	ssyncset.done $0x0  }
0x4c: {  	s28 =	sor.u32 $0x300, s23;
	[sflag:s14] =	ssyncadd.s32 $0xFFFFF000  }
0x4d: {  	[tilespmem:s17], [sflag:$0x1] =	stream.indirect.gather [hbm4b:s4+s16], $0x20, s28, s16, $0xb8;
	[tilespmem:$0x7F00] =	vst v63  }
0x4e: {  	_ =	swait.ge [sflag:s20], $0x1000  }
0x4f: {  	[sflag:s20] =	ssyncset.done $0x0  }
0x50: {  	s29 =	sor.u32 $0xA80, s23;
	[sflag:s20] =	ssyncadd.s32 $0xFFFFF000  }
0x51: {  	[spmem:s2] =	stream.indirect.scatter.add.f32 [tilespmem:s18], [sflag:$0x4], $0x20, s29, s16, $0xb8;
	[tilespmem:$0x7F00] =	vst v63  }
0x52: {  	_ =	swait.ge [sflag:s14], $0x1000  }
0x53: {  	[sflag:s14] =	ssyncset.done $0x0  }
0x54: {  	s30 =	sor.u32 $0x380, s23;
	[sflag:s14] =	ssyncadd.s32 $0xFFFFF000  }
0x55: {  	[tilespmem:s18], [sflag:$0x2] =	stream.indirect.gather [hbm4b:s4+s16], $0x20, s30, s16, $0xb8;
	[tilespmem:$0x7F00] =	vst v63  }
0x56: {  	_ =	swait.ge [sflag:s19], $0x1000  }
0x57: {  	[sflag:s19] =	ssyncset.done $0x0  }
0x58: {  	s23 =	sor.u32 $0xB00, s23;
	[sflag:s19] =	ssyncadd.s32 $0xFFFFF000  }
0x59: {  	[spmem:s2] =	stream.indirect.scatter.add.f32 [tilespmem:s17], [sflag:$0x4], $0x20, s23, s16, $0xb8;
	[tilespmem:$0x7F00] =	vst v63  }
0x5a: {  	_ =	swait.ge [sflag:s14], $0x1000  }
0x5b: {  	[sflag:s14] =	ssyncset.done $0x0  }
0x5c: {  	s23 =	simm.s32 @!p0 $0x3;
	[sflag:s14] =	ssyncadd.s32 $0xFFFFF000  }
0x5d: {  	_ =	swait.ge @!p0 [sflag:s23], $0x400  }
0x5e: {  	[sflag:s23] =	ssyncset.done @!p0 $0x0  }
0x5f: {  	[sflag:s23] =	ssyncadd.s32 @!p0 $0xFFFFFC00  }
0x60: {  	_ =	swait.ge @!p0 [sflag:s23], $0x400  }
0x61: {  	[sflag:s23] =	ssyncset.done @!p0 $0x0  }
0x62: {  	s25 =	simm.s32 @!p0 $0x1000;
	[sflag:s23] =	ssyncadd.s32 @!p0 $0xFFFFFC00;
	s23 =	simm.s32 @!p0 $0x80  }
0x63: {  	[tilespmem:s25], [sflag:$0x1] =	stream.indirect.gather @!p0 [hbm4b:s4+s23], $0x20, s22, s23, $0xb8;
	[tilespmem:$0x7F00] =	vst v63  }
0x64: {  	s24 =	sadd.s32 $0x80, s11;
	_ =	swait.ge [sflag:s20], $0x1000  }
0x65: {  	s31 =	simm.s32 $0x1;
	s26 =	sor.u32 $0x800, s30;
	[sflag:s20] =	ssyncset.done $0x0  }
0x66: {  	s25 =	simm.s32 $0x2;
	s23 =	sadd.s32 $0x80, s12;
	[sflag:s20] =	ssyncadd.s32 $0xFFFFF000  }
0x67: {  	[spmem:s2] =	stream.indirect.scatter.add.f32 [tilespmem:s18], [sflag:$0x4], $0x20, s26, s16, $0xb8;
	[tilespmem:$0x7F00] =	vst v63  }
0x68: {  	s22 =	sand.u32 $0x1, s31;
	p0 =	por $0x0, $0x0;
	_ =	swait.ge [sflag:s14], $0x1000  }
0x69: {  	s26 =	sxor.u32 $0x1, s22;
	s22 =	sshll.u32 s22, $0xA;
	[sflag:s14] =	ssyncset.done $0x0  }
.LBB2_2:
0x6a: {  	s28 =	sshll.u32 @!p0 s26, $0xA;
	s29 =	simm.s32 @!p0 $0x0;
	[sflag:s14] =	ssyncadd.s32 $0xFFFFF000  }
0x6b: {  	[tilespmem:s28], [sflag:$0x3] =	stream.linear.gather @!p0 [hbm4b:s23+s29], $0x400, $0x38;
	[tilespmem:$0x7F00] =	vst v63  }
0x6c: {  	s26 =	smov.u32 s25;
	s25 =	sadd.s32 $0x1, s25;
	s30 =	sor.u32 @!p0 $0x800, s28  }
0x6d: {  	[tilespmem:s30], [sflag:$0x3] =	stream.linear.gather @!p0 [hbm4b:s24+s29], $0x400, $0x38;
	[tilespmem:$0x7F00] =	vst v63  }
0x6e: {  	p1 =	sne.s32 s25, $0xA;
	s29 =	sor.u32 $0x80, s22  }
0x6f: {  	[tilespmem:s18], [sflag:$0x2] =	stream.indirect.gather [hbm4b:s4+s16], $0x20, s29, s16, $0xb8;
	[tilespmem:$0x7F00] =	vst v63  }
0x70: {  	_ =	swait.ge [sflag:s19], $0x1000  }
0x71: {  	[sflag:s19] =	ssyncset.done $0x0  }
0x72: {  	s29 =	sor.u32 $0x800, s22;
	[sflag:s19] =	ssyncadd.s32 $0xFFFFF000  }
0x73: {  	[spmem:s2] =	stream.indirect.scatter.add.f32 [tilespmem:s17], [sflag:$0x4], $0x20, s29, s16, $0xb8;
	[tilespmem:$0x7F00] =	vst v63  }
0x74: {  	_ =	swait.ge [sflag:s14], $0x1000  }
0x75: {  	[sflag:s14] =	ssyncset.done $0x0  }
0x76: {  	s29 =	sor.u32 $0x100, s22;
	[sflag:s14] =	ssyncadd.s32 $0xFFFFF000  }
0x77: {  	[tilespmem:s17], [sflag:$0x1] =	stream.indirect.gather [hbm4b:s4+s16], $0x20, s29, s16, $0xb8;
	[tilespmem:$0x7F00] =	vst v63  }
0x78: {  	_ =	swait.ge [sflag:s20], $0x1000  }
0x79: {  	[sflag:s20] =	ssyncset.done $0x0  }
0x7a: {  	s29 =	sor.u32 $0x880, s22;
	[sflag:s20] =	ssyncadd.s32 $0xFFFFF000  }
0x7b: {  	[spmem:s2] =	stream.indirect.scatter.add.f32 [tilespmem:s18], [sflag:$0x4], $0x20, s29, s16, $0xb8;
	[tilespmem:$0x7F00] =	vst v63  }
0x7c: {  	_ =	swait.ge [sflag:s14], $0x1000  }
0x7d: {  	[sflag:s14] =	ssyncset.done $0x0  }
0x7e: {  	s29 =	sor.u32 $0x180, s22;
	[sflag:s14] =	ssyncadd.s32 $0xFFFFF000  }
0x7f: {  	[tilespmem:s18], [sflag:$0x2] =	stream.indirect.gather [hbm4b:s4+s16], $0x20, s29, s16, $0xb8;
	[tilespmem:$0x7F00] =	vst v63  }
0x80: {  	_ =	swait.ge [sflag:s19], $0x1000  }
0x81: {  	[sflag:s19] =	ssyncset.done $0x0  }
0x82: {  	s29 =	sor.u32 $0x900, s22;
	[sflag:s19] =	ssyncadd.s32 $0xFFFFF000  }
0x83: {  	[spmem:s2] =	stream.indirect.scatter.add.f32 [tilespmem:s17], [sflag:$0x4], $0x20, s29, s16, $0xb8;
	[tilespmem:$0x7F00] =	vst v63  }
0x84: {  	_ =	swait.ge [sflag:s14], $0x1000  }
0x85: {  	[sflag:s14] =	ssyncset.done $0x0  }
0x86: {  	s29 =	sor.u32 $0x200, s22;
	[sflag:s14] =	ssyncadd.s32 $0xFFFFF000  }
0x87: {  	[tilespmem:s17], [sflag:$0x1] =	stream.indirect.gather [hbm4b:s4+s16], $0x20, s29, s16, $0xb8;
	[tilespmem:$0x7F00] =	vst v63  }
0x88: {  	_ =	swait.ge [sflag:s20], $0x1000  }
0x89: {  	[sflag:s20] =	ssyncset.done $0x0  }
0x8a: {  	s29 =	sor.u32 $0x980, s22;
	[sflag:s20] =	ssyncadd.s32 $0xFFFFF000  }
0x8b: {  	[spmem:s2] =	stream.indirect.scatter.add.f32 [tilespmem:s18], [sflag:$0x4], $0x20, s29, s16, $0xb8;
	[tilespmem:$0x7F00] =	vst v63  }
0x8c: {  	_ =	swait.ge [sflag:s14], $0x1000  }
0x8d: {  	[sflag:s14] =	ssyncset.done $0x0  }
0x8e: {  	s29 =	sor.u32 $0x280, s22;
	[sflag:s14] =	ssyncadd.s32 $0xFFFFF000  }
0x8f: {  	[tilespmem:s18], [sflag:$0x2] =	stream.indirect.gather [hbm4b:s4+s16], $0x20, s29, s16, $0xb8;
	[tilespmem:$0x7F00] =	vst v63  }
0x90: {  	_ =	swait.ge [sflag:s19], $0x1000  }
0x91: {  	[sflag:s19] =	ssyncset.done $0x0  }
0x92: {  	s29 =	sor.u32 $0xA00, s22;
	[sflag:s19] =	ssyncadd.s32 $0xFFFFF000  }
0x93: {  	[spmem:s2] =	stream.indirect.scatter.add.f32 [tilespmem:s17], [sflag:$0x4], $0x20, s29, s16, $0xb8;
	[tilespmem:$0x7F00] =	vst v63  }
0x94: {  	_ =	swait.ge [sflag:s14], $0x1000  }
0x95: {  	[sflag:s14] =	ssyncset.done $0x0  }
0x96: {  	s29 =	sor.u32 $0x300, s22;
	[sflag:s14] =	ssyncadd.s32 $0xFFFFF000  }
0x97: {  	[tilespmem:s17], [sflag:$0x1] =	stream.indirect.gather [hbm4b:s4+s16], $0x20, s29, s16, $0xb8;
	[tilespmem:$0x7F00] =	vst v63  }
0x98: {  	_ =	swait.ge [sflag:s20], $0x1000  }
0x99: {  	[sflag:s20] =	ssyncset.done $0x0  }
0x9a: {  	s29 =	sor.u32 $0xA80, s22;
	[sflag:s20] =	ssyncadd.s32 $0xFFFFF000  }
0x9b: {  	[spmem:s2] =	stream.indirect.scatter.add.f32 [tilespmem:s18], [sflag:$0x4], $0x20, s29, s16, $0xb8;
	[tilespmem:$0x7F00] =	vst v63  }
0x9c: {  	_ =	swait.ge [sflag:s14], $0x1000  }
0x9d: {  	[sflag:s14] =	ssyncset.done $0x0  }
0x9e: {  	s29 =	sor.u32 $0x380, s22;
	[sflag:s14] =	ssyncadd.s32 $0xFFFFF000  }
0x9f: {  	[tilespmem:s18], [sflag:$0x2] =	stream.indirect.gather [hbm4b:s4+s16], $0x20, s29, s16, $0xb8;
	[tilespmem:$0x7F00] =	vst v63  }
0xa0: {  	_ =	swait.ge [sflag:s19], $0x1000  }
0xa1: {  	[sflag:s19] =	ssyncset.done $0x0  }
0xa2: {  	s22 =	sor.u32 $0xB00, s22;
	[sflag:s19] =	ssyncadd.s32 $0xFFFFF000  }
0xa3: {  	[spmem:s2] =	stream.indirect.scatter.add.f32 [tilespmem:s17], [sflag:$0x4], $0x20, s22, s16, $0xb8;
	[tilespmem:$0x7F00] =	vst v63  }
0xa4: {  	_ =	swait.ge [sflag:s14], $0x1000  }
0xa5: {  	[sflag:s14] =	ssyncset.done $0x0  }
0xa6: {  	s22 =	simm.s32 @!p0 $0x3;
	[sflag:s14] =	ssyncadd.s32 $0xFFFFF000  }
0xa7: {  	_ =	swait.ge @!p0 [sflag:s22], $0x400  }
0xa8: {  	[sflag:s22] =	ssyncset.done @!p0 $0x0  }
0xa9: {  	[sflag:s22] =	ssyncadd.s32 @!p0 $0xFFFFFC00  }
0xaa: {  	_ =	swait.ge @!p0 [sflag:s22], $0x400  }
0xab: {  	[sflag:s22] =	ssyncset.done @!p0 $0x0  }
0xac: {  	s30 =	simm.s32 @!p0 $0x1000;
	[sflag:s22] =	ssyncadd.s32 @!p0 $0xFFFFFC00;
	s22 =	simm.s32 @!p0 $0x80  }
0xad: {  	[tilespmem:s30], [sflag:$0x1] =	stream.indirect.gather @!p0 [hbm4b:s4+s22], $0x20, s28, s22, $0xb8;
	[tilespmem:$0x7F00] =	vst v63  }
0xae: {  	_ =	swait.ge [sflag:s20], $0x1000  }
.Ltmp0:
0xaf: {  	s23 =	sadd.s32 $0x80, s23;
	[sflag:s20] =	ssyncset.done $0x0;
	(pc) =	sbr.rel @p1 .LBB2_2-.Ltmp0, $4  }
0xb0: {  	s24 =	sadd.s32 $0x80, s24;
	s22 =	sor.u32 $0x800, s29;
	[sflag:s20] =	ssyncadd.s32 $0xFFFFF000  }
0xb1: {  	[spmem:s2] =	stream.indirect.scatter.add.f32 [tilespmem:s18], [sflag:$0x4], $0x20, s22, s16, $0xb8;
	[tilespmem:$0x7F00] =	vst v63  }
0xb2: {  	p0 =	seq.s32 s26, $0x9;
	s22 =	sand.u32 $0x1, s26;
	_ =	swait.ge [sflag:s14], $0x1000  }
0xb3: {  	s26 =	sxor.u32 $0x1, s22;
	s22 =	sshll.u32 s22, $0xA;
	[sflag:s14] =	ssyncset.done $0x0  }
0xb4: {  	s25 =	sshll.u32 @!p0 s26, $0xA;
	s26 =	simm.s32 @!p0 $0x0;
	[sflag:s14] =	ssyncadd.s32 $0xFFFFF000  }
0xb5: {  	[tilespmem:s25], [sflag:$0x3] =	stream.linear.gather @!p0 [hbm4b:s23+s26], $0x400, $0x38;
	[tilespmem:$0x7F00] =	vst v63  }
0xb6: {  	s23 =	sor.u32 @!p0 $0x800, s25  }
0xb7: {  	[tilespmem:s23], [sflag:$0x3] =	stream.linear.gather @!p0 [hbm4b:s24+s26], $0x400, $0x38;
	[tilespmem:$0x7F00] =	vst v63  }
0xb8: {  	s29 =	sor.u32 $0x80, s22  }
0xb9: {  	[tilespmem:s18], [sflag:$0x2] =	stream.indirect.gather [hbm4b:s4+s16], $0x20, s29, s16, $0xb8;
	[tilespmem:$0x7F00] =	vst v63  }
0xba: {  	_ =	swait.ge [sflag:s19], $0x1000  }
0xbb: {  	[sflag:s19] =	ssyncset.done $0x0  }
0xbc: {  	s30 =	sor.u32 $0x800, s22;
	[sflag:s19] =	ssyncadd.s32 $0xFFFFF000  }
0xbd: {  	[spmem:s2] =	stream.indirect.scatter.add.f32 [tilespmem:s17], [sflag:$0x4], $0x20, s30, s16, $0xb8;
	[tilespmem:$0x7F00] =	vst v63  }
0xbe: {  	_ =	swait.ge [sflag:s14], $0x1000  }
0xbf: {  	[sflag:s14] =	ssyncset.done $0x0  }
0xc0: {  	s31 =	sor.u32 $0x100, s22;
	[sflag:s14] =	ssyncadd.s32 $0xFFFFF000  }
0xc1: {  	[tilespmem:s17], [sflag:$0x1] =	stream.indirect.gather [hbm4b:s4+s16], $0x20, s31, s16, $0xb8;
	[tilespmem:$0x7F00] =	vst v63  }
0xc2: {  	_ =	swait.ge [sflag:s20], $0x1000  }
0xc3: {  	[sflag:s20] =	ssyncset.done $0x0  }
0xc4: {  	s24 =	sor.u32 $0x880, s22;
	[sflag:s20] =	ssyncadd.s32 $0xFFFFF000  }
0xc5: {  	[spmem:s2] =	stream.indirect.scatter.add.f32 [tilespmem:s18], [sflag:$0x4], $0x20, s24, s16, $0xb8;
	[tilespmem:$0x7F00] =	vst v63  }
0xc6: {  	_ =	swait.ge [sflag:s14], $0x1000  }
0xc7: {  	[sflag:s14] =	ssyncset.done $0x0  }
0xc8: {  	s26 =	sor.u32 $0x180, s22;
	[sflag:s14] =	ssyncadd.s32 $0xFFFFF000  }
0xc9: {  	[tilespmem:s18], [sflag:$0x2] =	stream.indirect.gather [hbm4b:s4+s16], $0x20, s26, s16, $0xb8;
	[tilespmem:$0x7F00] =	vst v63  }
0xca: {  	_ =	swait.ge [sflag:s19], $0x1000  }
0xcb: {  	[sflag:s19] =	ssyncset.done $0x0  }
0xcc: {  	s28 =	sor.u32 $0x900, s22;
	[sflag:s19] =	ssyncadd.s32 $0xFFFFF000  }
0xcd: {  	[spmem:s2] =	stream.indirect.scatter.add.f32 [tilespmem:s17], [sflag:$0x4], $0x20, s28, s16, $0xb8;
	[tilespmem:$0x7F00] =	vst v63  }
0xce: {  	_ =	swait.ge [sflag:s14], $0x1000  }
0xcf: {  	[sflag:s14] =	ssyncset.done $0x0  }
0xd0: {  	s29 =	sor.u32 $0x200, s22;
	[sflag:s14] =	ssyncadd.s32 $0xFFFFF000  }
0xd1: {  	[tilespmem:s17], [sflag:$0x1] =	stream.indirect.gather [hbm4b:s4+s16], $0x20, s29, s16, $0xb8;
	[tilespmem:$0x7F00] =	vst v63  }
0xd2: {  	_ =	swait.ge [sflag:s20], $0x1000  }
0xd3: {  	[sflag:s20] =	ssyncset.done $0x0  }
0xd4: {  	s30 =	sor.u32 $0x980, s22;
	[sflag:s20] =	ssyncadd.s32 $0xFFFFF000  }
0xd5: {  	[spmem:s2] =	stream.indirect.scatter.add.f32 [tilespmem:s18], [sflag:$0x4], $0x20, s30, s16, $0xb8;
	[tilespmem:$0x7F00] =	vst v63  }
0xd6: {  	_ =	swait.ge [sflag:s14], $0x1000  }
0xd7: {  	[sflag:s14] =	ssyncset.done $0x0  }
0xd8: {  	s31 =	sor.u32 $0x280, s22;
	[sflag:s14] =	ssyncadd.s32 $0xFFFFF000  }
0xd9: {  	[tilespmem:s18], [sflag:$0x2] =	stream.indirect.gather [hbm4b:s4+s16], $0x20, s31, s16, $0xb8;
	[tilespmem:$0x7F00] =	vst v63  }
0xda: {  	_ =	swait.ge [sflag:s19], $0x1000  }
0xdb: {  	[sflag:s19] =	ssyncset.done $0x0  }
0xdc: {  	s24 =	sor.u32 $0xA00, s22;
	[sflag:s19] =	ssyncadd.s32 $0xFFFFF000  }
0xdd: {  	[spmem:s2] =	stream.indirect.scatter.add.f32 [tilespmem:s17], [sflag:$0x4], $0x20, s24, s16, $0xb8;
	[tilespmem:$0x7F00] =	vst v63  }
0xde: {  	_ =	swait.ge [sflag:s14], $0x1000  }
0xdf: {  	[sflag:s14] =	ssyncset.done $0x0  }
0xe0: {  	s26 =	sor.u32 $0x300, s22;
	[sflag:s14] =	ssyncadd.s32 $0xFFFFF000  }
0xe1: {  	[tilespmem:s17], [sflag:$0x1] =	stream.indirect.gather [hbm4b:s4+s16], $0x20, s26, s16, $0xb8;
	[tilespmem:$0x7F00] =	vst v63  }
0xe2: {  	_ =	swait.ge [sflag:s20], $0x1000  }
0xe3: {  	[sflag:s20] =	ssyncset.done $0x0  }
0xe4: {  	s28 =	sor.u32 $0xA80, s22;
	[sflag:s20] =	ssyncadd.s32 $0xFFFFF000  }
0xe5: {  	[spmem:s2] =	stream.indirect.scatter.add.f32 [tilespmem:s18], [sflag:$0x4], $0x20, s28, s16, $0xb8;
	[tilespmem:$0x7F00] =	vst v63  }
0xe6: {  	_ =	swait.ge [sflag:s14], $0x1000  }
0xe7: {  	[sflag:s14] =	ssyncset.done $0x0  }
0xe8: {  	s29 =	sor.u32 $0x380, s22;
	[sflag:s14] =	ssyncadd.s32 $0xFFFFF000  }
0xe9: {  	[tilespmem:s18], [sflag:$0x2] =	stream.indirect.gather [hbm4b:s4+s16], $0x20, s29, s16, $0xb8;
	[tilespmem:$0x7F00] =	vst v63  }
0xea: {  	_ =	swait.ge [sflag:s19], $0x1000  }
0xeb: {  	[sflag:s19] =	ssyncset.done $0x0  }
0xec: {  	s30 =	sor.u32 $0xB00, s22;
	[sflag:s19] =	ssyncadd.s32 $0xFFFFF000  }
0xed: {  	[spmem:s2] =	stream.indirect.scatter.add.f32 [tilespmem:s17], [sflag:$0x4], $0x20, s30, s16, $0xb8;
	[tilespmem:$0x7F00] =	vst v63  }
0xee: {  	_ =	swait.ge [sflag:s14], $0x1000  }
0xef: {  	[sflag:s14] =	ssyncset.done $0x0  }
0xf0: {  	s22 =	simm.s32 @!p0 $0x3;
	[sflag:s14] =	ssyncadd.s32 $0xFFFFF000  }
0xf1: {  	_ =	swait.ge @!p0 [sflag:s22], $0x400  }
0xf2: {  	[sflag:s22] =	ssyncset.done @!p0 $0x0  }
0xf3: {  	[sflag:s22] =	ssyncadd.s32 @!p0 $0xFFFFFC00  }
0xf4: {  	_ =	swait.ge @!p0 [sflag:s22], $0x400  }
0xf5: {  	[sflag:s22] =	ssyncset.done @!p0 $0x0  }
0xf6: {  	s24 =	simm.s32 @!p0 $0x1000;
	[sflag:s22] =	ssyncadd.s32 @!p0 $0xFFFFFC00;
	s22 =	simm.s32 @!p0 $0x80  }
0xf7: {  	[tilespmem:s24], [sflag:$0x1] =	stream.indirect.gather @!p0 [hbm4b:s4+s22], $0x20, s25, s22, $0xb8;
	[tilespmem:$0x7F00] =	vst v63  }
0xf8: {  	_ =	swait.ge [sflag:s20], $0x1000  }
0xf9: {  	[sflag:s20] =	ssyncset.done $0x0  }
0xfa: {  	s31 =	sor.u32 $0x800, s29;
	[sflag:s20] =	ssyncadd.s32 $0xFFFFF000  }
0xfb: {  	[spmem:s2] =	stream.indirect.scatter.add.f32 [tilespmem:s18], [sflag:$0x4], $0x20, s31, s16, $0xb8;
	[tilespmem:$0x7F00] =	vst v63  }
0xfc: {  	_ =	swait.ge [sflag:s14], $0x1000  }
0xfd: {  	s21 =	sadd.s32 $0x1, s21;
	[sflag:s14] =	ssyncset.done $0x0  }
0xfe: {  	p0 =	sne.s32 s21, s10;
	[sflag:s14] =	ssyncadd.s32 $0xFFFFF000  }
.Ltmp1:
0xff: {  	[bflag:$0x0] =	sbarrier.arrive $0xFFFF;
	(pc) =	sbr.rel @p0 .LBB2_1-.Ltmp1, $4  }
0x100: {  	[hbm:s9], [sflag:s6] =	dma.local [spmem:s13], $0x9E0  }
0x101: {  	_ =	swait.ge [sflag:s14], $0x9E0  }
0x102: {  	[sflag:s14] =	ssyncset.done $0x0  }
0x103: {  	[sflag:s14] =	ssyncadd.s32 $0xFFFFF620  }
0x104: {  	_ =	sfence.sel $0x180000  }
0x105: {  	[bflag:$0x0] =	sbarrier.arrive $0xFFFF  }
0x106: {  	p0 =	sne.s32 s0, $0x0;
	_ =	strace $0x9000004A  }
0x107: {  	s0 =	sadd.s32 @!p0 $0x100000, s1;
	[bflag:$0x2] =	sbarrier.arrive $0xFFFF  }
0x108: {  	[sflag:s0] =	ssyncadd.tile.s32 @!p0 $0x1;
	_ =	shalt  }
.Lfunc_end2:
_tile_overlayer_lowered:
.L_overlay_start_2:
0x109: {  	(tag) =	ssettag $0x2  }
0x10a: {  	s0 =	rddreg [dreg:$0x0];
	s2 =	stileid.u32  }
0x10b: {  	s1 =	rddreg [dreg:$0x1];
	p0 =	sne.s32 s2, $0x0  }
0x10c: {  	s3 =	rddreg [dreg:$0x2];
	[bflag:$0x3] =	sbarrier.arrive $0xFFFF;
	s2 =	simm.s32 @!p0 $0x1C04  }
0x10d: {  	[timem:s3], [sflag:s2] =	dma.local @!p0 [hbm:s0], s1  }
0x10e: {  	s0 =	simm.s32 @!p0 $0x4  }
0x10f: {  	_ =	swait.ge @!p0 [sflag:s0], s1  }
0x110: {  	s1 =	ssub.s32 @!p0 $0x0, s1;
	[sflag:s0] =	ssyncset.done @!p0 $0x0  }
0x111: {  	[sflag:s0] =	ssyncadd.s32 @!p0 s1  }
0x112: {  	[bflag:$0x3] =	sbarrier.arrive $0xFFFF  }
0x113: {  	_ =	shalt  }

// kernel: kernel.15.cloned.1.call-start
scs
__scs_entry_jumppad:
0x0: {  	(pc) =	sbr.rel $0x88, $3  }
0x1: {  	(tag) =	ssettag $0x0;
	lr =	simm.s32 $0x1  }
0x2: {  	[smem:$0x3F96] =	sst lr;
	_ =	strace $0xD0000000  }
0x3: {  	_ = 	snop  }
0x4: {  	_ = 	snop  }
0x5: {  	_ = 	snop  }
0x6: {  	_ = 	snop  }
0x7: {  	_ = 	snop  }
__scs_overlays_trampoline_lowered:
0x8: {  	[smem:$0x3FA5] =	sst s0  }
0x9: {  	[smem:$0x3FA6] =	sst s1  }
0xa: {  	[smem:$0x3FA7] =	sst s2  }
0xb: {  	[smem:$0x3FA8] =	sst s3  }
0xc: {  	[smem:$0x3FA9] =	sst s4  }
0xd: {  	[smem:$0x3FAA] =	sst s5  }
0xe: {  	[smem:$0x3FAB] =	sst s6  }
0xf: {  	[smem:$0x3FAC] =	sst s7  }
0x10: {  	[smem:$0x3FAD] =	sst s8  }
0x11: {  	[smem:$0x3FAE] =	sst s9;
	s0 =	simm.s32 @!p0 $0x0  }
0x12: {  	s1 =	sld [smem:$0x3F94];
	s0 =	simm.s32 @p0 $0x1  }
0x13: {  	[smem:$0x3FAF] =	sst s0;
	s0 =	simm.s32 @!p1 $0x0  }
0x14: {  	s2 =	sld [smem:$0x3F93];
	s0 =	simm.s32 @p1 $0x1  }
0x15: {  	[smem:$0x3FB0] =	sst s0;
	s0 =	simm.s32 @!p2 $0x0  }
0x16: {  	s3 =	sld [smem:$0x3FDB];
	s0 =	simm.s32 @p2 $0x1  }
0x17: {  	s4 =	simm.s32 $0x1BF5;
	[smem:$0x3FB2] =	sst s0  }
0x18: {  	s0 =	sld [smem:$0x3F95];
	_ =	swait.ge [sflag:s4], $0x0  }
0x19: {  	s7 =	sld [smem:$0x3F96]  }
0x1a: {  	s8 =	sadd.s32 $0xFFFFE003, lr  }
0x1b: {  	s9 =	sadd.s32 $0xFFFFFEF7, lr;
	s5 =	simm.s32 $0xFFFFFFFF;
	p2 =	slt.u32 s8, $0xFFFFF086  }
0x1c: {  	p1 =	slt.u32 s9, $0xF7A;
	s5 =	simm.s32 @!p2 $0x0  }
0x1d: {  	s5 =	simm.s32 @p1 $0x1;
	p0 =	seq.s32 s7, s2  }
0x1e: {  	s7 =	smul.u32 @!p0 $0xF7A, s2;
	p2 =	seq.s32 @!p0 s5, $0x0  }
0x1f: {  	s9 =	smul.u32 $0xF7A, s1;
	s8 =	simm.s32 @!p0 $0x1BF5;
	p2 =	por !p2, p0  }
0x20: {  	[sflag:s8] =	ssyncset.s32 @!p0 $0xFFFFF086;
	s6 =	sadd.s32 @!p0 s3, s7;
	s7 =	simm.s32 @!p0 $0x108  }
0x21: {  	s3 =	sadd.s32 s3, s9;
	s6 =	sadd.s32 @!p0 $0x88, s6;
	s7 =	simm.s32 @p2 $0x1082  }
0x22: {  	[simem:s7], [sflag:s8] =	dma.local @!p0 [hbm:s6], $0xF7A  }
0x23: {  	s9 =	sor.u32 $0xD0000000, s2;
	s6 =	simm.s32 $0x108;
	_ =	swait.ge @!p0 [sflag:s8], $0x0  }
0x24: {  	s3 =	sadd.s32 $0x88, s3;
	s6 =	simm.s32 @!p1 $0x1082;
	[sflag:s4] =	ssyncset.s32 $0xFFFFF086  }
0x25: {  	[simem:s6], [sflag:s4] =	dma.local [hbm:s3], $0xF7A  }
0x26: {  	[smem:$0x3F96] =	sst s1;
	(tag) =	ssettag s2;
	_ =	strace s9  }
0x27: {  	s1 =	sld [smem:$0x3FA6]  }
0x28: {  	s2 =	sld [smem:$0x3FA7]  }
0x29: {  	s4 =	sld [smem:$0x3FA9]  }
0x2a: {  	p0 =	seq.s32 s5, $0x0;
	s5 =	sld [smem:$0x3FAA]  }
0x2b: {  	s6 =	sld [smem:$0x3FAB]  }
0x2c: {  	s7 =	sld [smem:$0x3FAC]  }
0x2d: {  	s3 =	simm.s32 $0x108;
	s8 =	sld [smem:$0x3FAD]  }
0x2e: {  	s3 =	simm.s32 @!p0 $0x1082;
	s9 =	sld [smem:$0x3FAE]  }
0x2f: {  	lr =	sadd.s32 s0, s3;
	s0 =	sld [smem:$0x3FA5]  }
0x30: {  	s3 =	sld [smem:$0x3FA8]  }
0x31: {  	[smem:$0x3FB1] =	sst s10  }
0x32: {  	s10 =	sld [smem:$0x3FAF];
	_ =	sdelay $0x3  }
0x33: {  	p0 =	seq.s32 s10, $0x1;
	s10 =	sld [smem:$0x3FB1];
	_ =	sdelay $0x3  }
0x34: {  	[smem:$0x3FB1] =	sst s10  }
0x35: {  	s10 =	sld [smem:$0x3FB0];
	_ =	sdelay $0x3  }
0x36: {  	p1 =	seq.s32 s10, $0x1;
	s10 =	sld [smem:$0x3FB1];
	_ =	sdelay $0x3  }
0x37: {  	[smem:$0x3FB1] =	sst s10  }
0x38: {  	s10 =	sld [smem:$0x3FB2]  }
0x39: {  	_ = 	snop;
	(pc) =	sbr.ind lr, $3  }
0x3a: {  	_ = 	snop  }
0x3b: {  	_ = 	snop  }
0x3c: {  	p2 =	seq.s32 s10, $0x1;
	s10 =	sld [smem:$0x3FB1]  }
0x3d: {  	_ =	shalt  }
0x3e: {  	_ =	shalt  }
0x3f: {  	_ =	shalt  }
0x40: {  	_ =	shalt  }
0x41: {  	_ =	shalt  }
0x42: {  	_ =	shalt  }
0x43: {  	_ =	shalt  }
0x44: {  	_ =	shalt  }
0x45: {  	_ =	shalt  }
0x46: {  	_ =	shalt  }
0x47: {  	_ =	shalt  }
0x48: {  	_ =	shalt  }
0x49: {  	_ =	shalt  }
0x4a: {  	_ =	shalt  }
0x4b: {  	_ =	shalt  }
0x4c: {  	_ =	shalt  }
0x4d: {  	_ =	shalt  }
0x4e: {  	_ =	shalt  }
0x4f: {  	_ =	shalt  }
0x50: {  	_ =	shalt  }
0x51: {  	_ =	shalt  }
0x52: {  	_ =	shalt  }
0x53: {  	_ =	shalt  }
0x54: {  	_ =	shalt  }
0x55: {  	_ =	shalt  }
0x56: {  	_ =	shalt  }
0x57: {  	_ =	shalt  }
0x58: {  	_ =	shalt  }
0x59: {  	_ =	shalt  }
0x5a: {  	_ =	shalt  }
0x5b: {  	_ =	shalt  }
0x5c: {  	_ =	shalt  }
0x5d: {  	_ =	shalt  }
0x5e: {  	_ =	shalt  }
0x5f: {  	_ =	shalt  }
0x60: {  	_ =	shalt  }
0x61: {  	_ =	shalt  }
0x62: {  	_ =	shalt  }
0x63: {  	_ =	shalt  }
0x64: {  	_ =	shalt  }
0x65: {  	_ =	shalt  }
0x66: {  	_ =	shalt  }
0x67: {  	_ =	shalt  }
0x68: {  	_ =	shalt  }
0x69: {  	_ =	shalt  }
0x6a: {  	_ =	shalt  }
0x6b: {  	_ =	shalt  }
0x6c: {  	_ =	shalt  }
0x6d: {  	_ =	shalt  }
0x6e: {  	_ =	shalt  }
0x6f: {  	_ =	shalt  }
0x70: {  	_ =	shalt  }
0x71: {  	_ =	shalt  }
0x72: {  	_ =	shalt  }
0x73: {  	_ =	shalt  }
0x74: {  	_ =	shalt  }
0x75: {  	_ =	shalt  }
0x76: {  	_ =	shalt  }
0x77: {  	_ =	shalt  }
0x78: {  	_ =	shalt  }
0x79: {  	_ =	shalt  }
0x7a: {  	_ =	shalt  }
0x7b: {  	_ =	shalt  }
0x7c: {  	_ =	shalt  }
0x7d: {  	_ =	shalt  }
0x7e: {  	_ =	shalt  }
0x7f: {  	_ =	shalt  }
0x80: {  	_ =	shalt  }
0x81: {  	_ =	shalt  }
0x82: {  	_ =	shalt  }
0x83: {  	_ =	shalt  }
0x84: {  	_ =	shalt  }
0x85: {  	_ =	shalt  }
0x86: {  	_ =	shalt  }
0x87: {  	_ =	shalt  }
.Lfunc_end0:
.L_simem_size_0:
called_computation.2_lowered:
.L_overlay_start_0:
0x88: {  	s2 =	sld [smem:$0x3FD9]  }
0x89: {  	s3 =	sld [smem:$0x3FFE];
	_ =	sdelay $0x1  }
0x8a: {  	s1 =	srdreg.scid  }
0x8b: {  	s0 =	sand.u32 $0x1, s1  }
0x8c: {  	s16 =	sshll.u32 s0, $0xA;
	s2 =	sadd.s32 s3, s2  }
0x8d: {  	s2 =	sadd.s32 s2, s16  }
0x8e: {  	[smem:$0x3FBD] =	sst s2  }
0x8f: {  	_ = 	snop  }
0x90: {  	(tm) =	ssettm $0x1  }
0x91: {  	s17 =	sld [smem:$0x3FFB];
	_ =	sdelay $0x3  }
0x92: {  	_ =	strace s17  }
0x93: {  	s2 =	sld [smem:$0x3FFC];
	_ =	sdelay $0x3  }
0x94: {  	_ =	strace s2  }
0x95: {  	s2 =	sld [smem:$0x3FFD];
	_ =	sdelay $0x3  }
0x96: {  	_ =	strace s2  }
0x97: {  	_ =	strace $0x8FFFFFFF  }
0x98: {  	s18 =	sld [smem:$0x3FDB];
	_ =	sdelay $0x1  }
0x99: {  	s19 =	simm.s32 $_scs_section_size  }
0x9a: {  	s4 =	simm.s32 $_size__tile_overlayer_lowered;
	s5 =	simm.s32 $_tile_overlayer_lowered  }
0x9b: {  	s22 =	simm.s32 $0x1BFF;
	s21 =	sshll.u32 s5, $0x1;
	s2 =	sadd.s32 s19, s18  }
0x9c: {  	s6 =	simm.s32 $0x0;
	s20 =	sshll.u32 s4, $0x1;
	s4 =	sadd.s32 s21, s2  }
0x9d: {  	[timem:s6], [sflag:s22] =	dma.local [hbm:s4], s20  }
0x9e: {  	_ =	swait.ge [sflag:s22], s20  }
0x9f: {  	s3 =	ssub.s32 $0x0, s20;
	[sflag:s22] =	ssyncset.done $0x0  }
0xa0: {  	[sflag:s22] =	ssyncadd.s32 s3;
	_ =	sdelay $0x1  }
0xa1: {  	s23 =	simm.s32 $0x1B8B  }
0xa2: {  	_ =	swait.ge [sflag:s23], $0x1  }
0xa3: {  	[sflag:s23] =	ssyncset.done $0x0  }
0xa4: {  	s25 =	simm.s32 $0x1B8E;
	s24 =	sld [smem:$0x3FFE];
	[sflag:s23] =	ssyncadd.s32 $0xFFFFFFFF  }
0xa5: {  	s26 =	simm.s32 $execute0_lowered;
	[smem:$0x3FD2] =	sst s25  }
0xa6: {  	s4 =	sshll.u32 s26, $0x1;
	_ =	strace $0x8000004C;
	[dreg:$0x1] =	wrdreg $0xFFFFFFFF  }
0xa7: {  	s28 =	simm.s32 $_size_execute0_lowered;
	s2 =	sadd.s32 s2, s4;
	[dreg:$0x0] =	wrdreg $0x0  }
0xa8: {  	s4 =	sshll.u32 s28, $0x1;
	[dreg:$0x2] =	wrdreg s2  }
0xa9: {  	[dreg:$0x3] =	wrdreg s4  }
0xaa: {  	[dreg:$0x4] =	wrdreg $0xC0  }
0xab: {  	_ =	task [dreg:s6], $0x5FFFF  }
0xac: {  	[dreg:$0x1] =	wrdreg $0xFFFFFFFF  }
0xad: {  	[dreg:$0x0] =	wrdreg $0x60  }
0xae: {  	[dreg:$0x2] =	wrdreg s24  }
0xaf: {  	[dreg:$0x3] =	wrdreg $0x30000  }
0xb0: {  	[dreg:$0x4] =	wrdreg $0x9  }
0xb1: {  	_ =	task.clear_ibuf [dreg:s6], $0x5FFFF;
	_ =	strace $0x9000004C  }
0xb2: {  	s29 =	simm.s32 $0x9;
	_ =	strace $0x8000004E  }
0xb3: {  	_ =	swait.ge [sflag:s29], $0x1  }
0xb4: {  	[sflag:s29] =	ssyncadd.s32 $0xFFFFFFFF  }
0xb5: {  	_ =	strace $0x9000004E  }
0xb6: {  	_ =	sfence  }
0xb7: {  	s30 =	sld [smem:$0x0];
	_ =	sdelay $0x2  }
0xb8: {  	s31 =	sshll.u32 s1, $0xD;
	s1 =	sshrl.u32 s1, $0x2  }
0xb9: {  	s3 =	sand.u32 $0x4000, s31;
	s1 =	sadd.s32 s1, s30  }
0xba: {  	s0 =	sor.u32 s3, s0;
	s1 =	sshll.u32 s1, $0x11  }
0xbb: {  	s0 =	sor.u32 s1, s0  }
0xbc: {  	s0 =	sadd.s32 $0x8F2B, s0  }
0xbd: {  	[sflag:s0] =	ssyncadd.remote.s32 $0x1  }
0xbe: {  	_ =	sfence.sel $0xFFFF  }
0xbf: {  	[dreg:$0x0] =	wrdreg $0xFFFFFFFF;
	(pc) =	sbr.abs _section_cstart, $3  }
0xc0: {  	[dreg:$0x1] =	wrdreg $0xFFFFFFFF  }
0xc1: {  	_ =	task.clear_ibuf [dreg:s6], $0x2FFFF;
	_ =	strace $0x9FFFFFFF  }
0xc2: {  	(tm) =	ssettm $0x7FFFFFFF  }
0xc3: {  	_ =	shalt  }
tec
execute0_lowered:
.L_overlay_start_1:
0x0: {  	(tag) =	ssettag $0x1  }
0x1: {  	s5 =	rddreg [dreg:$0x0];
	s0 =	stileid.u32  }
0x2: {  	s1 =	srdreg.scid;
	s2 =	rddreg [dreg:$0x1]  }
0x3: {  	s3 =	simm.s32 $0x0;
	s16 =	simm.s32 $0x80;
	s17 =	simm.s32 $0x1000  }
0x4: {  	s18 =	simm.s32 $0x2000;
	s19 =	simm.s32 $0x1;
	s20 =	simm.s32 $0x2  }
0x5: {  	s21 =	simm.s32 $0x0;
	s7 =	sand.u32 $0x1, s1;
	s1 =	rddreg [dreg:$0x2]  }
0x6: {  	s6 =	smul.u32 $0x4F00, s0;
	[smem:$0x7FF] =	sst s3;
	s4 =	sadd.s32 $0x2400, s5  }
0x7: {  	s12 =	sadd.s32 $0x1FE00, s5;
	s11 =	sadd.s32 $0x15E00, s5;
	s14 =	smul.u32 $0x2800, s0  }
0x8: {  	s30 =	sshll.u32 s0, $0x6;
	s8 =	smul.u32 $0x4F000, s7;
	_ =	strace $0x8000004D  }
0x9: {  	s28 =	ssub.s32 $0x2, s7;
	s29 =	sshll.u32 s7, $0x4;
	s7 =	smul.u32 $0x28000, s7  }
0xa: {  	s9 =	sshrl.u32 s6, $0x3;
	s13 =	sshrl.u32 s28, $0x1;
	s15 =	sadd.s32 s6, s2  }
0xb: {  	s8 =	sadd.s32 s6, s8;
	s9 =	sadd.s32 s9, s5;
	s13 =	ssub.s32 s28, s13  }
0xc: {  	s31 =	sadd.s32 s14, s7;
	s6 =	sor.u32 $0x1C04, s30;
	s8 =	sshrl.u32 s8, $0x3  }
0xd: {  	s14 =	sor.u32 $0x400, s31;
	s10 =	sadd.s32 s8, s5;
	s8 =	sor.u32 s0, s29  }
0xe: {  	s5 =	sadd.s32 $0x29E00, s9;
	s14 =	sshrl.u32 s14, $0x3;
	s8 =	smul.u32 $0x500, s8  }
0xf: {  	s9 =	sadd.s32 $0x33C00, s10;
	s10 =	smax.u32 s13, $0x1;
	s13 =	sshrl.u32 s15, $0x3  }
0x10: {  	s15 =	simm.s32 $0x800;
	s7 =	sadd.s32 s12, s8;
	s8 =	sadd.s32 s11, s8  }
0x11: {  	s11 =	sadd.s32 s14, s11;
	s12 =	sadd.s32 s14, s12;
	s14 =	simm.s32 $0x4  }
.LBB2_1:
0x12: {  	[spmem:s13], [sflag:s6] =	dma.local [hbm:s5], $0x9E0  }
0x13: {  	_ =	swait.ge [sflag:s14], $0x9E0  }
0x14: {  	[sflag:s14] =	ssyncset.done $0x0  }
0x15: {  	[sflag:s14] =	ssyncadd.s32 $0xFFFFF620  }
0x16: {  	[bflag:$0x0] =	sbarrier.arrive $0xFFFF  }
0x17: {  	[tilespmem:s3], [sflag:$0x4] =	stream.linear.gather [hbm4b:s7+s3], $0x400, $0x38;
	[tilespmem:$0x7F00] =	vst v63  }
0x18: {  	_ =	swait.ge [sflag:s14], $0x400  }
0x19: {  	[sflag:s14] =	ssyncset.done $0x0  }
0x1a: {  	[sflag:s14] =	ssyncadd.s32 $0xFFFFFC00  }
0x1b: {  	[tilespmem:s15], [sflag:$0x4] =	stream.linear.gather [hbm4b:s8+s3], $0x400, $0x38;
	[tilespmem:$0x7F00] =	vst v63  }
0x1c: {  	_ =	swait.ge [sflag:s14], $0x400  }
0x1d: {  	s23 =	sand.u32 $0x1, s3;
	[sflag:s14] =	ssyncset.done $0x0  }
0x1e: {  	p0 =	por $0x0, $0x0;
	s22 =	sxor.u32 $0x1, s23;
	[sflag:s14] =	ssyncadd.s32 $0xFFFFFC00  }
0x1f: {  	[tilespmem:s17], [sflag:$0x1] =	stream.indirect.gather [hbm4b:s4+s16], $0x20, s3, s16, $0xb8;
	[tilespmem:$0x7F00] =	vst v63  }
0x20: {  	s24 =	simm.s32 @!p0 $0x0;
	s22 =	sshll.u32 @!p0 s22, $0xA  }
0x21: {  	[tilespmem:s22], [sflag:$0x3] =	stream.linear.gather @!p0 [hbm4b:s12+s24], $0x400, $0x38;
	[tilespmem:$0x7F00] =	vst v63  }
0x22: {  	s23 =	sshll.u32 s23, $0xA;
	s25 =	sor.u32 @!p0 $0x800, s22  }
0x23: {  	[tilespmem:s25], [sflag:$0x3] =	stream.linear.gather @!p0 [hbm4b:s11+s24], $0x400, $0x38;
	[tilespmem:$0x7F00] =	vst v63  }
0x24: {  	s30 =	sor.u32 $0x80, s23  }
0x25: {  	[tilespmem:s18], [sflag:$0x2] =	stream.indirect.gather [hbm4b:s4+s16], $0x20, s30, s16, $0xb8;
	[tilespmem:$0x7F00] =	vst v63  }
0x26: {  	_ =	swait.ge [sflag:s19], $0x1000  }
0x27: {  	[sflag:s19] =	ssyncset.done $0x0  }
0x28: {  	s31 =	sor.u32 $0x800, s23;
	[sflag:s19] =	ssyncadd.s32 $0xFFFFF000  }
0x29: {  	[spmem:s2] =	stream.indirect.scatter.add.f32 [tilespmem:s17], [sflag:$0x4], $0x20, s31, s16, $0xb8;
	[tilespmem:$0x7F00] =	vst v63  }
0x2a: {  	_ =	swait.ge [sflag:s14], $0x1000  }
0x2b: {  	[sflag:s14] =	ssyncset.done $0x0  }
0x2c: {  	s25 =	sor.u32 $0x100, s23;
	[sflag:s14] =	ssyncadd.s32 $0xFFFFF000  }
0x2d: {  	[tilespmem:s17], [sflag:$0x1] =	stream.indirect.gather [hbm4b:s4+s16], $0x20, s25, s16, $0xb8;
	[tilespmem:$0x7F00] =	vst v63  }
0x2e: {  	_ =	swait.ge [sflag:s20], $0x1000  }
0x2f: {  	[sflag:s20] =	ssyncset.done $0x0  }
0x30: {  	s26 =	sor.u32 $0x880, s23;
	[sflag:s20] =	ssyncadd.s32 $0xFFFFF000  }
0x31: {  	[spmem:s2] =	stream.indirect.scatter.add.f32 [tilespmem:s18], [sflag:$0x4], $0x20, s26, s16, $0xb8;
	[tilespmem:$0x7F00] =	vst v63  }
0x32: {  	_ =	swait.ge [sflag:s14], $0x1000  }
0x33: {  	[sflag:s14] =	ssyncset.done $0x0  }
0x34: {  	s28 =	sor.u32 $0x180, s23;
	[sflag:s14] =	ssyncadd.s32 $0xFFFFF000  }
0x35: {  	[tilespmem:s18], [sflag:$0x2] =	stream.indirect.gather [hbm4b:s4+s16], $0x20, s28, s16, $0xb8;
	[tilespmem:$0x7F00] =	vst v63  }
0x36: {  	_ =	swait.ge [sflag:s19], $0x1000  }
0x37: {  	[sflag:s19] =	ssyncset.done $0x0  }
0x38: {  	s29 =	sor.u32 $0x900, s23;
	[sflag:s19] =	ssyncadd.s32 $0xFFFFF000  }
0x39: {  	[spmem:s2] =	stream.indirect.scatter.add.f32 [tilespmem:s17], [sflag:$0x4], $0x20, s29, s16, $0xb8;
	[tilespmem:$0x7F00] =	vst v63  }
0x3a: {  	_ =	swait.ge [sflag:s14], $0x1000  }
0x3b: {  	[sflag:s14] =	ssyncset.done $0x0  }
0x3c: {  	s30 =	sor.u32 $0x200, s23;
	[sflag:s14] =	ssyncadd.s32 $0xFFFFF000  }
0x3d: {  	[tilespmem:s17], [sflag:$0x1] =	stream.indirect.gather [hbm4b:s4+s16], $0x20, s30, s16, $0xb8;
	[tilespmem:$0x7F00] =	vst v63  }
0x3e: {  	_ =	swait.ge [sflag:s20], $0x1000  }
0x3f: {  	[sflag:s20] =	ssyncset.done $0x0  }
0x40: {  	s31 =	sor.u32 $0x980, s23;
	[sflag:s20] =	ssyncadd.s32 $0xFFFFF000  }
0x41: {  	[spmem:s2] =	stream.indirect.scatter.add.f32 [tilespmem:s18], [sflag:$0x4], $0x20, s31, s16, $0xb8;
	[tilespmem:$0x7F00] =	vst v63  }
0x42: {  	_ =	swait.ge [sflag:s14], $0x1000  }
0x43: {  	[sflag:s14] =	ssyncset.done $0x0  }
0x44: {  	s25 =	sor.u32 $0x280, s23;
	[sflag:s14] =	ssyncadd.s32 $0xFFFFF000  }
0x45: {  	[tilespmem:s18], [sflag:$0x2] =	stream.indirect.gather [hbm4b:s4+s16], $0x20, s25, s16, $0xb8;
	[tilespmem:$0x7F00] =	vst v63  }
0x46: {  	_ =	swait.ge [sflag:s19], $0x1000  }
0x47: {  	[sflag:s19] =	ssyncset.done $0x0  }
0x48: {  	s26 =	sor.u32 $0xA00, s23;
	[sflag:s19] =	ssyncadd.s32 $0xFFFFF000  }
0x49: {  	[spmem:s2] =	stream.indirect.scatter.add.f32 [tilespmem:s17], [sflag:$0x4], $0x20, s26, s16, $0xb8;
	[tilespmem:$0x7F00] =	vst v63  }
0x4a: {  	_ =	swait.ge [sflag:s14], $0x1000  }
0x4b: {  	[sflag:s14] =	ssyncset.done $0x0  }
0x4c: {  	s28 =	sor.u32 $0x300, s23;
	[sflag:s14] =	ssyncadd.s32 $0xFFFFF000  }
0x4d: {  	[tilespmem:s17], [sflag:$0x1] =	stream.indirect.gather [hbm4b:s4+s16], $0x20, s28, s16, $0xb8;
	[tilespmem:$0x7F00] =	vst v63  }
0x4e: {  	_ =	swait.ge [sflag:s20], $0x1000  }
0x4f: {  	[sflag:s20] =	ssyncset.done $0x0  }
0x50: {  	s29 =	sor.u32 $0xA80, s23;
	[sflag:s20] =	ssyncadd.s32 $0xFFFFF000  }
0x51: {  	[spmem:s2] =	stream.indirect.scatter.add.f32 [tilespmem:s18], [sflag:$0x4], $0x20, s29, s16, $0xb8;
	[tilespmem:$0x7F00] =	vst v63  }
0x52: {  	_ =	swait.ge [sflag:s14], $0x1000  }
0x53: {  	[sflag:s14] =	ssyncset.done $0x0  }
0x54: {  	s30 =	sor.u32 $0x380, s23;
	[sflag:s14] =	ssyncadd.s32 $0xFFFFF000  }
0x55: {  	[tilespmem:s18], [sflag:$0x2] =	stream.indirect.gather [hbm4b:s4+s16], $0x20, s30, s16, $0xb8;
	[tilespmem:$0x7F00] =	vst v63  }
0x56: {  	_ =	swait.ge [sflag:s19], $0x1000  }
0x57: {  	[sflag:s19] =	ssyncset.done $0x0  }
0x58: {  	s23 =	sor.u32 $0xB00, s23;
	[sflag:s19] =	ssyncadd.s32 $0xFFFFF000  }
0x59: {  	[spmem:s2] =	stream.indirect.scatter.add.f32 [tilespmem:s17], [sflag:$0x4], $0x20, s23, s16, $0xb8;
	[tilespmem:$0x7F00] =	vst v63  }
0x5a: {  	_ =	swait.ge [sflag:s14], $0x1000  }
0x5b: {  	[sflag:s14] =	ssyncset.done $0x0  }
0x5c: {  	s23 =	simm.s32 @!p0 $0x3;
	[sflag:s14] =	ssyncadd.s32 $0xFFFFF000  }
0x5d: {  	_ =	swait.ge @!p0 [sflag:s23], $0x400  }
0x5e: {  	[sflag:s23] =	ssyncset.done @!p0 $0x0  }
0x5f: {  	[sflag:s23] =	ssyncadd.s32 @!p0 $0xFFFFFC00  }
0x60: {  	_ =	swait.ge @!p0 [sflag:s23], $0x400  }
0x61: {  	[sflag:s23] =	ssyncset.done @!p0 $0x0  }
0x62: {  	s25 =	simm.s32 @!p0 $0x1000;
	[sflag:s23] =	ssyncadd.s32 @!p0 $0xFFFFFC00;
	s23 =	simm.s32 @!p0 $0x80  }
0x63: {  	[tilespmem:s25], [sflag:$0x1] =	stream.indirect.gather @!p0 [hbm4b:s4+s23], $0x20, s22, s23, $0xb8;
	[tilespmem:$0x7F00] =	vst v63  }
0x64: {  	s24 =	sadd.s32 $0x80, s11;
	_ =	swait.ge [sflag:s20], $0x1000  }
0x65: {  	s31 =	simm.s32 $0x1;
	s26 =	sor.u32 $0x800, s30;
	[sflag:s20] =	ssyncset.done $0x0  }
0x66: {  	s25 =	simm.s32 $0x2;
	s23 =	sadd.s32 $0x80, s12;
	[sflag:s20] =	ssyncadd.s32 $0xFFFFF000  }
0x67: {  	[spmem:s2] =	stream.indirect.scatter.add.f32 [tilespmem:s18], [sflag:$0x4], $0x20, s26, s16, $0xb8;
	[tilespmem:$0x7F00] =	vst v63  }
0x68: {  	s22 =	sand.u32 $0x1, s31;
	p0 =	por $0x0, $0x0;
	_ =	swait.ge [sflag:s14], $0x1000  }
0x69: {  	s26 =	sxor.u32 $0x1, s22;
	s22 =	sshll.u32 s22, $0xA;
	[sflag:s14] =	ssyncset.done $0x0  }
.LBB2_2:
0x6a: {  	s28 =	sshll.u32 @!p0 s26, $0xA;
	s29 =	simm.s32 @!p0 $0x0;
	[sflag:s14] =	ssyncadd.s32 $0xFFFFF000  }
0x6b: {  	[tilespmem:s28], [sflag:$0x3] =	stream.linear.gather @!p0 [hbm4b:s23+s29], $0x400, $0x38;
	[tilespmem:$0x7F00] =	vst v63  }
0x6c: {  	s26 =	smov.u32 s25;
	s25 =	sadd.s32 $0x1, s25;
	s30 =	sor.u32 @!p0 $0x800, s28  }
0x6d: {  	[tilespmem:s30], [sflag:$0x3] =	stream.linear.gather @!p0 [hbm4b:s24+s29], $0x400, $0x38;
	[tilespmem:$0x7F00] =	vst v63  }
0x6e: {  	p1 =	sne.s32 s25, $0xA;
	s29 =	sor.u32 $0x80, s22  }
0x6f: {  	[tilespmem:s18], [sflag:$0x2] =	stream.indirect.gather [hbm4b:s4+s16], $0x20, s29, s16, $0xb8;
	[tilespmem:$0x7F00] =	vst v63  }
0x70: {  	_ =	swait.ge [sflag:s19], $0x1000  }
0x71: {  	[sflag:s19] =	ssyncset.done $0x0  }
0x72: {  	s29 =	sor.u32 $0x800, s22;
	[sflag:s19] =	ssyncadd.s32 $0xFFFFF000  }
0x73: {  	[spmem:s2] =	stream.indirect.scatter.add.f32 [tilespmem:s17], [sflag:$0x4], $0x20, s29, s16, $0xb8;
	[tilespmem:$0x7F00] =	vst v63  }
0x74: {  	_ =	swait.ge [sflag:s14], $0x1000  }
0x75: {  	[sflag:s14] =	ssyncset.done $0x0  }
0x76: {  	s29 =	sor.u32 $0x100, s22;
	[sflag:s14] =	ssyncadd.s32 $0xFFFFF000  }
0x77: {  	[tilespmem:s17], [sflag:$0x1] =	stream.indirect.gather [hbm4b:s4+s16], $0x20, s29, s16, $0xb8;
	[tilespmem:$0x7F00] =	vst v63  }
0x78: {  	_ =	swait.ge [sflag:s20], $0x1000  }
0x79: {  	[sflag:s20] =	ssyncset.done $0x0  }
0x7a: {  	s29 =	sor.u32 $0x880, s22;
	[sflag:s20] =	ssyncadd.s32 $0xFFFFF000  }
0x7b: {  	[spmem:s2] =	stream.indirect.scatter.add.f32 [tilespmem:s18], [sflag:$0x4], $0x20, s29, s16, $0xb8;
	[tilespmem:$0x7F00] =	vst v63  }
0x7c: {  	_ =	swait.ge [sflag:s14], $0x1000  }
0x7d: {  	[sflag:s14] =	ssyncset.done $0x0  }
0x7e: {  	s29 =	sor.u32 $0x180, s22;
	[sflag:s14] =	ssyncadd.s32 $0xFFFFF000  }
0x7f: {  	[tilespmem:s18], [sflag:$0x2] =	stream.indirect.gather [hbm4b:s4+s16], $0x20, s29, s16, $0xb8;
	[tilespmem:$0x7F00] =	vst v63  }
0x80: {  	_ =	swait.ge [sflag:s19], $0x1000  }
0x81: {  	[sflag:s19] =	ssyncset.done $0x0  }
0x82: {  	s29 =	sor.u32 $0x900, s22;
	[sflag:s19] =	ssyncadd.s32 $0xFFFFF000  }
0x83: {  	[spmem:s2] =	stream.indirect.scatter.add.f32 [tilespmem:s17], [sflag:$0x4], $0x20, s29, s16, $0xb8;
	[tilespmem:$0x7F00] =	vst v63  }
0x84: {  	_ =	swait.ge [sflag:s14], $0x1000  }
0x85: {  	[sflag:s14] =	ssyncset.done $0x0  }
0x86: {  	s29 =	sor.u32 $0x200, s22;
	[sflag:s14] =	ssyncadd.s32 $0xFFFFF000  }
0x87: {  	[tilespmem:s17], [sflag:$0x1] =	stream.indirect.gather [hbm4b:s4+s16], $0x20, s29, s16, $0xb8;
	[tilespmem:$0x7F00] =	vst v63  }
0x88: {  	_ =	swait.ge [sflag:s20], $0x1000  }
0x89: {  	[sflag:s20] =	ssyncset.done $0x0  }
0x8a: {  	s29 =	sor.u32 $0x980, s22;
	[sflag:s20] =	ssyncadd.s32 $0xFFFFF000  }
0x8b: {  	[spmem:s2] =	stream.indirect.scatter.add.f32 [tilespmem:s18], [sflag:$0x4], $0x20, s29, s16, $0xb8;
	[tilespmem:$0x7F00] =	vst v63  }
0x8c: {  	_ =	swait.ge [sflag:s14], $0x1000  }
0x8d: {  	[sflag:s14] =	ssyncset.done $0x0  }
0x8e: {  	s29 =	sor.u32 $0x280, s22;
	[sflag:s14] =	ssyncadd.s32 $0xFFFFF000  }
0x8f: {  	[tilespmem:s18], [sflag:$0x2] =	stream.indirect.gather [hbm4b:s4+s16], $0x20, s29, s16, $0xb8;
	[tilespmem:$0x7F00] =	vst v63  }
0x90: {  	_ =	swait.ge [sflag:s19], $0x1000  }
0x91: {  	[sflag:s19] =	ssyncset.done $0x0  }
0x92: {  	s29 =	sor.u32 $0xA00, s22;
	[sflag:s19] =	ssyncadd.s32 $0xFFFFF000  }
0x93: {  	[spmem:s2] =	stream.indirect.scatter.add.f32 [tilespmem:s17], [sflag:$0x4], $0x20, s29, s16, $0xb8;
	[tilespmem:$0x7F00] =	vst v63  }
0x94: {  	_ =	swait.ge [sflag:s14], $0x1000  }
0x95: {  	[sflag:s14] =	ssyncset.done $0x0  }
0x96: {  	s29 =	sor.u32 $0x300, s22;
	[sflag:s14] =	ssyncadd.s32 $0xFFFFF000  }
0x97: {  	[tilespmem:s17], [sflag:$0x1] =	stream.indirect.gather [hbm4b:s4+s16], $0x20, s29, s16, $0xb8;
	[tilespmem:$0x7F00] =	vst v63  }
0x98: {  	_ =	swait.ge [sflag:s20], $0x1000  }
0x99: {  	[sflag:s20] =	ssyncset.done $0x0  }
0x9a: {  	s29 =	sor.u32 $0xA80, s22;
	[sflag:s20] =	ssyncadd.s32 $0xFFFFF000  }
0x9b: {  	[spmem:s2] =	stream.indirect.scatter.add.f32 [tilespmem:s18], [sflag:$0x4], $0x20, s29, s16, $0xb8;
	[tilespmem:$0x7F00] =	vst v63  }
0x9c: {  	_ =	swait.ge [sflag:s14], $0x1000  }
0x9d: {  	[sflag:s14] =	ssyncset.done $0x0  }
0x9e: {  	s29 =	sor.u32 $0x380, s22;
	[sflag:s14] =	ssyncadd.s32 $0xFFFFF000  }
0x9f: {  	[tilespmem:s18], [sflag:$0x2] =	stream.indirect.gather [hbm4b:s4+s16], $0x20, s29, s16, $0xb8;
	[tilespmem:$0x7F00] =	vst v63  }
0xa0: {  	_ =	swait.ge [sflag:s19], $0x1000  }
0xa1: {  	[sflag:s19] =	ssyncset.done $0x0  }
0xa2: {  	s22 =	sor.u32 $0xB00, s22;
	[sflag:s19] =	ssyncadd.s32 $0xFFFFF000  }
0xa3: {  	[spmem:s2] =	stream.indirect.scatter.add.f32 [tilespmem:s17], [sflag:$0x4], $0x20, s22, s16, $0xb8;
	[tilespmem:$0x7F00] =	vst v63  }
0xa4: {  	_ =	swait.ge [sflag:s14], $0x1000  }
0xa5: {  	[sflag:s14] =	ssyncset.done $0x0  }
0xa6: {  	s22 =	simm.s32 @!p0 $0x3;
	[sflag:s14] =	ssyncadd.s32 $0xFFFFF000  }
0xa7: {  	_ =	swait.ge @!p0 [sflag:s22], $0x400  }
0xa8: {  	[sflag:s22] =	ssyncset.done @!p0 $0x0  }
0xa9: {  	[sflag:s22] =	ssyncadd.s32 @!p0 $0xFFFFFC00  }
0xaa: {  	_ =	swait.ge @!p0 [sflag:s22], $0x400  }
0xab: {  	[sflag:s22] =	ssyncset.done @!p0 $0x0  }
0xac: {  	s30 =	simm.s32 @!p0 $0x1000;
	[sflag:s22] =	ssyncadd.s32 @!p0 $0xFFFFFC00;
	s22 =	simm.s32 @!p0 $0x80  }
0xad: {  	[tilespmem:s30], [sflag:$0x1] =	stream.indirect.gather @!p0 [hbm4b:s4+s22], $0x20, s28, s22, $0xb8;
	[tilespmem:$0x7F00] =	vst v63  }
0xae: {  	_ =	swait.ge [sflag:s20], $0x1000  }
.Ltmp0:
0xaf: {  	s23 =	sadd.s32 $0x80, s23;
	[sflag:s20] =	ssyncset.done $0x0;
	(pc) =	sbr.rel @p1 .LBB2_2-.Ltmp0, $4  }
0xb0: {  	s24 =	sadd.s32 $0x80, s24;
	s22 =	sor.u32 $0x800, s29;
	[sflag:s20] =	ssyncadd.s32 $0xFFFFF000  }
0xb1: {  	[spmem:s2] =	stream.indirect.scatter.add.f32 [tilespmem:s18], [sflag:$0x4], $0x20, s22, s16, $0xb8;
	[tilespmem:$0x7F00] =	vst v63  }
0xb2: {  	p0 =	seq.s32 s26, $0x9;
	s22 =	sand.u32 $0x1, s26;
	_ =	swait.ge [sflag:s14], $0x1000  }
0xb3: {  	s26 =	sxor.u32 $0x1, s22;
	s22 =	sshll.u32 s22, $0xA;
	[sflag:s14] =	ssyncset.done $0x0  }
0xb4: {  	s25 =	sshll.u32 @!p0 s26, $0xA;
	s26 =	simm.s32 @!p0 $0x0;
	[sflag:s14] =	ssyncadd.s32 $0xFFFFF000  }
0xb5: {  	[tilespmem:s25], [sflag:$0x3] =	stream.linear.gather @!p0 [hbm4b:s23+s26], $0x400, $0x38;
	[tilespmem:$0x7F00] =	vst v63  }
0xb6: {  	s23 =	sor.u32 @!p0 $0x800, s25  }
0xb7: {  	[tilespmem:s23], [sflag:$0x3] =	stream.linear.gather @!p0 [hbm4b:s24+s26], $0x400, $0x38;
	[tilespmem:$0x7F00] =	vst v63  }
0xb8: {  	s29 =	sor.u32 $0x80, s22  }
0xb9: {  	[tilespmem:s18], [sflag:$0x2] =	stream.indirect.gather [hbm4b:s4+s16], $0x20, s29, s16, $0xb8;
	[tilespmem:$0x7F00] =	vst v63  }
0xba: {  	_ =	swait.ge [sflag:s19], $0x1000  }
0xbb: {  	[sflag:s19] =	ssyncset.done $0x0  }
0xbc: {  	s30 =	sor.u32 $0x800, s22;
	[sflag:s19] =	ssyncadd.s32 $0xFFFFF000  }
0xbd: {  	[spmem:s2] =	stream.indirect.scatter.add.f32 [tilespmem:s17], [sflag:$0x4], $0x20, s30, s16, $0xb8;
	[tilespmem:$0x7F00] =	vst v63  }
0xbe: {  	_ =	swait.ge [sflag:s14], $0x1000  }
0xbf: {  	[sflag:s14] =	ssyncset.done $0x0  }
0xc0: {  	s31 =	sor.u32 $0x100, s22;
	[sflag:s14] =	ssyncadd.s32 $0xFFFFF000  }
0xc1: {  	[tilespmem:s17], [sflag:$0x1] =	stream.indirect.gather [hbm4b:s4+s16], $0x20, s31, s16, $0xb8;
	[tilespmem:$0x7F00] =	vst v63  }
0xc2: {  	_ =	swait.ge [sflag:s20], $0x1000  }
0xc3: {  	[sflag:s20] =	ssyncset.done $0x0  }
0xc4: {  	s24 =	sor.u32 $0x880, s22;
	[sflag:s20] =	ssyncadd.s32 $0xFFFFF000  }
0xc5: {  	[spmem:s2] =	stream.indirect.scatter.add.f32 [tilespmem:s18], [sflag:$0x4], $0x20, s24, s16, $0xb8;
	[tilespmem:$0x7F00] =	vst v63  }
0xc6: {  	_ =	swait.ge [sflag:s14], $0x1000  }
0xc7: {  	[sflag:s14] =	ssyncset.done $0x0  }
0xc8: {  	s26 =	sor.u32 $0x180, s22;
	[sflag:s14] =	ssyncadd.s32 $0xFFFFF000  }
0xc9: {  	[tilespmem:s18], [sflag:$0x2] =	stream.indirect.gather [hbm4b:s4+s16], $0x20, s26, s16, $0xb8;
	[tilespmem:$0x7F00] =	vst v63  }
0xca: {  	_ =	swait.ge [sflag:s19], $0x1000  }
0xcb: {  	[sflag:s19] =	ssyncset.done $0x0  }
0xcc: {  	s28 =	sor.u32 $0x900, s22;
	[sflag:s19] =	ssyncadd.s32 $0xFFFFF000  }
0xcd: {  	[spmem:s2] =	stream.indirect.scatter.add.f32 [tilespmem:s17], [sflag:$0x4], $0x20, s28, s16, $0xb8;
	[tilespmem:$0x7F00] =	vst v63  }
0xce: {  	_ =	swait.ge [sflag:s14], $0x1000  }
0xcf: {  	[sflag:s14] =	ssyncset.done $0x0  }
0xd0: {  	s29 =	sor.u32 $0x200, s22;
	[sflag:s14] =	ssyncadd.s32 $0xFFFFF000  }
0xd1: {  	[tilespmem:s17], [sflag:$0x1] =	stream.indirect.gather [hbm4b:s4+s16], $0x20, s29, s16, $0xb8;
	[tilespmem:$0x7F00] =	vst v63  }
0xd2: {  	_ =	swait.ge [sflag:s20], $0x1000  }
0xd3: {  	[sflag:s20] =	ssyncset.done $0x0  }
0xd4: {  	s30 =	sor.u32 $0x980, s22;
	[sflag:s20] =	ssyncadd.s32 $0xFFFFF000  }
0xd5: {  	[spmem:s2] =	stream.indirect.scatter.add.f32 [tilespmem:s18], [sflag:$0x4], $0x20, s30, s16, $0xb8;
	[tilespmem:$0x7F00] =	vst v63  }
0xd6: {  	_ =	swait.ge [sflag:s14], $0x1000  }
0xd7: {  	[sflag:s14] =	ssyncset.done $0x0  }
0xd8: {  	s31 =	sor.u32 $0x280, s22;
	[sflag:s14] =	ssyncadd.s32 $0xFFFFF000  }
0xd9: {  	[tilespmem:s18], [sflag:$0x2] =	stream.indirect.gather [hbm4b:s4+s16], $0x20, s31, s16, $0xb8;
	[tilespmem:$0x7F00] =	vst v63  }
0xda: {  	_ =	swait.ge [sflag:s19], $0x1000  }
0xdb: {  	[sflag:s19] =	ssyncset.done $0x0  }
0xdc: {  	s24 =	sor.u32 $0xA00, s22;
	[sflag:s19] =	ssyncadd.s32 $0xFFFFF000  }
0xdd: {  	[spmem:s2] =	stream.indirect.scatter.add.f32 [tilespmem:s17], [sflag:$0x4], $0x20, s24, s16, $0xb8;
	[tilespmem:$0x7F00] =	vst v63  }
0xde: {  	_ =	swait.ge [sflag:s14], $0x1000  }
0xdf: {  	[sflag:s14] =	ssyncset.done $0x0  }
0xe0: {  	s26 =	sor.u32 $0x300, s22;
	[sflag:s14] =	ssyncadd.s32 $0xFFFFF000  }
0xe1: {  	[tilespmem:s17], [sflag:$0x1] =	stream.indirect.gather [hbm4b:s4+s16], $0x20, s26, s16, $0xb8;
	[tilespmem:$0x7F00] =	vst v63  }
0xe2: {  	_ =	swait.ge [sflag:s20], $0x1000  }
0xe3: {  	[sflag:s20] =	ssyncset.done $0x0  }
0xe4: {  	s28 =	sor.u32 $0xA80, s22;
	[sflag:s20] =	ssyncadd.s32 $0xFFFFF000  }
0xe5: {  	[spmem:s2] =	stream.indirect.scatter.add.f32 [tilespmem:s18], [sflag:$0x4], $0x20, s28, s16, $0xb8;
	[tilespmem:$0x7F00] =	vst v63  }
0xe6: {  	_ =	swait.ge [sflag:s14], $0x1000  }
0xe7: {  	[sflag:s14] =	ssyncset.done $0x0  }
0xe8: {  	s29 =	sor.u32 $0x380, s22;
	[sflag:s14] =	ssyncadd.s32 $0xFFFFF000  }
0xe9: {  	[tilespmem:s18], [sflag:$0x2] =	stream.indirect.gather [hbm4b:s4+s16], $0x20, s29, s16, $0xb8;
	[tilespmem:$0x7F00] =	vst v63  }
0xea: {  	_ =	swait.ge [sflag:s19], $0x1000  }
0xeb: {  	[sflag:s19] =	ssyncset.done $0x0  }
0xec: {  	s30 =	sor.u32 $0xB00, s22;
	[sflag:s19] =	ssyncadd.s32 $0xFFFFF000  }
0xed: {  	[spmem:s2] =	stream.indirect.scatter.add.f32 [tilespmem:s17], [sflag:$0x4], $0x20, s30, s16, $0xb8;
	[tilespmem:$0x7F00] =	vst v63  }
0xee: {  	_ =	swait.ge [sflag:s14], $0x1000  }
0xef: {  	[sflag:s14] =	ssyncset.done $0x0  }
0xf0: {  	s22 =	simm.s32 @!p0 $0x3;
	[sflag:s14] =	ssyncadd.s32 $0xFFFFF000  }
0xf1: {  	_ =	swait.ge @!p0 [sflag:s22], $0x400  }
0xf2: {  	[sflag:s22] =	ssyncset.done @!p0 $0x0  }
0xf3: {  	[sflag:s22] =	ssyncadd.s32 @!p0 $0xFFFFFC00  }
0xf4: {  	_ =	swait.ge @!p0 [sflag:s22], $0x400  }
0xf5: {  	[sflag:s22] =	ssyncset.done @!p0 $0x0  }
0xf6: {  	s24 =	simm.s32 @!p0 $0x1000;
	[sflag:s22] =	ssyncadd.s32 @!p0 $0xFFFFFC00;
	s22 =	simm.s32 @!p0 $0x80  }
0xf7: {  	[tilespmem:s24], [sflag:$0x1] =	stream.indirect.gather @!p0 [hbm4b:s4+s22], $0x20, s25, s22, $0xb8;
	[tilespmem:$0x7F00] =	vst v63  }
0xf8: {  	_ =	swait.ge [sflag:s20], $0x1000  }
0xf9: {  	[sflag:s20] =	ssyncset.done $0x0  }
0xfa: {  	s31 =	sor.u32 $0x800, s29;
	[sflag:s20] =	ssyncadd.s32 $0xFFFFF000  }
0xfb: {  	[spmem:s2] =	stream.indirect.scatter.add.f32 [tilespmem:s18], [sflag:$0x4], $0x20, s31, s16, $0xb8;
	[tilespmem:$0x7F00] =	vst v63  }
0xfc: {  	_ =	swait.ge [sflag:s14], $0x1000  }
0xfd: {  	s21 =	sadd.s32 $0x1, s21;
	[sflag:s14] =	ssyncset.done $0x0  }
0xfe: {  	p0 =	sne.s32 s21, s10;
	[sflag:s14] =	ssyncadd.s32 $0xFFFFF000  }
.Ltmp1:
0xff: {  	[bflag:$0x0] =	sbarrier.arrive $0xFFFF;
	(pc) =	sbr.rel @p0 .LBB2_1-.Ltmp1, $4  }
0x100: {  	[hbm:s9], [sflag:s6] =	dma.local [spmem:s13], $0x9E0  }
0x101: {  	_ =	swait.ge [sflag:s14], $0x9E0  }
0x102: {  	[sflag:s14] =	ssyncset.done $0x0  }
0x103: {  	[sflag:s14] =	ssyncadd.s32 $0xFFFFF620  }
0x104: {  	_ =	sfence.sel $0x180000  }
0x105: {  	[bflag:$0x0] =	sbarrier.arrive $0xFFFF  }
0x106: {  	p0 =	sne.s32 s0, $0x0;
	_ =	strace $0x9000004D  }
0x107: {  	s0 =	sadd.s32 @!p0 $0x100000, s1;
	[bflag:$0x2] =	sbarrier.arrive $0xFFFF  }
0x108: {  	[sflag:s0] =	ssyncadd.tile.s32 @!p0 $0x1;
	_ =	shalt  }
.Lfunc_end2:
_tile_overlayer_lowered:
.L_overlay_start_2:
0x109: {  	(tag) =	ssettag $0x2  }
0x10a: {  	s0 =	rddreg [dreg:$0x0];
	s2 =	stileid.u32  }
0x10b: {  	s1 =	rddreg [dreg:$0x1];
	p0 =	sne.s32 s2, $0x0  }
0x10c: {  	s3 =	rddreg [dreg:$0x2];
	[bflag:$0x3] =	sbarrier.arrive $0xFFFF;
	s2 =	simm.s32 @!p0 $0x1C04  }
0x10d: {  	[timem:s3], [sflag:s2] =	dma.local @!p0 [hbm:s0], s1  }
0x10e: {  	s0 =	simm.s32 @!p0 $0x4  }
0x10f: {  	_ =	swait.ge @!p0 [sflag:s0], s1  }
0x110: {  	s1 =	ssub.s32 @!p0 $0x0, s1;
	[sflag:s0] =	ssyncset.done @!p0 $0x0  }
0x111: {  	[sflag:s0] =	ssyncadd.s32 @!p0 s1  }
0x112: {  	[bflag:$0x3] =	sbarrier.arrive $0xFFFF  }
0x113: {  	_ =	shalt  }

// kernel: kernel.9.cloned.1.call-start
scs
__scs_entry_jumppad:
0x0: {  	(pc) =	sbr.rel $0x88, $3  }
0x1: {  	(tag) =	ssettag $0x0;
	lr =	simm.s32 $0x1  }
0x2: {  	[smem:$0x3F96] =	sst lr;
	_ =	strace $0xD0000000  }
0x3: {  	_ = 	snop  }
0x4: {  	_ = 	snop  }
0x5: {  	_ = 	snop  }
0x6: {  	_ = 	snop  }
0x7: {  	_ = 	snop  }
__scs_overlays_trampoline_lowered:
0x8: {  	[smem:$0x3FA5] =	sst s0  }
0x9: {  	[smem:$0x3FA6] =	sst s1  }
0xa: {  	[smem:$0x3FA7] =	sst s2  }
0xb: {  	[smem:$0x3FA8] =	sst s3  }
0xc: {  	[smem:$0x3FA9] =	sst s4  }
0xd: {  	[smem:$0x3FAA] =	sst s5  }
0xe: {  	[smem:$0x3FAB] =	sst s6  }
0xf: {  	[smem:$0x3FAC] =	sst s7  }
0x10: {  	[smem:$0x3FAD] =	sst s8  }
0x11: {  	[smem:$0x3FAE] =	sst s9;
	s0 =	simm.s32 @!p0 $0x0  }
0x12: {  	s1 =	sld [smem:$0x3F94];
	s0 =	simm.s32 @p0 $0x1  }
0x13: {  	[smem:$0x3FAF] =	sst s0;
	s0 =	simm.s32 @!p1 $0x0  }
0x14: {  	s2 =	sld [smem:$0x3F93];
	s0 =	simm.s32 @p1 $0x1  }
0x15: {  	[smem:$0x3FB0] =	sst s0;
	s0 =	simm.s32 @!p2 $0x0  }
0x16: {  	s3 =	sld [smem:$0x3FDB];
	s0 =	simm.s32 @p2 $0x1  }
0x17: {  	s4 =	simm.s32 $0x1BF5;
	[smem:$0x3FB2] =	sst s0  }
0x18: {  	s0 =	sld [smem:$0x3F95];
	_ =	swait.ge [sflag:s4], $0x0  }
0x19: {  	s7 =	sld [smem:$0x3F96]  }
0x1a: {  	s8 =	sadd.s32 $0xFFFFE003, lr  }
0x1b: {  	s9 =	sadd.s32 $0xFFFFFEF7, lr;
	s5 =	simm.s32 $0xFFFFFFFF;
	p2 =	slt.u32 s8, $0xFFFFF086  }
0x1c: {  	p1 =	slt.u32 s9, $0xF7A;
	s5 =	simm.s32 @!p2 $0x0  }
0x1d: {  	s5 =	simm.s32 @p1 $0x1;
	p0 =	seq.s32 s7, s2  }
0x1e: {  	s7 =	smul.u32 @!p0 $0xF7A, s2;
	p2 =	seq.s32 @!p0 s5, $0x0  }
0x1f: {  	s9 =	smul.u32 $0xF7A, s1;
	s8 =	simm.s32 @!p0 $0x1BF5;
	p2 =	por !p2, p0  }
0x20: {  	[sflag:s8] =	ssyncset.s32 @!p0 $0xFFFFF086;
	s6 =	sadd.s32 @!p0 s3, s7;
	s7 =	simm.s32 @!p0 $0x108  }
0x21: {  	s3 =	sadd.s32 s3, s9;
	s6 =	sadd.s32 @!p0 $0x88, s6;
	s7 =	simm.s32 @p2 $0x1082  }
0x22: {  	[simem:s7], [sflag:s8] =	dma.local @!p0 [hbm:s6], $0xF7A  }
0x23: {  	s9 =	sor.u32 $0xD0000000, s2;
	s6 =	simm.s32 $0x108;
	_ =	swait.ge @!p0 [sflag:s8], $0x0  }
0x24: {  	s3 =	sadd.s32 $0x88, s3;
	s6 =	simm.s32 @!p1 $0x1082;
	[sflag:s4] =	ssyncset.s32 $0xFFFFF086  }
0x25: {  	[simem:s6], [sflag:s4] =	dma.local [hbm:s3], $0xF7A  }
0x26: {  	[smem:$0x3F96] =	sst s1;
	(tag) =	ssettag s2;
	_ =	strace s9  }
0x27: {  	s1 =	sld [smem:$0x3FA6]  }
0x28: {  	s2 =	sld [smem:$0x3FA7]  }
0x29: {  	s4 =	sld [smem:$0x3FA9]  }
0x2a: {  	p0 =	seq.s32 s5, $0x0;
	s5 =	sld [smem:$0x3FAA]  }
0x2b: {  	s6 =	sld [smem:$0x3FAB]  }
0x2c: {  	s7 =	sld [smem:$0x3FAC]  }
0x2d: {  	s3 =	simm.s32 $0x108;
	s8 =	sld [smem:$0x3FAD]  }
0x2e: {  	s3 =	simm.s32 @!p0 $0x1082;
	s9 =	sld [smem:$0x3FAE]  }
0x2f: {  	lr =	sadd.s32 s0, s3;
	s0 =	sld [smem:$0x3FA5]  }
0x30: {  	s3 =	sld [smem:$0x3FA8]  }
0x31: {  	[smem:$0x3FB1] =	sst s10  }
0x32: {  	s10 =	sld [smem:$0x3FAF];
	_ =	sdelay $0x3  }
0x33: {  	p0 =	seq.s32 s10, $0x1;
	s10 =	sld [smem:$0x3FB1];
	_ =	sdelay $0x3  }
0x34: {  	[smem:$0x3FB1] =	sst s10  }
0x35: {  	s10 =	sld [smem:$0x3FB0];
	_ =	sdelay $0x3  }
0x36: {  	p1 =	seq.s32 s10, $0x1;
	s10 =	sld [smem:$0x3FB1];
	_ =	sdelay $0x3  }
0x37: {  	[smem:$0x3FB1] =	sst s10  }
0x38: {  	s10 =	sld [smem:$0x3FB2]  }
0x39: {  	_ = 	snop;
	(pc) =	sbr.ind lr, $3  }
0x3a: {  	_ = 	snop  }
0x3b: {  	_ = 	snop  }
0x3c: {  	p2 =	seq.s32 s10, $0x1;
	s10 =	sld [smem:$0x3FB1]  }
0x3d: {  	_ =	shalt  }
0x3e: {  	_ =	shalt  }
0x3f: {  	_ =	shalt  }
0x40: {  	_ =	shalt  }
0x41: {  	_ =	shalt  }
0x42: {  	_ =	shalt  }
0x43: {  	_ =	shalt  }
0x44: {  	_ =	shalt  }
0x45: {  	_ =	shalt  }
0x46: {  	_ =	shalt  }
0x47: {  	_ =	shalt  }
0x48: {  	_ =	shalt  }
0x49: {  	_ =	shalt  }
0x4a: {  	_ =	shalt  }
0x4b: {  	_ =	shalt  }
0x4c: {  	_ =	shalt  }
0x4d: {  	_ =	shalt  }
0x4e: {  	_ =	shalt  }
0x4f: {  	_ =	shalt  }
0x50: {  	_ =	shalt  }
0x51: {  	_ =	shalt  }
0x52: {  	_ =	shalt  }
0x53: {  	_ =	shalt  }
0x54: {  	_ =	shalt  }
0x55: {  	_ =	shalt  }
0x56: {  	_ =	shalt  }
0x57: {  	_ =	shalt  }
0x58: {  	_ =	shalt  }
0x59: {  	_ =	shalt  }
0x5a: {  	_ =	shalt  }
0x5b: {  	_ =	shalt  }
0x5c: {  	_ =	shalt  }
0x5d: {  	_ =	shalt  }
0x5e: {  	_ =	shalt  }
0x5f: {  	_ =	shalt  }
0x60: {  	_ =	shalt  }
0x61: {  	_ =	shalt  }
0x62: {  	_ =	shalt  }
0x63: {  	_ =	shalt  }
0x64: {  	_ =	shalt  }
0x65: {  	_ =	shalt  }
0x66: {  	_ =	shalt  }
0x67: {  	_ =	shalt  }
0x68: {  	_ =	shalt  }
0x69: {  	_ =	shalt  }
0x6a: {  	_ =	shalt  }
0x6b: {  	_ =	shalt  }
0x6c: {  	_ =	shalt  }
0x6d: {  	_ =	shalt  }
0x6e: {  	_ =	shalt  }
0x6f: {  	_ =	shalt  }
0x70: {  	_ =	shalt  }
0x71: {  	_ =	shalt  }
0x72: {  	_ =	shalt  }
0x73: {  	_ =	shalt  }
0x74: {  	_ =	shalt  }
0x75: {  	_ =	shalt  }
0x76: {  	_ =	shalt  }
0x77: {  	_ =	shalt  }
0x78: {  	_ =	shalt  }
0x79: {  	_ =	shalt  }
0x7a: {  	_ =	shalt  }
0x7b: {  	_ =	shalt  }
0x7c: {  	_ =	shalt  }
0x7d: {  	_ =	shalt  }
0x7e: {  	_ =	shalt  }
0x7f: {  	_ =	shalt  }
0x80: {  	_ =	shalt  }
0x81: {  	_ =	shalt  }
0x82: {  	_ =	shalt  }
0x83: {  	_ =	shalt  }
0x84: {  	_ =	shalt  }
0x85: {  	_ =	shalt  }
0x86: {  	_ =	shalt  }
0x87: {  	_ =	shalt  }
.Lfunc_end0:
.L_simem_size_0:
called_computation_lowered:
.L_overlay_start_0:
0x88: {  	s2 =	sld [smem:$0x3FD9]  }
0x89: {  	s3 =	sld [smem:$0x3FFE];
	_ =	sdelay $0x1  }
0x8a: {  	s1 =	srdreg.scid  }
0x8b: {  	s0 =	sand.u32 $0x1, s1  }
0x8c: {  	s17 =	sshll.u32 s0, $0xA;
	s2 =	sadd.s32 s3, s2  }
0x8d: {  	s2 =	sadd.s32 s2, s17  }
0x8e: {  	[smem:$0x3FBD] =	sst s2  }
0x8f: {  	_ = 	snop  }
0x90: {  	s2 =	sld [smem:$0x3FD0];
	(tm) =	ssettm $0x1  }
0x91: {  	s18 =	sld [smem:$0x3FFB];
	_ =	sdelay $0x3  }
0x92: {  	_ =	strace s18  }
0x93: {  	s3 =	sld [smem:$0x3FFC];
	_ =	sdelay $0x3  }
0x94: {  	_ =	strace s3  }
0x95: {  	s3 =	sld [smem:$0x3FFD];
	_ =	sdelay $0x3  }
0x96: {  	_ =	strace s3  }
0x97: {  	_ =	strace $0x8FFFFFFF  }
0x98: {  	s19 =	sld [smem:$0x3FDB];
	_ =	sdelay $0x1  }
0x99: {  	s4 =	simm.s32 $_scs_section_size  }
0x9a: {  	s5 =	simm.s32 $_size__tile_overlayer_lowered;
	s6 =	simm.s32 $_tile_overlayer_lowered  }
0x9b: {  	s22 =	simm.s32 $0x1BFF;
	s21 =	sshll.u32 s6, $0x1;
	s3 =	sadd.s32 s4, s19  }
0x9c: {  	s7 =	simm.s32 $0x0;
	s20 =	sshll.u32 s5, $0x1;
	s5 =	sadd.s32 s21, s3  }
0x9d: {  	[timem:s7], [sflag:s22] =	dma.local [hbm:s5], s20  }
0x9e: {  	_ =	swait.ge [sflag:s22], s20  }
0x9f: {  	s4 =	ssub.s32 $0x0, s20;
	[sflag:s22] =	ssyncset.done $0x0  }
0xa0: {  	[sflag:s22] =	ssyncadd.s32 s4;
	_ =	sdelay $0x1  }
0xa1: {  	s23 =	simm.s32 $0x1B8B  }
0xa2: {  	_ =	swait.ge [sflag:s23], $0x1  }
0xa3: {  	[sflag:s23] =	ssyncset.done $0x0  }
0xa4: {  	s25 =	simm.s32 $0x1B8E;
	s24 =	sld [smem:$0x3FFE];
	[sflag:s23] =	ssyncadd.s32 $0xFFFFFFFF  }
0xa5: {  	s26 =	simm.s32 $execute0_lowered;
	[smem:$0x3FD2] =	sst s25  }
0xa6: {  	s5 =	sshll.u32 s26, $0x1;
	_ =	strace $0x80000046;
	[dreg:$0x1] =	wrdreg $0xFFFFFFFF  }
0xa7: {  	s28 =	simm.s32 $_size_execute0_lowered;
	s3 =	sadd.s32 s3, s5;
	[dreg:$0x0] =	wrdreg $0x0  }
0xa8: {  	s5 =	sshll.u32 s28, $0x1;
	[dreg:$0x2] =	wrdreg s3  }
0xa9: {  	[dreg:$0x3] =	wrdreg s5  }
0xaa: {  	[dreg:$0x4] =	wrdreg $0xC0  }
0xab: {  	_ =	task [dreg:s7], $0x5FFFF  }
0xac: {  	[dreg:$0x1] =	wrdreg $0xFFFFFFFF  }
0xad: {  	[dreg:$0x0] =	wrdreg $0x60  }
0xae: {  	[dreg:$0x2] =	wrdreg s24  }
0xaf: {  	[dreg:$0x3] =	wrdreg s2  }
0xb0: {  	[dreg:$0x4] =	wrdreg $0x50000  }
0xb1: {  	[dreg:$0x5] =	wrdreg $0xF6000  }
0xb2: {  	[dreg:$0x6] =	wrdreg $0x9  }
0xb3: {  	_ =	task.clear_ibuf [dreg:s7], $0x7FFFF;
	_ =	strace $0x90000046  }
0xb4: {  	s29 =	simm.s32 $0x9;
	_ =	strace $0x80000048  }
0xb5: {  	_ =	swait.ge [sflag:s29], $0x1  }
0xb6: {  	[sflag:s29] =	ssyncadd.s32 $0xFFFFFFFF  }
0xb7: {  	_ =	strace $0x90000048  }
0xb8: {  	_ =	sfence  }
0xb9: {  	s30 =	sld [smem:$0x0];
	_ =	sdelay $0x2  }
0xba: {  	s31 =	sshll.u32 s1, $0xD;
	s1 =	sshrl.u32 s1, $0x2  }
0xbb: {  	s3 =	sand.u32 $0x4000, s31;
	s1 =	sadd.s32 s1, s30  }
0xbc: {  	s0 =	sor.u32 s3, s0;
	s1 =	sshll.u32 s1, $0x11  }
0xbd: {  	s0 =	sor.u32 s1, s0  }
0xbe: {  	s0 =	sadd.s32 $0x8F2B, s0  }
0xbf: {  	[sflag:s0] =	ssyncadd.remote.s32 $0x1  }
0xc0: {  	_ =	sfence.sel $0xFFFF  }
0xc1: {  	[dreg:$0x0] =	wrdreg $0xFFFFFFFF;
	(pc) =	sbr.abs _section_cstart, $3  }
0xc2: {  	[dreg:$0x1] =	wrdreg $0xFFFFFFFF  }
0xc3: {  	_ =	task.clear_ibuf [dreg:s7], $0x2FFFF;
	_ =	strace $0x9FFFFFFF  }
0xc4: {  	(tm) =	ssettm $0x7FFFFFFF  }
0xc5: {  	_ =	shalt  }
tec
execute0_lowered:
.L_overlay_start_1:
0x0: {  	(tag) =	ssettag $0x1  }
0x1: {  	s0 =	rddreg [dreg:$0x0]  }
0x2: {  	s1 =	rddreg [dreg:$0x1]  }
0x3: {  	s2 =	rddreg [dreg:$0x2]  }
0x4: {  	s3 =	rddreg [dreg:$0x3];
	s18 =	stileid.u32  }
0x5: {  	s5 =	srdreg.scid;
	s6 =	smul.u32 $0x9E00, s18  }
0x6: {  	s4 =	simm.s32 $0x0;
	s7 =	sand.u32 $0x1, s5;
	s9 =	smul.u32 $0x2780, s18  }
0x7: {  	[smem:$0x7FF] =	sst s4;
	s5 =	sadd.s32 $0x2400, s0;
	s25 =	smul.u32 $0x2800, s18  }
0x8: {  	s15 =	sadd.s32 $0x1FE00, s0;
	s14 =	sadd.s32 $0x15E00, s0;
	s8 =	smul.u32 $0x9E000, s7  }
0x9: {  	s24 =	sshll.u32 s18, $0x6;
	_ =	strace $0x80000047;
	s10 =	smul.u32 $0x27800, s7  }
0xa: {  	s20 =	ssub.s32 $0x2, s7;
	s13 =	sshll.u32 s7, $0x4;
	s23 =	smul.u32 $0x28000, s7  }
0xb: {  	s7 =	sor.u32 $0x1C04, s24;
	s24 =	simm.s32 $0xEE00;
	s11 =	sshrl.u32 s6, $0x3  }
0xc: {  	s21 =	sshrl.u32 s20, $0x1;
	s22 =	sor.u32 s18, s13;
	s17 =	sadd.s32 s6, s2  }
0xd: {  	s29 =	sadd.s32 s9, s3;
	s30 =	sshrl.u32 s9, $0x3;
	s8 =	sadd.s32 s6, s8  }
0xe: {  	s11 =	sadd.s32 s11, s0;
	s10 =	sadd.s32 s9, s10;
	s16 =	ssub.s32 s20, s21  }
0xf: {  	s28 =	smul.u32 $0x500, s22;
	s18 =	sshrl.u32 s29, $0x3;
	s20 =	simm.s32 $0x80  }
0x10: {  	s21 =	simm.s32 $0x1000;
	s22 =	simm.s32 $0x3000;
	s8 =	sshrl.u32 s8, $0x3  }
0x11: {  	s19 =	sshrl.u32 s10, $0x3;
	s26 =	sadd.s32 $0x29E00, s11;
	s10 =	sadd.s32 s25, s23  }
0x12: {  	s13 =	smax.u32 s16, $0x1;
	s16 =	sshrl.u32 s17, $0x3;
	s17 =	simm.s32 $0x4  }
0x13: {  	s23 =	simm.s32 $0x1;
	s25 =	simm.s32 $0x2;
	s12 =	sadd.s32 s8, s0  }
0x14: {  	s0 =	sadd.s32 s19, s0;
	[dreg:$0x5] =	wrdreg s26;
	s8 =	sadd.s32 s1, s30  }
0x15: {  	s9 =	sadd.s32 s15, s28;
	s31 =	sor.u32 $0x400, s10;
	s10 =	sadd.s32 s14, s28  }
0x16: {  	s26 =	simm.s32 $0x0;
	s11 =	sadd.s32 $0x47800, s12;
	s1 =	sshrl.u32 s31, $0x3  }
0x17: {  	v0 =	vimm.f32 $1.000000000e+00;
	s12 =	sadd.s32 $0x3DA00, s0;
	s14 =	sadd.s32 s1, s14;
	s15 =	sadd.s32 s1, s15  }
.LBB2_1:
0x18: {  	s0 =	rddreg [dreg:$0x5]  }
0x19: {  	[spmem:s16], [sflag:s7] =	dma.local [hbm:s0], $0x13C0  }
0x1a: {  	_ =	swait.ge [sflag:s17], $0x13C0  }
0x1b: {  	[sflag:s17] =	ssyncset.done $0x0  }
0x1c: {  	[sflag:s17] =	ssyncadd.s32 $0xFFFFEC40  }
0x1d: {  	[spmem:s18], [sflag:s7] =	dma.local [hbm:s8], $0x4F0  }
0x1e: {  	_ =	swait.ge [sflag:s17], $0x4F0  }
0x1f: {  	[sflag:s17] =	ssyncset.done $0x0  }
0x20: {  	[sflag:s17] =	ssyncadd.s32 $0xFFFFFB10  }
0x21: {  	[tilespmem:$0xEE00] =	vst v0  }
0x22: {  	[tilespmem:$0xEE10] =	vst v0  }
0x23: {  	[tilespmem:$0xEE20] =	vst v0  }
0x24: {  	[tilespmem:$0xEE30] =	vst v0  }
0x25: {  	[tilespmem:$0xEE40] =	vst v0  }
0x26: {  	[tilespmem:$0xEE50] =	vst v0  }
0x27: {  	[tilespmem:$0xEE60] =	vst v0  }
0x28: {  	[tilespmem:$0xEE70] =	vst v0  }
0x29: {  	[tilespmem:$0xEE80] =	vst v0  }
0x2a: {  	[tilespmem:$0xEE90] =	vst v0  }
0x2b: {  	[tilespmem:$0xEEA0] =	vst v0  }
0x2c: {  	[tilespmem:$0xEEB0] =	vst v0  }
0x2d: {  	[tilespmem:$0xEEC0] =	vst v0  }
0x2e: {  	[tilespmem:$0xEED0] =	vst v0  }
0x2f: {  	[tilespmem:$0xEEE0] =	vst v0  }
0x30: {  	[tilespmem:$0xEEF0] =	vst v0  }
0x31: {  	[tilespmem:$0xEF00] =	vst v0  }
0x32: {  	[tilespmem:$0xEF10] =	vst v0  }
0x33: {  	[tilespmem:$0xEF20] =	vst v0  }
0x34: {  	[tilespmem:$0xEF30] =	vst v0  }
0x35: {  	[tilespmem:$0xEF40] =	vst v0  }
0x36: {  	[tilespmem:$0xEF50] =	vst v0  }
0x37: {  	[tilespmem:$0xEF60] =	vst v0  }
0x38: {  	[tilespmem:$0xEF70] =	vst v0  }
0x39: {  	[tilespmem:$0xEF80] =	vst v0  }
0x3a: {  	[tilespmem:$0xEF90] =	vst v0  }
0x3b: {  	[tilespmem:$0xEFA0] =	vst v0  }
0x3c: {  	[tilespmem:$0xEFB0] =	vst v0  }
0x3d: {  	[tilespmem:$0xEFC0] =	vst v0  }
0x3e: {  	[tilespmem:$0xEFD0] =	vst v0  }
0x3f: {  	[tilespmem:$0xEFE0] =	vst v0  }
0x40: {  	[tilespmem:$0xEFF0] =	vst v0  }
0x41: {  	[tilespmem:$0xF000] =	vst v0  }
0x42: {  	[tilespmem:$0xF010] =	vst v0  }
0x43: {  	[tilespmem:$0xF020] =	vst v0  }
0x44: {  	[tilespmem:$0xF030] =	vst v0  }
0x45: {  	[tilespmem:$0xF040] =	vst v0  }
0x46: {  	[tilespmem:$0xF050] =	vst v0  }
0x47: {  	[tilespmem:$0xF060] =	vst v0  }
0x48: {  	[tilespmem:$0xF070] =	vst v0  }
0x49: {  	[tilespmem:$0xF080] =	vst v0  }
0x4a: {  	[tilespmem:$0xF090] =	vst v0  }
0x4b: {  	[tilespmem:$0xF0A0] =	vst v0  }
0x4c: {  	[tilespmem:$0xF0B0] =	vst v0  }
0x4d: {  	[tilespmem:$0xF0C0] =	vst v0  }
0x4e: {  	[tilespmem:$0xF0D0] =	vst v0  }
0x4f: {  	[tilespmem:$0xF0E0] =	vst v0  }
0x50: {  	[tilespmem:$0xF0F0] =	vst v0  }
0x51: {  	[tilespmem:$0xF100] =	vst v0  }
0x52: {  	[tilespmem:$0xF110] =	vst v0  }
0x53: {  	[tilespmem:$0xF120] =	vst v0  }
0x54: {  	[tilespmem:$0xF130] =	vst v0  }
0x55: {  	[tilespmem:$0xF140] =	vst v0  }
0x56: {  	[tilespmem:$0xF150] =	vst v0  }
0x57: {  	[tilespmem:$0xF160] =	vst v0  }
0x58: {  	[tilespmem:$0xF170] =	vst v0  }
0x59: {  	[tilespmem:$0xF180] =	vst v0  }
0x5a: {  	[tilespmem:$0xF190] =	vst v0  }
0x5b: {  	[tilespmem:$0xF1A0] =	vst v0  }
0x5c: {  	[tilespmem:$0xF1B0] =	vst v0  }
0x5d: {  	[tilespmem:$0xF1C0] =	vst v0  }
0x5e: {  	[tilespmem:$0xF1D0] =	vst v0  }
0x5f: {  	[tilespmem:$0xF1E0] =	vst v0  }
0x60: {  	[tilespmem:$0xF1F0] =	vst v0  }
0x61: {  	[tilespmem:$0xF200] =	vst v0  }
0x62: {  	[tilespmem:$0xF210] =	vst v0  }
0x63: {  	[tilespmem:$0xF220] =	vst v0  }
0x64: {  	[tilespmem:$0xF230] =	vst v0  }
0x65: {  	[tilespmem:$0xF240] =	vst v0  }
0x66: {  	[tilespmem:$0xF250] =	vst v0  }
0x67: {  	[tilespmem:$0xF260] =	vst v0  }
0x68: {  	[tilespmem:$0xF270] =	vst v0  }
0x69: {  	[tilespmem:$0xF280] =	vst v0  }
0x6a: {  	[tilespmem:$0xF290] =	vst v0  }
0x6b: {  	[tilespmem:$0xF2A0] =	vst v0  }
0x6c: {  	[tilespmem:$0xF2B0] =	vst v0  }
0x6d: {  	[tilespmem:$0xF2C0] =	vst v0  }
0x6e: {  	[tilespmem:$0xF2D0] =	vst v0  }
0x6f: {  	[tilespmem:$0xF2E0] =	vst v0  }
0x70: {  	[tilespmem:$0xF2F0] =	vst v0  }
0x71: {  	[tilespmem:$0xF300] =	vst v0  }
0x72: {  	[tilespmem:$0xF310] =	vst v0  }
0x73: {  	[tilespmem:$0xF320] =	vst v0  }
0x74: {  	[tilespmem:$0xF330] =	vst v0  }
0x75: {  	[tilespmem:$0xF340] =	vst v0  }
0x76: {  	[tilespmem:$0xF350] =	vst v0  }
0x77: {  	[tilespmem:$0xF360] =	vst v0  }
0x78: {  	[tilespmem:$0xF370] =	vst v0  }
0x79: {  	[tilespmem:$0xF380] =	vst v0  }
0x7a: {  	[tilespmem:$0xF390] =	vst v0  }
0x7b: {  	[tilespmem:$0xF3A0] =	vst v0  }
0x7c: {  	[tilespmem:$0xF3B0] =	vst v0  }
0x7d: {  	[tilespmem:$0xF3C0] =	vst v0  }
0x7e: {  	[tilespmem:$0xF3D0] =	vst v0  }
0x7f: {  	[tilespmem:$0xF3E0] =	vst v0  }
0x80: {  	[tilespmem:$0xF3F0] =	vst v0  }
0x81: {  	[tilespmem:$0xF400] =	vst v0  }
0x82: {  	[tilespmem:$0xF410] =	vst v0  }
0x83: {  	[tilespmem:$0xF420] =	vst v0  }
0x84: {  	[tilespmem:$0xF430] =	vst v0  }
0x85: {  	[tilespmem:$0xF440] =	vst v0  }
0x86: {  	[tilespmem:$0xF450] =	vst v0  }
0x87: {  	[tilespmem:$0xF460] =	vst v0  }
0x88: {  	[tilespmem:$0xF470] =	vst v0  }
0x89: {  	[tilespmem:$0xF480] =	vst v0  }
0x8a: {  	[tilespmem:$0xF490] =	vst v0  }
0x8b: {  	[tilespmem:$0xF4A0] =	vst v0  }
0x8c: {  	[tilespmem:$0xF4B0] =	vst v0  }
0x8d: {  	[tilespmem:$0xF4C0] =	vst v0  }
0x8e: {  	[tilespmem:$0xF4D0] =	vst v0  }
0x8f: {  	[tilespmem:$0xF4E0] =	vst v0  }
0x90: {  	[tilespmem:$0xF4F0] =	vst v0  }
0x91: {  	[tilespmem:$0xF500] =	vst v0  }
0x92: {  	[tilespmem:$0xF510] =	vst v0  }
0x93: {  	[tilespmem:$0xF520] =	vst v0  }
0x94: {  	[tilespmem:$0xF530] =	vst v0  }
0x95: {  	[tilespmem:$0xF540] =	vst v0  }
0x96: {  	[tilespmem:$0xF550] =	vst v0  }
0x97: {  	[tilespmem:$0xF560] =	vst v0  }
0x98: {  	[tilespmem:$0xF570] =	vst v0  }
0x99: {  	[tilespmem:$0xF580] =	vst v0  }
0x9a: {  	[tilespmem:$0xF590] =	vst v0  }
0x9b: {  	[tilespmem:$0xF5A0] =	vst v0  }
0x9c: {  	[tilespmem:$0xF5B0] =	vst v0  }
0x9d: {  	[tilespmem:$0xF5C0] =	vst v0  }
0x9e: {  	[tilespmem:$0xF5D0] =	vst v0  }
0x9f: {  	[tilespmem:$0xF5E0] =	vst v0  }
0xa0: {  	[tilespmem:$0xF5F0] =	vst v0  }
0xa1: {  	[bflag:$0x0] =	sbarrier.arrive $0xFFFF  }
0xa2: {  	[tilespmem:s4], [sflag:$0x4] =	stream.linear.gather [hbm4b:s9+s4], $0x400, $0x38;
	[tilespmem:$0x11D80] =	vst v63  }
0xa3: {  	_ =	swait.ge [sflag:s17], $0x400  }
0xa4: {  	[sflag:s17] =	ssyncset.done $0x0  }
0xa5: {  	s1 =	simm.s32 $0x800;
	[sflag:s17] =	ssyncadd.s32 $0xFFFFFC00  }
0xa6: {  	[tilespmem:s1], [sflag:$0x4] =	stream.linear.gather [hbm4b:s10+s4], $0x400, $0x38;
	[tilespmem:$0x11D80] =	vst v63  }
0xa7: {  	_ =	swait.ge [sflag:s17], $0x400  }
0xa8: {  	s1 =	sand.u32 $0x1, s4;
	[sflag:s17] =	ssyncset.done $0x0  }
0xa9: {  	p0 =	por $0x0, $0x0;
	s0 =	sxor.u32 $0x1, s1;
	[sflag:s17] =	ssyncadd.s32 $0xFFFFFC00  }
0xaa: {  	[tilespmem:s21], [sflag:$0x1] =	stream.indirect.gather [hbm4b:s5+s20], $0x40, s4, s20, $0xb8;
	[tilespmem:$0x11D80] =	vst v63  }
0xab: {  	s28 =	simm.s32 @!p0 $0x0;
	s0 =	sshll.u32 @!p0 s0, $0xA  }
0xac: {  	[tilespmem:s0], [sflag:$0x3] =	stream.linear.gather @!p0 [hbm4b:s15+s28], $0x400, $0x38;
	[tilespmem:$0x11D80] =	vst v63  }
0xad: {  	s1 =	sshll.u32 s1, $0xA;
	s29 =	sor.u32 @!p0 $0x800, s0  }
0xae: {  	[tilespmem:s29], [sflag:$0x3] =	stream.linear.gather @!p0 [hbm4b:s14+s28], $0x400, $0x38;
	[tilespmem:$0x11D80] =	vst v63  }
0xaf: {  	s28 =	sor.u32 $0x80, s1  }
0xb0: {  	[tilespmem:s22], [sflag:$0x2] =	stream.indirect.gather [hbm4b:s5+s20], $0x40, s28, s20, $0xb8;
	[tilespmem:$0x11D80] =	vst v63  }
0xb1: {  	_ =	swait.ge [sflag:s23], $0x2000  }
0xb2: {  	[sflag:s23] =	ssyncset.done $0x0  }
0xb3: {  	s28 =	sor.u32 $0x800, s1;
	[sflag:s23] =	ssyncadd.s32 $0xFFFFE000  }
0xb4: {  	[spmem:s2] =	stream.indirect.scatter.add.f32 [tilespmem:s21], [sflag:$0x4], $0x40, s28, s20, $0xb8;
	[tilespmem:$0x11D80] =	vst v63  }
0xb5: {  	_ =	swait.ge [sflag:s17], $0x2000  }
0xb6: {  	[sflag:s17] =	ssyncset.done $0x0  }
0xb7: {  	[sflag:s17] =	ssyncadd.s32 $0xFFFFE000  }
0xb8: {  	[spmem:s3] =	stream.indirect.scatter.add.f32 [tilespmem:s24], [sflag:$0x4], $0x10, s28, s20, $0xb8;
	[tilespmem:$0x11D80] =	vst v63  }
0xb9: {  	_ =	swait.ge [sflag:s17], $0x800  }
0xba: {  	[sflag:s17] =	ssyncset.done $0x0  }
0xbb: {  	s28 =	sor.u32 $0x100, s1;
	[sflag:s17] =	ssyncadd.s32 $0xFFFFF800  }
0xbc: {  	[tilespmem:s21], [sflag:$0x1] =	stream.indirect.gather [hbm4b:s5+s20], $0x40, s28, s20, $0xb8;
	[tilespmem:$0x11D80] =	vst v63  }
0xbd: {  	_ =	swait.ge [sflag:s25], $0x2000  }
0xbe: {  	[sflag:s25] =	ssyncset.done $0x0  }
0xbf: {  	s28 =	sor.u32 $0x880, s1;
	[sflag:s25] =	ssyncadd.s32 $0xFFFFE000  }
0xc0: {  	[spmem:s2] =	stream.indirect.scatter.add.f32 [tilespmem:s22], [sflag:$0x4], $0x40, s28, s20, $0xb8;
	[tilespmem:$0x11D80] =	vst v63  }
0xc1: {  	_ =	swait.ge [sflag:s17], $0x2000  }
0xc2: {  	[sflag:s17] =	ssyncset.done $0x0  }
0xc3: {  	[sflag:s17] =	ssyncadd.s32 $0xFFFFE000  }
0xc4: {  	[spmem:s3] =	stream.indirect.scatter.add.f32 [tilespmem:s24], [sflag:$0x4], $0x10, s28, s20, $0xb8;
	[tilespmem:$0x11D80] =	vst v63  }
0xc5: {  	_ =	swait.ge [sflag:s17], $0x800  }
0xc6: {  	[sflag:s17] =	ssyncset.done $0x0  }
0xc7: {  	s28 =	sor.u32 $0x180, s1;
	[sflag:s17] =	ssyncadd.s32 $0xFFFFF800  }
0xc8: {  	[tilespmem:s22], [sflag:$0x2] =	stream.indirect.gather [hbm4b:s5+s20], $0x40, s28, s20, $0xb8;
	[tilespmem:$0x11D80] =	vst v63  }
0xc9: {  	_ =	swait.ge [sflag:s23], $0x2000  }
0xca: {  	[sflag:s23] =	ssyncset.done $0x0  }
0xcb: {  	s28 =	sor.u32 $0x900, s1;
	[sflag:s23] =	ssyncadd.s32 $0xFFFFE000  }
0xcc: {  	[spmem:s2] =	stream.indirect.scatter.add.f32 [tilespmem:s21], [sflag:$0x4], $0x40, s28, s20, $0xb8;
	[tilespmem:$0x11D80] =	vst v63  }
0xcd: {  	_ =	swait.ge [sflag:s17], $0x2000  }
0xce: {  	[sflag:s17] =	ssyncset.done $0x0  }
0xcf: {  	[sflag:s17] =	ssyncadd.s32 $0xFFFFE000  }
0xd0: {  	[spmem:s3] =	stream.indirect.scatter.add.f32 [tilespmem:s24], [sflag:$0x4], $0x10, s28, s20, $0xb8;
	[tilespmem:$0x11D80] =	vst v63  }
0xd1: {  	_ =	swait.ge [sflag:s17], $0x800  }
0xd2: {  	[sflag:s17] =	ssyncset.done $0x0  }
0xd3: {  	s28 =	sor.u32 $0x200, s1;
	[sflag:s17] =	ssyncadd.s32 $0xFFFFF800  }
0xd4: {  	[tilespmem:s21], [sflag:$0x1] =	stream.indirect.gather [hbm4b:s5+s20], $0x40, s28, s20, $0xb8;
	[tilespmem:$0x11D80] =	vst v63  }
0xd5: {  	_ =	swait.ge [sflag:s25], $0x2000  }
0xd6: {  	[sflag:s25] =	ssyncset.done $0x0  }
0xd7: {  	s28 =	sor.u32 $0x980, s1;
	[sflag:s25] =	ssyncadd.s32 $0xFFFFE000  }
0xd8: {  	[spmem:s2] =	stream.indirect.scatter.add.f32 [tilespmem:s22], [sflag:$0x4], $0x40, s28, s20, $0xb8;
	[tilespmem:$0x11D80] =	vst v63  }
0xd9: {  	_ =	swait.ge [sflag:s17], $0x2000  }
0xda: {  	[sflag:s17] =	ssyncset.done $0x0  }
0xdb: {  	[sflag:s17] =	ssyncadd.s32 $0xFFFFE000  }
0xdc: {  	[spmem:s3] =	stream.indirect.scatter.add.f32 [tilespmem:s24], [sflag:$0x4], $0x10, s28, s20, $0xb8;
	[tilespmem:$0x11D80] =	vst v63  }
0xdd: {  	_ =	swait.ge [sflag:s17], $0x800  }
0xde: {  	[sflag:s17] =	ssyncset.done $0x0  }
0xdf: {  	s28 =	sor.u32 $0x280, s1;
	[sflag:s17] =	ssyncadd.s32 $0xFFFFF800  }
0xe0: {  	[tilespmem:s22], [sflag:$0x2] =	stream.indirect.gather [hbm4b:s5+s20], $0x40, s28, s20, $0xb8;
	[tilespmem:$0x11D80] =	vst v63  }
0xe1: {  	_ =	swait.ge [sflag:s23], $0x2000  }
0xe2: {  	[sflag:s23] =	ssyncset.done $0x0  }
0xe3: {  	s28 =	sor.u32 $0xA00, s1;
	[sflag:s23] =	ssyncadd.s32 $0xFFFFE000  }
0xe4: {  	[spmem:s2] =	stream.indirect.scatter.add.f32 [tilespmem:s21], [sflag:$0x4], $0x40, s28, s20, $0xb8;
	[tilespmem:$0x11D80] =	vst v63  }
0xe5: {  	_ =	swait.ge [sflag:s17], $0x2000  }
0xe6: {  	[sflag:s17] =	ssyncset.done $0x0  }
0xe7: {  	[sflag:s17] =	ssyncadd.s32 $0xFFFFE000  }
0xe8: {  	[spmem:s3] =	stream.indirect.scatter.add.f32 [tilespmem:s24], [sflag:$0x4], $0x10, s28, s20, $0xb8;
	[tilespmem:$0x11D80] =	vst v63  }
0xe9: {  	_ =	swait.ge [sflag:s17], $0x800  }
0xea: {  	[sflag:s17] =	ssyncset.done $0x0  }
0xeb: {  	s28 =	sor.u32 $0x300, s1;
	[sflag:s17] =	ssyncadd.s32 $0xFFFFF800  }
0xec: {  	[tilespmem:s21], [sflag:$0x1] =	stream.indirect.gather [hbm4b:s5+s20], $0x40, s28, s20, $0xb8;
	[tilespmem:$0x11D80] =	vst v63  }
0xed: {  	_ =	swait.ge [sflag:s25], $0x2000  }
0xee: {  	[sflag:s25] =	ssyncset.done $0x0  }
0xef: {  	s28 =	sor.u32 $0xA80, s1;
	[sflag:s25] =	ssyncadd.s32 $0xFFFFE000  }
0xf0: {  	[spmem:s2] =	stream.indirect.scatter.add.f32 [tilespmem:s22], [sflag:$0x4], $0x40, s28, s20, $0xb8;
	[tilespmem:$0x11D80] =	vst v63  }
0xf1: {  	_ =	swait.ge [sflag:s17], $0x2000  }
0xf2: {  	[sflag:s17] =	ssyncset.done $0x0  }
0xf3: {  	[sflag:s17] =	ssyncadd.s32 $0xFFFFE000  }
0xf4: {  	[spmem:s3] =	stream.indirect.scatter.add.f32 [tilespmem:s24], [sflag:$0x4], $0x10, s28, s20, $0xb8;
	[tilespmem:$0x11D80] =	vst v63  }
0xf5: {  	_ =	swait.ge [sflag:s17], $0x800  }
0xf6: {  	[sflag:s17] =	ssyncset.done $0x0  }
0xf7: {  	s28 =	sor.u32 $0x380, s1;
	[sflag:s17] =	ssyncadd.s32 $0xFFFFF800  }
0xf8: {  	[tilespmem:s22], [sflag:$0x2] =	stream.indirect.gather [hbm4b:s5+s20], $0x40, s28, s20, $0xb8;
	[tilespmem:$0x11D80] =	vst v63  }
0xf9: {  	_ =	swait.ge [sflag:s23], $0x2000  }
0xfa: {  	[sflag:s23] =	ssyncset.done $0x0  }
0xfb: {  	s1 =	sor.u32 $0xB00, s1;
	[sflag:s23] =	ssyncadd.s32 $0xFFFFE000  }
0xfc: {  	[spmem:s2] =	stream.indirect.scatter.add.f32 [tilespmem:s21], [sflag:$0x4], $0x40, s1, s20, $0xb8;
	[tilespmem:$0x11D80] =	vst v63  }
0xfd: {  	_ =	swait.ge [sflag:s17], $0x2000  }
0xfe: {  	[sflag:s17] =	ssyncset.done $0x0  }
0xff: {  	[sflag:s17] =	ssyncadd.s32 $0xFFFFE000  }
0x100: {  	[spmem:s3] =	stream.indirect.scatter.add.f32 [tilespmem:s24], [sflag:$0x4], $0x10, s1, s20, $0xb8;
	[tilespmem:$0x11D80] =	vst v63  }
0x101: {  	_ =	swait.ge [sflag:s17], $0x800  }
0x102: {  	[sflag:s17] =	ssyncset.done $0x0  }
0x103: {  	s1 =	simm.s32 @!p0 $0x3;
	[sflag:s17] =	ssyncadd.s32 $0xFFFFF800  }
0x104: {  	_ =	swait.ge @!p0 [sflag:s1], $0x400  }
0x105: {  	[sflag:s1] =	ssyncset.done @!p0 $0x0  }
0x106: {  	[sflag:s1] =	ssyncadd.s32 @!p0 $0xFFFFFC00  }
0x107: {  	_ =	swait.ge @!p0 [sflag:s1], $0x400  }
0x108: {  	[sflag:s1] =	ssyncset.done @!p0 $0x0  }
0x109: {  	s29 =	simm.s32 @!p0 $0x1000;
	[sflag:s1] =	ssyncadd.s32 @!p0 $0xFFFFFC00;
	s1 =	simm.s32 @!p0 $0x80  }
0x10a: {  	[tilespmem:s29], [sflag:$0x1] =	stream.indirect.gather @!p0 [hbm4b:s5+s1], $0x40, s0, s1, $0xb8;
	[tilespmem:$0x11D80] =	vst v63  }
0x10b: {  	_ =	swait.ge [sflag:s25], $0x2000  }
0x10c: {  	[sflag:s25] =	ssyncset.done $0x0  }
0x10d: {  	s6 =	sor.u32 $0x800, s28;
	[sflag:s25] =	ssyncadd.s32 $0xFFFFE000  }
0x10e: {  	[spmem:s2] =	stream.indirect.scatter.add.f32 [tilespmem:s22], [sflag:$0x4], $0x40, s6, s20, $0xb8;
	[tilespmem:$0x11D80] =	vst v63  }
0x10f: {  	_ =	swait.ge [sflag:s17], $0x2000  }
0x110: {  	s19 =	simm.s32 $0x1;
	s31 =	simm.s32 $0x2;
	[sflag:s17] =	ssyncset.done $0x0  }
0x111: {  	s30 =	sadd.s32 $0x80, s15;
	s29 =	sadd.s32 $0x80, s14;
	[sflag:s17] =	ssyncadd.s32 $0xFFFFE000  }
0x112: {  	[spmem:s3] =	stream.indirect.scatter.add.f32 [tilespmem:s24], [sflag:$0x4], $0x10, s6, s20, $0xb8;
	[tilespmem:$0x11D80] =	vst v63  }
0x113: {  	s1 =	sand.u32 $0x1, s19;
	p0 =	por $0x0, $0x0;
	_ =	swait.ge [sflag:s17], $0x800  }
0x114: {  	s0 =	sxor.u32 $0x1, s1;
	s28 =	sshll.u32 s1, $0xA;
	[sflag:s17] =	ssyncset.done $0x0  }
.LBB2_2:
0x115: {  	s1 =	sshll.u32 @!p0 s0, $0xA;
	s19 =	simm.s32 @!p0 $0x0;
	[sflag:s17] =	ssyncadd.s32 $0xFFFFF800  }
0x116: {  	[tilespmem:s1], [sflag:$0x3] =	stream.linear.gather @!p0 [hbm4b:s30+s19], $0x400, $0x38;
	[tilespmem:$0x11D80] =	vst v63  }
0x117: {  	s0 =	smov.u32 s31;
	s31 =	sadd.s32 $0x1, s31;
	s6 =	sor.u32 @!p0 $0x800, s1  }
0x118: {  	[tilespmem:s6], [sflag:$0x3] =	stream.linear.gather @!p0 [hbm4b:s29+s19], $0x400, $0x38;
	[tilespmem:$0x11D80] =	vst v63  }
0x119: {  	p1 =	sne.s32 s31, $0xA;
	s6 =	sor.u32 $0x80, s28  }
0x11a: {  	[tilespmem:s22], [sflag:$0x2] =	stream.indirect.gather [hbm4b:s5+s20], $0x40, s6, s20, $0xb8;
	[tilespmem:$0x11D80] =	vst v63  }
0x11b: {  	_ =	swait.ge [sflag:s23], $0x2000  }
0x11c: {  	[sflag:s23] =	ssyncset.done $0x0  }
0x11d: {  	s6 =	sor.u32 $0x800, s28;
	[sflag:s23] =	ssyncadd.s32 $0xFFFFE000  }
0x11e: {  	[spmem:s2] =	stream.indirect.scatter.add.f32 [tilespmem:s21], [sflag:$0x4], $0x40, s6, s20, $0xb8;
	[tilespmem:$0x11D80] =	vst v63  }
0x11f: {  	_ =	swait.ge [sflag:s17], $0x2000  }
0x120: {  	[sflag:s17] =	ssyncset.done $0x0  }
0x121: {  	[sflag:s17] =	ssyncadd.s32 $0xFFFFE000  }
0x122: {  	[spmem:s3] =	stream.indirect.scatter.add.f32 [tilespmem:s24], [sflag:$0x4], $0x10, s6, s20, $0xb8;
	[tilespmem:$0x11D80] =	vst v63  }
0x123: {  	_ =	swait.ge [sflag:s17], $0x800  }
0x124: {  	[sflag:s17] =	ssyncset.done $0x0  }
0x125: {  	s6 =	sor.u32 $0x100, s28;
	[sflag:s17] =	ssyncadd.s32 $0xFFFFF800  }
0x126: {  	[tilespmem:s21], [sflag:$0x1] =	stream.indirect.gather [hbm4b:s5+s20], $0x40, s6, s20, $0xb8;
	[tilespmem:$0x11D80] =	vst v63  }
0x127: {  	_ =	swait.ge [sflag:s25], $0x2000  }
0x128: {  	[sflag:s25] =	ssyncset.done $0x0  }
0x129: {  	s6 =	sor.u32 $0x880, s28;
	[sflag:s25] =	ssyncadd.s32 $0xFFFFE000  }
0x12a: {  	[spmem:s2] =	stream.indirect.scatter.add.f32 [tilespmem:s22], [sflag:$0x4], $0x40, s6, s20, $0xb8;
	[tilespmem:$0x11D80] =	vst v63  }
0x12b: {  	_ =	swait.ge [sflag:s17], $0x2000  }
0x12c: {  	[sflag:s17] =	ssyncset.done $0x0  }
0x12d: {  	[sflag:s17] =	ssyncadd.s32 $0xFFFFE000  }
0x12e: {  	[spmem:s3] =	stream.indirect.scatter.add.f32 [tilespmem:s24], [sflag:$0x4], $0x10, s6, s20, $0xb8;
	[tilespmem:$0x11D80] =	vst v63  }
0x12f: {  	_ =	swait.ge [sflag:s17], $0x800  }
0x130: {  	[sflag:s17] =	ssyncset.done $0x0  }
0x131: {  	s6 =	sor.u32 $0x180, s28;
	[sflag:s17] =	ssyncadd.s32 $0xFFFFF800  }
0x132: {  	[tilespmem:s22], [sflag:$0x2] =	stream.indirect.gather [hbm4b:s5+s20], $0x40, s6, s20, $0xb8;
	[tilespmem:$0x11D80] =	vst v63  }
0x133: {  	_ =	swait.ge [sflag:s23], $0x2000  }
0x134: {  	[sflag:s23] =	ssyncset.done $0x0  }
0x135: {  	s6 =	sor.u32 $0x900, s28;
	[sflag:s23] =	ssyncadd.s32 $0xFFFFE000  }
0x136: {  	[spmem:s2] =	stream.indirect.scatter.add.f32 [tilespmem:s21], [sflag:$0x4], $0x40, s6, s20, $0xb8;
	[tilespmem:$0x11D80] =	vst v63  }
0x137: {  	_ =	swait.ge [sflag:s17], $0x2000  }
0x138: {  	[sflag:s17] =	ssyncset.done $0x0  }
0x139: {  	[sflag:s17] =	ssyncadd.s32 $0xFFFFE000  }
0x13a: {  	[spmem:s3] =	stream.indirect.scatter.add.f32 [tilespmem:s24], [sflag:$0x4], $0x10, s6, s20, $0xb8;
	[tilespmem:$0x11D80] =	vst v63  }
0x13b: {  	_ =	swait.ge [sflag:s17], $0x800  }
0x13c: {  	[sflag:s17] =	ssyncset.done $0x0  }
0x13d: {  	s6 =	sor.u32 $0x200, s28;
	[sflag:s17] =	ssyncadd.s32 $0xFFFFF800  }
0x13e: {  	[tilespmem:s21], [sflag:$0x1] =	stream.indirect.gather [hbm4b:s5+s20], $0x40, s6, s20, $0xb8;
	[tilespmem:$0x11D80] =	vst v63  }
0x13f: {  	_ =	swait.ge [sflag:s25], $0x2000  }
0x140: {  	[sflag:s25] =	ssyncset.done $0x0  }
0x141: {  	s6 =	sor.u32 $0x980, s28;
	[sflag:s25] =	ssyncadd.s32 $0xFFFFE000  }
0x142: {  	[spmem:s2] =	stream.indirect.scatter.add.f32 [tilespmem:s22], [sflag:$0x4], $0x40, s6, s20, $0xb8;
	[tilespmem:$0x11D80] =	vst v63  }
0x143: {  	_ =	swait.ge [sflag:s17], $0x2000  }
0x144: {  	[sflag:s17] =	ssyncset.done $0x0  }
0x145: {  	[sflag:s17] =	ssyncadd.s32 $0xFFFFE000  }
0x146: {  	[spmem:s3] =	stream.indirect.scatter.add.f32 [tilespmem:s24], [sflag:$0x4], $0x10, s6, s20, $0xb8;
	[tilespmem:$0x11D80] =	vst v63  }
0x147: {  	_ =	swait.ge [sflag:s17], $0x800  }
0x148: {  	[sflag:s17] =	ssyncset.done $0x0  }
0x149: {  	s6 =	sor.u32 $0x280, s28;
	[sflag:s17] =	ssyncadd.s32 $0xFFFFF800  }
0x14a: {  	[tilespmem:s22], [sflag:$0x2] =	stream.indirect.gather [hbm4b:s5+s20], $0x40, s6, s20, $0xb8;
	[tilespmem:$0x11D80] =	vst v63  }
0x14b: {  	_ =	swait.ge [sflag:s23], $0x2000  }
0x14c: {  	[sflag:s23] =	ssyncset.done $0x0  }
0x14d: {  	s6 =	sor.u32 $0xA00, s28;
	[sflag:s23] =	ssyncadd.s32 $0xFFFFE000  }
0x14e: {  	[spmem:s2] =	stream.indirect.scatter.add.f32 [tilespmem:s21], [sflag:$0x4], $0x40, s6, s20, $0xb8;
	[tilespmem:$0x11D80] =	vst v63  }
0x14f: {  	_ =	swait.ge [sflag:s17], $0x2000  }
0x150: {  	[sflag:s17] =	ssyncset.done $0x0  }
0x151: {  	[sflag:s17] =	ssyncadd.s32 $0xFFFFE000  }
0x152: {  	[spmem:s3] =	stream.indirect.scatter.add.f32 [tilespmem:s24], [sflag:$0x4], $0x10, s6, s20, $0xb8;
	[tilespmem:$0x11D80] =	vst v63  }
0x153: {  	_ =	swait.ge [sflag:s17], $0x800  }
0x154: {  	[sflag:s17] =	ssyncset.done $0x0  }
0x155: {  	s6 =	sor.u32 $0x300, s28;
	[sflag:s17] =	ssyncadd.s32 $0xFFFFF800  }
0x156: {  	[tilespmem:s21], [sflag:$0x1] =	stream.indirect.gather [hbm4b:s5+s20], $0x40, s6, s20, $0xb8;
	[tilespmem:$0x11D80] =	vst v63  }
0x157: {  	_ =	swait.ge [sflag:s25], $0x2000  }
0x158: {  	[sflag:s25] =	ssyncset.done $0x0  }
0x159: {  	s6 =	sor.u32 $0xA80, s28;
	[sflag:s25] =	ssyncadd.s32 $0xFFFFE000  }
0x15a: {  	[spmem:s2] =	stream.indirect.scatter.add.f32 [tilespmem:s22], [sflag:$0x4], $0x40, s6, s20, $0xb8;
	[tilespmem:$0x11D80] =	vst v63  }
0x15b: {  	_ =	swait.ge [sflag:s17], $0x2000  }
0x15c: {  	[sflag:s17] =	ssyncset.done $0x0  }
0x15d: {  	[sflag:s17] =	ssyncadd.s32 $0xFFFFE000  }
0x15e: {  	[spmem:s3] =	stream.indirect.scatter.add.f32 [tilespmem:s24], [sflag:$0x4], $0x10, s6, s20, $0xb8;
	[tilespmem:$0x11D80] =	vst v63  }
0x15f: {  	_ =	swait.ge [sflag:s17], $0x800  }
0x160: {  	[sflag:s17] =	ssyncset.done $0x0  }
0x161: {  	s6 =	sor.u32 $0x380, s28;
	[sflag:s17] =	ssyncadd.s32 $0xFFFFF800  }
0x162: {  	[tilespmem:s22], [sflag:$0x2] =	stream.indirect.gather [hbm4b:s5+s20], $0x40, s6, s20, $0xb8;
	[tilespmem:$0x11D80] =	vst v63  }
0x163: {  	_ =	swait.ge [sflag:s23], $0x2000  }
0x164: {  	[sflag:s23] =	ssyncset.done $0x0  }
0x165: {  	s19 =	sor.u32 $0xB00, s28;
	[sflag:s23] =	ssyncadd.s32 $0xFFFFE000  }
0x166: {  	[spmem:s2] =	stream.indirect.scatter.add.f32 [tilespmem:s21], [sflag:$0x4], $0x40, s19, s20, $0xb8;
	[tilespmem:$0x11D80] =	vst v63  }
0x167: {  	_ =	swait.ge [sflag:s17], $0x2000  }
0x168: {  	[sflag:s17] =	ssyncset.done $0x0  }
0x169: {  	[sflag:s17] =	ssyncadd.s32 $0xFFFFE000  }
0x16a: {  	[spmem:s3] =	stream.indirect.scatter.add.f32 [tilespmem:s24], [sflag:$0x4], $0x10, s19, s20, $0xb8;
	[tilespmem:$0x11D80] =	vst v63  }
0x16b: {  	_ =	swait.ge [sflag:s17], $0x800  }
0x16c: {  	[sflag:s17] =	ssyncset.done $0x0  }
0x16d: {  	s19 =	simm.s32 @!p0 $0x3;
	[sflag:s17] =	ssyncadd.s32 $0xFFFFF800  }
0x16e: {  	_ =	swait.ge @!p0 [sflag:s19], $0x400  }
0x16f: {  	[sflag:s19] =	ssyncset.done @!p0 $0x0  }
0x170: {  	[sflag:s19] =	ssyncadd.s32 @!p0 $0xFFFFFC00  }
0x171: {  	_ =	swait.ge @!p0 [sflag:s19], $0x400  }
0x172: {  	[sflag:s19] =	ssyncset.done @!p0 $0x0  }
0x173: {  	s28 =	simm.s32 @!p0 $0x1000;
	[sflag:s19] =	ssyncadd.s32 @!p0 $0xFFFFFC00;
	s19 =	simm.s32 @!p0 $0x80  }
0x174: {  	[tilespmem:s28], [sflag:$0x1] =	stream.indirect.gather @!p0 [hbm4b:s5+s19], $0x40, s1, s19, $0xb8;
	[tilespmem:$0x11D80] =	vst v63  }
0x175: {  	_ =	swait.ge [sflag:s25], $0x2000  }
0x176: {  	[sflag:s25] =	ssyncset.done $0x0  }
0x177: {  	s1 =	sor.u32 $0x800, s6;
	[sflag:s25] =	ssyncadd.s32 $0xFFFFE000  }
0x178: {  	[spmem:s2] =	stream.indirect.scatter.add.f32 [tilespmem:s22], [sflag:$0x4], $0x40, s1, s20, $0xb8;
	[tilespmem:$0x11D80] =	vst v63  }
0x179: {  	_ =	swait.ge [sflag:s17], $0x2000  }
.Ltmp0:
0x17a: {  	[sflag:s17] =	ssyncset.done $0x0;
	(pc) =	sbr.rel @p1 .LBB2_2-.Ltmp0, $4  }
0x17b: {  	s30 =	sadd.s32 $0x80, s30;
	s29 =	sadd.s32 $0x80, s29;
	[sflag:s17] =	ssyncadd.s32 $0xFFFFE000  }
0x17c: {  	[spmem:s3] =	stream.indirect.scatter.add.f32 [tilespmem:s24], [sflag:$0x4], $0x10, s1, s20, $0xb8;
	[tilespmem:$0x11D80] =	vst v63  }
0x17d: {  	p0 =	seq.s32 s0, $0x9;
	s1 =	sand.u32 $0x1, s0;
	_ =	swait.ge [sflag:s17], $0x800  }
0x17e: {  	s0 =	sxor.u32 $0x1, s1;
	s28 =	sshll.u32 s1, $0xA;
	[sflag:s17] =	ssyncset.done $0x0  }
0x17f: {  	s0 =	sshll.u32 @!p0 s0, $0xA;
	s1 =	simm.s32 @!p0 $0x0;
	[sflag:s17] =	ssyncadd.s32 $0xFFFFF800  }
0x180: {  	[tilespmem:s0], [sflag:$0x3] =	stream.linear.gather @!p0 [hbm4b:s30+s1], $0x400, $0x38;
	[tilespmem:$0x11D80] =	vst v63  }
0x181: {  	s6 =	sor.u32 @!p0 $0x800, s0  }
0x182: {  	[tilespmem:s6], [sflag:$0x3] =	stream.linear.gather @!p0 [hbm4b:s29+s1], $0x400, $0x38;
	[tilespmem:$0x11D80] =	vst v63  }
0x183: {  	s6 =	sor.u32 $0x80, s28  }
0x184: {  	[tilespmem:s22], [sflag:$0x2] =	stream.indirect.gather [hbm4b:s5+s20], $0x40, s6, s20, $0xb8;
	[tilespmem:$0x11D80] =	vst v63  }
0x185: {  	_ =	swait.ge [sflag:s23], $0x2000  }
0x186: {  	[sflag:s23] =	ssyncset.done $0x0  }
0x187: {  	s19 =	sor.u32 $0x800, s28;
	[sflag:s23] =	ssyncadd.s32 $0xFFFFE000  }
0x188: {  	[spmem:s2] =	stream.indirect.scatter.add.f32 [tilespmem:s21], [sflag:$0x4], $0x40, s19, s20, $0xb8;
	[tilespmem:$0x11D80] =	vst v63  }
0x189: {  	_ =	swait.ge [sflag:s17], $0x2000  }
0x18a: {  	[sflag:s17] =	ssyncset.done $0x0  }
0x18b: {  	[sflag:s17] =	ssyncadd.s32 $0xFFFFE000  }
0x18c: {  	[spmem:s3] =	stream.indirect.scatter.add.f32 [tilespmem:s24], [sflag:$0x4], $0x10, s19, s20, $0xb8;
	[tilespmem:$0x11D80] =	vst v63  }
0x18d: {  	_ =	swait.ge [sflag:s17], $0x800  }
0x18e: {  	[sflag:s17] =	ssyncset.done $0x0  }
0x18f: {  	s29 =	sor.u32 $0x100, s28;
	[sflag:s17] =	ssyncadd.s32 $0xFFFFF800  }
0x190: {  	[tilespmem:s21], [sflag:$0x1] =	stream.indirect.gather [hbm4b:s5+s20], $0x40, s29, s20, $0xb8;
	[tilespmem:$0x11D80] =	vst v63  }
0x191: {  	_ =	swait.ge [sflag:s25], $0x2000  }
0x192: {  	[sflag:s25] =	ssyncset.done $0x0  }
0x193: {  	s30 =	sor.u32 $0x880, s28;
	[sflag:s25] =	ssyncadd.s32 $0xFFFFE000  }
0x194: {  	[spmem:s2] =	stream.indirect.scatter.add.f32 [tilespmem:s22], [sflag:$0x4], $0x40, s30, s20, $0xb8;
	[tilespmem:$0x11D80] =	vst v63  }
0x195: {  	_ =	swait.ge [sflag:s17], $0x2000  }
0x196: {  	[sflag:s17] =	ssyncset.done $0x0  }
0x197: {  	[sflag:s17] =	ssyncadd.s32 $0xFFFFE000  }
0x198: {  	[spmem:s3] =	stream.indirect.scatter.add.f32 [tilespmem:s24], [sflag:$0x4], $0x10, s30, s20, $0xb8;
	[tilespmem:$0x11D80] =	vst v63  }
0x199: {  	_ =	swait.ge [sflag:s17], $0x800  }
0x19a: {  	[sflag:s17] =	ssyncset.done $0x0  }
0x19b: {  	s31 =	sor.u32 $0x180, s28;
	[sflag:s17] =	ssyncadd.s32 $0xFFFFF800  }
0x19c: {  	[tilespmem:s22], [sflag:$0x2] =	stream.indirect.gather [hbm4b:s5+s20], $0x40, s31, s20, $0xb8;
	[tilespmem:$0x11D80] =	vst v63  }
0x19d: {  	_ =	swait.ge [sflag:s23], $0x2000  }
0x19e: {  	[sflag:s23] =	ssyncset.done $0x0  }
0x19f: {  	s6 =	sor.u32 $0x900, s28;
	[sflag:s23] =	ssyncadd.s32 $0xFFFFE000  }
0x1a0: {  	[spmem:s2] =	stream.indirect.scatter.add.f32 [tilespmem:s21], [sflag:$0x4], $0x40, s6, s20, $0xb8;
	[tilespmem:$0x11D80] =	vst v63  }
0x1a1: {  	_ =	swait.ge [sflag:s17], $0x2000  }
0x1a2: {  	[sflag:s17] =	ssyncset.done $0x0  }
0x1a3: {  	[sflag:s17] =	ssyncadd.s32 $0xFFFFE000  }
0x1a4: {  	[spmem:s3] =	stream.indirect.scatter.add.f32 [tilespmem:s24], [sflag:$0x4], $0x10, s6, s20, $0xb8;
	[tilespmem:$0x11D80] =	vst v63  }
0x1a5: {  	_ =	swait.ge [sflag:s17], $0x800  }
0x1a6: {  	[sflag:s17] =	ssyncset.done $0x0  }
0x1a7: {  	s19 =	sor.u32 $0x200, s28;
	[sflag:s17] =	ssyncadd.s32 $0xFFFFF800  }
0x1a8: {  	[tilespmem:s21], [sflag:$0x1] =	stream.indirect.gather [hbm4b:s5+s20], $0x40, s19, s20, $0xb8;
	[tilespmem:$0x11D80] =	vst v63  }
0x1a9: {  	_ =	swait.ge [sflag:s25], $0x2000  }
0x1aa: {  	[sflag:s25] =	ssyncset.done $0x0  }
0x1ab: {  	s29 =	sor.u32 $0x980, s28;
	[sflag:s25] =	ssyncadd.s32 $0xFFFFE000  }
0x1ac: {  	[spmem:s2] =	stream.indirect.scatter.add.f32 [tilespmem:s22], [sflag:$0x4], $0x40, s29, s20, $0xb8;
	[tilespmem:$0x11D80] =	vst v63  }
0x1ad: {  	_ =	swait.ge [sflag:s17], $0x2000  }
0x1ae: {  	[sflag:s17] =	ssyncset.done $0x0  }
0x1af: {  	[sflag:s17] =	ssyncadd.s32 $0xFFFFE000  }
0x1b0: {  	[spmem:s3] =	stream.indirect.scatter.add.f32 [tilespmem:s24], [sflag:$0x4], $0x10, s29, s20, $0xb8;
	[tilespmem:$0x11D80] =	vst v63  }
0x1b1: {  	_ =	swait.ge [sflag:s17], $0x800  }
0x1b2: {  	[sflag:s17] =	ssyncset.done $0x0  }
0x1b3: {  	s30 =	sor.u32 $0x280, s28;
	[sflag:s17] =	ssyncadd.s32 $0xFFFFF800  }
0x1b4: {  	[tilespmem:s22], [sflag:$0x2] =	stream.indirect.gather [hbm4b:s5+s20], $0x40, s30, s20, $0xb8;
	[tilespmem:$0x11D80] =	vst v63  }
0x1b5: {  	_ =	swait.ge [sflag:s23], $0x2000  }
0x1b6: {  	[sflag:s23] =	ssyncset.done $0x0  }
0x1b7: {  	s31 =	sor.u32 $0xA00, s28;
	[sflag:s23] =	ssyncadd.s32 $0xFFFFE000  }
0x1b8: {  	[spmem:s2] =	stream.indirect.scatter.add.f32 [tilespmem:s21], [sflag:$0x4], $0x40, s31, s20, $0xb8;
	[tilespmem:$0x11D80] =	vst v63  }
0x1b9: {  	_ =	swait.ge [sflag:s17], $0x2000  }
0x1ba: {  	[sflag:s17] =	ssyncset.done $0x0  }
0x1bb: {  	[sflag:s17] =	ssyncadd.s32 $0xFFFFE000  }
0x1bc: {  	[spmem:s3] =	stream.indirect.scatter.add.f32 [tilespmem:s24], [sflag:$0x4], $0x10, s31, s20, $0xb8;
	[tilespmem:$0x11D80] =	vst v63  }
0x1bd: {  	_ =	swait.ge [sflag:s17], $0x800  }
0x1be: {  	[sflag:s17] =	ssyncset.done $0x0  }
0x1bf: {  	s6 =	sor.u32 $0x300, s28;
	[sflag:s17] =	ssyncadd.s32 $0xFFFFF800  }
0x1c0: {  	[tilespmem:s21], [sflag:$0x1] =	stream.indirect.gather [hbm4b:s5+s20], $0x40, s6, s20, $0xb8;
	[tilespmem:$0x11D80] =	vst v63  }
0x1c1: {  	_ =	swait.ge [sflag:s25], $0x2000  }
0x1c2: {  	[sflag:s25] =	ssyncset.done $0x0  }
0x1c3: {  	s19 =	sor.u32 $0xA80, s28;
	[sflag:s25] =	ssyncadd.s32 $0xFFFFE000  }
0x1c4: {  	[spmem:s2] =	stream.indirect.scatter.add.f32 [tilespmem:s22], [sflag:$0x4], $0x40, s19, s20, $0xb8;
	[tilespmem:$0x11D80] =	vst v63  }
0x1c5: {  	_ =	swait.ge [sflag:s17], $0x2000  }
0x1c6: {  	[sflag:s17] =	ssyncset.done $0x0  }
0x1c7: {  	[sflag:s17] =	ssyncadd.s32 $0xFFFFE000  }
0x1c8: {  	[spmem:s3] =	stream.indirect.scatter.add.f32 [tilespmem:s24], [sflag:$0x4], $0x10, s19, s20, $0xb8;
	[tilespmem:$0x11D80] =	vst v63  }
0x1c9: {  	_ =	swait.ge [sflag:s17], $0x800  }
0x1ca: {  	[sflag:s17] =	ssyncset.done $0x0  }
0x1cb: {  	s29 =	sor.u32 $0x380, s28;
	[sflag:s17] =	ssyncadd.s32 $0xFFFFF800  }
0x1cc: {  	[tilespmem:s22], [sflag:$0x2] =	stream.indirect.gather [hbm4b:s5+s20], $0x40, s29, s20, $0xb8;
	[tilespmem:$0x11D80] =	vst v63  }
0x1cd: {  	_ =	swait.ge [sflag:s23], $0x2000  }
0x1ce: {  	[sflag:s23] =	ssyncset.done $0x0  }
0x1cf: {  	s30 =	sor.u32 $0xB00, s28;
	[sflag:s23] =	ssyncadd.s32 $0xFFFFE000  }
0x1d0: {  	[spmem:s2] =	stream.indirect.scatter.add.f32 [tilespmem:s21], [sflag:$0x4], $0x40, s30, s20, $0xb8;
	[tilespmem:$0x11D80] =	vst v63  }
0x1d1: {  	_ =	swait.ge [sflag:s17], $0x2000  }
0x1d2: {  	[sflag:s17] =	ssyncset.done $0x0  }
0x1d3: {  	[sflag:s17] =	ssyncadd.s32 $0xFFFFE000  }
0x1d4: {  	[spmem:s3] =	stream.indirect.scatter.add.f32 [tilespmem:s24], [sflag:$0x4], $0x10, s30, s20, $0xb8;
	[tilespmem:$0x11D80] =	vst v63  }
0x1d5: {  	_ =	swait.ge [sflag:s17], $0x800  }
0x1d6: {  	[sflag:s17] =	ssyncset.done $0x0  }
0x1d7: {  	s6 =	simm.s32 @!p0 $0x3;
	[sflag:s17] =	ssyncadd.s32 $0xFFFFF800  }
0x1d8: {  	_ =	swait.ge @!p0 [sflag:s6], $0x400  }
0x1d9: {  	[sflag:s6] =	ssyncset.done @!p0 $0x0  }
0x1da: {  	[sflag:s6] =	ssyncadd.s32 @!p0 $0xFFFFFC00  }
0x1db: {  	_ =	swait.ge @!p0 [sflag:s6], $0x400  }
0x1dc: {  	[sflag:s6] =	ssyncset.done @!p0 $0x0  }
0x1dd: {  	s19 =	simm.s32 @!p0 $0x1000;
	[sflag:s6] =	ssyncadd.s32 @!p0 $0xFFFFFC00;
	s6 =	simm.s32 @!p0 $0x80  }
0x1de: {  	[tilespmem:s19], [sflag:$0x1] =	stream.indirect.gather @!p0 [hbm4b:s5+s6], $0x40, s0, s6, $0xb8;
	[tilespmem:$0x11D80] =	vst v63  }
0x1df: {  	_ =	swait.ge [sflag:s25], $0x2000  }
0x1e0: {  	[sflag:s25] =	ssyncset.done $0x0  }
0x1e1: {  	s31 =	sor.u32 $0x800, s29;
	[sflag:s25] =	ssyncadd.s32 $0xFFFFE000  }
0x1e2: {  	[spmem:s2] =	stream.indirect.scatter.add.f32 [tilespmem:s22], [sflag:$0x4], $0x40, s31, s20, $0xb8;
	[tilespmem:$0x11D80] =	vst v63  }
0x1e3: {  	_ =	swait.ge [sflag:s17], $0x2000  }
0x1e4: {  	[sflag:s17] =	ssyncset.done $0x0  }
0x1e5: {  	[sflag:s17] =	ssyncadd.s32 $0xFFFFE000  }
0x1e6: {  	[spmem:s3] =	stream.indirect.scatter.add.f32 [tilespmem:s24], [sflag:$0x4], $0x10, s31, s20, $0xb8;
	[tilespmem:$0x11D80] =	vst v63  }
0x1e7: {  	_ =	swait.ge [sflag:s17], $0x800  }
0x1e8: {  	[sflag:s17] =	ssyncset.done $0x0  }
0x1e9: {  	[sflag:s17] =	ssyncadd.s32 $0xFFFFF800  }
0x1ea: {  	[bflag:$0x0] =	sbarrier.arrive $0xFFFF  }
0x1eb: {  	[hbm:s11], [sflag:s7] =	dma.local [spmem:s16], $0x13C0  }
0x1ec: {  	s26 =	sadd.s32 $0x1, s26;
	_ =	swait.ge [sflag:s17], $0x13C0  }
0x1ed: {  	p0 =	sne.s32 s26, s13;
	[sflag:s17] =	ssyncset.done $0x0  }
.Ltmp1:
0x1ee: {  	[sflag:s17] =	ssyncadd.s32 $0xFFFFEC40;
	(pc) =	sbr.rel @p0 .LBB2_1-.Ltmp1, $4  }
0x1ef: {  	[hbm:s12], [sflag:s7] =	dma.local [spmem:s18], $0x4F0  }
0x1f0: {  	_ =	swait.ge [sflag:s17], $0x4F0  }
0x1f1: {  	[sflag:s17] =	ssyncset.done $0x0  }
0x1f2: {  	[sflag:s17] =	ssyncadd.s32 $0xFFFFFB10  }
0x1f3: {  	_ =	sfence.sel $0x180000  }
0x1f4: {  	[bflag:$0x0] =	sbarrier.arrive $0xFFFF  }
0x1f5: {  	_ =	strace $0x90000047  }
0x1f6: {  	s0 =	stileid.u32;
	[bflag:$0x2] =	sbarrier.arrive $0xFFFF  }
0x1f7: {  	p0 =	sne.s32 s0, $0x0;
	s0 =	rddreg [dreg:$0x4]  }
0x1f8: {  	s0 =	sadd.s32 @!p0 $0x100000, s0  }
0x1f9: {  	[sflag:s0] =	ssyncadd.tile.s32 @!p0 $0x1;
	_ =	shalt  }
.Lfunc_end2:
_tile_overlayer_lowered:
.L_overlay_start_2:
0x1fa: {  	(tag) =	ssettag $0x2  }
0x1fb: {  	s0 =	rddreg [dreg:$0x0];
	s2 =	stileid.u32  }
0x1fc: {  	s1 =	rddreg [dreg:$0x1];
	p0 =	sne.s32 s2, $0x0  }
0x1fd: {  	s3 =	rddreg [dreg:$0x2];
	[bflag:$0x3] =	sbarrier.arrive $0xFFFF;
	s2 =	simm.s32 @!p0 $0x1C04  }
0x1fe: {  	[timem:s3], [sflag:s2] =	dma.local @!p0 [hbm:s0], s1  }
0x1ff: {  	s0 =	simm.s32 @!p0 $0x4  }
0x200: {  	_ =	swait.ge @!p0 [sflag:s0], s1  }
0x201: {  	s1 =	ssub.s32 @!p0 $0x0, s1;
	[sflag:s0] =	ssyncset.done @!p0 $0x0  }
0x202: {  	[sflag:s0] =	ssyncadd.s32 @!p0 s1  }
0x203: {  	[bflag:$0x3] =	sbarrier.arrive $0xFFFF  }
0x204: {  	_ =	shalt  }

</sc_bundles>
